<compile_context>
chip_gen: v7x
topology: tpu7x:2x2x1
jax: 0.10.2.dev20260603
libtpu: 0.0.44.dev20260713+nightly
codegen_flags: <defaults>
</compile_context>

<pallas_src>
import jax
import jax.numpy as jnp
from jax import lax
from jax.experimental import pallas as pl
from jax.experimental.pallas import tpu as pltpu, tpu_sc as plsc

MAX_D = 10
D = 128
NC, NS, L = 2, 16, 16
NW = NC * NS
R = 32
NBUF = 2


def _make_kernel(n_pad):
    rows_per_w = n_pad // NW
    nchunks = rows_per_w // R
    ngroups = nchunks // NBUF
    mesh = plsc.VectorSubcoreMesh(core_axis_name="c", subcore_axis_name="s")

    def body(idx_hbm, tab_hbm, out_hbm, sp_idx, idx_v, tab_v, outb, smem_idx,
             semw, semi):
        sid = lax.axis_index("s")
        wid = sid * NC + lax.axis_index("c")
        pltpu.sync_copy(tab_hbm, tab_v)
        pltpu.sync_copy(idx_hbm.at[pl.ds(wid * rows_per_w, rows_per_w)], idx_v)
        pltpu.sync_copy(idx_v, sp_idx.at[pl.ds(sid * rows_per_w, rows_per_w)])

        wbase = wid * rows_per_w

        def fetch_idx(k, buf):
            pltpu.async_copy(
                sp_idx.at[pl.ds(sid * rows_per_w + k * R, R)], smem_idx.at[buf],
                semi,
            )

        def wait_idx():
            pltpu.make_async_copy(
                sp_idx.at[pl.ds(0, R)], smem_idx.at[0], semi
            ).wait()

        def compute_chunk(k, buf):
            for r in range(R):
                x = smem_idx[buf, r]
                row = jnp.where(x > 1000, MAX_D + 1, jnp.minimum(x, MAX_D))
                base = row * D
                obase = buf * R * D + r * D
                for c0 in range(0, D, L):
                    outb[pl.ds(obase + c0, L)] = tab_v[pl.ds(base + c0, L)]

        def write_chunk(k, buf):
            off = pl.multiple_of((wbase + k * R) * D, R * D)
            pltpu.async_copy(
                outb.at[pl.ds(buf * R * D, R * D)],
                out_hbm.at[pl.ds(off, R * D)],
                semw,
            )

        def wait_chunk():
            pltpu.make_async_copy(
                outb.at[pl.ds(0, R * D)], out_hbm.at[pl.ds(0, R * D)], semw
            ).wait()

        fetch_idx(0, 0)

        def group(p, carry):
            for b in range(NBUF):
                k = p * NBUF + b

                @pl.when(p > 0)
                def _():
                    wait_chunk()

                wait_idx()

                @pl.when(k + 1 < nchunks)
                def _():
                    fetch_idx(k + 1, (b + 1) % NBUF)

                compute_chunk(k, b)
                write_chunk(k, b)
            return carry

        lax.fori_loop(0, ngroups, group, 0)
        for _ in range(NBUF):
            wait_chunk()

    return pl.kernel(
        body,
        out_type=jax.ShapeDtypeStruct((n_pad * D,), jnp.float32),
        mesh=mesh,
        compiler_params=pltpu.CompilerParams(needs_layout_passes=False),
        scratch_types=[
            pltpu.VMEM_SHARED((NS * (n_pad // NW),), jnp.int32),
            pltpu.VMEM((n_pad // NW,), jnp.int32),
            pltpu.VMEM(((MAX_D + 2) * D,), jnp.float32),
            pltpu.VMEM((NBUF * R * D,), jnp.float32),
            pltpu.SMEM((NBUF, R), jnp.int32),
            pltpu.SemaphoreType.DMA,
            pltpu.SemaphoreType.DMA,
        ],
    )


@jax.jit
def kernel(data, embed_weight):
    n = data.shape[0]
    grain = NW * R * NBUF
    n_pad = -(-n // grain) * grain
    idx = jnp.reshape(data, (-1,)).astype(jnp.int32)
    idx = jnp.pad(idx, (0, n_pad - n))
    out = _make_kernel(n_pad)(idx, jnp.reshape(embed_weight, (-1,)))
    return jnp.reshape(out, (n_pad, D))[:n]

# --- scband reference (transcript-rebuilt; emitter-appended) ---
"""Pipeline reference for scband-sub-complex-distance-marking-embed-6227702579788 (READ-ONLY COPY).

The authoritative reference and input builder live on the scoring server;
editing this copy changes nothing except your own understanding.
"""

import jax, jax.numpy as jnp
import numpy as np

MAX_DIST = 10
EMBED_DIM = 128
N = 100000


def setup_inputs(seed: int = 0) -> dict:
    key = jax.random.key(seed)
    k1, k2 = jax.random.split(key)
    # distance markings; some values exceed 1000 to trigger the 'unreachable' sentinel path
    data = jax.random.randint(k1, (N, 1), 0, 2000).astype(jnp.int64)
    # nn.Embedding(max_dist + 2, embed_dim) weight
    embed_weight = jax.random.normal(k2, (MAX_DIST + 2, EMBED_DIM), dtype=jnp.float32)
    return {"data": data, "embed_weight": embed_weight}


def custom_clamp(tensor, max_val):
    # torch.clamp(tensor, None, max_val); then values > 1000 -> max_val + 1
    clamped = jnp.minimum(tensor, max_val)
    clamped = jnp.where(tensor > 1000, max_val + 1, clamped)
    return clamped


def reference(data, embed_weight):
    x = custom_clamp(data, MAX_DIST)
    out = jnp.take(embed_weight, x.astype(jnp.int32), axis=0)  # [N, 1, D]
    return jnp.squeeze(out)  # [N, D]

if __name__ == "__main__":
    import jax
    _d = setup_inputs()
    print(jax.jit(kernel)(*tuple(_d.values())))

</pallas_src>

<mosaic_0001>
#map = affine_map<(d0, d1) -> (0)>
module attributes {stable_mosaic.version = 14 : i64} {
  func.func @body(%arg0: i32, %arg1: i32, %arg2: memref<100352xi32, #tpu.memory_space<hbm>>, %arg3: memref<1536xf32, #tpu.memory_space<hbm>>, %arg4: memref<12845056xf32, #tpu.memory_space<hbm>>, %arg5: memref<50176xi32, #tpu.memory_space<vmem_shared>>, %arg6: memref<3136xi32, #tpu.memory_space<vmem>>, %arg7: memref<1536xf32, #tpu.memory_space<vmem>>, %arg8: memref<8192xf32, #tpu.memory_space<vmem>>, %arg9: memref<2x32xi32, #tpu.memory_space<smem>>, %arg10: memref<!tpu.dma_semaphore, #tpu.memory_space<semaphore_mem>>, %arg11: memref<!tpu.dma_semaphore, #tpu.memory_space<semaphore_mem>>) attributes {dimension_semantics = [#tpu.dimension_semantics<core_parallel>, #tpu.dimension_semantics<subcore_parallel>], iteration_bounds = array<i64: 2, 16>, scalar_prefetch = 0 : i64, scratch_operands = 7 : i64, tpu.core_type = #tpu.core_type<sc_vector_subcore>, window_params = [{transform_indices = #map}, {transform_indices = #map}, {transform_indices = #map}]} {
    %mul3A = arith.constant 2 : i32
    %mul3A_0 = arith.muli %arg1, %mul3A : i32
    %add3A = arith.addi %mul3A_0, %arg0 : i32
    "tpu.region"() ({
      %run_scoped3A = tpu.sem_alloc : memref<!tpu.dma_semaphore, #tpu.memory_space<semaphore_mem>>
      tpu.enqueue_dma source(%arg3 : memref<1536xf32, #tpu.memory_space<hbm>>) target(%arg7 : memref<1536xf32, #tpu.memory_space<vmem>>) target_semaphore(%run_scoped3A : memref<!tpu.dma_semaphore, #tpu.memory_space<semaphore_mem>>)
      tpu.wait_dma2 semaphore(%run_scoped3A : memref<!tpu.dma_semaphore, #tpu.memory_space<semaphore_mem>>) src(%arg3 : memref<1536xf32, #tpu.memory_space<hbm>>) dst(%arg7 : memref<1536xf32, #tpu.memory_space<vmem>>)
      tpu.yield
    }) : () -> ()
    %mul3A_1 = arith.constant 3136 : i32
    %mul3A_2 = arith.muli %add3A, %mul3A_1 : i32
    "tpu.region"() ({
      %run_scoped3A = tpu.sem_alloc : memref<!tpu.dma_semaphore, #tpu.memory_space<semaphore_mem>>
      %dma_start3A_35 = tpu.memref_slice %arg2[%mul3A_2] : memref<100352xi32, #tpu.memory_space<hbm>> -> memref<3136xi32, #tpu.memory_space<hbm>>
      %dma_start3A_36 = tpu.memref_slice %arg2[%mul3A_2] : memref<100352xi32, #tpu.memory_space<hbm>> -> memref<3136xi32, #tpu.memory_space<hbm>>
      tpu.enqueue_dma source(%dma_start3A_36 : memref<3136xi32, #tpu.memory_space<hbm>>) target(%arg6 : memref<3136xi32, #tpu.memory_space<vmem>>) target_semaphore(%run_scoped3A : memref<!tpu.dma_semaphore, #tpu.memory_space<semaphore_mem>>)
      %dma_wait3A_37 = tpu.memref_slice %arg2[%mul3A_2] : memref<100352xi32, #tpu.memory_space<hbm>> -> memref<3136xi32, #tpu.memory_space<hbm>>
      %dma_wait3A_38 = tpu.memref_slice %arg2[%mul3A_2] : memref<100352xi32, #tpu.memory_space<hbm>> -> memref<3136xi32, #tpu.memory_space<hbm>>
      tpu.wait_dma2 semaphore(%run_scoped3A : memref<!tpu.dma_semaphore, #tpu.memory_space<semaphore_mem>>) src(%dma_wait3A_38 : memref<3136xi32, #tpu.memory_space<hbm>>) dst(%arg6 : memref<3136xi32, #tpu.memory_space<vmem>>)
      tpu.yield
    }) : () -> ()
    %mul3A_3 = arith.constant 3136 : i32
    %mul3A_4 = arith.muli %arg1, %mul3A_3 : i32
    "tpu.region"() ({
      %run_scoped3A = tpu.sem_alloc : memref<!tpu.dma_semaphore, #tpu.memory_space<semaphore_mem>>
      %dma_start3A_35 = tpu.memref_slice %arg5[%mul3A_4] : memref<50176xi32, #tpu.memory_space<vmem_shared>> -> memref<3136xi32, #tpu.memory_space<vmem_shared>>
      %dma_start3A_36 = tpu.memref_slice %arg5[%mul3A_4] : memref<50176xi32, #tpu.memory_space<vmem_shared>> -> memref<3136xi32, #tpu.memory_space<vmem_shared>>
      tpu.enqueue_dma source(%arg6 : memref<3136xi32, #tpu.memory_space<vmem>>) target(%dma_start3A_36 : memref<3136xi32, #tpu.memory_space<vmem_shared>>) target_semaphore(%run_scoped3A : memref<!tpu.dma_semaphore, #tpu.memory_space<semaphore_mem>>)
      %dma_wait3A_37 = tpu.memref_slice %arg5[%mul3A_4] : memref<50176xi32, #tpu.memory_space<vmem_shared>> -> memref<3136xi32, #tpu.memory_space<vmem_shared>>
      %dma_wait3A_38 = tpu.memref_slice %arg5[%mul3A_4] : memref<50176xi32, #tpu.memory_space<vmem_shared>> -> memref<3136xi32, #tpu.memory_space<vmem_shared>>
      tpu.wait_dma2 semaphore(%run_scoped3A : memref<!tpu.dma_semaphore, #tpu.memory_space<semaphore_mem>>) src(%arg6 : memref<3136xi32, #tpu.memory_space<vmem>>) dst(%dma_wait3A_38 : memref<3136xi32, #tpu.memory_space<vmem_shared>>)
      tpu.yield
    }) : () -> ()
    %mul3A_5 = arith.constant 3136 : i32
    %mul3A_6 = arith.muli %add3A, %mul3A_5 : i32
    %mul3A_7 = arith.constant 3136 : i32
    %mul3A_8 = arith.muli %arg1, %mul3A_7 : i32
    %add3A_9 = arith.constant 0 : i32
    %add3A_10 = arith.addi %mul3A_8, %add3A_9 : i32
    %dma_start3A = arith.constant 0 : i32
    %dma_start3A_11 = arith.constant 0 : i32
    %dma_start3A_12 = tpu.memref_slice %arg9[%dma_start3A, %dma_start3A_11] : memref<2x32xi32, #tpu.memory_space<smem>> -> memref<1x32xi32, #tpu.memory_space<smem>>
    %dma_start3A_13 = tpu.memref_squeeze %dma_start3A_12 : memref<1x32xi32, #tpu.memory_space<smem>> -> memref<32xi32, #tpu.memory_space<smem>>
    %dma_start3A_14 = tpu.memref_slice %arg5[%add3A_10] : memref<50176xi32, #tpu.memory_space<vmem_shared>> -> memref<32xi32, #tpu.memory_space<vmem_shared>>
    tpu.enqueue_dma source(%dma_start3A_14 : memref<32xi32, #tpu.memory_space<vmem_shared>>) target(%dma_start3A_13 : memref<32xi32, #tpu.memory_space<smem>>) target_semaphore(%arg11 : memref<!tpu.dma_semaphore, #tpu.memory_space<semaphore_mem>>)
    %scan3A = arith.constant 0 : i32
    %scan3A_15 = arith.constant 0 : i32
    %scan3A_16 = arith.constant 49 : i32
    %scan3A_17 = arith.addi %scan3A_15, %scan3A_16 : i32
    %scan3A_18 = arith.constant 1 : i32
    scf.for %scan3A_35 = %scan3A_15 to %scan3A_17 step %scan3A_18  : i32 {
      %mul3A_36 = arith.constant 2 : i32
      %mul3A_37 = arith.muli %scan3A_35, %mul3A_36 : i32
      %add3A_38 = arith.constant 0 : i32
      %add3A_39 = arith.addi %mul3A_37, %add3A_38 : i32
      %gt3A = arith.constant 0 : i32
      %gt3A_40 = arith.cmpi sgt, %scan3A_35, %gt3A : i32
      %convert_element_type3A = arith.extui %gt3A_40 : i1 to i32
      %cond3A = arith.constant 0 : i32
      %cond3A_41 = arith.cmpi ne, %convert_element_type3A, %cond3A : i32
      scf.if %cond3A_41 {
        %dma_wait3A_3998 = arith.constant 0 : i32
        %dma_wait3A_3999 = tpu.memref_slice %arg8[%dma_wait3A_3998] : memref<8192xf32, #tpu.memory_space<vmem>> -> memref<4096xf32, #tpu.memory_space<vmem>>
        %dma_wait3A_4000 = arith.constant 0 : i32
        %dma_wait3A_4001 = tpu.memref_slice %arg4[%dma_wait3A_4000] : memref<12845056xf32, #tpu.memory_space<hbm>> -> memref<4096xf32, #tpu.memory_space<hbm>>
        %dma_wait3A_4002 = arith.constant 0 : i32
        %dma_wait3A_4003 = tpu.memref_slice %arg4[%dma_wait3A_4002] : memref<12845056xf32, #tpu.memory_space<hbm>> -> memref<4096xf32, #tpu.memory_space<hbm>>
        %dma_wait3A_4004 = arith.constant 0 : i32
        %dma_wait3A_4005 = tpu.memref_slice %arg8[%dma_wait3A_4004] : memref<8192xf32, #tpu.memory_space<vmem>> -> memref<4096xf32, #tpu.memory_space<vmem>>
        tpu.wait_dma2 semaphore(%arg10 : memref<!tpu.dma_semaphore, #tpu.memory_space<semaphore_mem>>) src(%dma_wait3A_4005 : memref<4096xf32, #tpu.memory_space<vmem>>) dst(%dma_wait3A_4003 : memref<4096xf32, #tpu.memory_space<hbm>>)
      } else {
      }
      %dma_wait3A_42 = arith.constant 0 : i32
      %dma_wait3A_43 = arith.constant 0 : i32
      %dma_wait3A_44 = tpu.memref_slice %arg9[%dma_wait3A_42, %dma_wait3A_43] : memref<2x32xi32, #tpu.memory_space<smem>> -> memref<1x32xi32, #tpu.memory_space<smem>>
      %dma_wait3A_45 = tpu.memref_squeeze %dma_wait3A_44 : memref<1x32xi32, #tpu.memory_space<smem>> -> memref<32xi32, #tpu.memory_space<smem>>
      %dma_wait3A_46 = arith.constant 0 : i32
      %dma_wait3A_47 = tpu.memref_slice %arg5[%dma_wait3A_46] : memref<50176xi32, #tpu.memory_space<vmem_shared>> -> memref<32xi32, #tpu.memory_space<vmem_shared>>
      tpu.wait_dma2 semaphore(%arg11 : memref<!tpu.dma_semaphore, #tpu.memory_space<semaphore_mem>>) src(%dma_wait3A_47 : memref<32xi32, #tpu.memory_space<vmem_shared>>) dst(%dma_wait3A_45 : memref<32xi32, #tpu.memory_space<smem>>)
      %add3A_48 = arith.constant 1 : i32
      %add3A_49 = arith.addi %add3A_39, %add3A_48 : i32
      %lt3A = arith.constant 98 : i32
      %lt3A_50 = arith.cmpi slt, %add3A_49, %lt3A : i32
      %convert_element_type3A_51 = arith.extui %lt3A_50 : i1 to i32
      %cond3A_52 = arith.constant 0 : i32
      %cond3A_53 = arith.cmpi ne, %convert_element_type3A_51, %cond3A_52 : i32
      scf.if %cond3A_53 {
        %add3A_3998 = arith.constant 1 : i32
        %add3A_3999 = arith.addi %add3A_39, %add3A_3998 : i32
        %mul3A_4000 = arith.constant 3136 : i32
        %mul3A_4001 = arith.muli %arg1, %mul3A_4000 : i32
        %mul3A_4002 = arith.constant 32 : i32
        %mul3A_4003 = arith.muli %add3A_3999, %mul3A_4002 : i32
        %add3A_4004 = arith.addi %mul3A_4001, %mul3A_4003 : i32
        %dma_start3A_4005 = arith.constant 1 : i32
        %dma_start3A_4006 = arith.constant 0 : i32
        %dma_start3A_4007 = tpu.memref_slice %arg9[%dma_start3A_4005, %dma_start3A_4006] : memref<2x32xi32, #tpu.memory_space<smem>> -> memref<1x32xi32, #tpu.memory_space<smem>>
        %dma_start3A_4008 = tpu.memref_squeeze %dma_start3A_4007 : memref<1x32xi32, #tpu.memory_space<smem>> -> memref<32xi32, #tpu.memory_space<smem>>
        %dma_start3A_4009 = tpu.memref_slice %arg5[%add3A_4004] : memref<50176xi32, #tpu.memory_space<vmem_shared>> -> memref<32xi32, #tpu.memory_space<vmem_shared>>
        tpu.enqueue_dma source(%dma_start3A_4009 : memref<32xi32, #tpu.memory_space<vmem_shared>>) target(%dma_start3A_4008 : memref<32xi32, #tpu.memory_space<smem>>) target_semaphore(%arg11 : memref<!tpu.dma_semaphore, #tpu.memory_space<semaphore_mem>>)
      } else {
      }
      %get3A = arith.constant 0 : i32
      %get3A_54 = arith.constant 0 : i32
      %get3A_55 = arith.index_cast %get3A : i32 to index
      %get3A_56 = arith.index_cast %get3A_54 : i32 to index
      %get3A_57 = memref.load %arg9[%get3A_55, %get3A_56] : memref<2x32xi32, #tpu.memory_space<smem>>
      %gt3A_58 = arith.constant 1000 : i32
      %gt3A_59 = arith.cmpi sgt, %get3A_57, %gt3A_58 : i32
      %min3A = arith.constant 10 : i32
      %min3A_60 = arith.minsi %get3A_57, %min3A : i32
      %jit3A = arith.constant 11 : i32
      %select_n3A = arith.select %gt3A_59, %jit3A, %min3A_60 : i32
      %mul3A_61 = arith.constant 128 : i32
      %mul3A_62 = arith.muli %select_n3A, %mul3A_61 : i32
      %add3A_63 = arith.constant 0 : i32
      %add3A_64 = arith.addi %mul3A_62, %add3A_63 : i32
      %get3A_65 = arith.index_cast %add3A_64 : i32 to index
      %get3A_66 = tpu.vector_load %arg7[%get3A_65] {strides = array<i32>} : memref<1536xf32, #tpu.memory_space<vmem>>, vector<16xf32>,
      %swap3A = arith.constant 0 : index
      %swap3A_67 = tpu.vector_load %arg8[%swap3A] {strides = array<i32>} : memref<8192xf32, #tpu.memory_space<vmem>>, vector<16xf32>,
      tpu.vector_store %arg8[%swap3A], %get3A_66 {strides = array<i32>} : memref<8192xf32, #tpu.memory_space<vmem>>, vector<16xf32>,
      %add3A_68 = arith.constant 16 : i32
      %add3A_69 = arith.addi %mul3A_62, %add3A_68 : i32
      %get3A_70 = arith.index_cast %add3A_69 : i32 to index
      %get3A_71 = tpu.vector_load %arg7[%get3A_70] {strides = array<i32>} : memref<1536xf32, #tpu.memory_space<vmem>>, vector<16xf32>,
      %swap3A_72 = arith.constant 16 : index
      %swap3A_73 = tpu.vector_load %arg8[%swap3A_72] {strides = array<i32>} : memref<8192xf32, #tpu.memory_space<vmem>>, vector<16xf32>,
      tpu.vector_store %arg8[%swap3A_72], %get3A_71 {strides = array<i32>} : memref<8192xf32, #tpu.memory_space<vmem>>, vector<16xf32>,
      %add3A_74 = arith.constant 32 : i32
      %add3A_75 = arith.addi %mul3A_62, %add3A_74 : i32
      %get3A_76 = arith.index_cast %add3A_75 : i32 to index
      %get3A_77 = tpu.vector_load %arg7[%get3A_76] {strides = array<i32>} : memref<1536xf32, #tpu.memory_space<vmem>>, vector<16xf32>,
      %swap3A_78 = arith.constant 32 : index
      %swap3A_79 = tpu.vector_load %arg8[%swap3A_78] {strides = array<i32>} : memref<8192xf32, #tpu.memory_space<vmem>>, vector<16xf32>,
      tpu.vector_store %arg8[%swap3A_78], %get3A_77 {strides = array<i32>} : memref<8192xf32, #tpu.memory_space<vmem>>, vector<16xf32>,
      %add3A_80 = arith.constant 48 : i32
      %add3A_81 = arith.addi %mul3A_62, %add3A_80 : i32
      %get3A_82 = arith.index_cast %add3A_81 : i32 to index
      %get3A_83 = tpu.vector_load %arg7[%get3A_82] {strides = array<i32>} : memref<1536xf32, #tpu.memory_space<vmem>>, vector<16xf32>,
      %swap3A_84 = arith.constant 48 : index
      %swap3A_85 = tpu.vector_load %arg8[%swap3A_84] {strides = array<i32>} : memref<8192xf32, #tpu.memory_space<vmem>>, vector<16xf32>,
      tpu.vector_store %arg8[%swap3A_84], %get3A_83 {strides = array<i32>} : memref<8192xf32, #tpu.memory_space<vmem>>, vector<16xf32>,
      %add3A_86 = arith.constant 64 : i32
      %add3A_87 = arith.addi %mul3A_62, %add3A_86 : i32
      %get3A_88 = arith.index_cast %add3A_87 : i32 to index
      %get3A_89 = tpu.vector_load %arg7[%get3A_88] {strides = array<i32>} : memref<1536xf32, #tpu.memory_space<vmem>>, vector<16xf32>,
      %swap3A_90 = arith.constant 64 : index
      %swap3A_91 = tpu.vector_load %arg8[%swap3A_90] {strides = array<i32>} : memref<8192xf32, #tpu.memory_space<vmem>>, vector<16xf32>,
      tpu.vector_store %arg8[%swap3A_90], %get3A_89 {strides = array<i32>} : memref<8192xf32, #tpu.memory_space<vmem>>, vector<16xf32>,
      %add3A_92 = arith.constant 80 : i32
      %add3A_93 = arith.addi %mul3A_62, %add3A_92 : i32
      %get3A_94 = arith.index_cast %add3A_93 : i32 to index
      %get3A_95 = tpu.vector_load %arg7[%get3A_94] {strides = array<i32>} : memref<1536xf32, #tpu.memory_space<vmem>>, vector<16xf32>,
      %swap3A_96 = arith.constant 80 : index
      %swap3A_97 = tpu.vector_load %arg8[%swap3A_96] {strides = array<i32>} : memref<8192xf32, #tpu.memory_space<vmem>>, vector<16xf32>,
      tpu.vector_store %arg8[%swap3A_96], %get3A_95 {strides = array<i32>} : memref<8192xf32, #tpu.memory_space<vmem>>, vector<16xf32>,
      %add3A_98 = arith.constant 96 : i32
      %add3A_99 = arith.addi %mul3A_62, %add3A_98 : i32
      %get3A_100 = arith.index_cast %add3A_99 : i32 to index
      %get3A_101 = tpu.vector_load %arg7[%get3A_100] {strides = array<i32>} : memref<1536xf32, #tpu.memory_space<vmem>>, vector<16xf32>,
      %swap3A_102 = arith.constant 96 : index
      %swap3A_103 = tpu.vector_load %arg8[%swap3A_102] {strides = array<i32>} : memref<8192xf32, #tpu.memory_space<vmem>>, vector<16xf32>,
      tpu.vector_store %arg8[%swap3A_102], %get3A_101 {strides = array<i32>} : memref<8192xf32, #tpu.memory_space<vmem>>, vector<16xf32>,
      %add3A_104 = arith.constant 112 : i32
      %add3A_105 = arith.addi %mul3A_62, %add3A_104 : i32
      %get3A_106 = arith.index_cast %add3A_105 : i32 to index
      %get3A_107 = tpu.vector_load %arg7[%get3A_106] {strides = array<i32>} : memref<1536xf32, #tpu.memory_space<vmem>>, vector<16xf32>,
      %swap3A_108 = arith.constant 112 : index
      %swap3A_109 = tpu.vector_load %arg8[%swap3A_108] {strides = array<i32>} : memref<8192xf32, #tpu.memory_space<vmem>>, vector<16xf32>,
      tpu.vector_store %arg8[%swap3A_108], %get3A_107 {strides = array<i32>} : memref<8192xf32, #tpu.memory_space<vmem>>, vector<16xf32>,
      %get3A_110 = arith.constant 0 : i32
      %get3A_111 = arith.constant 1 : i32
      %get3A_112 = arith.index_cast %get3A_110 : i32 to index
      %get3A_113 = arith.index_cast %get3A_111 : i32 to index
      %get3A_114 = memref.load %arg9[%get3A_112, %get3A_113] : memref<2x32xi32, #tpu.memory_space<smem>>
      %gt3A_115 = arith.constant 1000 : i32
      %gt3A_116 = arith.cmpi sgt, %get3A_114, %gt3A_115 : i32
      %min3A_117 = arith.constant 10 : i32
      %min3A_118 = arith.minsi %get3A_114, %min3A_117 : i32
      %jit3A_119 = arith.constant 11 : i32
      %select_n3A_120 = arith.select %gt3A_116, %jit3A_119, %min3A_118 : i32
      %mul3A_121 = arith.constant 128 : i32
      %mul3A_122 = arith.muli %select_n3A_120, %mul3A_121 : i32
      %add3A_123 = arith.constant 0 : i32
      %add3A_124 = arith.addi %mul3A_122, %add3A_123 : i32
      %get3A_125 = arith.index_cast %add3A_124 : i32 to index
      %get3A_126 = tpu.vector_load %arg7[%get3A_125] {strides = array<i32>} : memref<1536xf32, #tpu.memory_space<vmem>>, vector<16xf32>,
      %swap3A_127 = arith.constant 128 : index
      %swap3A_128 = tpu.vector_load %arg8[%swap3A_127] {strides = array<i32>} : memref<8192xf32, #tpu.memory_space<vmem>>, vector<16xf32>,
      tpu.vector_store %arg8[%swap3A_127], %get3A_126 {strides = array<i32>} : memref<8192xf32, #tpu.memory_space<vmem>>, vector<16xf32>,
      %add3A_129 = arith.constant 16 : i32
      %add3A_130 = arith.addi %mul3A_122, %add3A_129 : i32
      %get3A_131 = arith.index_cast %add3A_130 : i32 to index
      %get3A_132 = tpu.vector_load %arg7[%get3A_131] {strides = array<i32>} : memref<1536xf32, #tpu.memory_space<vmem>>, vector<16xf32>,
      %swap3A_133 = arith.constant 144 : index
      %swap3A_134 = tpu.vector_load %arg8[%swap3A_133] {strides = array<i32>} : memref<8192xf32, #tpu.memory_space<vmem>>, vector<16xf32>,
      tpu.vector_store %arg8[%swap3A_133], %get3A_132 {strides = array<i32>} : memref<8192xf32, #tpu.memory_space<vmem>>, vector<16xf32>,
      %add3A_135 = arith.constant 32 : i32
      %add3A_136 = arith.addi %mul3A_122, %add3A_135 : i32
      %get3A_137 = arith.index_cast %add3A_136 : i32 to index
      %get3A_138 = tpu.vector_load %arg7[%get3A_137] {strides = array<i32>} : memref<1536xf32, #tpu.memory_space<vmem>>, vector<16xf32>,
      %swap3A_139 = arith.constant 160 : index
      %swap3A_140 = tpu.vector_load %arg8[%swap3A_139] {strides = array<i32>} : memref<8192xf32, #tpu.memory_space<vmem>>, vector<16xf32>,
      tpu.vector_store %arg8[%swap3A_139], %get3A_138 {strides = array<i32>} : memref<8192xf32, #tpu.memory_space<vmem>>, vector<16xf32>,
      %add3A_141 = arith.constant 48 : i32
      %add3A_142 = arith.addi %mul3A_122, %add3A_141 : i32
      %get3A_143 = arith.index_cast %add3A_142 : i32 to index
      %get3A_144 = tpu.vector_load %arg7[%get3A_143] {strides = array<i32>} : memref<1536xf32, #tpu.memory_space<vmem>>, vector<16xf32>,
      %swap3A_145 = arith.constant 176 : index
      %swap3A_146 = tpu.vector_load %arg8[%swap3A_145] {strides = array<i32>} : memref<8192xf32, #tpu.memory_space<vmem>>, vector<16xf32>,
      tpu.vector_store %arg8[%swap3A_145], %get3A_144 {strides = array<i32>} : memref<8192xf32, #tpu.memory_space<vmem>>, vector<16xf32>,
      %add3A_147 = arith.constant 64 : i32
      %add3A_148 = arith.addi %mul3A_122, %add3A_147 : i32
      %get3A_149 = arith.index_cast %add3A_148 : i32 to index
      %get3A_150 = tpu.vector_load %arg7[%get3A_149] {strides = array<i32>} : memref<1536xf32, #tpu.memory_space<vmem>>, vector<16xf32>,
      %swap3A_151 = arith.constant 192 : index
      %swap3A_152 = tpu.vector_load %arg8[%swap3A_151] {strides = array<i32>} : memref<8192xf32, #tpu.memory_space<vmem>>, vector<16xf32>,
      tpu.vector_store %arg8[%swap3A_151], %get3A_150 {strides = array<i32>} : memref<8192xf32, #tpu.memory_space<vmem>>, vector<16xf32>,
      %add3A_153 = arith.constant 80 : i32
      %add3A_154 = arith.addi %mul3A_122, %add3A_153 : i32
      %get3A_155 = arith.index_cast %add3A_154 : i32 to index
      %get3A_156 = tpu.vector_load %arg7[%get3A_155] {strides = array<i32>} : memref<1536xf32, #tpu.memory_space<vmem>>, vector<16xf32>,
      %swap3A_157 = arith.constant 208 : index
      %swap3A_158 = tpu.vector_load %arg8[%swap3A_157] {strides = array<i32>} : memref<8192xf32, #tpu.memory_space<vmem>>, vector<16xf32>,
      tpu.vector_store %arg8[%swap3A_157], %get3A_156 {strides = array<i32>} : memref<8192xf32, #tpu.memory_space<vmem>>, vector<16xf32>,
      %add3A_159 = arith.constant 96 : i32
      %add3A_160 = arith.addi %mul3A_122, %add3A_159 : i32
      %get3A_161 = arith.index_cast %add3A_160 : i32 to index
      %get3A_162 = tpu.vector_load %arg7[%get3A_161] {strides = array<i32>} : memref<1536xf32, #tpu.memory_space<vmem>>, vector<16xf32>,
      %swap3A_163 = arith.constant 224 : index
      %swap3A_164 = tpu.vector_load %arg8[%swap3A_163] {strides = array<i32>} : memref<8192xf32, #tpu.memory_space<vmem>>, vector<16xf32>,
      tpu.vector_store %arg8[%swap3A_163], %get3A_162 {strides = array<i32>} : memref<8192xf32, #tpu.memory_space<vmem>>, vector<16xf32>,
      %add3A_165 = arith.constant 112 : i32
      %add3A_166 = arith.addi %mul3A_122, %add3A_165 : i32
      %get3A_167 = arith.index_cast %add3A_166 : i32 to index
      %get3A_168 = tpu.vector_load %arg7[%get3A_167] {strides = array<i32>} : memref<1536xf32, #tpu.memory_space<vmem>>, vector<16xf32>,
      %swap3A_169 = arith.constant 240 : index
      %swap3A_170 = tpu.vector_load %arg8[%swap3A_169] {strides = array<i32>} : memref<8192xf32, #tpu.memory_space<vmem>>, vector<16xf32>,
      tpu.vector_store %arg8[%swap3A_169], %get3A_168 {strides = array<i32>} : memref<8192xf32, #tpu.memory_space<vmem>>, vector<16xf32>,
      %get3A_171 = arith.constant 0 : i32
      %get3A_172 = arith.constant 2 : i32
      %get3A_173 = arith.index_cast %get3A_171 : i32 to index
      %get3A_174 = arith.index_cast %get3A_172 : i32 to index
      %get3A_175 = memref.load %arg9[%get3A_173, %get3A_174] : memref<2x32xi32, #tpu.memory_space<smem>>
      %gt3A_176 = arith.constant 1000 : i32
      %gt3A_177 = arith.cmpi sgt, %get3A_175, %gt3A_176 : i32
      %min3A_178 = arith.constant 10 : i32
      %min3A_179 = arith.minsi %get3A_175, %min3A_178 : i32
      %jit3A_180 = arith.constant 11 : i32
      %select_n3A_181 = arith.select %gt3A_177, %jit3A_180, %min3A_179 : i32
      %mul3A_182 = arith.constant 128 : i32
      %mul3A_183 = arith.muli %select_n3A_181, %mul3A_182 : i32
      %add3A_184 = arith.constant 0 : i32
      %add3A_185 = arith.addi %mul3A_183, %add3A_184 : i32
      %get3A_186 = arith.index_cast %add3A_185 : i32 to index
      %get3A_187 = tpu.vector_load %arg7[%get3A_186] {strides = array<i32>} : memref<1536xf32, #tpu.memory_space<vmem>>, vector<16xf32>,
      %swap3A_188 = arith.constant 256 : index
      %swap3A_189 = tpu.vector_load %arg8[%swap3A_188] {strides = array<i32>} : memref<8192xf32, #tpu.memory_space<vmem>>, vector<16xf32>,
      tpu.vector_store %arg8[%swap3A_188], %get3A_187 {strides = array<i32>} : memref<8192xf32, #tpu.memory_space<vmem>>, vector<16xf32>,
      %add3A_190 = arith.constant 16 : i32
      %add3A_191 = arith.addi %mul3A_183, %add3A_190 : i32
      %get3A_192 = arith.index_cast %add3A_191 : i32 to index
      %get3A_193 = tpu.vector_load %arg7[%get3A_192] {strides = array<i32>} : memref<1536xf32, #tpu.memory_space<vmem>>, vector<16xf32>,
      %swap3A_194 = arith.constant 272 : index
      %swap3A_195 = tpu.vector_load %arg8[%swap3A_194] {strides = array<i32>} : memref<8192xf32, #tpu.memory_space<vmem>>, vector<16xf32>,
      tpu.vector_store %arg8[%swap3A_194], %get3A_193 {strides = array<i32>} : memref<8192xf32, #tpu.memory_space<vmem>>, vector<16xf32>,
      %add3A_196 = arith.constant 32 : i32
      %add3A_197 = arith.addi %mul3A_183, %add3A_196 : i32
      %get3A_198 = arith.index_cast %add3A_197 : i32 to index
      %get3A_199 = tpu.vector_load %arg7[%get3A_198] {strides = array<i32>} : memref<1536xf32, #tpu.memory_space<vmem>>, vector<16xf32>,
      %swap3A_200 = arith.constant 288 : index
      %swap3A_201 = tpu.vector_load %arg8[%swap3A_200] {strides = array<i32>} : memref<8192xf32, #tpu.memory_space<vmem>>, vector<16xf32>,
      tpu.vector_store %arg8[%swap3A_200], %get3A_199 {strides = array<i32>} : memref<8192xf32, #tpu.memory_space<vmem>>, vector<16xf32>,
      %add3A_202 = arith.constant 48 : i32
      %add3A_203 = arith.addi %mul3A_183, %add3A_202 : i32
      %get3A_204 = arith.index_cast %add3A_203 : i32 to index
      %get3A_205 = tpu.vector_load %arg7[%get3A_204] {strides = array<i32>} : memref<1536xf32, #tpu.memory_space<vmem>>, vector<16xf32>,
      %swap3A_206 = arith.constant 304 : index
      %swap3A_207 = tpu.vector_load %arg8[%swap3A_206] {strides = array<i32>} : memref<8192xf32, #tpu.memory_space<vmem>>, vector<16xf32>,
      tpu.vector_store %arg8[%swap3A_206], %get3A_205 {strides = array<i32>} : memref<8192xf32, #tpu.memory_space<vmem>>, vector<16xf32>,
      %add3A_208 = arith.constant 64 : i32
      %add3A_209 = arith.addi %mul3A_183, %add3A_208 : i32
      %get3A_210 = arith.index_cast %add3A_209 : i32 to index
      %get3A_211 = tpu.vector_load %arg7[%get3A_210] {strides = array<i32>} : memref<1536xf32, #tpu.memory_space<vmem>>, vector<16xf32>,
      %swap3A_212 = arith.constant 320 : index
      %swap3A_213 = tpu.vector_load %arg8[%swap3A_212] {strides = array<i32>} : memref<8192xf32, #tpu.memory_space<vmem>>, vector<16xf32>,
      tpu.vector_store %arg8[%swap3A_212], %get3A_211 {strides = array<i32>} : memref<8192xf32, #tpu.memory_space<vmem>>, vector<16xf32>,
      %add3A_214 = arith.constant 80 : i32
      %add3A_215 = arith.addi %mul3A_183, %add3A_214 : i32
      %get3A_216 = arith.index_cast %add3A_215 : i32 to index
      %get3A_217 = tpu.vector_load %arg7[%get3A_216] {strides = array<i32>} : memref<1536xf32, #tpu.memory_space<vmem>>, vector<16xf32>,
      %swap3A_218 = arith.constant 336 : index
      %swap3A_219 = tpu.vector_load %arg8[%swap3A_218] {strides = array<i32>} : memref<8192xf32, #tpu.memory_space<vmem>>, vector<16xf32>,
      tpu.vector_store %arg8[%swap3A_218], %get3A_217 {strides = array<i32>} : memref<8192xf32, #tpu.memory_space<vmem>>, vector<16xf32>,
      %add3A_220 = arith.constant 96 : i32
      %add3A_221 = arith.addi %mul3A_183, %add3A_220 : i32
      %get3A_222 = arith.index_cast %add3A_221 : i32 to index
      %get3A_223 = tpu.vector_load %arg7[%get3A_222] {strides = array<i32>} : memref<1536xf32, #tpu.memory_space<vmem>>, vector<16xf32>,
      %swap3A_224 = arith.constant 352 : index
      %swap3A_225 = tpu.vector_load %arg8[%swap3A_224] {strides = array<i32>} : memref<8192xf32, #tpu.memory_space<vmem>>, vector<16xf32>,
      tpu.vector_store %arg8[%swap3A_224], %get3A_223 {strides = array<i32>} : memref<8192xf32, #tpu.memory_space<vmem>>, vector<16xf32>,
      %add3A_226 = arith.constant 112 : i32
      %add3A_227 = arith.addi %mul3A_183, %add3A_226 : i32
      %get3A_228 = arith.index_cast %add3A_227 : i32 to index
      %get3A_229 = tpu.vector_load %arg7[%get3A_228] {strides = array<i32>} : memref<1536xf32, #tpu.memory_space<vmem>>, vector<16xf32>,
      %swap3A_230 = arith.constant 368 : index
      %swap3A_231 = tpu.vector_load %arg8[%swap3A_230] {strides = array<i32>} : memref<8192xf32, #tpu.memory_space<vmem>>, vector<16xf32>,
      tpu.vector_store %arg8[%swap3A_230], %get3A_229 {strides = array<i32>} : memref<8192xf32, #tpu.memory_space<vmem>>, vector<16xf32>,
      %get3A_232 = arith.constant 0 : i32
      %get3A_233 = arith.constant 3 : i32
      %get3A_234 = arith.index_cast %get3A_232 : i32 to index
      %get3A_235 = arith.index_cast %get3A_233 : i32 to index
      %get3A_236 = memref.load %arg9[%get3A_234, %get3A_235] : memref<2x32xi32, #tpu.memory_space<smem>>
      %gt3A_237 = arith.constant 1000 : i32
      %gt3A_238 = arith.cmpi sgt, %get3A_236, %gt3A_237 : i32
      %min3A_239 = arith.constant 10 : i32
      %min3A_240 = arith.minsi %get3A_236, %min3A_239 : i32
      %jit3A_241 = arith.constant 11 : i32
      %select_n3A_242 = arith.select %gt3A_238, %jit3A_241, %min3A_240 : i32
      %mul3A_243 = arith.constant 128 : i32
      %mul3A_244 = arith.muli %select_n3A_242, %mul3A_243 : i32
      %add3A_245 = arith.constant 0 : i32
      %add3A_246 = arith.addi %mul3A_244, %add3A_245 : i32
      %get3A_247 = arith.index_cast %add3A_246 : i32 to index
      %get3A_248 = tpu.vector_load %arg7[%get3A_247] {strides = array<i32>} : memref<1536xf32, #tpu.memory_space<vmem>>, vector<16xf32>,
      %swap3A_249 = arith.constant 384 : index
      %swap3A_250 = tpu.vector_load %arg8[%swap3A_249] {strides = array<i32>} : memref<8192xf32, #tpu.memory_space<vmem>>, vector<16xf32>,
      tpu.vector_store %arg8[%swap3A_249], %get3A_248 {strides = array<i32>} : memref<8192xf32, #tpu.memory_space<vmem>>, vector<16xf32>,
      %add3A_251 = arith.constant 16 : i32
      %add3A_252 = arith.addi %mul3A_244, %add3A_251 : i32
      %get3A_253 = arith.index_cast %add3A_252 : i32 to index
      %get3A_254 = tpu.vector_load %arg7[%get3A_253] {strides = array<i32>} : memref<1536xf32, #tpu.memory_space<vmem>>, vector<16xf32>,
      %swap3A_255 = arith.constant 400 : index
      %swap3A_256 = tpu.vector_load %arg8[%swap3A_255] {strides = array<i32>} : memref<8192xf32, #tpu.memory_space<vmem>>, vector<16xf32>,
      tpu.vector_store %arg8[%swap3A_255], %get3A_254 {strides = array<i32>} : memref<8192xf32, #tpu.memory_space<vmem>>, vector<16xf32>,
      %add3A_257 = arith.constant 32 : i32
      %add3A_258 = arith.addi %mul3A_244, %add3A_257 : i32
      %get3A_259 = arith.index_cast %add3A_258 : i32 to index
      %get3A_260 = tpu.vector_load %arg7[%get3A_259] {strides = array<i32>} : memref<1536xf32, #tpu.memory_space<vmem>>, vector<16xf32>,
      %swap3A_261 = arith.constant 416 : index
      %swap3A_262 = tpu.vector_load %arg8[%swap3A_261] {strides = array<i32>} : memref<8192xf32, #tpu.memory_space<vmem>>, vector<16xf32>,
      tpu.vector_store %arg8[%swap3A_261], %get3A_260 {strides = array<i32>} : memref<8192xf32, #tpu.memory_space<vmem>>, vector<16xf32>,
      %add3A_263 = arith.constant 48 : i32
      %add3A_264 = arith.addi %mul3A_244, %add3A_263 : i32
      %get3A_265 = arith.index_cast %add3A_264 : i32 to index
      %get3A_266 = tpu.vector_load %arg7[%get3A_265] {strides = array<i32>} : memref<1536xf32, #tpu.memory_space<vmem>>, vector<16xf32>,
      %swap3A_267 = arith.constant 432 : index
      %swap3A_268 = tpu.vector_load %arg8[%swap3A_267] {strides = array<i32>} : memref<8192xf32, #tpu.memory_space<vmem>>, vector<16xf32>,
      tpu.vector_store %arg8[%swap3A_267], %get3A_266 {strides = array<i32>} : memref<8192xf32, #tpu.memory_space<vmem>>, vector<16xf32>,
      %add3A_269 = arith.constant 64 : i32
      %add3A_270 = arith.addi %mul3A_244, %add3A_269 : i32
      %get3A_271 = arith.index_cast %add3A_270 : i32 to index
      %get3A_272 = tpu.vector_load %arg7[%get3A_271] {strides = array<i32>} : memref<1536xf32, #tpu.memory_space<vmem>>, vector<16xf32>,
      %swap3A_273 = arith.constant 448 : index
      %swap3A_274 = tpu.vector_load %arg8[%swap3A_273] {strides = array<i32>} : memref<8192xf32, #tpu.memory_space<vmem>>, vector<16xf32>,
      tpu.vector_store %arg8[%swap3A_273], %get3A_272 {strides = array<i32>} : memref<8192xf32, #tpu.memory_space<vmem>>, vector<16xf32>,
      %add3A_275 = arith.constant 80 : i32
      %add3A_276 = arith.addi %mul3A_244, %add3A_275 : i32
      %get3A_277 = arith.index_cast %add3A_276 : i32 to index
      %get3A_278 = tpu.vector_load %arg7[%get3A_277] {strides = array<i32>} : memref<1536xf32, #tpu.memory_space<vmem>>, vector<16xf32>,
      %swap3A_279 = arith.constant 464 : index
      %swap3A_280 = tpu.vector_load %arg8[%swap3A_279] {strides = array<i32>} : memref<8192xf32, #tpu.memory_space<vmem>>, vector<16xf32>,
      tpu.vector_store %arg8[%swap3A_279], %get3A_278 {strides = array<i32>} : memref<8192xf32, #tpu.memory_space<vmem>>, vector<16xf32>,
      %add3A_281 = arith.constant 96 : i32
      %add3A_282 = arith.addi %mul3A_244, %add3A_281 : i32
      %get3A_283 = arith.index_cast %add3A_282 : i32 to index
      %get3A_284 = tpu.vector_load %arg7[%get3A_283] {strides = array<i32>} : memref<1536xf32, #tpu.memory_space<vmem>>, vector<16xf32>,
      %swap3A_285 = arith.constant 480 : index
      %swap3A_286 = tpu.vector_load %arg8[%swap3A_285] {strides = array<i32>} : memref<8192xf32, #tpu.memory_space<vmem>>, vector<16xf32>,
      tpu.vector_store %arg8[%swap3A_285], %get3A_284 {strides = array<i32>} : memref<8192xf32, #tpu.memory_space<vmem>>, vector<16xf32>,
      %add3A_287 = arith.constant 112 : i32
      %add3A_288 = arith.addi %mul3A_244, %add3A_287 : i32
      %get3A_289 = arith.index_cast %add3A_288 : i32 to index
      %get3A_290 = tpu.vector_load %arg7[%get3A_289] {strides = array<i32>} : memref<1536xf32, #tpu.memory_space<vmem>>, vector<16xf32>,
      %swap3A_291 = arith.constant 496 : index
      %swap3A_292 = tpu.vector_load %arg8[%swap3A_291] {strides = array<i32>} : memref<8192xf32, #tpu.memory_space<vmem>>, vector<16xf32>,
      tpu.vector_store %arg8[%swap3A_291], %get3A_290 {strides = array<i32>} : memref<8192xf32, #tpu.memory_space<vmem>>, vector<16xf32>,
      %get3A_293 = arith.constant 0 : i32
      %get3A_294 = arith.constant 4 : i32
      %get3A_295 = arith.index_cast %get3A_293 : i32 to index
      %get3A_296 = arith.index_cast %get3A_294 : i32 to index
      %get3A_297 = memref.load %arg9[%get3A_295, %get3A_296] : memref<2x32xi32, #tpu.memory_space<smem>>
      %gt3A_298 = arith.constant 1000 : i32
      %gt3A_299 = arith.cmpi sgt, %get3A_297, %gt3A_298 : i32
      %min3A_300 = arith.constant 10 : i32
      %min3A_301 = arith.minsi %get3A_297, %min3A_300 : i32
      %jit3A_302 = arith.constant 11 : i32
      %select_n3A_303 = arith.select %gt3A_299, %jit3A_302, %min3A_301 : i32
      %mul3A_304 = arith.constant 128 : i32
      %mul3A_305 = arith.muli %select_n3A_303, %mul3A_304 : i32
      %add3A_306 = arith.constant 0 : i32
      %add3A_307 = arith.addi %mul3A_305, %add3A_306 : i32
      %get3A_308 = arith.index_cast %add3A_307 : i32 to index
      %get3A_309 = tpu.vector_load %arg7[%get3A_308] {strides = array<i32>} : memref<1536xf32, #tpu.memory_space<vmem>>, vector<16xf32>,
      %swap3A_310 = arith.constant 512 : index
      %swap3A_311 = tpu.vector_load %arg8[%swap3A_310] {strides = array<i32>} : memref<8192xf32, #tpu.memory_space<vmem>>, vector<16xf32>,
      tpu.vector_store %arg8[%swap3A_310], %get3A_309 {strides = array<i32>} : memref<8192xf32, #tpu.memory_space<vmem>>, vector<16xf32>,
      %add3A_312 = arith.constant 16 : i32
      %add3A_313 = arith.addi %mul3A_305, %add3A_312 : i32
      %get3A_314 = arith.index_cast %add3A_313 : i32 to index
      %get3A_315 = tpu.vector_load %arg7[%get3A_314] {strides = array<i32>} : memref<1536xf32, #tpu.memory_space<vmem>>, vector<16xf32>,
      %swap3A_316 = arith.constant 528 : index
      %swap3A_317 = tpu.vector_load %arg8[%swap3A_316] {strides = array<i32>} : memref<8192xf32, #tpu.memory_space<vmem>>, vector<16xf32>,
      tpu.vector_store %arg8[%swap3A_316], %get3A_315 {strides = array<i32>} : memref<8192xf32, #tpu.memory_space<vmem>>, vector<16xf32>,
      %add3A_318 = arith.constant 32 : i32
      %add3A_319 = arith.addi %mul3A_305, %add3A_318 : i32
      %get3A_320 = arith.index_cast %add3A_319 : i32 to index
      %get3A_321 = tpu.vector_load %arg7[%get3A_320] {strides = array<i32>} : memref<1536xf32, #tpu.memory_space<vmem>>, vector<16xf32>,
      %swap3A_322 = arith.constant 544 : index
      %swap3A_323 = tpu.vector_load %arg8[%swap3A_322] {strides = array<i32>} : memref<8192xf32, #tpu.memory_space<vmem>>, vector<16xf32>,
      tpu.vector_store %arg8[%swap3A_322], %get3A_321 {strides = array<i32>} : memref<8192xf32, #tpu.memory_space<vmem>>, vector<16xf32>,
      %add3A_324 = arith.constant 48 : i32
      %add3A_325 = arith.addi %mul3A_305, %add3A_324 : i32
      %get3A_326 = arith.index_cast %add3A_325 : i32 to index
      %get3A_327 = tpu.vector_load %arg7[%get3A_326] {strides = array<i32>} : memref<1536xf32, #tpu.memory_space<vmem>>, vector<16xf32>,
      %swap3A_328 = arith.constant 560 : index
      %swap3A_329 = tpu.vector_load %arg8[%swap3A_328] {strides = array<i32>} : memref<8192xf32, #tpu.memory_space<vmem>>, vector<16xf32>,
      tpu.vector_store %arg8[%swap3A_328], %get3A_327 {strides = array<i32>} : memref<8192xf32, #tpu.memory_space<vmem>>, vector<16xf32>,
      %add3A_330 = arith.constant 64 : i32
      %add3A_331 = arith.addi %mul3A_305, %add3A_330 : i32
      %get3A_332 = arith.index_cast %add3A_331 : i32 to index
      %get3A_333 = tpu.vector_load %arg7[%get3A_332] {strides = array<i32>} : memref<1536xf32, #tpu.memory_space<vmem>>, vector<16xf32>,
      %swap3A_334 = arith.constant 576 : index
      %swap3A_335 = tpu.vector_load %arg8[%swap3A_334] {strides = array<i32>} : memref<8192xf32, #tpu.memory_space<vmem>>, vector<16xf32>,
      tpu.vector_store %arg8[%swap3A_334], %get3A_333 {strides = array<i32>} : memref<8192xf32, #tpu.memory_space<vmem>>, vector<16xf32>,
      %add3A_336 = arith.constant 80 : i32
      %add3A_337 = arith.addi %mul3A_305, %add3A_336 : i32
      %get3A_338 = arith.index_cast %add3A_337 : i32 to index
      %get3A_339 = tpu.vector_load %arg7[%get3A_338] {strides = array<i32>} : memref<1536xf32, #tpu.memory_space<vmem>>, vector<16xf32>,
      %swap3A_340 = arith.constant 592 : index
      %swap3A_341 = tpu.vector_load %arg8[%swap3A_340] {strides = array<i32>} : memref<8192xf32, #tpu.memory_space<vmem>>, vector<16xf32>,
      tpu.vector_store %arg8[%swap3A_340], %get3A_339 {strides = array<i32>} : memref<8192xf32, #tpu.memory_space<vmem>>, vector<16xf32>,
      %add3A_342 = arith.constant 96 : i32
      %add3A_343 = arith.addi %mul3A_305, %add3A_342 : i32
      %get3A_344 = arith.index_cast %add3A_343 : i32 to index
      %get3A_345 = tpu.vector_load %arg7[%get3A_344] {strides = array<i32>} : memref<1536xf32, #tpu.memory_space<vmem>>, vector<16xf32>,
      %swap3A_346 = arith.constant 608 : index
      %swap3A_347 = tpu.vector_load %arg8[%swap3A_346] {strides = array<i32>} : memref<8192xf32, #tpu.memory_space<vmem>>, vector<16xf32>,
      tpu.vector_store %arg8[%swap3A_346], %get3A_345 {strides = array<i32>} : memref<8192xf32, #tpu.memory_space<vmem>>, vector<16xf32>,
      %add3A_348 = arith.constant 112 : i32
      %add3A_349 = arith.addi %mul3A_305, %add3A_348 : i32
      %get3A_350 = arith.index_cast %add3A_349 : i32 to index
      %get3A_351 = tpu.vector_load %arg7[%get3A_350] {strides = array<i32>} : memref<1536xf32, #tpu.memory_space<vmem>>, vector<16xf32>,
      %swap3A_352 = arith.constant 624 : index
      %swap3A_353 = tpu.vector_load %arg8[%swap3A_352] {strides = array<i32>} : memref<8192xf32, #tpu.memory_space<vmem>>, vector<16xf32>,
      tpu.vector_store %arg8[%swap3A_352], %get3A_351 {strides = array<i32>} : memref<8192xf32, #tpu.memory_space<vmem>>, vector<16xf32>,
      %get3A_354 = arith.constant 0 : i32
      %get3A_355 = arith.constant 5 : i32
      %get3A_356 = arith.index_cast %get3A_354 : i32 to index
      %get3A_357 = arith.index_cast %get3A_355 : i32 to index
      %get3A_358 = memref.load %arg9[%get3A_356, %get3A_357] : memref<2x32xi32, #tpu.memory_space<smem>>
      %gt3A_359 = arith.constant 1000 : i32
      %gt3A_360 = arith.cmpi sgt, %get3A_358, %gt3A_359 : i32
      %min3A_361 = arith.constant 10 : i32
      %min3A_362 = arith.minsi %get3A_358, %min3A_361 : i32
      %jit3A_363 = arith.constant 11 : i32
      %select_n3A_364 = arith.select %gt3A_360, %jit3A_363, %min3A_362 : i32
      %mul3A_365 = arith.constant 128 : i32
      %mul3A_366 = arith.muli %select_n3A_364, %mul3A_365 : i32
      %add3A_367 = arith.constant 0 : i32
      %add3A_368 = arith.addi %mul3A_366, %add3A_367 : i32
      %get3A_369 = arith.index_cast %add3A_368 : i32 to index
      %get3A_370 = tpu.vector_load %arg7[%get3A_369] {strides = array<i32>} : memref<1536xf32, #tpu.memory_space<vmem>>, vector<16xf32>,
      %swap3A_371 = arith.constant 640 : index
      %swap3A_372 = tpu.vector_load %arg8[%swap3A_371] {strides = array<i32>} : memref<8192xf32, #tpu.memory_space<vmem>>, vector<16xf32>,
      tpu.vector_store %arg8[%swap3A_371], %get3A_370 {strides = array<i32>} : memref<8192xf32, #tpu.memory_space<vmem>>, vector<16xf32>,
      %add3A_373 = arith.constant 16 : i32
      %add3A_374 = arith.addi %mul3A_366, %add3A_373 : i32
      %get3A_375 = arith.index_cast %add3A_374 : i32 to index
      %get3A_376 = tpu.vector_load %arg7[%get3A_375] {strides = array<i32>} : memref<1536xf32, #tpu.memory_space<vmem>>, vector<16xf32>,
      %swap3A_377 = arith.constant 656 : index
      %swap3A_378 = tpu.vector_load %arg8[%swap3A_377] {strides = array<i32>} : memref<8192xf32, #tpu.memory_space<vmem>>, vector<16xf32>,
      tpu.vector_store %arg8[%swap3A_377], %get3A_376 {strides = array<i32>} : memref<8192xf32, #tpu.memory_space<vmem>>, vector<16xf32>,
      %add3A_379 = arith.constant 32 : i32
      %add3A_380 = arith.addi %mul3A_366, %add3A_379 : i32
      %get3A_381 = arith.index_cast %add3A_380 : i32 to index
      %get3A_382 = tpu.vector_load %arg7[%get3A_381] {strides = array<i32>} : memref<1536xf32, #tpu.memory_space<vmem>>, vector<16xf32>,
      %swap3A_383 = arith.constant 672 : index
      %swap3A_384 = tpu.vector_load %arg8[%swap3A_383] {strides = array<i32>} : memref<8192xf32, #tpu.memory_space<vmem>>, vector<16xf32>,
      tpu.vector_store %arg8[%swap3A_383], %get3A_382 {strides = array<i32>} : memref<8192xf32, #tpu.memory_space<vmem>>, vector<16xf32>,
      %add3A_385 = arith.constant 48 : i32
      %add3A_386 = arith.addi %mul3A_366, %add3A_385 : i32
      %get3A_387 = arith.index_cast %add3A_386 : i32 to index
      %get3A_388 = tpu.vector_load %arg7[%get3A_387] {strides = array<i32>} : memref<1536xf32, #tpu.memory_space<vmem>>, vector<16xf32>,
      %swap3A_389 = arith.constant 688 : index
      %swap3A_390 = tpu.vector_load %arg8[%swap3A_389] {strides = array<i32>} : memref<8192xf32, #tpu.memory_space<vmem>>, vector<16xf32>,
      tpu.vector_store %arg8[%swap3A_389], %get3A_388 {strides = array<i32>} : memref<8192xf32, #tpu.memory_space<vmem>>, vector<16xf32>,
      %add3A_391 = arith.constant 64 : i32
      %add3A_392 = arith.addi %mul3A_366, %add3A_391 : i32
      %get3A_393 = arith.index_cast %add3A_392 : i32 to index
      %get3A_394 = tpu.vector_load %arg7[%get3A_393] {strides = array<i32>} : memref<1536xf32, #tpu.memory_space<vmem>>, vector<16xf32>,
      %swap3A_395 = arith.constant 704 : index
      %swap3A_396 = tpu.vector_load %arg8[%swap3A_395] {strides = array<i32>} : memref<8192xf32, #tpu.memory_space<vmem>>, vector<16xf32>,
      tpu.vector_store %arg8[%swap3A_395], %get3A_394 {strides = array<i32>} : memref<8192xf32, #tpu.memory_space<vmem>>, vector<16xf32>,
      %add3A_397 = arith.constant 80 : i32
      %add3A_398 = arith.addi %mul3A_366, %add3A_397 : i32
      %get3A_399 = arith.index_cast %add3A_398 : i32 to index
      %get3A_400 = tpu.vector_load %arg7[%get3A_399] {strides = array<i32>} : memref<1536xf32, #tpu.memory_space<vmem>>, vector<16xf32>,
      %swap3A_401 = arith.constant 720 : index
      %swap3A_402 = tpu.vector_load %arg8[%swap3A_401] {strides = array<i32>} : memref<8192xf32, #tpu.memory_space<vmem>>, vector<16xf32>,
      tpu.vector_store %arg8[%swap3A_401], %get3A_400 {strides = array<i32>} : memref<8192xf32, #tpu.memory_space<vmem>>, vector<16xf32>,
      %add3A_403 = arith.constant 96 : i32
      %add3A_404 = arith.addi %mul3A_366, %add3A_403 : i32
      %get3A_405 = arith.index_cast %add3A_404 : i32 to index
      %get3A_406 = tpu.vector_load %arg7[%get3A_405] {strides = array<i32>} : memref<1536xf32, #tpu.memory_space<vmem>>, vector<16xf32>,
      %swap3A_407 = arith.constant 736 : index
      %swap3A_408 = tpu.vector_load %arg8[%swap3A_407] {strides = array<i32>} : memref<8192xf32, #tpu.memory_space<vmem>>, vector<16xf32>,
      tpu.vector_store %arg8[%swap3A_407], %get3A_406 {strides = array<i32>} : memref<8192xf32, #tpu.memory_space<vmem>>, vector<16xf32>,
      %add3A_409 = arith.constant 112 : i32
      %add3A_410 = arith.addi %mul3A_366, %add3A_409 : i32
      %get3A_411 = arith.index_cast %add3A_410 : i32 to index
      %get3A_412 = tpu.vector_load %arg7[%get3A_411] {strides = array<i32>} : memref<1536xf32, #tpu.memory_space<vmem>>, vector<16xf32>,
      %swap3A_413 = arith.constant 752 : index
      %swap3A_414 = tpu.vector_load %arg8[%swap3A_413] {strides = array<i32>} : memref<8192xf32, #tpu.memory_space<vmem>>, vector<16xf32>,
      tpu.vector_store %arg8[%swap3A_413], %get3A_412 {strides = array<i32>} : memref<8192xf32, #tpu.memory_space<vmem>>, vector<16xf32>,
      %get3A_415 = arith.constant 0 : i32
      %get3A_416 = arith.constant 6 : i32
      %get3A_417 = arith.index_cast %get3A_415 : i32 to index
      %get3A_418 = arith.index_cast %get3A_416 : i32 to index
      %get3A_419 = memref.load %arg9[%get3A_417, %get3A_418] : memref<2x32xi32, #tpu.memory_space<smem>>
      %gt3A_420 = arith.constant 1000 : i32
      %gt3A_421 = arith.cmpi sgt, %get3A_419, %gt3A_420 : i32
      %min3A_422 = arith.constant 10 : i32
      %min3A_423 = arith.minsi %get3A_419, %min3A_422 : i32
      %jit3A_424 = arith.constant 11 : i32
      %select_n3A_425 = arith.select %gt3A_421, %jit3A_424, %min3A_423 : i32
      %mul3A_426 = arith.constant 128 : i32
      %mul3A_427 = arith.muli %select_n3A_425, %mul3A_426 : i32
      %add3A_428 = arith.constant 0 : i32
      %add3A_429 = arith.addi %mul3A_427, %add3A_428 : i32
      %get3A_430 = arith.index_cast %add3A_429 : i32 to index
      %get3A_431 = tpu.vector_load %arg7[%get3A_430] {strides = array<i32>} : memref<1536xf32, #tpu.memory_space<vmem>>, vector<16xf32>,
      %swap3A_432 = arith.constant 768 : index
      %swap3A_433 = tpu.vector_load %arg8[%swap3A_432] {strides = array<i32>} : memref<8192xf32, #tpu.memory_space<vmem>>, vector<16xf32>,
      tpu.vector_store %arg8[%swap3A_432], %get3A_431 {strides = array<i32>} : memref<8192xf32, #tpu.memory_space<vmem>>, vector<16xf32>,
      %add3A_434 = arith.constant 16 : i32
      %add3A_435 = arith.addi %mul3A_427, %add3A_434 : i32
      %get3A_436 = arith.index_cast %add3A_435 : i32 to index
      %get3A_437 = tpu.vector_load %arg7[%get3A_436] {strides = array<i32>} : memref<1536xf32, #tpu.memory_space<vmem>>, vector<16xf32>,
      %swap3A_438 = arith.constant 784 : index
      %swap3A_439 = tpu.vector_load %arg8[%swap3A_438] {strides = array<i32>} : memref<8192xf32, #tpu.memory_space<vmem>>, vector<16xf32>,
      tpu.vector_store %arg8[%swap3A_438], %get3A_437 {strides = array<i32>} : memref<8192xf32, #tpu.memory_space<vmem>>, vector<16xf32>,
      %add3A_440 = arith.constant 32 : i32
      %add3A_441 = arith.addi %mul3A_427, %add3A_440 : i32
      %get3A_442 = arith.index_cast %add3A_441 : i32 to index
      %get3A_443 = tpu.vector_load %arg7[%get3A_442] {strides = array<i32>} : memref<1536xf32, #tpu.memory_space<vmem>>, vector<16xf32>,
      %swap3A_444 = arith.constant 800 : index
      %swap3A_445 = tpu.vector_load %arg8[%swap3A_444] {strides = array<i32>} : memref<8192xf32, #tpu.memory_space<vmem>>, vector<16xf32>,
      tpu.vector_store %arg8[%swap3A_444], %get3A_443 {strides = array<i32>} : memref<8192xf32, #tpu.memory_space<vmem>>, vector<16xf32>,
      %add3A_446 = arith.constant 48 : i32
      %add3A_447 = arith.addi %mul3A_427, %add3A_446 : i32
      %get3A_448 = arith.index_cast %add3A_447 : i32 to index
      %get3A_449 = tpu.vector_load %arg7[%get3A_448] {strides = array<i32>} : memref<1536xf32, #tpu.memory_space<vmem>>, vector<16xf32>,
      %swap3A_450 = arith.constant 816 : index
      %swap3A_451 = tpu.vector_load %arg8[%swap3A_450] {strides = array<i32>} : memref<8192xf32, #tpu.memory_space<vmem>>, vector<16xf32>,
      tpu.vector_store %arg8[%swap3A_450], %get3A_449 {strides = array<i32>} : memref<8192xf32, #tpu.memory_space<vmem>>, vector<16xf32>,
      %add3A_452 = arith.constant 64 : i32
      %add3A_453 = arith.addi %mul3A_427, %add3A_452 : i32
      %get3A_454 = arith.index_cast %add3A_453 : i32 to index
      %get3A_455 = tpu.vector_load %arg7[%get3A_454] {strides = array<i32>} : memref<1536xf32, #tpu.memory_space<vmem>>, vector<16xf32>,
      %swap3A_456 = arith.constant 832 : index
      %swap3A_457 = tpu.vector_load %arg8[%swap3A_456] {strides = array<i32>} : memref<8192xf32, #tpu.memory_space<vmem>>, vector<16xf32>,
      tpu.vector_store %arg8[%swap3A_456], %get3A_455 {strides = array<i32>} : memref<8192xf32, #tpu.memory_space<vmem>>, vector<16xf32>,
      %add3A_458 = arith.constant 80 : i32
      %add3A_459 = arith.addi %mul3A_427, %add3A_458 : i32
      %get3A_460 = arith.index_cast %add3A_459 : i32 to index
      %get3A_461 = tpu.vector_load %arg7[%get3A_460] {strides = array<i32>} : memref<1536xf32, #tpu.memory_space<vmem>>, vector<16xf32>,
      %swap3A_462 = arith.constant 848 : index
      %swap3A_463 = tpu.vector_load %arg8[%swap3A_462] {strides = array<i32>} : memref<8192xf32, #tpu.memory_space<vmem>>, vector<16xf32>,
      tpu.vector_store %arg8[%swap3A_462], %get3A_461 {strides = array<i32>} : memref<8192xf32, #tpu.memory_space<vmem>>, vector<16xf32>,
      %add3A_464 = arith.constant 96 : i32
      %add3A_465 = arith.addi %mul3A_427, %add3A_464 : i32
      %get3A_466 = arith.index_cast %add3A_465 : i32 to index
      %get3A_467 = tpu.vector_load %arg7[%get3A_466] {strides = array<i32>} : memref<1536xf32, #tpu.memory_space<vmem>>, vector<16xf32>,
      %swap3A_468 = arith.constant 864 : index
      %swap3A_469 = tpu.vector_load %arg8[%swap3A_468] {strides = array<i32>} : memref<8192xf32, #tpu.memory_space<vmem>>, vector<16xf32>,
      tpu.vector_store %arg8[%swap3A_468], %get3A_467 {strides = array<i32>} : memref<8192xf32, #tpu.memory_space<vmem>>, vector<16xf32>,
      %add3A_470 = arith.constant 112 : i32
      %add3A_471 = arith.addi %mul3A_427, %add3A_470 : i32
      %get3A_472 = arith.index_cast %add3A_471 : i32 to index
      %get3A_473 = tpu.vector_load %arg7[%get3A_472] {strides = array<i32>} : memref<1536xf32, #tpu.memory_space<vmem>>, vector<16xf32>,
      %swap3A_474 = arith.constant 880 : index
      %swap3A_475 = tpu.vector_load %arg8[%swap3A_474] {strides = array<i32>} : memref<8192xf32, #tpu.memory_space<vmem>>, vector<16xf32>,
      tpu.vector_store %arg8[%swap3A_474], %get3A_473 {strides = array<i32>} : memref<8192xf32, #tpu.memory_space<vmem>>, vector<16xf32>,
      %get3A_476 = arith.constant 0 : i32
      %get3A_477 = arith.constant 7 : i32
      %get3A_478 = arith.index_cast %get3A_476 : i32 to index
      %get3A_479 = arith.index_cast %get3A_477 : i32 to index
      %get3A_480 = memref.load %arg9[%get3A_478, %get3A_479] : memref<2x32xi32, #tpu.memory_space<smem>>
      %gt3A_481 = arith.constant 1000 : i32
      %gt3A_482 = arith.cmpi sgt, %get3A_480, %gt3A_481 : i32
      %min3A_483 = arith.constant 10 : i32
      %min3A_484 = arith.minsi %get3A_480, %min3A_483 : i32
      %jit3A_485 = arith.constant 11 : i32
      %select_n3A_486 = arith.select %gt3A_482, %jit3A_485, %min3A_484 : i32
      %mul3A_487 = arith.constant 128 : i32
      %mul3A_488 = arith.muli %select_n3A_486, %mul3A_487 : i32
      %add3A_489 = arith.constant 0 : i32
      %add3A_490 = arith.addi %mul3A_488, %add3A_489 : i32
      %get3A_491 = arith.index_cast %add3A_490 : i32 to index
      %get3A_492 = tpu.vector_load %arg7[%get3A_491] {strides = array<i32>} : memref<1536xf32, #tpu.memory_space<vmem>>, vector<16xf32>,
      %swap3A_493 = arith.constant 896 : index
      %swap3A_494 = tpu.vector_load %arg8[%swap3A_493] {strides = array<i32>} : memref<8192xf32, #tpu.memory_space<vmem>>, vector<16xf32>,
      tpu.vector_store %arg8[%swap3A_493], %get3A_492 {strides = array<i32>} : memref<8192xf32, #tpu.memory_space<vmem>>, vector<16xf32>,
      %add3A_495 = arith.constant 16 : i32
      %add3A_496 = arith.addi %mul3A_488, %add3A_495 : i32
      %get3A_497 = arith.index_cast %add3A_496 : i32 to index
      %get3A_498 = tpu.vector_load %arg7[%get3A_497] {strides = array<i32>} : memref<1536xf32, #tpu.memory_space<vmem>>, vector<16xf32>,
      %swap3A_499 = arith.constant 912 : index
      %swap3A_500 = tpu.vector_load %arg8[%swap3A_499] {strides = array<i32>} : memref<8192xf32, #tpu.memory_space<vmem>>, vector<16xf32>,
      tpu.vector_store %arg8[%swap3A_499], %get3A_498 {strides = array<i32>} : memref<8192xf32, #tpu.memory_space<vmem>>, vector<16xf32>,
      %add3A_501 = arith.constant 32 : i32
      %add3A_502 = arith.addi %mul3A_488, %add3A_501 : i32
      %get3A_503 = arith.index_cast %add3A_502 : i32 to index
      %get3A_504 = tpu.vector_load %arg7[%get3A_503] {strides = array<i32>} : memref<1536xf32, #tpu.memory_space<vmem>>, vector<16xf32>,
      %swap3A_505 = arith.constant 928 : index
      %swap3A_506 = tpu.vector_load %arg8[%swap3A_505] {strides = array<i32>} : memref<8192xf32, #tpu.memory_space<vmem>>, vector<16xf32>,
      tpu.vector_store %arg8[%swap3A_505], %get3A_504 {strides = array<i32>} : memref<8192xf32, #tpu.memory_space<vmem>>, vector<16xf32>,
      %add3A_507 = arith.constant 48 : i32
      %add3A_508 = arith.addi %mul3A_488, %add3A_507 : i32
      %get3A_509 = arith.index_cast %add3A_508 : i32 to index
      %get3A_510 = tpu.vector_load %arg7[%get3A_509] {strides = array<i32>} : memref<1536xf32, #tpu.memory_space<vmem>>, vector<16xf32>,
      %swap3A_511 = arith.constant 944 : index
      %swap3A_512 = tpu.vector_load %arg8[%swap3A_511] {strides = array<i32>} : memref<8192xf32, #tpu.memory_space<vmem>>, vector<16xf32>,
      tpu.vector_store %arg8[%swap3A_511], %get3A_510 {strides = array<i32>} : memref<8192xf32, #tpu.memory_space<vmem>>, vector<16xf32>,
      %add3A_513 = arith.constant 64 : i32
      %add3A_514 = arith.addi %mul3A_488, %add3A_513 : i32
      %get3A_515 = arith.index_cast %add3A_514 : i32 to index
      %get3A_516 = tpu.vector_load %arg7[%get3A_515] {strides = array<i32>} : memref<1536xf32, #tpu.memory_space<vmem>>, vector<16xf32>,
      %swap3A_517 = arith.constant 960 : index
      %swap3A_518 = tpu.vector_load %arg8[%swap3A_517] {strides = array<i32>} : memref<8192xf32, #tpu.memory_space<vmem>>, vector<16xf32>,
      tpu.vector_store %arg8[%swap3A_517], %get3A_516 {strides = array<i32>} : memref<8192xf32, #tpu.memory_space<vmem>>, vector<16xf32>,
      %add3A_519 = arith.constant 80 : i32
      %add3A_520 = arith.addi %mul3A_488, %add3A_519 : i32
      %get3A_521 = arith.index_cast %add3A_520 : i32 to index
      %get3A_522 = tpu.vector_load %arg7[%get3A_521] {strides = array<i32>} : memref<1536xf32, #tpu.memory_space<vmem>>, vector<16xf32>,
      %swap3A_523 = arith.constant 976 : index
      %swap3A_524 = tpu.vector_load %arg8[%swap3A_523] {strides = array<i32>} : memref<8192xf32, #tpu.memory_space<vmem>>, vector<16xf32>,
      tpu.vector_store %arg8[%swap3A_523], %get3A_522 {strides = array<i32>} : memref<8192xf32, #tpu.memory_space<vmem>>, vector<16xf32>,
      %add3A_525 = arith.constant 96 : i32
      %add3A_526 = arith.addi %mul3A_488, %add3A_525 : i32
      %get3A_527 = arith.index_cast %add3A_526 : i32 to index
      %get3A_528 = tpu.vector_load %arg7[%get3A_527] {strides = array<i32>} : memref<1536xf32, #tpu.memory_space<vmem>>, vector<16xf32>,
      %swap3A_529 = arith.constant 992 : index
      %swap3A_530 = tpu.vector_load %arg8[%swap3A_529] {strides = array<i32>} : memref<8192xf32, #tpu.memory_space<vmem>>, vector<16xf32>,
      tpu.vector_store %arg8[%swap3A_529], %get3A_528 {strides = array<i32>} : memref<8192xf32, #tpu.memory_space<vmem>>, vector<16xf32>,
      %add3A_531 = arith.constant 112 : i32
      %add3A_532 = arith.addi %mul3A_488, %add3A_531 : i32
      %get3A_533 = arith.index_cast %add3A_532 : i32 to index
      %get3A_534 = tpu.vector_load %arg7[%get3A_533] {strides = array<i32>} : memref<1536xf32, #tpu.memory_space<vmem>>, vector<16xf32>,
      %swap3A_535 = arith.constant 1008 : index
      %swap3A_536 = tpu.vector_load %arg8[%swap3A_535] {strides = array<i32>} : memref<8192xf32, #tpu.memory_space<vmem>>, vector<16xf32>,
      tpu.vector_store %arg8[%swap3A_535], %get3A_534 {strides = array<i32>} : memref<8192xf32, #tpu.memory_space<vmem>>, vector<16xf32>,
      %get3A_537 = arith.constant 0 : i32
      %get3A_538 = arith.constant 8 : i32
      %get3A_539 = arith.index_cast %get3A_537 : i32 to index
      %get3A_540 = arith.index_cast %get3A_538 : i32 to index
      %get3A_541 = memref.load %arg9[%get3A_539, %get3A_540] : memref<2x32xi32, #tpu.memory_space<smem>>
      %gt3A_542 = arith.constant 1000 : i32
      %gt3A_543 = arith.cmpi sgt, %get3A_541, %gt3A_542 : i32
      %min3A_544 = arith.constant 10 : i32
      %min3A_545 = arith.minsi %get3A_541, %min3A_544 : i32
      %jit3A_546 = arith.constant 11 : i32
      %select_n3A_547 = arith.select %gt3A_543, %jit3A_546, %min3A_545 : i32
      %mul3A_548 = arith.constant 128 : i32
      %mul3A_549 = arith.muli %select_n3A_547, %mul3A_548 : i32
      %add3A_550 = arith.constant 0 : i32
      %add3A_551 = arith.addi %mul3A_549, %add3A_550 : i32
      %get3A_552 = arith.index_cast %add3A_551 : i32 to index
      %get3A_553 = tpu.vector_load %arg7[%get3A_552] {strides = array<i32>} : memref<1536xf32, #tpu.memory_space<vmem>>, vector<16xf32>,
      %swap3A_554 = arith.constant 1024 : index
      %swap3A_555 = tpu.vector_load %arg8[%swap3A_554] {strides = array<i32>} : memref<8192xf32, #tpu.memory_space<vmem>>, vector<16xf32>,
      tpu.vector_store %arg8[%swap3A_554], %get3A_553 {strides = array<i32>} : memref<8192xf32, #tpu.memory_space<vmem>>, vector<16xf32>,
      %add3A_556 = arith.constant 16 : i32
      %add3A_557 = arith.addi %mul3A_549, %add3A_556 : i32
      %get3A_558 = arith.index_cast %add3A_557 : i32 to index
      %get3A_559 = tpu.vector_load %arg7[%get3A_558] {strides = array<i32>} : memref<1536xf32, #tpu.memory_space<vmem>>, vector<16xf32>,
      %swap3A_560 = arith.constant 1040 : index
      %swap3A_561 = tpu.vector_load %arg8[%swap3A_560] {strides = array<i32>} : memref<8192xf32, #tpu.memory_space<vmem>>, vector<16xf32>,
      tpu.vector_store %arg8[%swap3A_560], %get3A_559 {strides = array<i32>} : memref<8192xf32, #tpu.memory_space<vmem>>, vector<16xf32>,
      %add3A_562 = arith.constant 32 : i32
      %add3A_563 = arith.addi %mul3A_549, %add3A_562 : i32
      %get3A_564 = arith.index_cast %add3A_563 : i32 to index
      %get3A_565 = tpu.vector_load %arg7[%get3A_564] {strides = array<i32>} : memref<1536xf32, #tpu.memory_space<vmem>>, vector<16xf32>,
      %swap3A_566 = arith.constant 1056 : index
      %swap3A_567 = tpu.vector_load %arg8[%swap3A_566] {strides = array<i32>} : memref<8192xf32, #tpu.memory_space<vmem>>, vector<16xf32>,
      tpu.vector_store %arg8[%swap3A_566], %get3A_565 {strides = array<i32>} : memref<8192xf32, #tpu.memory_space<vmem>>, vector<16xf32>,
      %add3A_568 = arith.constant 48 : i32
      %add3A_569 = arith.addi %mul3A_549, %add3A_568 : i32
      %get3A_570 = arith.index_cast %add3A_569 : i32 to index
      %get3A_571 = tpu.vector_load %arg7[%get3A_570] {strides = array<i32>} : memref<1536xf32, #tpu.memory_space<vmem>>, vector<16xf32>,
      %swap3A_572 = arith.constant 1072 : index
      %swap3A_573 = tpu.vector_load %arg8[%swap3A_572] {strides = array<i32>} : memref<8192xf32, #tpu.memory_space<vmem>>, vector<16xf32>,
      tpu.vector_store %arg8[%swap3A_572], %get3A_571 {strides = array<i32>} : memref<8192xf32, #tpu.memory_space<vmem>>, vector<16xf32>,
      %add3A_574 = arith.constant 64 : i32
      %add3A_575 = arith.addi %mul3A_549, %add3A_574 : i32
      %get3A_576 = arith.index_cast %add3A_575 : i32 to index
      %get3A_577 = tpu.vector_load %arg7[%get3A_576] {strides = array<i32>} : memref<1536xf32, #tpu.memory_space<vmem>>, vector<16xf32>,
      %swap3A_578 = arith.constant 1088 : index
      %swap3A_579 = tpu.vector_load %arg8[%swap3A_578] {strides = array<i32>} : memref<8192xf32, #tpu.memory_space<vmem>>, vector<16xf32>,
      tpu.vector_store %arg8[%swap3A_578], %get3A_577 {strides = array<i32>} : memref<8192xf32, #tpu.memory_space<vmem>>, vector<16xf32>,
      %add3A_580 = arith.constant 80 : i32
      %add3A_581 = arith.addi %mul3A_549, %add3A_580 : i32
      %get3A_582 = arith.index_cast %add3A_581 : i32 to index
      %get3A_583 = tpu.vector_load %arg7[%get3A_582] {strides = array<i32>} : memref<1536xf32, #tpu.memory_space<vmem>>, vector<16xf32>,
      %swap3A_584 = arith.constant 1104 : index
      %swap3A_585 = tpu.vector_load %arg8[%swap3A_584] {strides = array<i32>} : memref<8192xf32, #tpu.memory_space<vmem>>, vector<16xf32>,
      tpu.vector_store %arg8[%swap3A_584], %get3A_583 {strides = array<i32>} : memref<8192xf32, #tpu.memory_space<vmem>>, vector<16xf32>,
      %add3A_586 = arith.constant 96 : i32
      %add3A_587 = arith.addi %mul3A_549, %add3A_586 : i32
      %get3A_588 = arith.index_cast %add3A_587 : i32 to index
      %get3A_589 = tpu.vector_load %arg7[%get3A_588] {strides = array<i32>} : memref<1536xf32, #tpu.memory_space<vmem>>, vector<16xf32>,
      %swap3A_590 = arith.constant 1120 : index
      %swap3A_591 = tpu.vector_load %arg8[%swap3A_590] {strides = array<i32>} : memref<8192xf32, #tpu.memory_space<vmem>>, vector<16xf32>,
      tpu.vector_store %arg8[%swap3A_590], %get3A_589 {strides = array<i32>} : memref<8192xf32, #tpu.memory_space<vmem>>, vector<16xf32>,
      %add3A_592 = arith.constant 112 : i32
      %add3A_593 = arith.addi %mul3A_549, %add3A_592 : i32
      %get3A_594 = arith.index_cast %add3A_593 : i32 to index
      %get3A_595 = tpu.vector_load %arg7[%get3A_594] {strides = array<i32>} : memref<1536xf32, #tpu.memory_space<vmem>>, vector<16xf32>,
      %swap3A_596 = arith.constant 1136 : index
      %swap3A_597 = tpu.vector_load %arg8[%swap3A_596] {strides = array<i32>} : memref<8192xf32, #tpu.memory_space<vmem>>, vector<16xf32>,
      tpu.vector_store %arg8[%swap3A_596], %get3A_595 {strides = array<i32>} : memref<8192xf32, #tpu.memory_space<vmem>>, vector<16xf32>,
      %get3A_598 = arith.constant 0 : i32
      %get3A_599 = arith.constant 9 : i32
      %get3A_600 = arith.index_cast %get3A_598 : i32 to index
      %get3A_601 = arith.index_cast %get3A_599 : i32 to index
      %get3A_602 = memref.load %arg9[%get3A_600, %get3A_601] : memref<2x32xi32, #tpu.memory_space<smem>>
      %gt3A_603 = arith.constant 1000 : i32
      %gt3A_604 = arith.cmpi sgt, %get3A_602, %gt3A_603 : i32
      %min3A_605 = arith.constant 10 : i32
      %min3A_606 = arith.minsi %get3A_602, %min3A_605 : i32
      %jit3A_607 = arith.constant 11 : i32
      %select_n3A_608 = arith.select %gt3A_604, %jit3A_607, %min3A_606 : i32
      %mul3A_609 = arith.constant 128 : i32
      %mul3A_610 = arith.muli %select_n3A_608, %mul3A_609 : i32
      %add3A_611 = arith.constant 0 : i32
      %add3A_612 = arith.addi %mul3A_610, %add3A_611 : i32
      %get3A_613 = arith.index_cast %add3A_612 : i32 to index
      %get3A_614 = tpu.vector_load %arg7[%get3A_613] {strides = array<i32>} : memref<1536xf32, #tpu.memory_space<vmem>>, vector<16xf32>,
      %swap3A_615 = arith.constant 1152 : index
      %swap3A_616 = tpu.vector_load %arg8[%swap3A_615] {strides = array<i32>} : memref<8192xf32, #tpu.memory_space<vmem>>, vector<16xf32>,
      tpu.vector_store %arg8[%swap3A_615], %get3A_614 {strides = array<i32>} : memref<8192xf32, #tpu.memory_space<vmem>>, vector<16xf32>,
      %add3A_617 = arith.constant 16 : i32
      %add3A_618 = arith.addi %mul3A_610, %add3A_617 : i32
      %get3A_619 = arith.index_cast %add3A_618 : i32 to index
      %get3A_620 = tpu.vector_load %arg7[%get3A_619] {strides = array<i32>} : memref<1536xf32, #tpu.memory_space<vmem>>, vector<16xf32>,
      %swap3A_621 = arith.constant 1168 : index
      %swap3A_622 = tpu.vector_load %arg8[%swap3A_621] {strides = array<i32>} : memref<8192xf32, #tpu.memory_space<vmem>>, vector<16xf32>,
      tpu.vector_store %arg8[%swap3A_621], %get3A_620 {strides = array<i32>} : memref<8192xf32, #tpu.memory_space<vmem>>, vector<16xf32>,
      %add3A_623 = arith.constant 32 : i32
      %add3A_624 = arith.addi %mul3A_610, %add3A_623 : i32
      %get3A_625 = arith.index_cast %add3A_624 : i32 to index
      %get3A_626 = tpu.vector_load %arg7[%get3A_625] {strides = array<i32>} : memref<1536xf32, #tpu.memory_space<vmem>>, vector<16xf32>,
      %swap3A_627 = arith.constant 1184 : index
      %swap3A_628 = tpu.vector_load %arg8[%swap3A_627] {strides = array<i32>} : memref<8192xf32, #tpu.memory_space<vmem>>, vector<16xf32>,
      tpu.vector_store %arg8[%swap3A_627], %get3A_626 {strides = array<i32>} : memref<8192xf32, #tpu.memory_space<vmem>>, vector<16xf32>,
      %add3A_629 = arith.constant 48 : i32
      %add3A_630 = arith.addi %mul3A_610, %add3A_629 : i32
      %get3A_631 = arith.index_cast %add3A_630 : i32 to index
      %get3A_632 = tpu.vector_load %arg7[%get3A_631] {strides = array<i32>} : memref<1536xf32, #tpu.memory_space<vmem>>, vector<16xf32>,
      %swap3A_633 = arith.constant 1200 : index
      %swap3A_634 = tpu.vector_load %arg8[%swap3A_633] {strides = array<i32>} : memref<8192xf32, #tpu.memory_space<vmem>>, vector<16xf32>,
      tpu.vector_store %arg8[%swap3A_633], %get3A_632 {strides = array<i32>} : memref<8192xf32, #tpu.memory_space<vmem>>, vector<16xf32>,
      %add3A_635 = arith.constant 64 : i32
      %add3A_636 = arith.addi %mul3A_610, %add3A_635 : i32
      %get3A_637 = arith.index_cast %add3A_636 : i32 to index
      %get3A_638 = tpu.vector_load %arg7[%get3A_637] {strides = array<i32>} : memref<1536xf32, #tpu.memory_space<vmem>>, vector<16xf32>,
      %swap3A_639 = arith.constant 1216 : index
      %swap3A_640 = tpu.vector_load %arg8[%swap3A_639] {strides = array<i32>} : memref<8192xf32, #tpu.memory_space<vmem>>, vector<16xf32>,
      tpu.vector_store %arg8[%swap3A_639], %get3A_638 {strides = array<i32>} : memref<8192xf32, #tpu.memory_space<vmem>>, vector<16xf32>,
      %add3A_641 = arith.constant 80 : i32
      %add3A_642 = arith.addi %mul3A_610, %add3A_641 : i32
      %get3A_643 = arith.index_cast %add3A_642 : i32 to index
      %get3A_644 = tpu.vector_load %arg7[%get3A_643] {strides = array<i32>} : memref<1536xf32, #tpu.memory_space<vmem>>, vector<16xf32>,
      %swap3A_645 = arith.constant 1232 : index
      %swap3A_646 = tpu.vector_load %arg8[%swap3A_645] {strides = array<i32>} : memref<8192xf32, #tpu.memory_space<vmem>>, vector<16xf32>,
      tpu.vector_store %arg8[%swap3A_645], %get3A_644 {strides = array<i32>} : memref<8192xf32, #tpu.memory_space<vmem>>, vector<16xf32>,
      %add3A_647 = arith.constant 96 : i32
      %add3A_648 = arith.addi %mul3A_610, %add3A_647 : i32
      %get3A_649 = arith.index_cast %add3A_648 : i32 to index
      %get3A_650 = tpu.vector_load %arg7[%get3A_649] {strides = array<i32>} : memref<1536xf32, #tpu.memory_space<vmem>>, vector<16xf32>,
      %swap3A_651 = arith.constant 1248 : index
      %swap3A_652 = tpu.vector_load %arg8[%swap3A_651] {strides = array<i32>} : memref<8192xf32, #tpu.memory_space<vmem>>, vector<16xf32>,
      tpu.vector_store %arg8[%swap3A_651], %get3A_650 {strides = array<i32>} : memref<8192xf32, #tpu.memory_space<vmem>>, vector<16xf32>,
      %add3A_653 = arith.constant 112 : i32
      %add3A_654 = arith.addi %mul3A_610, %add3A_653 : i32
      %get3A_655 = arith.index_cast %add3A_654 : i32 to index
      %get3A_656 = tpu.vector_load %arg7[%get3A_655] {strides = array<i32>} : memref<1536xf32, #tpu.memory_space<vmem>>, vector<16xf32>,
      %swap3A_657 = arith.constant 1264 : index
      %swap3A_658 = tpu.vector_load %arg8[%swap3A_657] {strides = array<i32>} : memref<8192xf32, #tpu.memory_space<vmem>>, vector<16xf32>,
      tpu.vector_store %arg8[%swap3A_657], %get3A_656 {strides = array<i32>} : memref<8192xf32, #tpu.memory_space<vmem>>, vector<16xf32>,
      %get3A_659 = arith.constant 0 : i32
      %get3A_660 = arith.constant 10 : i32
      %get3A_661 = arith.index_cast %get3A_659 : i32 to index
      %get3A_662 = arith.index_cast %get3A_660 : i32 to index
      %get3A_663 = memref.load %arg9[%get3A_661, %get3A_662] : memref<2x32xi32, #tpu.memory_space<smem>>
      %gt3A_664 = arith.constant 1000 : i32
      %gt3A_665 = arith.cmpi sgt, %get3A_663, %gt3A_664 : i32
      %min3A_666 = arith.constant 10 : i32
      %min3A_667 = arith.minsi %get3A_663, %min3A_666 : i32
      %jit3A_668 = arith.constant 11 : i32
      %select_n3A_669 = arith.select %gt3A_665, %jit3A_668, %min3A_667 : i32
      %mul3A_670 = arith.constant 128 : i32
      %mul3A_671 = arith.muli %select_n3A_669, %mul3A_670 : i32
      %add3A_672 = arith.constant 0 : i32
      %add3A_673 = arith.addi %mul3A_671, %add3A_672 : i32
      %get3A_674 = arith.index_cast %add3A_673 : i32 to index
      %get3A_675 = tpu.vector_load %arg7[%get3A_674] {strides = array<i32>} : memref<1536xf32, #tpu.memory_space<vmem>>, vector<16xf32>,
      %swap3A_676 = arith.constant 1280 : index
      %swap3A_677 = tpu.vector_load %arg8[%swap3A_676] {strides = array<i32>} : memref<8192xf32, #tpu.memory_space<vmem>>, vector<16xf32>,
      tpu.vector_store %arg8[%swap3A_676], %get3A_675 {strides = array<i32>} : memref<8192xf32, #tpu.memory_space<vmem>>, vector<16xf32>,
      %add3A_678 = arith.constant 16 : i32
      %add3A_679 = arith.addi %mul3A_671, %add3A_678 : i32
      %get3A_680 = arith.index_cast %add3A_679 : i32 to index
      %get3A_681 = tpu.vector_load %arg7[%get3A_680] {strides = array<i32>} : memref<1536xf32, #tpu.memory_space<vmem>>, vector<16xf32>,
      %swap3A_682 = arith.constant 1296 : index
      %swap3A_683 = tpu.vector_load %arg8[%swap3A_682] {strides = array<i32>} : memref<8192xf32, #tpu.memory_space<vmem>>, vector<16xf32>,
      tpu.vector_store %arg8[%swap3A_682], %get3A_681 {strides = array<i32>} : memref<8192xf32, #tpu.memory_space<vmem>>, vector<16xf32>,
      %add3A_684 = arith.constant 32 : i32
      %add3A_685 = arith.addi %mul3A_671, %add3A_684 : i32
      %get3A_686 = arith.index_cast %add3A_685 : i32 to index
      %get3A_687 = tpu.vector_load %arg7[%get3A_686] {strides = array<i32>} : memref<1536xf32, #tpu.memory_space<vmem>>, vector<16xf32>,
      %swap3A_688 = arith.constant 1312 : index
      %swap3A_689 = tpu.vector_load %arg8[%swap3A_688] {strides = array<i32>} : memref<8192xf32, #tpu.memory_space<vmem>>, vector<16xf32>,
      tpu.vector_store %arg8[%swap3A_688], %get3A_687 {strides = array<i32>} : memref<8192xf32, #tpu.memory_space<vmem>>, vector<16xf32>,
      %add3A_690 = arith.constant 48 : i32
      %add3A_691 = arith.addi %mul3A_671, %add3A_690 : i32
      %get3A_692 = arith.index_cast %add3A_691 : i32 to index
      %get3A_693 = tpu.vector_load %arg7[%get3A_692] {strides = array<i32>} : memref<1536xf32, #tpu.memory_space<vmem>>, vector<16xf32>,
      %swap3A_694 = arith.constant 1328 : index
      %swap3A_695 = tpu.vector_load %arg8[%swap3A_694] {strides = array<i32>} : memref<8192xf32, #tpu.memory_space<vmem>>, vector<16xf32>,
      tpu.vector_store %arg8[%swap3A_694], %get3A_693 {strides = array<i32>} : memref<8192xf32, #tpu.memory_space<vmem>>, vector<16xf32>,
      %add3A_696 = arith.constant 64 : i32
      %add3A_697 = arith.addi %mul3A_671, %add3A_696 : i32
      %get3A_698 = arith.index_cast %add3A_697 : i32 to index
      %get3A_699 = tpu.vector_load %arg7[%get3A_698] {strides = array<i32>} : memref<1536xf32, #tpu.memory_space<vmem>>, vector<16xf32>,
      %swap3A_700 = arith.constant 1344 : index
      %swap3A_701 = tpu.vector_load %arg8[%swap3A_700] {strides = array<i32>} : memref<8192xf32, #tpu.memory_space<vmem>>, vector<16xf32>,
      tpu.vector_store %arg8[%swap3A_700], %get3A_699 {strides = array<i32>} : memref<8192xf32, #tpu.memory_space<vmem>>, vector<16xf32>,
      %add3A_702 = arith.constant 80 : i32
      %add3A_703 = arith.addi %mul3A_671, %add3A_702 : i32
      %get3A_704 = arith.index_cast %add3A_703 : i32 to index
      %get3A_705 = tpu.vector_load %arg7[%get3A_704] {strides = array<i32>} : memref<1536xf32, #tpu.memory_space<vmem>>, vector<16xf32>,
      %swap3A_706 = arith.constant 1360 : index
      %swap3A_707 = tpu.vector_load %arg8[%swap3A_706] {strides = array<i32>} : memref<8192xf32, #tpu.memory_space<vmem>>, vector<16xf32>,
      tpu.vector_store %arg8[%swap3A_706], %get3A_705 {strides = array<i32>} : memref<8192xf32, #tpu.memory_space<vmem>>, vector<16xf32>,
      %add3A_708 = arith.constant 96 : i32
      %add3A_709 = arith.addi %mul3A_671, %add3A_708 : i32
      %get3A_710 = arith.index_cast %add3A_709 : i32 to index
      %get3A_711 = tpu.vector_load %arg7[%get3A_710] {strides = array<i32>} : memref<1536xf32, #tpu.memory_space<vmem>>, vector<16xf32>,
      %swap3A_712 = arith.constant 1376 : index
      %swap3A_713 = tpu.vector_load %arg8[%swap3A_712] {strides = array<i32>} : memref<8192xf32, #tpu.memory_space<vmem>>, vector<16xf32>,
      tpu.vector_store %arg8[%swap3A_712], %get3A_711 {strides = array<i32>} : memref<8192xf32, #tpu.memory_space<vmem>>, vector<16xf32>,
      %add3A_714 = arith.constant 112 : i32
      %add3A_715 = arith.addi %mul3A_671, %add3A_714 : i32
      %get3A_716 = arith.index_cast %add3A_715 : i32 to index
      %get3A_717 = tpu.vector_load %arg7[%get3A_716] {strides = array<i32>} : memref<1536xf32, #tpu.memory_space<vmem>>, vector<16xf32>,
      %swap3A_718 = arith.constant 1392 : index
      %swap3A_719 = tpu.vector_load %arg8[%swap3A_718] {strides = array<i32>} : memref<8192xf32, #tpu.memory_space<vmem>>, vector<16xf32>,
      tpu.vector_store %arg8[%swap3A_718], %get3A_717 {strides = array<i32>} : memref<8192xf32, #tpu.memory_space<vmem>>, vector<16xf32>,
      %get3A_720 = arith.constant 0 : i32
      %get3A_721 = arith.constant 11 : i32
      %get3A_722 = arith.index_cast %get3A_720 : i32 to index
      %get3A_723 = arith.index_cast %get3A_721 : i32 to index
      %get3A_724 = memref.load %arg9[%get3A_722, %get3A_723] : memref<2x32xi32, #tpu.memory_space<smem>>
      %gt3A_725 = arith.constant 1000 : i32
      %gt3A_726 = arith.cmpi sgt, %get3A_724, %gt3A_725 : i32
      %min3A_727 = arith.constant 10 : i32
      %min3A_728 = arith.minsi %get3A_724, %min3A_727 : i32
      %jit3A_729 = arith.constant 11 : i32
      %select_n3A_730 = arith.select %gt3A_726, %jit3A_729, %min3A_728 : i32
      %mul3A_731 = arith.constant 128 : i32
      %mul3A_732 = arith.muli %select_n3A_730, %mul3A_731 : i32
      %add3A_733 = arith.constant 0 : i32
      %add3A_734 = arith.addi %mul3A_732, %add3A_733 : i32
      %get3A_735 = arith.index_cast %add3A_734 : i32 to index
      %get3A_736 = tpu.vector_load %arg7[%get3A_735] {strides = array<i32>} : memref<1536xf32, #tpu.memory_space<vmem>>, vector<16xf32>,
      %swap3A_737 = arith.constant 1408 : index
      %swap3A_738 = tpu.vector_load %arg8[%swap3A_737] {strides = array<i32>} : memref<8192xf32, #tpu.memory_space<vmem>>, vector<16xf32>,
      tpu.vector_store %arg8[%swap3A_737], %get3A_736 {strides = array<i32>} : memref<8192xf32, #tpu.memory_space<vmem>>, vector<16xf32>,
      %add3A_739 = arith.constant 16 : i32
      %add3A_740 = arith.addi %mul3A_732, %add3A_739 : i32
      %get3A_741 = arith.index_cast %add3A_740 : i32 to index
      %get3A_742 = tpu.vector_load %arg7[%get3A_741] {strides = array<i32>} : memref<1536xf32, #tpu.memory_space<vmem>>, vector<16xf32>,
      %swap3A_743 = arith.constant 1424 : index
      %swap3A_744 = tpu.vector_load %arg8[%swap3A_743] {strides = array<i32>} : memref<8192xf32, #tpu.memory_space<vmem>>, vector<16xf32>,
      tpu.vector_store %arg8[%swap3A_743], %get3A_742 {strides = array<i32>} : memref<8192xf32, #tpu.memory_space<vmem>>, vector<16xf32>,
      %add3A_745 = arith.constant 32 : i32
      %add3A_746 = arith.addi %mul3A_732, %add3A_745 : i32
      %get3A_747 = arith.index_cast %add3A_746 : i32 to index
      %get3A_748 = tpu.vector_load %arg7[%get3A_747] {strides = array<i32>} : memref<1536xf32, #tpu.memory_space<vmem>>, vector<16xf32>,
      %swap3A_749 = arith.constant 1440 : index
      %swap3A_750 = tpu.vector_load %arg8[%swap3A_749] {strides = array<i32>} : memref<8192xf32, #tpu.memory_space<vmem>>, vector<16xf32>,
      tpu.vector_store %arg8[%swap3A_749], %get3A_748 {strides = array<i32>} : memref<8192xf32, #tpu.memory_space<vmem>>, vector<16xf32>,
      %add3A_751 = arith.constant 48 : i32
      %add3A_752 = arith.addi %mul3A_732, %add3A_751 : i32
      %get3A_753 = arith.index_cast %add3A_752 : i32 to index
      %get3A_754 = tpu.vector_load %arg7[%get3A_753] {strides = array<i32>} : memref<1536xf32, #tpu.memory_space<vmem>>, vector<16xf32>,
      %swap3A_755 = arith.constant 1456 : index
      %swap3A_756 = tpu.vector_load %arg8[%swap3A_755] {strides = array<i32>} : memref<8192xf32, #tpu.memory_space<vmem>>, vector<16xf32>,
      tpu.vector_store %arg8[%swap3A_755], %get3A_754 {strides = array<i32>} : memref<8192xf32, #tpu.memory_space<vmem>>, vector<16xf32>,
      %add3A_757 = arith.constant 64 : i32
      %add3A_758 = arith.addi %mul3A_732, %add3A_757 : i32
      %get3A_759 = arith.index_cast %add3A_758 : i32 to index
      %get3A_760 = tpu.vector_load %arg7[%get3A_759] {strides = array<i32>} : memref<1536xf32, #tpu.memory_space<vmem>>, vector<16xf32>,
      %swap3A_761 = arith.constant 1472 : index
      %swap3A_762 = tpu.vector_load %arg8[%swap3A_761] {strides = array<i32>} : memref<8192xf32, #tpu.memory_space<vmem>>, vector<16xf32>,
      tpu.vector_store %arg8[%swap3A_761], %get3A_760 {strides = array<i32>} : memref<8192xf32, #tpu.memory_space<vmem>>, vector<16xf32>,
      %add3A_763 = arith.constant 80 : i32
      %add3A_764 = arith.addi %mul3A_732, %add3A_763 : i32
      %get3A_765 = arith.index_cast %add3A_764 : i32 to index
      %get3A_766 = tpu.vector_load %arg7[%get3A_765] {strides = array<i32>} : memref<1536xf32, #tpu.memory_space<vmem>>, vector<16xf32>,
      %swap3A_767 = arith.constant 1488 : index
      %swap3A_768 = tpu.vector_load %arg8[%swap3A_767] {strides = array<i32>} : memref<8192xf32, #tpu.memory_space<vmem>>, vector<16xf32>,
      tpu.vector_store %arg8[%swap3A_767], %get3A_766 {strides = array<i32>} : memref<8192xf32, #tpu.memory_space<vmem>>, vector<16xf32>,
      %add3A_769 = arith.constant 96 : i32
      %add3A_770 = arith.addi %mul3A_732, %add3A_769 : i32
      %get3A_771 = arith.index_cast %add3A_770 : i32 to index
      %get3A_772 = tpu.vector_load %arg7[%get3A_771] {strides = array<i32>} : memref<1536xf32, #tpu.memory_space<vmem>>, vector<16xf32>,
      %swap3A_773 = arith.constant 1504 : index
      %swap3A_774 = tpu.vector_load %arg8[%swap3A_773] {strides = array<i32>} : memref<8192xf32, #tpu.memory_space<vmem>>, vector<16xf32>,
      tpu.vector_store %arg8[%swap3A_773], %get3A_772 {strides = array<i32>} : memref<8192xf32, #tpu.memory_space<vmem>>, vector<16xf32>,
      %add3A_775 = arith.constant 112 : i32
      %add3A_776 = arith.addi %mul3A_732, %add3A_775 : i32
      %get3A_777 = arith.index_cast %add3A_776 : i32 to index
      %get3A_778 = tpu.vector_load %arg7[%get3A_777] {strides = array<i32>} : memref<1536xf32, #tpu.memory_space<vmem>>, vector<16xf32>,
      %swap3A_779 = arith.constant 1520 : index
      %swap3A_780 = tpu.vector_load %arg8[%swap3A_779] {strides = array<i32>} : memref<8192xf32, #tpu.memory_space<vmem>>, vector<16xf32>,
      tpu.vector_store %arg8[%swap3A_779], %get3A_778 {strides = array<i32>} : memref<8192xf32, #tpu.memory_space<vmem>>, vector<16xf32>,
      %get3A_781 = arith.constant 0 : i32
      %get3A_782 = arith.constant 12 : i32
      %get3A_783 = arith.index_cast %get3A_781 : i32 to index
      %get3A_784 = arith.index_cast %get3A_782 : i32 to index
      %get3A_785 = memref.load %arg9[%get3A_783, %get3A_784] : memref<2x32xi32, #tpu.memory_space<smem>>
      %gt3A_786 = arith.constant 1000 : i32
      %gt3A_787 = arith.cmpi sgt, %get3A_785, %gt3A_786 : i32
      %min3A_788 = arith.constant 10 : i32
      %min3A_789 = arith.minsi %get3A_785, %min3A_788 : i32
      %jit3A_790 = arith.constant 11 : i32
      %select_n3A_791 = arith.select %gt3A_787, %jit3A_790, %min3A_789 : i32
      %mul3A_792 = arith.constant 128 : i32
      %mul3A_793 = arith.muli %select_n3A_791, %mul3A_792 : i32
      %add3A_794 = arith.constant 0 : i32
      %add3A_795 = arith.addi %mul3A_793, %add3A_794 : i32
      %get3A_796 = arith.index_cast %add3A_795 : i32 to index
      %get3A_797 = tpu.vector_load %arg7[%get3A_796] {strides = array<i32>} : memref<1536xf32, #tpu.memory_space<vmem>>, vector<16xf32>,
      %swap3A_798 = arith.constant 1536 : index
      %swap3A_799 = tpu.vector_load %arg8[%swap3A_798] {strides = array<i32>} : memref<8192xf32, #tpu.memory_space<vmem>>, vector<16xf32>,
      tpu.vector_store %arg8[%swap3A_798], %get3A_797 {strides = array<i32>} : memref<8192xf32, #tpu.memory_space<vmem>>, vector<16xf32>,
      %add3A_800 = arith.constant 16 : i32
      %add3A_801 = arith.addi %mul3A_793, %add3A_800 : i32
      %get3A_802 = arith.index_cast %add3A_801 : i32 to index
      %get3A_803 = tpu.vector_load %arg7[%get3A_802] {strides = array<i32>} : memref<1536xf32, #tpu.memory_space<vmem>>, vector<16xf32>,
      %swap3A_804 = arith.constant 1552 : index
      %swap3A_805 = tpu.vector_load %arg8[%swap3A_804] {strides = array<i32>} : memref<8192xf32, #tpu.memory_space<vmem>>, vector<16xf32>,
      tpu.vector_store %arg8[%swap3A_804], %get3A_803 {strides = array<i32>} : memref<8192xf32, #tpu.memory_space<vmem>>, vector<16xf32>,
      %add3A_806 = arith.constant 32 : i32
      %add3A_807 = arith.addi %mul3A_793, %add3A_806 : i32
      %get3A_808 = arith.index_cast %add3A_807 : i32 to index
      %get3A_809 = tpu.vector_load %arg7[%get3A_808] {strides = array<i32>} : memref<1536xf32, #tpu.memory_space<vmem>>, vector<16xf32>,
      %swap3A_810 = arith.constant 1568 : index
      %swap3A_811 = tpu.vector_load %arg8[%swap3A_810] {strides = array<i32>} : memref<8192xf32, #tpu.memory_space<vmem>>, vector<16xf32>,
      tpu.vector_store %arg8[%swap3A_810], %get3A_809 {strides = array<i32>} : memref<8192xf32, #tpu.memory_space<vmem>>, vector<16xf32>,
      %add3A_812 = arith.constant 48 : i32
      %add3A_813 = arith.addi %mul3A_793, %add3A_812 : i32
      %get3A_814 = arith.index_cast %add3A_813 : i32 to index
      %get3A_815 = tpu.vector_load %arg7[%get3A_814] {strides = array<i32>} : memref<1536xf32, #tpu.memory_space<vmem>>, vector<16xf32>,
      %swap3A_816 = arith.constant 1584 : index
      %swap3A_817 = tpu.vector_load %arg8[%swap3A_816] {strides = array<i32>} : memref<8192xf32, #tpu.memory_space<vmem>>, vector<16xf32>,
      tpu.vector_store %arg8[%swap3A_816], %get3A_815 {strides = array<i32>} : memref<8192xf32, #tpu.memory_space<vmem>>, vector<16xf32>,
      %add3A_818 = arith.constant 64 : i32
      %add3A_819 = arith.addi %mul3A_793, %add3A_818 : i32
      %get3A_820 = arith.index_cast %add3A_819 : i32 to index
      %get3A_821 = tpu.vector_load %arg7[%get3A_820] {strides = array<i32>} : memref<1536xf32, #tpu.memory_space<vmem>>, vector<16xf32>,
      %swap3A_822 = arith.constant 1600 : index
      %swap3A_823 = tpu.vector_load %arg8[%swap3A_822] {strides = array<i32>} : memref<8192xf32, #tpu.memory_space<vmem>>, vector<16xf32>,
      tpu.vector_store %arg8[%swap3A_822], %get3A_821 {strides = array<i32>} : memref<8192xf32, #tpu.memory_space<vmem>>, vector<16xf32>,
      %add3A_824 = arith.constant 80 : i32
      %add3A_825 = arith.addi %mul3A_793, %add3A_824 : i32
      %get3A_826 = arith.index_cast %add3A_825 : i32 to index
      %get3A_827 = tpu.vector_load %arg7[%get3A_826] {strides = array<i32>} : memref<1536xf32, #tpu.memory_space<vmem>>, vector<16xf32>,
      %swap3A_828 = arith.constant 1616 : index
      %swap3A_829 = tpu.vector_load %arg8[%swap3A_828] {strides = array<i32>} : memref<8192xf32, #tpu.memory_space<vmem>>, vector<16xf32>,
      tpu.vector_store %arg8[%swap3A_828], %get3A_827 {strides = array<i32>} : memref<8192xf32, #tpu.memory_space<vmem>>, vector<16xf32>,
      %add3A_830 = arith.constant 96 : i32
      %add3A_831 = arith.addi %mul3A_793, %add3A_830 : i32
      %get3A_832 = arith.index_cast %add3A_831 : i32 to index
      %get3A_833 = tpu.vector_load %arg7[%get3A_832] {strides = array<i32>} : memref<1536xf32, #tpu.memory_space<vmem>>, vector<16xf32>,
      %swap3A_834 = arith.constant 1632 : index
      %swap3A_835 = tpu.vector_load %arg8[%swap3A_834] {strides = array<i32>} : memref<8192xf32, #tpu.memory_space<vmem>>, vector<16xf32>,
      tpu.vector_store %arg8[%swap3A_834], %get3A_833 {strides = array<i32>} : memref<8192xf32, #tpu.memory_space<vmem>>, vector<16xf32>,
      %add3A_836 = arith.constant 112 : i32
      %add3A_837 = arith.addi %mul3A_793, %add3A_836 : i32
      %get3A_838 = arith.index_cast %add3A_837 : i32 to index
      %get3A_839 = tpu.vector_load %arg7[%get3A_838] {strides = array<i32>} : memref<1536xf32, #tpu.memory_space<vmem>>, vector<16xf32>,
      %swap3A_840 = arith.constant 1648 : index
      %swap3A_841 = tpu.vector_load %arg8[%swap3A_840] {strides = array<i32>} : memref<8192xf32, #tpu.memory_space<vmem>>, vector<16xf32>,
      tpu.vector_store %arg8[%swap3A_840], %get3A_839 {strides = array<i32>} : memref<8192xf32, #tpu.memory_space<vmem>>, vector<16xf32>,
      %get3A_842 = arith.constant 0 : i32
      %get3A_843 = arith.constant 13 : i32
      %get3A_844 = arith.index_cast %get3A_842 : i32 to index
      %get3A_845 = arith.index_cast %get3A_843 : i32 to index
      %get3A_846 = memref.load %arg9[%get3A_844, %get3A_845] : memref<2x32xi32, #tpu.memory_space<smem>>
      %gt3A_847 = arith.constant 1000 : i32
      %gt3A_848 = arith.cmpi sgt, %get3A_846, %gt3A_847 : i32
      %min3A_849 = arith.constant 10 : i32
      %min3A_850 = arith.minsi %get3A_846, %min3A_849 : i32
      %jit3A_851 = arith.constant 11 : i32
      %select_n3A_852 = arith.select %gt3A_848, %jit3A_851, %min3A_850 : i32
      %mul3A_853 = arith.constant 128 : i32
      %mul3A_854 = arith.muli %select_n3A_852, %mul3A_853 : i32
      %add3A_855 = arith.constant 0 : i32
      %add3A_856 = arith.addi %mul3A_854, %add3A_855 : i32
      %get3A_857 = arith.index_cast %add3A_856 : i32 to index
      %get3A_858 = tpu.vector_load %arg7[%get3A_857] {strides = array<i32>} : memref<1536xf32, #tpu.memory_space<vmem>>, vector<16xf32>,
      %swap3A_859 = arith.constant 1664 : index
      %swap3A_860 = tpu.vector_load %arg8[%swap3A_859] {strides = array<i32>} : memref<8192xf32, #tpu.memory_space<vmem>>, vector<16xf32>,
      tpu.vector_store %arg8[%swap3A_859], %get3A_858 {strides = array<i32>} : memref<8192xf32, #tpu.memory_space<vmem>>, vector<16xf32>,
      %add3A_861 = arith.constant 16 : i32
      %add3A_862 = arith.addi %mul3A_854, %add3A_861 : i32
      %get3A_863 = arith.index_cast %add3A_862 : i32 to index
      %get3A_864 = tpu.vector_load %arg7[%get3A_863] {strides = array<i32>} : memref<1536xf32, #tpu.memory_space<vmem>>, vector<16xf32>,
      %swap3A_865 = arith.constant 1680 : index
      %swap3A_866 = tpu.vector_load %arg8[%swap3A_865] {strides = array<i32>} : memref<8192xf32, #tpu.memory_space<vmem>>, vector<16xf32>,
      tpu.vector_store %arg8[%swap3A_865], %get3A_864 {strides = array<i32>} : memref<8192xf32, #tpu.memory_space<vmem>>, vector<16xf32>,
      %add3A_867 = arith.constant 32 : i32
      %add3A_868 = arith.addi %mul3A_854, %add3A_867 : i32
      %get3A_869 = arith.index_cast %add3A_868 : i32 to index
      %get3A_870 = tpu.vector_load %arg7[%get3A_869] {strides = array<i32>} : memref<1536xf32, #tpu.memory_space<vmem>>, vector<16xf32>,
      %swap3A_871 = arith.constant 1696 : index
      %swap3A_872 = tpu.vector_load %arg8[%swap3A_871] {strides = array<i32>} : memref<8192xf32, #tpu.memory_space<vmem>>, vector<16xf32>,
      tpu.vector_store %arg8[%swap3A_871], %get3A_870 {strides = array<i32>} : memref<8192xf32, #tpu.memory_space<vmem>>, vector<16xf32>,
      %add3A_873 = arith.constant 48 : i32
      %add3A_874 = arith.addi %mul3A_854, %add3A_873 : i32
      %get3A_875 = arith.index_cast %add3A_874 : i32 to index
      %get3A_876 = tpu.vector_load %arg7[%get3A_875] {strides = array<i32>} : memref<1536xf32, #tpu.memory_space<vmem>>, vector<16xf32>,
      %swap3A_877 = arith.constant 1712 : index
      %swap3A_878 = tpu.vector_load %arg8[%swap3A_877] {strides = array<i32>} : memref<8192xf32, #tpu.memory_space<vmem>>, vector<16xf32>,
      tpu.vector_store %arg8[%swap3A_877], %get3A_876 {strides = array<i32>} : memref<8192xf32, #tpu.memory_space<vmem>>, vector<16xf32>,
      %add3A_879 = arith.constant 64 : i32
      %add3A_880 = arith.addi %mul3A_854, %add3A_879 : i32
      %get3A_881 = arith.index_cast %add3A_880 : i32 to index
      %get3A_882 = tpu.vector_load %arg7[%get3A_881] {strides = array<i32>} : memref<1536xf32, #tpu.memory_space<vmem>>, vector<16xf32>,
      %swap3A_883 = arith.constant 1728 : index
      %swap3A_884 = tpu.vector_load %arg8[%swap3A_883] {strides = array<i32>} : memref<8192xf32, #tpu.memory_space<vmem>>, vector<16xf32>,
      tpu.vector_store %arg8[%swap3A_883], %get3A_882 {strides = array<i32>} : memref<8192xf32, #tpu.memory_space<vmem>>, vector<16xf32>,
      %add3A_885 = arith.constant 80 : i32
      %add3A_886 = arith.addi %mul3A_854, %add3A_885 : i32
      %get3A_887 = arith.index_cast %add3A_886 : i32 to index
      %get3A_888 = tpu.vector_load %arg7[%get3A_887] {strides = array<i32>} : memref<1536xf32, #tpu.memory_space<vmem>>, vector<16xf32>,
      %swap3A_889 = arith.constant 1744 : index
      %swap3A_890 = tpu.vector_load %arg8[%swap3A_889] {strides = array<i32>} : memref<8192xf32, #tpu.memory_space<vmem>>, vector<16xf32>,
      tpu.vector_store %arg8[%swap3A_889], %get3A_888 {strides = array<i32>} : memref<8192xf32, #tpu.memory_space<vmem>>, vector<16xf32>,
      %add3A_891 = arith.constant 96 : i32
      %add3A_892 = arith.addi %mul3A_854, %add3A_891 : i32
      %get3A_893 = arith.index_cast %add3A_892 : i32 to index
      %get3A_894 = tpu.vector_load %arg7[%get3A_893] {strides = array<i32>} : memref<1536xf32, #tpu.memory_space<vmem>>, vector<16xf32>,
      %swap3A_895 = arith.constant 1760 : index
      %swap3A_896 = tpu.vector_load %arg8[%swap3A_895] {strides = array<i32>} : memref<8192xf32, #tpu.memory_space<vmem>>, vector<16xf32>,
      tpu.vector_store %arg8[%swap3A_895], %get3A_894 {strides = array<i32>} : memref<8192xf32, #tpu.memory_space<vmem>>, vector<16xf32>,
      %add3A_897 = arith.constant 112 : i32
      %add3A_898 = arith.addi %mul3A_854, %add3A_897 : i32
      %get3A_899 = arith.index_cast %add3A_898 : i32 to index
      %get3A_900 = tpu.vector_load %arg7[%get3A_899] {strides = array<i32>} : memref<1536xf32, #tpu.memory_space<vmem>>, vector<16xf32>,
      %swap3A_901 = arith.constant 1776 : index
      %swap3A_902 = tpu.vector_load %arg8[%swap3A_901] {strides = array<i32>} : memref<8192xf32, #tpu.memory_space<vmem>>, vector<16xf32>,
      tpu.vector_store %arg8[%swap3A_901], %get3A_900 {strides = array<i32>} : memref<8192xf32, #tpu.memory_space<vmem>>, vector<16xf32>,
      %get3A_903 = arith.constant 0 : i32
      %get3A_904 = arith.constant 14 : i32
      %get3A_905 = arith.index_cast %get3A_903 : i32 to index
      %get3A_906 = arith.index_cast %get3A_904 : i32 to index
      %get3A_907 = memref.load %arg9[%get3A_905, %get3A_906] : memref<2x32xi32, #tpu.memory_space<smem>>
      %gt3A_908 = arith.constant 1000 : i32
      %gt3A_909 = arith.cmpi sgt, %get3A_907, %gt3A_908 : i32
      %min3A_910 = arith.constant 10 : i32
      %min3A_911 = arith.minsi %get3A_907, %min3A_910 : i32
      %jit3A_912 = arith.constant 11 : i32
      %select_n3A_913 = arith.select %gt3A_909, %jit3A_912, %min3A_911 : i32
      %mul3A_914 = arith.constant 128 : i32
      %mul3A_915 = arith.muli %select_n3A_913, %mul3A_914 : i32
      %add3A_916 = arith.constant 0 : i32
      %add3A_917 = arith.addi %mul3A_915, %add3A_916 : i32
      %get3A_918 = arith.index_cast %add3A_917 : i32 to index
      %get3A_919 = tpu.vector_load %arg7[%get3A_918] {strides = array<i32>} : memref<1536xf32, #tpu.memory_space<vmem>>, vector<16xf32>,
      %swap3A_920 = arith.constant 1792 : index
      %swap3A_921 = tpu.vector_load %arg8[%swap3A_920] {strides = array<i32>} : memref<8192xf32, #tpu.memory_space<vmem>>, vector<16xf32>,
      tpu.vector_store %arg8[%swap3A_920], %get3A_919 {strides = array<i32>} : memref<8192xf32, #tpu.memory_space<vmem>>, vector<16xf32>,
      %add3A_922 = arith.constant 16 : i32
      %add3A_923 = arith.addi %mul3A_915, %add3A_922 : i32
      %get3A_924 = arith.index_cast %add3A_923 : i32 to index
      %get3A_925 = tpu.vector_load %arg7[%get3A_924] {strides = array<i32>} : memref<1536xf32, #tpu.memory_space<vmem>>, vector<16xf32>,
      %swap3A_926 = arith.constant 1808 : index
      %swap3A_927 = tpu.vector_load %arg8[%swap3A_926] {strides = array<i32>} : memref<8192xf32, #tpu.memory_space<vmem>>, vector<16xf32>,
      tpu.vector_store %arg8[%swap3A_926], %get3A_925 {strides = array<i32>} : memref<8192xf32, #tpu.memory_space<vmem>>, vector<16xf32>,
      %add3A_928 = arith.constant 32 : i32
      %add3A_929 = arith.addi %mul3A_915, %add3A_928 : i32
      %get3A_930 = arith.index_cast %add3A_929 : i32 to index
      %get3A_931 = tpu.vector_load %arg7[%get3A_930] {strides = array<i32>} : memref<1536xf32, #tpu.memory_space<vmem>>, vector<16xf32>,
      %swap3A_932 = arith.constant 1824 : index
      %swap3A_933 = tpu.vector_load %arg8[%swap3A_932] {strides = array<i32>} : memref<8192xf32, #tpu.memory_space<vmem>>, vector<16xf32>,
      tpu.vector_store %arg8[%swap3A_932], %get3A_931 {strides = array<i32>} : memref<8192xf32, #tpu.memory_space<vmem>>, vector<16xf32>,
      %add3A_934 = arith.constant 48 : i32
      %add3A_935 = arith.addi %mul3A_915, %add3A_934 : i32
      %get3A_936 = arith.index_cast %add3A_935 : i32 to index
      %get3A_937 = tpu.vector_load %arg7[%get3A_936] {strides = array<i32>} : memref<1536xf32, #tpu.memory_space<vmem>>, vector<16xf32>,
      %swap3A_938 = arith.constant 1840 : index
      %swap3A_939 = tpu.vector_load %arg8[%swap3A_938] {strides = array<i32>} : memref<8192xf32, #tpu.memory_space<vmem>>, vector<16xf32>,
      tpu.vector_store %arg8[%swap3A_938], %get3A_937 {strides = array<i32>} : memref<8192xf32, #tpu.memory_space<vmem>>, vector<16xf32>,
      %add3A_940 = arith.constant 64 : i32
      %add3A_941 = arith.addi %mul3A_915, %add3A_940 : i32
      %get3A_942 = arith.index_cast %add3A_941 : i32 to index
      %get3A_943 = tpu.vector_load %arg7[%get3A_942] {strides = array<i32>} : memref<1536xf32, #tpu.memory_space<vmem>>, vector<16xf32>,
      %swap3A_944 = arith.constant 1856 : index
      %swap3A_945 = tpu.vector_load %arg8[%swap3A_944] {strides = array<i32>} : memref<8192xf32, #tpu.memory_space<vmem>>, vector<16xf32>,
      tpu.vector_store %arg8[%swap3A_944], %get3A_943 {strides = array<i32>} : memref<8192xf32, #tpu.memory_space<vmem>>, vector<16xf32>,
      %add3A_946 = arith.constant 80 : i32
      %add3A_947 = arith.addi %mul3A_915, %add3A_946 : i32
      %get3A_948 = arith.index_cast %add3A_947 : i32 to index
      %get3A_949 = tpu.vector_load %arg7[%get3A_948] {strides = array<i32>} : memref<1536xf32, #tpu.memory_space<vmem>>, vector<16xf32>,
      %swap3A_950 = arith.constant 1872 : index
      %swap3A_951 = tpu.vector_load %arg8[%swap3A_950] {strides = array<i32>} : memref<8192xf32, #tpu.memory_space<vmem>>, vector<16xf32>,
      tpu.vector_store %arg8[%swap3A_950], %get3A_949 {strides = array<i32>} : memref<8192xf32, #tpu.memory_space<vmem>>, vector<16xf32>,
      %add3A_952 = arith.constant 96 : i32
      %add3A_953 = arith.addi %mul3A_915, %add3A_952 : i32
      %get3A_954 = arith.index_cast %add3A_953 : i32 to index
      %get3A_955 = tpu.vector_load %arg7[%get3A_954] {strides = array<i32>} : memref<1536xf32, #tpu.memory_space<vmem>>, vector<16xf32>,
      %swap3A_956 = arith.constant 1888 : index
      %swap3A_957 = tpu.vector_load %arg8[%swap3A_956] {strides = array<i32>} : memref<8192xf32, #tpu.memory_space<vmem>>, vector<16xf32>,
      tpu.vector_store %arg8[%swap3A_956], %get3A_955 {strides = array<i32>} : memref<8192xf32, #tpu.memory_space<vmem>>, vector<16xf32>,
      %add3A_958 = arith.constant 112 : i32
      %add3A_959 = arith.addi %mul3A_915, %add3A_958 : i32
      %get3A_960 = arith.index_cast %add3A_959 : i32 to index
      %get3A_961 = tpu.vector_load %arg7[%get3A_960] {strides = array<i32>} : memref<1536xf32, #tpu.memory_space<vmem>>, vector<16xf32>,
      %swap3A_962 = arith.constant 1904 : index
      %swap3A_963 = tpu.vector_load %arg8[%swap3A_962] {strides = array<i32>} : memref<8192xf32, #tpu.memory_space<vmem>>, vector<16xf32>,
      tpu.vector_store %arg8[%swap3A_962], %get3A_961 {strides = array<i32>} : memref<8192xf32, #tpu.memory_space<vmem>>, vector<16xf32>,
      %get3A_964 = arith.constant 0 : i32
      %get3A_965 = arith.constant 15 : i32
      %get3A_966 = arith.index_cast %get3A_964 : i32 to index
      %get3A_967 = arith.index_cast %get3A_965 : i32 to index
      %get3A_968 = memref.load %arg9[%get3A_966, %get3A_967] : memref<2x32xi32, #tpu.memory_space<smem>>
      %gt3A_969 = arith.constant 1000 : i32
      %gt3A_970 = arith.cmpi sgt, %get3A_968, %gt3A_969 : i32
      %min3A_971 = arith.constant 10 : i32
      %min3A_972 = arith.minsi %get3A_968, %min3A_971 : i32
      %jit3A_973 = arith.constant 11 : i32
      %select_n3A_974 = arith.select %gt3A_970, %jit3A_973, %min3A_972 : i32
      %mul3A_975 = arith.constant 128 : i32
      %mul3A_976 = arith.muli %select_n3A_974, %mul3A_975 : i32
      %add3A_977 = arith.constant 0 : i32
      %add3A_978 = arith.addi %mul3A_976, %add3A_977 : i32
      %get3A_979 = arith.index_cast %add3A_978 : i32 to index
      %get3A_980 = tpu.vector_load %arg7[%get3A_979] {strides = array<i32>} : memref<1536xf32, #tpu.memory_space<vmem>>, vector<16xf32>,
      %swap3A_981 = arith.constant 1920 : index
      %swap3A_982 = tpu.vector_load %arg8[%swap3A_981] {strides = array<i32>} : memref<8192xf32, #tpu.memory_space<vmem>>, vector<16xf32>,
      tpu.vector_store %arg8[%swap3A_981], %get3A_980 {strides = array<i32>} : memref<8192xf32, #tpu.memory_space<vmem>>, vector<16xf32>,
      %add3A_983 = arith.constant 16 : i32
      %add3A_984 = arith.addi %mul3A_976, %add3A_983 : i32
      %get3A_985 = arith.index_cast %add3A_984 : i32 to index
      %get3A_986 = tpu.vector_load %arg7[%get3A_985] {strides = array<i32>} : memref<1536xf32, #tpu.memory_space<vmem>>, vector<16xf32>,
      %swap3A_987 = arith.constant 1936 : index
      %swap3A_988 = tpu.vector_load %arg8[%swap3A_987] {strides = array<i32>} : memref<8192xf32, #tpu.memory_space<vmem>>, vector<16xf32>,
      tpu.vector_store %arg8[%swap3A_987], %get3A_986 {strides = array<i32>} : memref<8192xf32, #tpu.memory_space<vmem>>, vector<16xf32>,
      %add3A_989 = arith.constant 32 : i32
      %add3A_990 = arith.addi %mul3A_976, %add3A_989 : i32
      %get3A_991 = arith.index_cast %add3A_990 : i32 to index
      %get3A_992 = tpu.vector_load %arg7[%get3A_991] {strides = array<i32>} : memref<1536xf32, #tpu.memory_space<vmem>>, vector<16xf32>,
      %swap3A_993 = arith.constant 1952 : index
      %swap3A_994 = tpu.vector_load %arg8[%swap3A_993] {strides = array<i32>} : memref<8192xf32, #tpu.memory_space<vmem>>, vector<16xf32>,
      tpu.vector_store %arg8[%swap3A_993], %get3A_992 {strides = array<i32>} : memref<8192xf32, #tpu.memory_space<vmem>>, vector<16xf32>,
      %add3A_995 = arith.constant 48 : i32
      %add3A_996 = arith.addi %mul3A_976, %add3A_995 : i32
      %get3A_997 = arith.index_cast %add3A_996 : i32 to index
      %get3A_998 = tpu.vector_load %arg7[%get3A_997] {strides = array<i32>} : memref<1536xf32, #tpu.memory_space<vmem>>, vector<16xf32>,
      %swap3A_999 = arith.constant 1968 : index
      %swap3A_1000 = tpu.vector_load %arg8[%swap3A_999] {strides = array<i32>} : memref<8192xf32, #tpu.memory_space<vmem>>, vector<16xf32>,
      tpu.vector_store %arg8[%swap3A_999], %get3A_998 {strides = array<i32>} : memref<8192xf32, #tpu.memory_space<vmem>>, vector<16xf32>,
      %add3A_1001 = arith.constant 64 : i32
      %add3A_1002 = arith.addi %mul3A_976, %add3A_1001 : i32
      %get3A_1003 = arith.index_cast %add3A_1002 : i32 to index
      %get3A_1004 = tpu.vector_load %arg7[%get3A_1003] {strides = array<i32>} : memref<1536xf32, #tpu.memory_space<vmem>>, vector<16xf32>,
      %swap3A_1005 = arith.constant 1984 : index
      %swap3A_1006 = tpu.vector_load %arg8[%swap3A_1005] {strides = array<i32>} : memref<8192xf32, #tpu.memory_space<vmem>>, vector<16xf32>,
      tpu.vector_store %arg8[%swap3A_1005], %get3A_1004 {strides = array<i32>} : memref<8192xf32, #tpu.memory_space<vmem>>, vector<16xf32>,
      %add3A_1007 = arith.constant 80 : i32
      %add3A_1008 = arith.addi %mul3A_976, %add3A_1007 : i32
      %get3A_1009 = arith.index_cast %add3A_1008 : i32 to index
      %get3A_1010 = tpu.vector_load %arg7[%get3A_1009] {strides = array<i32>} : memref<1536xf32, #tpu.memory_space<vmem>>, vector<16xf32>,
      %swap3A_1011 = arith.constant 2000 : index
      %swap3A_1012 = tpu.vector_load %arg8[%swap3A_1011] {strides = array<i32>} : memref<8192xf32, #tpu.memory_space<vmem>>, vector<16xf32>,
      tpu.vector_store %arg8[%swap3A_1011], %get3A_1010 {strides = array<i32>} : memref<8192xf32, #tpu.memory_space<vmem>>, vector<16xf32>,
      %add3A_1013 = arith.constant 96 : i32
      %add3A_1014 = arith.addi %mul3A_976, %add3A_1013 : i32
      %get3A_1015 = arith.index_cast %add3A_1014 : i32 to index
      %get3A_1016 = tpu.vector_load %arg7[%get3A_1015] {strides = array<i32>} : memref<1536xf32, #tpu.memory_space<vmem>>, vector<16xf32>,
      %swap3A_1017 = arith.constant 2016 : index
      %swap3A_1018 = tpu.vector_load %arg8[%swap3A_1017] {strides = array<i32>} : memref<8192xf32, #tpu.memory_space<vmem>>, vector<16xf32>,
      tpu.vector_store %arg8[%swap3A_1017], %get3A_1016 {strides = array<i32>} : memref<8192xf32, #tpu.memory_space<vmem>>, vector<16xf32>,
      %add3A_1019 = arith.constant 112 : i32
      %add3A_1020 = arith.addi %mul3A_976, %add3A_1019 : i32
      %get3A_1021 = arith.index_cast %add3A_1020 : i32 to index
      %get3A_1022 = tpu.vector_load %arg7[%get3A_1021] {strides = array<i32>} : memref<1536xf32, #tpu.memory_space<vmem>>, vector<16xf32>,
      %swap3A_1023 = arith.constant 2032 : index
      %swap3A_1024 = tpu.vector_load %arg8[%swap3A_1023] {strides = array<i32>} : memref<8192xf32, #tpu.memory_space<vmem>>, vector<16xf32>,
      tpu.vector_store %arg8[%swap3A_1023], %get3A_1022 {strides = array<i32>} : memref<8192xf32, #tpu.memory_space<vmem>>, vector<16xf32>,
      %get3A_1025 = arith.constant 0 : i32
      %get3A_1026 = arith.constant 16 : i32
      %get3A_1027 = arith.index_cast %get3A_1025 : i32 to index
      %get3A_1028 = arith.index_cast %get3A_1026 : i32 to index
      %get3A_1029 = memref.load %arg9[%get3A_1027, %get3A_1028] : memref<2x32xi32, #tpu.memory_space<smem>>
      %gt3A_1030 = arith.constant 1000 : i32
      %gt3A_1031 = arith.cmpi sgt, %get3A_1029, %gt3A_1030 : i32
      %min3A_1032 = arith.constant 10 : i32
      %min3A_1033 = arith.minsi %get3A_1029, %min3A_1032 : i32
      %jit3A_1034 = arith.constant 11 : i32
      %select_n3A_1035 = arith.select %gt3A_1031, %jit3A_1034, %min3A_1033 : i32
      %mul3A_1036 = arith.constant 128 : i32
      %mul3A_1037 = arith.muli %select_n3A_1035, %mul3A_1036 : i32
      %add3A_1038 = arith.constant 0 : i32
      %add3A_1039 = arith.addi %mul3A_1037, %add3A_1038 : i32
      %get3A_1040 = arith.index_cast %add3A_1039 : i32 to index
      %get3A_1041 = tpu.vector_load %arg7[%get3A_1040] {strides = array<i32>} : memref<1536xf32, #tpu.memory_space<vmem>>, vector<16xf32>,
      %swap3A_1042 = arith.constant 2048 : index
      %swap3A_1043 = tpu.vector_load %arg8[%swap3A_1042] {strides = array<i32>} : memref<8192xf32, #tpu.memory_space<vmem>>, vector<16xf32>,
      tpu.vector_store %arg8[%swap3A_1042], %get3A_1041 {strides = array<i32>} : memref<8192xf32, #tpu.memory_space<vmem>>, vector<16xf32>,
      %add3A_1044 = arith.constant 16 : i32
      %add3A_1045 = arith.addi %mul3A_1037, %add3A_1044 : i32
      %get3A_1046 = arith.index_cast %add3A_1045 : i32 to index
      %get3A_1047 = tpu.vector_load %arg7[%get3A_1046] {strides = array<i32>} : memref<1536xf32, #tpu.memory_space<vmem>>, vector<16xf32>,
      %swap3A_1048 = arith.constant 2064 : index
      %swap3A_1049 = tpu.vector_load %arg8[%swap3A_1048] {strides = array<i32>} : memref<8192xf32, #tpu.memory_space<vmem>>, vector<16xf32>,
      tpu.vector_store %arg8[%swap3A_1048], %get3A_1047 {strides = array<i32>} : memref<8192xf32, #tpu.memory_space<vmem>>, vector<16xf32>,
      %add3A_1050 = arith.constant 32 : i32
      %add3A_1051 = arith.addi %mul3A_1037, %add3A_1050 : i32
      %get3A_1052 = arith.index_cast %add3A_1051 : i32 to index
      %get3A_1053 = tpu.vector_load %arg7[%get3A_1052] {strides = array<i32>} : memref<1536xf32, #tpu.memory_space<vmem>>, vector<16xf32>,
      %swap3A_1054 = arith.constant 2080 : index
      %swap3A_1055 = tpu.vector_load %arg8[%swap3A_1054] {strides = array<i32>} : memref<8192xf32, #tpu.memory_space<vmem>>, vector<16xf32>,
      tpu.vector_store %arg8[%swap3A_1054], %get3A_1053 {strides = array<i32>} : memref<8192xf32, #tpu.memory_space<vmem>>, vector<16xf32>,
      %add3A_1056 = arith.constant 48 : i32
      %add3A_1057 = arith.addi %mul3A_1037, %add3A_1056 : i32
      %get3A_1058 = arith.index_cast %add3A_1057 : i32 to index
      %get3A_1059 = tpu.vector_load %arg7[%get3A_1058] {strides = array<i32>} : memref<1536xf32, #tpu.memory_space<vmem>>, vector<16xf32>,
      %swap3A_1060 = arith.constant 2096 : index
      %swap3A_1061 = tpu.vector_load %arg8[%swap3A_1060] {strides = array<i32>} : memref<8192xf32, #tpu.memory_space<vmem>>, vector<16xf32>,
      tpu.vector_store %arg8[%swap3A_1060], %get3A_1059 {strides = array<i32>} : memref<8192xf32, #tpu.memory_space<vmem>>, vector<16xf32>,
      %add3A_1062 = arith.constant 64 : i32
      %add3A_1063 = arith.addi %mul3A_1037, %add3A_1062 : i32
      %get3A_1064 = arith.index_cast %add3A_1063 : i32 to index
      %get3A_1065 = tpu.vector_load %arg7[%get3A_1064] {strides = array<i32>} : memref<1536xf32, #tpu.memory_space<vmem>>, vector<16xf32>,
      %swap3A_1066 = arith.constant 2112 : index
      %swap3A_1067 = tpu.vector_load %arg8[%swap3A_1066] {strides = array<i32>} : memref<8192xf32, #tpu.memory_space<vmem>>, vector<16xf32>,
      tpu.vector_store %arg8[%swap3A_1066], %get3A_1065 {strides = array<i32>} : memref<8192xf32, #tpu.memory_space<vmem>>, vector<16xf32>,
      %add3A_1068 = arith.constant 80 : i32
      %add3A_1069 = arith.addi %mul3A_1037, %add3A_1068 : i32
      %get3A_1070 = arith.index_cast %add3A_1069 : i32 to index
      %get3A_1071 = tpu.vector_load %arg7[%get3A_1070] {strides = array<i32>} : memref<1536xf32, #tpu.memory_space<vmem>>, vector<16xf32>,
      %swap3A_1072 = arith.constant 2128 : index
      %swap3A_1073 = tpu.vector_load %arg8[%swap3A_1072] {strides = array<i32>} : memref<8192xf32, #tpu.memory_space<vmem>>, vector<16xf32>,
      tpu.vector_store %arg8[%swap3A_1072], %get3A_1071 {strides = array<i32>} : memref<8192xf32, #tpu.memory_space<vmem>>, vector<16xf32>,
      %add3A_1074 = arith.constant 96 : i32
      %add3A_1075 = arith.addi %mul3A_1037, %add3A_1074 : i32
      %get3A_1076 = arith.index_cast %add3A_1075 : i32 to index
      %get3A_1077 = tpu.vector_load %arg7[%get3A_1076] {strides = array<i32>} : memref<1536xf32, #tpu.memory_space<vmem>>, vector<16xf32>,
      %swap3A_1078 = arith.constant 2144 : index
      %swap3A_1079 = tpu.vector_load %arg8[%swap3A_1078] {strides = array<i32>} : memref<8192xf32, #tpu.memory_space<vmem>>, vector<16xf32>,
      tpu.vector_store %arg8[%swap3A_1078], %get3A_1077 {strides = array<i32>} : memref<8192xf32, #tpu.memory_space<vmem>>, vector<16xf32>,
      %add3A_1080 = arith.constant 112 : i32
      %add3A_1081 = arith.addi %mul3A_1037, %add3A_1080 : i32
      %get3A_1082 = arith.index_cast %add3A_1081 : i32 to index
      %get3A_1083 = tpu.vector_load %arg7[%get3A_1082] {strides = array<i32>} : memref<1536xf32, #tpu.memory_space<vmem>>, vector<16xf32>,
      %swap3A_1084 = arith.constant 2160 : index
      %swap3A_1085 = tpu.vector_load %arg8[%swap3A_1084] {strides = array<i32>} : memref<8192xf32, #tpu.memory_space<vmem>>, vector<16xf32>,
      tpu.vector_store %arg8[%swap3A_1084], %get3A_1083 {strides = array<i32>} : memref<8192xf32, #tpu.memory_space<vmem>>, vector<16xf32>,
      %get3A_1086 = arith.constant 0 : i32
      %get3A_1087 = arith.constant 17 : i32
      %get3A_1088 = arith.index_cast %get3A_1086 : i32 to index
      %get3A_1089 = arith.index_cast %get3A_1087 : i32 to index
      %get3A_1090 = memref.load %arg9[%get3A_1088, %get3A_1089] : memref<2x32xi32, #tpu.memory_space<smem>>
      %gt3A_1091 = arith.constant 1000 : i32
      %gt3A_1092 = arith.cmpi sgt, %get3A_1090, %gt3A_1091 : i32
      %min3A_1093 = arith.constant 10 : i32
      %min3A_1094 = arith.minsi %get3A_1090, %min3A_1093 : i32
      %jit3A_1095 = arith.constant 11 : i32
      %select_n3A_1096 = arith.select %gt3A_1092, %jit3A_1095, %min3A_1094 : i32
      %mul3A_1097 = arith.constant 128 : i32
      %mul3A_1098 = arith.muli %select_n3A_1096, %mul3A_1097 : i32
      %add3A_1099 = arith.constant 0 : i32
      %add3A_1100 = arith.addi %mul3A_1098, %add3A_1099 : i32
      %get3A_1101 = arith.index_cast %add3A_1100 : i32 to index
      %get3A_1102 = tpu.vector_load %arg7[%get3A_1101] {strides = array<i32>} : memref<1536xf32, #tpu.memory_space<vmem>>, vector<16xf32>,
      %swap3A_1103 = arith.constant 2176 : index
      %swap3A_1104 = tpu.vector_load %arg8[%swap3A_1103] {strides = array<i32>} : memref<8192xf32, #tpu.memory_space<vmem>>, vector<16xf32>,
      tpu.vector_store %arg8[%swap3A_1103], %get3A_1102 {strides = array<i32>} : memref<8192xf32, #tpu.memory_space<vmem>>, vector<16xf32>,
      %add3A_1105 = arith.constant 16 : i32
      %add3A_1106 = arith.addi %mul3A_1098, %add3A_1105 : i32
      %get3A_1107 = arith.index_cast %add3A_1106 : i32 to index
      %get3A_1108 = tpu.vector_load %arg7[%get3A_1107] {strides = array<i32>} : memref<1536xf32, #tpu.memory_space<vmem>>, vector<16xf32>,
      %swap3A_1109 = arith.constant 2192 : index
      %swap3A_1110 = tpu.vector_load %arg8[%swap3A_1109] {strides = array<i32>} : memref<8192xf32, #tpu.memory_space<vmem>>, vector<16xf32>,
      tpu.vector_store %arg8[%swap3A_1109], %get3A_1108 {strides = array<i32>} : memref<8192xf32, #tpu.memory_space<vmem>>, vector<16xf32>,
      %add3A_1111 = arith.constant 32 : i32
      %add3A_1112 = arith.addi %mul3A_1098, %add3A_1111 : i32
      %get3A_1113 = arith.index_cast %add3A_1112 : i32 to index
      %get3A_1114 = tpu.vector_load %arg7[%get3A_1113] {strides = array<i32>} : memref<1536xf32, #tpu.memory_space<vmem>>, vector<16xf32>,
      %swap3A_1115 = arith.constant 2208 : index
      %swap3A_1116 = tpu.vector_load %arg8[%swap3A_1115] {strides = array<i32>} : memref<8192xf32, #tpu.memory_space<vmem>>, vector<16xf32>,
      tpu.vector_store %arg8[%swap3A_1115], %get3A_1114 {strides = array<i32>} : memref<8192xf32, #tpu.memory_space<vmem>>, vector<16xf32>,
      %add3A_1117 = arith.constant 48 : i32
      %add3A_1118 = arith.addi %mul3A_1098, %add3A_1117 : i32
      %get3A_1119 = arith.index_cast %add3A_1118 : i32 to index
      %get3A_1120 = tpu.vector_load %arg7[%get3A_1119] {strides = array<i32>} : memref<1536xf32, #tpu.memory_space<vmem>>, vector<16xf32>,
      %swap3A_1121 = arith.constant 2224 : index
      %swap3A_1122 = tpu.vector_load %arg8[%swap3A_1121] {strides = array<i32>} : memref<8192xf32, #tpu.memory_space<vmem>>, vector<16xf32>,
      tpu.vector_store %arg8[%swap3A_1121], %get3A_1120 {strides = array<i32>} : memref<8192xf32, #tpu.memory_space<vmem>>, vector<16xf32>,
      %add3A_1123 = arith.constant 64 : i32
      %add3A_1124 = arith.addi %mul3A_1098, %add3A_1123 : i32
      %get3A_1125 = arith.index_cast %add3A_1124 : i32 to index
      %get3A_1126 = tpu.vector_load %arg7[%get3A_1125] {strides = array<i32>} : memref<1536xf32, #tpu.memory_space<vmem>>, vector<16xf32>,
      %swap3A_1127 = arith.constant 2240 : index
      %swap3A_1128 = tpu.vector_load %arg8[%swap3A_1127] {strides = array<i32>} : memref<8192xf32, #tpu.memory_space<vmem>>, vector<16xf32>,
      tpu.vector_store %arg8[%swap3A_1127], %get3A_1126 {strides = array<i32>} : memref<8192xf32, #tpu.memory_space<vmem>>, vector<16xf32>,
      %add3A_1129 = arith.constant 80 : i32
      %add3A_1130 = arith.addi %mul3A_1098, %add3A_1129 : i32
      %get3A_1131 = arith.index_cast %add3A_1130 : i32 to index
      %get3A_1132 = tpu.vector_load %arg7[%get3A_1131] {strides = array<i32>} : memref<1536xf32, #tpu.memory_space<vmem>>, vector<16xf32>,
      %swap3A_1133 = arith.constant 2256 : index
      %swap3A_1134 = tpu.vector_load %arg8[%swap3A_1133] {strides = array<i32>} : memref<8192xf32, #tpu.memory_space<vmem>>, vector<16xf32>,
      tpu.vector_store %arg8[%swap3A_1133], %get3A_1132 {strides = array<i32>} : memref<8192xf32, #tpu.memory_space<vmem>>, vector<16xf32>,
      %add3A_1135 = arith.constant 96 : i32
      %add3A_1136 = arith.addi %mul3A_1098, %add3A_1135 : i32
      %get3A_1137 = arith.index_cast %add3A_1136 : i32 to index
      %get3A_1138 = tpu.vector_load %arg7[%get3A_1137] {strides = array<i32>} : memref<1536xf32, #tpu.memory_space<vmem>>, vector<16xf32>,
      %swap3A_1139 = arith.constant 2272 : index
      %swap3A_1140 = tpu.vector_load %arg8[%swap3A_1139] {strides = array<i32>} : memref<8192xf32, #tpu.memory_space<vmem>>, vector<16xf32>,
      tpu.vector_store %arg8[%swap3A_1139], %get3A_1138 {strides = array<i32>} : memref<8192xf32, #tpu.memory_space<vmem>>, vector<16xf32>,
      %add3A_1141 = arith.constant 112 : i32
      %add3A_1142 = arith.addi %mul3A_1098, %add3A_1141 : i32
      %get3A_1143 = arith.index_cast %add3A_1142 : i32 to index
      %get3A_1144 = tpu.vector_load %arg7[%get3A_1143] {strides = array<i32>} : memref<1536xf32, #tpu.memory_space<vmem>>, vector<16xf32>,
      %swap3A_1145 = arith.constant 2288 : index
      %swap3A_1146 = tpu.vector_load %arg8[%swap3A_1145] {strides = array<i32>} : memref<8192xf32, #tpu.memory_space<vmem>>, vector<16xf32>,
      tpu.vector_store %arg8[%swap3A_1145], %get3A_1144 {strides = array<i32>} : memref<8192xf32, #tpu.memory_space<vmem>>, vector<16xf32>,
      %get3A_1147 = arith.constant 0 : i32
      %get3A_1148 = arith.constant 18 : i32
      %get3A_1149 = arith.index_cast %get3A_1147 : i32 to index
      %get3A_1150 = arith.index_cast %get3A_1148 : i32 to index
      %get3A_1151 = memref.load %arg9[%get3A_1149, %get3A_1150] : memref<2x32xi32, #tpu.memory_space<smem>>
      %gt3A_1152 = arith.constant 1000 : i32
      %gt3A_1153 = arith.cmpi sgt, %get3A_1151, %gt3A_1152 : i32
      %min3A_1154 = arith.constant 10 : i32
      %min3A_1155 = arith.minsi %get3A_1151, %min3A_1154 : i32
      %jit3A_1156 = arith.constant 11 : i32
      %select_n3A_1157 = arith.select %gt3A_1153, %jit3A_1156, %min3A_1155 : i32
      %mul3A_1158 = arith.constant 128 : i32
      %mul3A_1159 = arith.muli %select_n3A_1157, %mul3A_1158 : i32
      %add3A_1160 = arith.constant 0 : i32
      %add3A_1161 = arith.addi %mul3A_1159, %add3A_1160 : i32
      %get3A_1162 = arith.index_cast %add3A_1161 : i32 to index
      %get3A_1163 = tpu.vector_load %arg7[%get3A_1162] {strides = array<i32>} : memref<1536xf32, #tpu.memory_space<vmem>>, vector<16xf32>,
      %swap3A_1164 = arith.constant 2304 : index
      %swap3A_1165 = tpu.vector_load %arg8[%swap3A_1164] {strides = array<i32>} : memref<8192xf32, #tpu.memory_space<vmem>>, vector<16xf32>,
      tpu.vector_store %arg8[%swap3A_1164], %get3A_1163 {strides = array<i32>} : memref<8192xf32, #tpu.memory_space<vmem>>, vector<16xf32>,
      %add3A_1166 = arith.constant 16 : i32
      %add3A_1167 = arith.addi %mul3A_1159, %add3A_1166 : i32
      %get3A_1168 = arith.index_cast %add3A_1167 : i32 to index
      %get3A_1169 = tpu.vector_load %arg7[%get3A_1168] {strides = array<i32>} : memref<1536xf32, #tpu.memory_space<vmem>>, vector<16xf32>,
      %swap3A_1170 = arith.constant 2320 : index
      %swap3A_1171 = tpu.vector_load %arg8[%swap3A_1170] {strides = array<i32>} : memref<8192xf32, #tpu.memory_space<vmem>>, vector<16xf32>,
      tpu.vector_store %arg8[%swap3A_1170], %get3A_1169 {strides = array<i32>} : memref<8192xf32, #tpu.memory_space<vmem>>, vector<16xf32>,
      %add3A_1172 = arith.constant 32 : i32
      %add3A_1173 = arith.addi %mul3A_1159, %add3A_1172 : i32
      %get3A_1174 = arith.index_cast %add3A_1173 : i32 to index
      %get3A_1175 = tpu.vector_load %arg7[%get3A_1174] {strides = array<i32>} : memref<1536xf32, #tpu.memory_space<vmem>>, vector<16xf32>,
      %swap3A_1176 = arith.constant 2336 : index
      %swap3A_1177 = tpu.vector_load %arg8[%swap3A_1176] {strides = array<i32>} : memref<8192xf32, #tpu.memory_space<vmem>>, vector<16xf32>,
      tpu.vector_store %arg8[%swap3A_1176], %get3A_1175 {strides = array<i32>} : memref<8192xf32, #tpu.memory_space<vmem>>, vector<16xf32>,
      %add3A_1178 = arith.constant 48 : i32
      %add3A_1179 = arith.addi %mul3A_1159, %add3A_1178 : i32
      %get3A_1180 = arith.index_cast %add3A_1179 : i32 to index
      %get3A_1181 = tpu.vector_load %arg7[%get3A_1180] {strides = array<i32>} : memref<1536xf32, #tpu.memory_space<vmem>>, vector<16xf32>,
      %swap3A_1182 = arith.constant 2352 : index
      %swap3A_1183 = tpu.vector_load %arg8[%swap3A_1182] {strides = array<i32>} : memref<8192xf32, #tpu.memory_space<vmem>>, vector<16xf32>,
      tpu.vector_store %arg8[%swap3A_1182], %get3A_1181 {strides = array<i32>} : memref<8192xf32, #tpu.memory_space<vmem>>, vector<16xf32>,
      %add3A_1184 = arith.constant 64 : i32
      %add3A_1185 = arith.addi %mul3A_1159, %add3A_1184 : i32
      %get3A_1186 = arith.index_cast %add3A_1185 : i32 to index
      %get3A_1187 = tpu.vector_load %arg7[%get3A_1186] {strides = array<i32>} : memref<1536xf32, #tpu.memory_space<vmem>>, vector<16xf32>,
      %swap3A_1188 = arith.constant 2368 : index
      %swap3A_1189 = tpu.vector_load %arg8[%swap3A_1188] {strides = array<i32>} : memref<8192xf32, #tpu.memory_space<vmem>>, vector<16xf32>,
      tpu.vector_store %arg8[%swap3A_1188], %get3A_1187 {strides = array<i32>} : memref<8192xf32, #tpu.memory_space<vmem>>, vector<16xf32>,
      %add3A_1190 = arith.constant 80 : i32
      %add3A_1191 = arith.addi %mul3A_1159, %add3A_1190 : i32
      %get3A_1192 = arith.index_cast %add3A_1191 : i32 to index
      %get3A_1193 = tpu.vector_load %arg7[%get3A_1192] {strides = array<i32>} : memref<1536xf32, #tpu.memory_space<vmem>>, vector<16xf32>,
      %swap3A_1194 = arith.constant 2384 : index
      %swap3A_1195 = tpu.vector_load %arg8[%swap3A_1194] {strides = array<i32>} : memref<8192xf32, #tpu.memory_space<vmem>>, vector<16xf32>,
      tpu.vector_store %arg8[%swap3A_1194], %get3A_1193 {strides = array<i32>} : memref<8192xf32, #tpu.memory_space<vmem>>, vector<16xf32>,
      %add3A_1196 = arith.constant 96 : i32
      %add3A_1197 = arith.addi %mul3A_1159, %add3A_1196 : i32
      %get3A_1198 = arith.index_cast %add3A_1197 : i32 to index
      %get3A_1199 = tpu.vector_load %arg7[%get3A_1198] {strides = array<i32>} : memref<1536xf32, #tpu.memory_space<vmem>>, vector<16xf32>,
      %swap3A_1200 = arith.constant 2400 : index
      %swap3A_1201 = tpu.vector_load %arg8[%swap3A_1200] {strides = array<i32>} : memref<8192xf32, #tpu.memory_space<vmem>>, vector<16xf32>,
      tpu.vector_store %arg8[%swap3A_1200], %get3A_1199 {strides = array<i32>} : memref<8192xf32, #tpu.memory_space<vmem>>, vector<16xf32>,
      %add3A_1202 = arith.constant 112 : i32
      %add3A_1203 = arith.addi %mul3A_1159, %add3A_1202 : i32
      %get3A_1204 = arith.index_cast %add3A_1203 : i32 to index
      %get3A_1205 = tpu.vector_load %arg7[%get3A_1204] {strides = array<i32>} : memref<1536xf32, #tpu.memory_space<vmem>>, vector<16xf32>,
      %swap3A_1206 = arith.constant 2416 : index
      %swap3A_1207 = tpu.vector_load %arg8[%swap3A_1206] {strides = array<i32>} : memref<8192xf32, #tpu.memory_space<vmem>>, vector<16xf32>,
      tpu.vector_store %arg8[%swap3A_1206], %get3A_1205 {strides = array<i32>} : memref<8192xf32, #tpu.memory_space<vmem>>, vector<16xf32>,
      %get3A_1208 = arith.constant 0 : i32
      %get3A_1209 = arith.constant 19 : i32
      %get3A_1210 = arith.index_cast %get3A_1208 : i32 to index
      %get3A_1211 = arith.index_cast %get3A_1209 : i32 to index
      %get3A_1212 = memref.load %arg9[%get3A_1210, %get3A_1211] : memref<2x32xi32, #tpu.memory_space<smem>>
      %gt3A_1213 = arith.constant 1000 : i32
      %gt3A_1214 = arith.cmpi sgt, %get3A_1212, %gt3A_1213 : i32
      %min3A_1215 = arith.constant 10 : i32
      %min3A_1216 = arith.minsi %get3A_1212, %min3A_1215 : i32
      %jit3A_1217 = arith.constant 11 : i32
      %select_n3A_1218 = arith.select %gt3A_1214, %jit3A_1217, %min3A_1216 : i32
      %mul3A_1219 = arith.constant 128 : i32
      %mul3A_1220 = arith.muli %select_n3A_1218, %mul3A_1219 : i32
      %add3A_1221 = arith.constant 0 : i32
      %add3A_1222 = arith.addi %mul3A_1220, %add3A_1221 : i32
      %get3A_1223 = arith.index_cast %add3A_1222 : i32 to index
      %get3A_1224 = tpu.vector_load %arg7[%get3A_1223] {strides = array<i32>} : memref<1536xf32, #tpu.memory_space<vmem>>, vector<16xf32>,
      %swap3A_1225 = arith.constant 2432 : index
      %swap3A_1226 = tpu.vector_load %arg8[%swap3A_1225] {strides = array<i32>} : memref<8192xf32, #tpu.memory_space<vmem>>, vector<16xf32>,
      tpu.vector_store %arg8[%swap3A_1225], %get3A_1224 {strides = array<i32>} : memref<8192xf32, #tpu.memory_space<vmem>>, vector<16xf32>,
      %add3A_1227 = arith.constant 16 : i32
      %add3A_1228 = arith.addi %mul3A_1220, %add3A_1227 : i32
      %get3A_1229 = arith.index_cast %add3A_1228 : i32 to index
      %get3A_1230 = tpu.vector_load %arg7[%get3A_1229] {strides = array<i32>} : memref<1536xf32, #tpu.memory_space<vmem>>, vector<16xf32>,
      %swap3A_1231 = arith.constant 2448 : index
      %swap3A_1232 = tpu.vector_load %arg8[%swap3A_1231] {strides = array<i32>} : memref<8192xf32, #tpu.memory_space<vmem>>, vector<16xf32>,
      tpu.vector_store %arg8[%swap3A_1231], %get3A_1230 {strides = array<i32>} : memref<8192xf32, #tpu.memory_space<vmem>>, vector<16xf32>,
      %add3A_1233 = arith.constant 32 : i32
      %add3A_1234 = arith.addi %mul3A_1220, %add3A_1233 : i32
      %get3A_1235 = arith.index_cast %add3A_1234 : i32 to index
      %get3A_1236 = tpu.vector_load %arg7[%get3A_1235] {strides = array<i32>} : memref<1536xf32, #tpu.memory_space<vmem>>, vector<16xf32>,
      %swap3A_1237 = arith.constant 2464 : index
      %swap3A_1238 = tpu.vector_load %arg8[%swap3A_1237] {strides = array<i32>} : memref<8192xf32, #tpu.memory_space<vmem>>, vector<16xf32>,
      tpu.vector_store %arg8[%swap3A_1237], %get3A_1236 {strides = array<i32>} : memref<8192xf32, #tpu.memory_space<vmem>>, vector<16xf32>,
      %add3A_1239 = arith.constant 48 : i32
      %add3A_1240 = arith.addi %mul3A_1220, %add3A_1239 : i32
      %get3A_1241 = arith.index_cast %add3A_1240 : i32 to index
      %get3A_1242 = tpu.vector_load %arg7[%get3A_1241] {strides = array<i32>} : memref<1536xf32, #tpu.memory_space<vmem>>, vector<16xf32>,
      %swap3A_1243 = arith.constant 2480 : index
      %swap3A_1244 = tpu.vector_load %arg8[%swap3A_1243] {strides = array<i32>} : memref<8192xf32, #tpu.memory_space<vmem>>, vector<16xf32>,
      tpu.vector_store %arg8[%swap3A_1243], %get3A_1242 {strides = array<i32>} : memref<8192xf32, #tpu.memory_space<vmem>>, vector<16xf32>,
      %add3A_1245 = arith.constant 64 : i32
      %add3A_1246 = arith.addi %mul3A_1220, %add3A_1245 : i32
      %get3A_1247 = arith.index_cast %add3A_1246 : i32 to index
      %get3A_1248 = tpu.vector_load %arg7[%get3A_1247] {strides = array<i32>} : memref<1536xf32, #tpu.memory_space<vmem>>, vector<16xf32>,
      %swap3A_1249 = arith.constant 2496 : index
      %swap3A_1250 = tpu.vector_load %arg8[%swap3A_1249] {strides = array<i32>} : memref<8192xf32, #tpu.memory_space<vmem>>, vector<16xf32>,
      tpu.vector_store %arg8[%swap3A_1249], %get3A_1248 {strides = array<i32>} : memref<8192xf32, #tpu.memory_space<vmem>>, vector<16xf32>,
      %add3A_1251 = arith.constant 80 : i32
      %add3A_1252 = arith.addi %mul3A_1220, %add3A_1251 : i32
      %get3A_1253 = arith.index_cast %add3A_1252 : i32 to index
      %get3A_1254 = tpu.vector_load %arg7[%get3A_1253] {strides = array<i32>} : memref<1536xf32, #tpu.memory_space<vmem>>, vector<16xf32>,
      %swap3A_1255 = arith.constant 2512 : index
      %swap3A_1256 = tpu.vector_load %arg8[%swap3A_1255] {strides = array<i32>} : memref<8192xf32, #tpu.memory_space<vmem>>, vector<16xf32>,
      tpu.vector_store %arg8[%swap3A_1255], %get3A_1254 {strides = array<i32>} : memref<8192xf32, #tpu.memory_space<vmem>>, vector<16xf32>,
      %add3A_1257 = arith.constant 96 : i32
      %add3A_1258 = arith.addi %mul3A_1220, %add3A_1257 : i32
      %get3A_1259 = arith.index_cast %add3A_1258 : i32 to index
      %get3A_1260 = tpu.vector_load %arg7[%get3A_1259] {strides = array<i32>} : memref<1536xf32, #tpu.memory_space<vmem>>, vector<16xf32>,
      %swap3A_1261 = arith.constant 2528 : index
      %swap3A_1262 = tpu.vector_load %arg8[%swap3A_1261] {strides = array<i32>} : memref<8192xf32, #tpu.memory_space<vmem>>, vector<16xf32>,
      tpu.vector_store %arg8[%swap3A_1261], %get3A_1260 {strides = array<i32>} : memref<8192xf32, #tpu.memory_space<vmem>>, vector<16xf32>,
      %add3A_1263 = arith.constant 112 : i32
      %add3A_1264 = arith.addi %mul3A_1220, %add3A_1263 : i32
      %get3A_1265 = arith.index_cast %add3A_1264 : i32 to index
      %get3A_1266 = tpu.vector_load %arg7[%get3A_1265] {strides = array<i32>} : memref<1536xf32, #tpu.memory_space<vmem>>, vector<16xf32>,
      %swap3A_1267 = arith.constant 2544 : index
      %swap3A_1268 = tpu.vector_load %arg8[%swap3A_1267] {strides = array<i32>} : memref<8192xf32, #tpu.memory_space<vmem>>, vector<16xf32>,
      tpu.vector_store %arg8[%swap3A_1267], %get3A_1266 {strides = array<i32>} : memref<8192xf32, #tpu.memory_space<vmem>>, vector<16xf32>,
      %get3A_1269 = arith.constant 0 : i32
      %get3A_1270 = arith.constant 20 : i32
      %get3A_1271 = arith.index_cast %get3A_1269 : i32 to index
      %get3A_1272 = arith.index_cast %get3A_1270 : i32 to index
      %get3A_1273 = memref.load %arg9[%get3A_1271, %get3A_1272] : memref<2x32xi32, #tpu.memory_space<smem>>
      %gt3A_1274 = arith.constant 1000 : i32
      %gt3A_1275 = arith.cmpi sgt, %get3A_1273, %gt3A_1274 : i32
      %min3A_1276 = arith.constant 10 : i32
      %min3A_1277 = arith.minsi %get3A_1273, %min3A_1276 : i32
      %jit3A_1278 = arith.constant 11 : i32
      %select_n3A_1279 = arith.select %gt3A_1275, %jit3A_1278, %min3A_1277 : i32
      %mul3A_1280 = arith.constant 128 : i32
      %mul3A_1281 = arith.muli %select_n3A_1279, %mul3A_1280 : i32
      %add3A_1282 = arith.constant 0 : i32
      %add3A_1283 = arith.addi %mul3A_1281, %add3A_1282 : i32
      %get3A_1284 = arith.index_cast %add3A_1283 : i32 to index
      %get3A_1285 = tpu.vector_load %arg7[%get3A_1284] {strides = array<i32>} : memref<1536xf32, #tpu.memory_space<vmem>>, vector<16xf32>,
      %swap3A_1286 = arith.constant 2560 : index
      %swap3A_1287 = tpu.vector_load %arg8[%swap3A_1286] {strides = array<i32>} : memref<8192xf32, #tpu.memory_space<vmem>>, vector<16xf32>,
      tpu.vector_store %arg8[%swap3A_1286], %get3A_1285 {strides = array<i32>} : memref<8192xf32, #tpu.memory_space<vmem>>, vector<16xf32>,
      %add3A_1288 = arith.constant 16 : i32
      %add3A_1289 = arith.addi %mul3A_1281, %add3A_1288 : i32
      %get3A_1290 = arith.index_cast %add3A_1289 : i32 to index
      %get3A_1291 = tpu.vector_load %arg7[%get3A_1290] {strides = array<i32>} : memref<1536xf32, #tpu.memory_space<vmem>>, vector<16xf32>,
      %swap3A_1292 = arith.constant 2576 : index
      %swap3A_1293 = tpu.vector_load %arg8[%swap3A_1292] {strides = array<i32>} : memref<8192xf32, #tpu.memory_space<vmem>>, vector<16xf32>,
      tpu.vector_store %arg8[%swap3A_1292], %get3A_1291 {strides = array<i32>} : memref<8192xf32, #tpu.memory_space<vmem>>, vector<16xf32>,
      %add3A_1294 = arith.constant 32 : i32
      %add3A_1295 = arith.addi %mul3A_1281, %add3A_1294 : i32
      %get3A_1296 = arith.index_cast %add3A_1295 : i32 to index
      %get3A_1297 = tpu.vector_load %arg7[%get3A_1296] {strides = array<i32>} : memref<1536xf32, #tpu.memory_space<vmem>>, vector<16xf32>,
      %swap3A_1298 = arith.constant 2592 : index
      %swap3A_1299 = tpu.vector_load %arg8[%swap3A_1298] {strides = array<i32>} : memref<8192xf32, #tpu.memory_space<vmem>>, vector<16xf32>,
      tpu.vector_store %arg8[%swap3A_1298], %get3A_1297 {strides = array<i32>} : memref<8192xf32, #tpu.memory_space<vmem>>, vector<16xf32>,
      %add3A_1300 = arith.constant 48 : i32
      %add3A_1301 = arith.addi %mul3A_1281, %add3A_1300 : i32
      %get3A_1302 = arith.index_cast %add3A_1301 : i32 to index
      %get3A_1303 = tpu.vector_load %arg7[%get3A_1302] {strides = array<i32>} : memref<1536xf32, #tpu.memory_space<vmem>>, vector<16xf32>,
      %swap3A_1304 = arith.constant 2608 : index
      %swap3A_1305 = tpu.vector_load %arg8[%swap3A_1304] {strides = array<i32>} : memref<8192xf32, #tpu.memory_space<vmem>>, vector<16xf32>,
      tpu.vector_store %arg8[%swap3A_1304], %get3A_1303 {strides = array<i32>} : memref<8192xf32, #tpu.memory_space<vmem>>, vector<16xf32>,
      %add3A_1306 = arith.constant 64 : i32
      %add3A_1307 = arith.addi %mul3A_1281, %add3A_1306 : i32
      %get3A_1308 = arith.index_cast %add3A_1307 : i32 to index
      %get3A_1309 = tpu.vector_load %arg7[%get3A_1308] {strides = array<i32>} : memref<1536xf32, #tpu.memory_space<vmem>>, vector<16xf32>,
      %swap3A_1310 = arith.constant 2624 : index
      %swap3A_1311 = tpu.vector_load %arg8[%swap3A_1310] {strides = array<i32>} : memref<8192xf32, #tpu.memory_space<vmem>>, vector<16xf32>,
      tpu.vector_store %arg8[%swap3A_1310], %get3A_1309 {strides = array<i32>} : memref<8192xf32, #tpu.memory_space<vmem>>, vector<16xf32>,
      %add3A_1312 = arith.constant 80 : i32
      %add3A_1313 = arith.addi %mul3A_1281, %add3A_1312 : i32
      %get3A_1314 = arith.index_cast %add3A_1313 : i32 to index
      %get3A_1315 = tpu.vector_load %arg7[%get3A_1314] {strides = array<i32>} : memref<1536xf32, #tpu.memory_space<vmem>>, vector<16xf32>,
      %swap3A_1316 = arith.constant 2640 : index
      %swap3A_1317 = tpu.vector_load %arg8[%swap3A_1316] {strides = array<i32>} : memref<8192xf32, #tpu.memory_space<vmem>>, vector<16xf32>,
      tpu.vector_store %arg8[%swap3A_1316], %get3A_1315 {strides = array<i32>} : memref<8192xf32, #tpu.memory_space<vmem>>, vector<16xf32>,
      %add3A_1318 = arith.constant 96 : i32
      %add3A_1319 = arith.addi %mul3A_1281, %add3A_1318 : i32
      %get3A_1320 = arith.index_cast %add3A_1319 : i32 to index
      %get3A_1321 = tpu.vector_load %arg7[%get3A_1320] {strides = array<i32>} : memref<1536xf32, #tpu.memory_space<vmem>>, vector<16xf32>,
      %swap3A_1322 = arith.constant 2656 : index
      %swap3A_1323 = tpu.vector_load %arg8[%swap3A_1322] {strides = array<i32>} : memref<8192xf32, #tpu.memory_space<vmem>>, vector<16xf32>,
      tpu.vector_store %arg8[%swap3A_1322], %get3A_1321 {strides = array<i32>} : memref<8192xf32, #tpu.memory_space<vmem>>, vector<16xf32>,
      %add3A_1324 = arith.constant 112 : i32
      %add3A_1325 = arith.addi %mul3A_1281, %add3A_1324 : i32
      %get3A_1326 = arith.index_cast %add3A_1325 : i32 to index
      %get3A_1327 = tpu.vector_load %arg7[%get3A_1326] {strides = array<i32>} : memref<1536xf32, #tpu.memory_space<vmem>>, vector<16xf32>,
      %swap3A_1328 = arith.constant 2672 : index
      %swap3A_1329 = tpu.vector_load %arg8[%swap3A_1328] {strides = array<i32>} : memref<8192xf32, #tpu.memory_space<vmem>>, vector<16xf32>,
      tpu.vector_store %arg8[%swap3A_1328], %get3A_1327 {strides = array<i32>} : memref<8192xf32, #tpu.memory_space<vmem>>, vector<16xf32>,
      %get3A_1330 = arith.constant 0 : i32
      %get3A_1331 = arith.constant 21 : i32
      %get3A_1332 = arith.index_cast %get3A_1330 : i32 to index
      %get3A_1333 = arith.index_cast %get3A_1331 : i32 to index
      %get3A_1334 = memref.load %arg9[%get3A_1332, %get3A_1333] : memref<2x32xi32, #tpu.memory_space<smem>>
      %gt3A_1335 = arith.constant 1000 : i32
      %gt3A_1336 = arith.cmpi sgt, %get3A_1334, %gt3A_1335 : i32
      %min3A_1337 = arith.constant 10 : i32
      %min3A_1338 = arith.minsi %get3A_1334, %min3A_1337 : i32
      %jit3A_1339 = arith.constant 11 : i32
      %select_n3A_1340 = arith.select %gt3A_1336, %jit3A_1339, %min3A_1338 : i32
      %mul3A_1341 = arith.constant 128 : i32
      %mul3A_1342 = arith.muli %select_n3A_1340, %mul3A_1341 : i32
      %add3A_1343 = arith.constant 0 : i32
      %add3A_1344 = arith.addi %mul3A_1342, %add3A_1343 : i32
      %get3A_1345 = arith.index_cast %add3A_1344 : i32 to index
      %get3A_1346 = tpu.vector_load %arg7[%get3A_1345] {strides = array<i32>} : memref<1536xf32, #tpu.memory_space<vmem>>, vector<16xf32>,
      %swap3A_1347 = arith.constant 2688 : index
      %swap3A_1348 = tpu.vector_load %arg8[%swap3A_1347] {strides = array<i32>} : memref<8192xf32, #tpu.memory_space<vmem>>, vector<16xf32>,
      tpu.vector_store %arg8[%swap3A_1347], %get3A_1346 {strides = array<i32>} : memref<8192xf32, #tpu.memory_space<vmem>>, vector<16xf32>,
      %add3A_1349 = arith.constant 16 : i32
      %add3A_1350 = arith.addi %mul3A_1342, %add3A_1349 : i32
      %get3A_1351 = arith.index_cast %add3A_1350 : i32 to index
      %get3A_1352 = tpu.vector_load %arg7[%get3A_1351] {strides = array<i32>} : memref<1536xf32, #tpu.memory_space<vmem>>, vector<16xf32>,
      %swap3A_1353 = arith.constant 2704 : index
      %swap3A_1354 = tpu.vector_load %arg8[%swap3A_1353] {strides = array<i32>} : memref<8192xf32, #tpu.memory_space<vmem>>, vector<16xf32>,
      tpu.vector_store %arg8[%swap3A_1353], %get3A_1352 {strides = array<i32>} : memref<8192xf32, #tpu.memory_space<vmem>>, vector<16xf32>,
      %add3A_1355 = arith.constant 32 : i32
      %add3A_1356 = arith.addi %mul3A_1342, %add3A_1355 : i32
      %get3A_1357 = arith.index_cast %add3A_1356 : i32 to index
      %get3A_1358 = tpu.vector_load %arg7[%get3A_1357] {strides = array<i32>} : memref<1536xf32, #tpu.memory_space<vmem>>, vector<16xf32>,
      %swap3A_1359 = arith.constant 2720 : index
      %swap3A_1360 = tpu.vector_load %arg8[%swap3A_1359] {strides = array<i32>} : memref<8192xf32, #tpu.memory_space<vmem>>, vector<16xf32>,
      tpu.vector_store %arg8[%swap3A_1359], %get3A_1358 {strides = array<i32>} : memref<8192xf32, #tpu.memory_space<vmem>>, vector<16xf32>,
      %add3A_1361 = arith.constant 48 : i32
      %add3A_1362 = arith.addi %mul3A_1342, %add3A_1361 : i32
      %get3A_1363 = arith.index_cast %add3A_1362 : i32 to index
      %get3A_1364 = tpu.vector_load %arg7[%get3A_1363] {strides = array<i32>} : memref<1536xf32, #tpu.memory_space<vmem>>, vector<16xf32>,
      %swap3A_1365 = arith.constant 2736 : index
      %swap3A_1366 = tpu.vector_load %arg8[%swap3A_1365] {strides = array<i32>} : memref<8192xf32, #tpu.memory_space<vmem>>, vector<16xf32>,
      tpu.vector_store %arg8[%swap3A_1365], %get3A_1364 {strides = array<i32>} : memref<8192xf32, #tpu.memory_space<vmem>>, vector<16xf32>,
      %add3A_1367 = arith.constant 64 : i32
      %add3A_1368 = arith.addi %mul3A_1342, %add3A_1367 : i32
      %get3A_1369 = arith.index_cast %add3A_1368 : i32 to index
      %get3A_1370 = tpu.vector_load %arg7[%get3A_1369] {strides = array<i32>} : memref<1536xf32, #tpu.memory_space<vmem>>, vector<16xf32>,
      %swap3A_1371 = arith.constant 2752 : index
      %swap3A_1372 = tpu.vector_load %arg8[%swap3A_1371] {strides = array<i32>} : memref<8192xf32, #tpu.memory_space<vmem>>, vector<16xf32>,
      tpu.vector_store %arg8[%swap3A_1371], %get3A_1370 {strides = array<i32>} : memref<8192xf32, #tpu.memory_space<vmem>>, vector<16xf32>,
      %add3A_1373 = arith.constant 80 : i32
      %add3A_1374 = arith.addi %mul3A_1342, %add3A_1373 : i32
      %get3A_1375 = arith.index_cast %add3A_1374 : i32 to index
      %get3A_1376 = tpu.vector_load %arg7[%get3A_1375] {strides = array<i32>} : memref<1536xf32, #tpu.memory_space<vmem>>, vector<16xf32>,
      %swap3A_1377 = arith.constant 2768 : index
      %swap3A_1378 = tpu.vector_load %arg8[%swap3A_1377] {strides = array<i32>} : memref<8192xf32, #tpu.memory_space<vmem>>, vector<16xf32>,
      tpu.vector_store %arg8[%swap3A_1377], %get3A_1376 {strides = array<i32>} : memref<8192xf32, #tpu.memory_space<vmem>>, vector<16xf32>,
      %add3A_1379 = arith.constant 96 : i32
      %add3A_1380 = arith.addi %mul3A_1342, %add3A_1379 : i32
      %get3A_1381 = arith.index_cast %add3A_1380 : i32 to index
      %get3A_1382 = tpu.vector_load %arg7[%get3A_1381] {strides = array<i32>} : memref<1536xf32, #tpu.memory_space<vmem>>, vector<16xf32>,
      %swap3A_1383 = arith.constant 2784 : index
      %swap3A_1384 = tpu.vector_load %arg8[%swap3A_1383] {strides = array<i32>} : memref<8192xf32, #tpu.memory_space<vmem>>, vector<16xf32>,
      tpu.vector_store %arg8[%swap3A_1383], %get3A_1382 {strides = array<i32>} : memref<8192xf32, #tpu.memory_space<vmem>>, vector<16xf32>,
      %add3A_1385 = arith.constant 112 : i32
      %add3A_1386 = arith.addi %mul3A_1342, %add3A_1385 : i32
      %get3A_1387 = arith.index_cast %add3A_1386 : i32 to index
      %get3A_1388 = tpu.vector_load %arg7[%get3A_1387] {strides = array<i32>} : memref<1536xf32, #tpu.memory_space<vmem>>, vector<16xf32>,
      %swap3A_1389 = arith.constant 2800 : index
      %swap3A_1390 = tpu.vector_load %arg8[%swap3A_1389] {strides = array<i32>} : memref<8192xf32, #tpu.memory_space<vmem>>, vector<16xf32>,
      tpu.vector_store %arg8[%swap3A_1389], %get3A_1388 {strides = array<i32>} : memref<8192xf32, #tpu.memory_space<vmem>>, vector<16xf32>,
      %get3A_1391 = arith.constant 0 : i32
      %get3A_1392 = arith.constant 22 : i32
      %get3A_1393 = arith.index_cast %get3A_1391 : i32 to index
      %get3A_1394 = arith.index_cast %get3A_1392 : i32 to index
      %get3A_1395 = memref.load %arg9[%get3A_1393, %get3A_1394] : memref<2x32xi32, #tpu.memory_space<smem>>
      %gt3A_1396 = arith.constant 1000 : i32
      %gt3A_1397 = arith.cmpi sgt, %get3A_1395, %gt3A_1396 : i32
      %min3A_1398 = arith.constant 10 : i32
      %min3A_1399 = arith.minsi %get3A_1395, %min3A_1398 : i32
      %jit3A_1400 = arith.constant 11 : i32
      %select_n3A_1401 = arith.select %gt3A_1397, %jit3A_1400, %min3A_1399 : i32
      %mul3A_1402 = arith.constant 128 : i32
      %mul3A_1403 = arith.muli %select_n3A_1401, %mul3A_1402 : i32
      %add3A_1404 = arith.constant 0 : i32
      %add3A_1405 = arith.addi %mul3A_1403, %add3A_1404 : i32
      %get3A_1406 = arith.index_cast %add3A_1405 : i32 to index
      %get3A_1407 = tpu.vector_load %arg7[%get3A_1406] {strides = array<i32>} : memref<1536xf32, #tpu.memory_space<vmem>>, vector<16xf32>,
      %swap3A_1408 = arith.constant 2816 : index
      %swap3A_1409 = tpu.vector_load %arg8[%swap3A_1408] {strides = array<i32>} : memref<8192xf32, #tpu.memory_space<vmem>>, vector<16xf32>,
      tpu.vector_store %arg8[%swap3A_1408], %get3A_1407 {strides = array<i32>} : memref<8192xf32, #tpu.memory_space<vmem>>, vector<16xf32>,
      %add3A_1410 = arith.constant 16 : i32
      %add3A_1411 = arith.addi %mul3A_1403, %add3A_1410 : i32
      %get3A_1412 = arith.index_cast %add3A_1411 : i32 to index
      %get3A_1413 = tpu.vector_load %arg7[%get3A_1412] {strides = array<i32>} : memref<1536xf32, #tpu.memory_space<vmem>>, vector<16xf32>,
      %swap3A_1414 = arith.constant 2832 : index
      %swap3A_1415 = tpu.vector_load %arg8[%swap3A_1414] {strides = array<i32>} : memref<8192xf32, #tpu.memory_space<vmem>>, vector<16xf32>,
      tpu.vector_store %arg8[%swap3A_1414], %get3A_1413 {strides = array<i32>} : memref<8192xf32, #tpu.memory_space<vmem>>, vector<16xf32>,
      %add3A_1416 = arith.constant 32 : i32
      %add3A_1417 = arith.addi %mul3A_1403, %add3A_1416 : i32
      %get3A_1418 = arith.index_cast %add3A_1417 : i32 to index
      %get3A_1419 = tpu.vector_load %arg7[%get3A_1418] {strides = array<i32>} : memref<1536xf32, #tpu.memory_space<vmem>>, vector<16xf32>,
      %swap3A_1420 = arith.constant 2848 : index
      %swap3A_1421 = tpu.vector_load %arg8[%swap3A_1420] {strides = array<i32>} : memref<8192xf32, #tpu.memory_space<vmem>>, vector<16xf32>,
      tpu.vector_store %arg8[%swap3A_1420], %get3A_1419 {strides = array<i32>} : memref<8192xf32, #tpu.memory_space<vmem>>, vector<16xf32>,
      %add3A_1422 = arith.constant 48 : i32
      %add3A_1423 = arith.addi %mul3A_1403, %add3A_1422 : i32
      %get3A_1424 = arith.index_cast %add3A_1423 : i32 to index
      %get3A_1425 = tpu.vector_load %arg7[%get3A_1424] {strides = array<i32>} : memref<1536xf32, #tpu.memory_space<vmem>>, vector<16xf32>,
      %swap3A_1426 = arith.constant 2864 : index
      %swap3A_1427 = tpu.vector_load %arg8[%swap3A_1426] {strides = array<i32>} : memref<8192xf32, #tpu.memory_space<vmem>>, vector<16xf32>,
      tpu.vector_store %arg8[%swap3A_1426], %get3A_1425 {strides = array<i32>} : memref<8192xf32, #tpu.memory_space<vmem>>, vector<16xf32>,
      %add3A_1428 = arith.constant 64 : i32
      %add3A_1429 = arith.addi %mul3A_1403, %add3A_1428 : i32
      %get3A_1430 = arith.index_cast %add3A_1429 : i32 to index
      %get3A_1431 = tpu.vector_load %arg7[%get3A_1430] {strides = array<i32>} : memref<1536xf32, #tpu.memory_space<vmem>>, vector<16xf32>,
      %swap3A_1432 = arith.constant 2880 : index
      %swap3A_1433 = tpu.vector_load %arg8[%swap3A_1432] {strides = array<i32>} : memref<8192xf32, #tpu.memory_space<vmem>>, vector<16xf32>,
      tpu.vector_store %arg8[%swap3A_1432], %get3A_1431 {strides = array<i32>} : memref<8192xf32, #tpu.memory_space<vmem>>, vector<16xf32>,
      %add3A_1434 = arith.constant 80 : i32
      %add3A_1435 = arith.addi %mul3A_1403, %add3A_1434 : i32
      %get3A_1436 = arith.index_cast %add3A_1435 : i32 to index
      %get3A_1437 = tpu.vector_load %arg7[%get3A_1436] {strides = array<i32>} : memref<1536xf32, #tpu.memory_space<vmem>>, vector<16xf32>,
      %swap3A_1438 = arith.constant 2896 : index
      %swap3A_1439 = tpu.vector_load %arg8[%swap3A_1438] {strides = array<i32>} : memref<8192xf32, #tpu.memory_space<vmem>>, vector<16xf32>,
      tpu.vector_store %arg8[%swap3A_1438], %get3A_1437 {strides = array<i32>} : memref<8192xf32, #tpu.memory_space<vmem>>, vector<16xf32>,
      %add3A_1440 = arith.constant 96 : i32
      %add3A_1441 = arith.addi %mul3A_1403, %add3A_1440 : i32
      %get3A_1442 = arith.index_cast %add3A_1441 : i32 to index
      %get3A_1443 = tpu.vector_load %arg7[%get3A_1442] {strides = array<i32>} : memref<1536xf32, #tpu.memory_space<vmem>>, vector<16xf32>,
      %swap3A_1444 = arith.constant 2912 : index
      %swap3A_1445 = tpu.vector_load %arg8[%swap3A_1444] {strides = array<i32>} : memref<8192xf32, #tpu.memory_space<vmem>>, vector<16xf32>,
      tpu.vector_store %arg8[%swap3A_1444], %get3A_1443 {strides = array<i32>} : memref<8192xf32, #tpu.memory_space<vmem>>, vector<16xf32>,
      %add3A_1446 = arith.constant 112 : i32
      %add3A_1447 = arith.addi %mul3A_1403, %add3A_1446 : i32
      %get3A_1448 = arith.index_cast %add3A_1447 : i32 to index
      %get3A_1449 = tpu.vector_load %arg7[%get3A_1448] {strides = array<i32>} : memref<1536xf32, #tpu.memory_space<vmem>>, vector<16xf32>,
      %swap3A_1450 = arith.constant 2928 : index
      %swap3A_1451 = tpu.vector_load %arg8[%swap3A_1450] {strides = array<i32>} : memref<8192xf32, #tpu.memory_space<vmem>>, vector<16xf32>,
      tpu.vector_store %arg8[%swap3A_1450], %get3A_1449 {strides = array<i32>} : memref<8192xf32, #tpu.memory_space<vmem>>, vector<16xf32>,
      %get3A_1452 = arith.constant 0 : i32
      %get3A_1453 = arith.constant 23 : i32
      %get3A_1454 = arith.index_cast %get3A_1452 : i32 to index
      %get3A_1455 = arith.index_cast %get3A_1453 : i32 to index
      %get3A_1456 = memref.load %arg9[%get3A_1454, %get3A_1455] : memref<2x32xi32, #tpu.memory_space<smem>>
      %gt3A_1457 = arith.constant 1000 : i32
      %gt3A_1458 = arith.cmpi sgt, %get3A_1456, %gt3A_1457 : i32
      %min3A_1459 = arith.constant 10 : i32
      %min3A_1460 = arith.minsi %get3A_1456, %min3A_1459 : i32
      %jit3A_1461 = arith.constant 11 : i32
      %select_n3A_1462 = arith.select %gt3A_1458, %jit3A_1461, %min3A_1460 : i32
      %mul3A_1463 = arith.constant 128 : i32
      %mul3A_1464 = arith.muli %select_n3A_1462, %mul3A_1463 : i32
      %add3A_1465 = arith.constant 0 : i32
      %add3A_1466 = arith.addi %mul3A_1464, %add3A_1465 : i32
      %get3A_1467 = arith.index_cast %add3A_1466 : i32 to index
      %get3A_1468 = tpu.vector_load %arg7[%get3A_1467] {strides = array<i32>} : memref<1536xf32, #tpu.memory_space<vmem>>, vector<16xf32>,
      %swap3A_1469 = arith.constant 2944 : index
      %swap3A_1470 = tpu.vector_load %arg8[%swap3A_1469] {strides = array<i32>} : memref<8192xf32, #tpu.memory_space<vmem>>, vector<16xf32>,
      tpu.vector_store %arg8[%swap3A_1469], %get3A_1468 {strides = array<i32>} : memref<8192xf32, #tpu.memory_space<vmem>>, vector<16xf32>,
      %add3A_1471 = arith.constant 16 : i32
      %add3A_1472 = arith.addi %mul3A_1464, %add3A_1471 : i32
      %get3A_1473 = arith.index_cast %add3A_1472 : i32 to index
      %get3A_1474 = tpu.vector_load %arg7[%get3A_1473] {strides = array<i32>} : memref<1536xf32, #tpu.memory_space<vmem>>, vector<16xf32>,
      %swap3A_1475 = arith.constant 2960 : index
      %swap3A_1476 = tpu.vector_load %arg8[%swap3A_1475] {strides = array<i32>} : memref<8192xf32, #tpu.memory_space<vmem>>, vector<16xf32>,
      tpu.vector_store %arg8[%swap3A_1475], %get3A_1474 {strides = array<i32>} : memref<8192xf32, #tpu.memory_space<vmem>>, vector<16xf32>,
      %add3A_1477 = arith.constant 32 : i32
      %add3A_1478 = arith.addi %mul3A_1464, %add3A_1477 : i32
      %get3A_1479 = arith.index_cast %add3A_1478 : i32 to index
      %get3A_1480 = tpu.vector_load %arg7[%get3A_1479] {strides = array<i32>} : memref<1536xf32, #tpu.memory_space<vmem>>, vector<16xf32>,
      %swap3A_1481 = arith.constant 2976 : index
      %swap3A_1482 = tpu.vector_load %arg8[%swap3A_1481] {strides = array<i32>} : memref<8192xf32, #tpu.memory_space<vmem>>, vector<16xf32>,
      tpu.vector_store %arg8[%swap3A_1481], %get3A_1480 {strides = array<i32>} : memref<8192xf32, #tpu.memory_space<vmem>>, vector<16xf32>,
      %add3A_1483 = arith.constant 48 : i32
      %add3A_1484 = arith.addi %mul3A_1464, %add3A_1483 : i32
      %get3A_1485 = arith.index_cast %add3A_1484 : i32 to index
      %get3A_1486 = tpu.vector_load %arg7[%get3A_1485] {strides = array<i32>} : memref<1536xf32, #tpu.memory_space<vmem>>, vector<16xf32>,
      %swap3A_1487 = arith.constant 2992 : index
      %swap3A_1488 = tpu.vector_load %arg8[%swap3A_1487] {strides = array<i32>} : memref<8192xf32, #tpu.memory_space<vmem>>, vector<16xf32>,
      tpu.vector_store %arg8[%swap3A_1487], %get3A_1486 {strides = array<i32>} : memref<8192xf32, #tpu.memory_space<vmem>>, vector<16xf32>,
      %add3A_1489 = arith.constant 64 : i32
      %add3A_1490 = arith.addi %mul3A_1464, %add3A_1489 : i32
      %get3A_1491 = arith.index_cast %add3A_1490 : i32 to index
      %get3A_1492 = tpu.vector_load %arg7[%get3A_1491] {strides = array<i32>} : memref<1536xf32, #tpu.memory_space<vmem>>, vector<16xf32>,
      %swap3A_1493 = arith.constant 3008 : index
      %swap3A_1494 = tpu.vector_load %arg8[%swap3A_1493] {strides = array<i32>} : memref<8192xf32, #tpu.memory_space<vmem>>, vector<16xf32>,
      tpu.vector_store %arg8[%swap3A_1493], %get3A_1492 {strides = array<i32>} : memref<8192xf32, #tpu.memory_space<vmem>>, vector<16xf32>,
      %add3A_1495 = arith.constant 80 : i32
      %add3A_1496 = arith.addi %mul3A_1464, %add3A_1495 : i32
      %get3A_1497 = arith.index_cast %add3A_1496 : i32 to index
      %get3A_1498 = tpu.vector_load %arg7[%get3A_1497] {strides = array<i32>} : memref<1536xf32, #tpu.memory_space<vmem>>, vector<16xf32>,
      %swap3A_1499 = arith.constant 3024 : index
      %swap3A_1500 = tpu.vector_load %arg8[%swap3A_1499] {strides = array<i32>} : memref<8192xf32, #tpu.memory_space<vmem>>, vector<16xf32>,
      tpu.vector_store %arg8[%swap3A_1499], %get3A_1498 {strides = array<i32>} : memref<8192xf32, #tpu.memory_space<vmem>>, vector<16xf32>,
      %add3A_1501 = arith.constant 96 : i32
      %add3A_1502 = arith.addi %mul3A_1464, %add3A_1501 : i32
      %get3A_1503 = arith.index_cast %add3A_1502 : i32 to index
      %get3A_1504 = tpu.vector_load %arg7[%get3A_1503] {strides = array<i32>} : memref<1536xf32, #tpu.memory_space<vmem>>, vector<16xf32>,
      %swap3A_1505 = arith.constant 3040 : index
      %swap3A_1506 = tpu.vector_load %arg8[%swap3A_1505] {strides = array<i32>} : memref<8192xf32, #tpu.memory_space<vmem>>, vector<16xf32>,
      tpu.vector_store %arg8[%swap3A_1505], %get3A_1504 {strides = array<i32>} : memref<8192xf32, #tpu.memory_space<vmem>>, vector<16xf32>,
      %add3A_1507 = arith.constant 112 : i32
      %add3A_1508 = arith.addi %mul3A_1464, %add3A_1507 : i32
      %get3A_1509 = arith.index_cast %add3A_1508 : i32 to index
      %get3A_1510 = tpu.vector_load %arg7[%get3A_1509] {strides = array<i32>} : memref<1536xf32, #tpu.memory_space<vmem>>, vector<16xf32>,
      %swap3A_1511 = arith.constant 3056 : index
      %swap3A_1512 = tpu.vector_load %arg8[%swap3A_1511] {strides = array<i32>} : memref<8192xf32, #tpu.memory_space<vmem>>, vector<16xf32>,
      tpu.vector_store %arg8[%swap3A_1511], %get3A_1510 {strides = array<i32>} : memref<8192xf32, #tpu.memory_space<vmem>>, vector<16xf32>,
      %get3A_1513 = arith.constant 0 : i32
      %get3A_1514 = arith.constant 24 : i32
      %get3A_1515 = arith.index_cast %get3A_1513 : i32 to index
      %get3A_1516 = arith.index_cast %get3A_1514 : i32 to index
      %get3A_1517 = memref.load %arg9[%get3A_1515, %get3A_1516] : memref<2x32xi32, #tpu.memory_space<smem>>
      %gt3A_1518 = arith.constant 1000 : i32
      %gt3A_1519 = arith.cmpi sgt, %get3A_1517, %gt3A_1518 : i32
      %min3A_1520 = arith.constant 10 : i32
      %min3A_1521 = arith.minsi %get3A_1517, %min3A_1520 : i32
      %jit3A_1522 = arith.constant 11 : i32
      %select_n3A_1523 = arith.select %gt3A_1519, %jit3A_1522, %min3A_1521 : i32
      %mul3A_1524 = arith.constant 128 : i32
      %mul3A_1525 = arith.muli %select_n3A_1523, %mul3A_1524 : i32
      %add3A_1526 = arith.constant 0 : i32
      %add3A_1527 = arith.addi %mul3A_1525, %add3A_1526 : i32
      %get3A_1528 = arith.index_cast %add3A_1527 : i32 to index
      %get3A_1529 = tpu.vector_load %arg7[%get3A_1528] {strides = array<i32>} : memref<1536xf32, #tpu.memory_space<vmem>>, vector<16xf32>,
      %swap3A_1530 = arith.constant 3072 : index
      %swap3A_1531 = tpu.vector_load %arg8[%swap3A_1530] {strides = array<i32>} : memref<8192xf32, #tpu.memory_space<vmem>>, vector<16xf32>,
      tpu.vector_store %arg8[%swap3A_1530], %get3A_1529 {strides = array<i32>} : memref<8192xf32, #tpu.memory_space<vmem>>, vector<16xf32>,
      %add3A_1532 = arith.constant 16 : i32
      %add3A_1533 = arith.addi %mul3A_1525, %add3A_1532 : i32
      %get3A_1534 = arith.index_cast %add3A_1533 : i32 to index
      %get3A_1535 = tpu.vector_load %arg7[%get3A_1534] {strides = array<i32>} : memref<1536xf32, #tpu.memory_space<vmem>>, vector<16xf32>,
      %swap3A_1536 = arith.constant 3088 : index
      %swap3A_1537 = tpu.vector_load %arg8[%swap3A_1536] {strides = array<i32>} : memref<8192xf32, #tpu.memory_space<vmem>>, vector<16xf32>,
      tpu.vector_store %arg8[%swap3A_1536], %get3A_1535 {strides = array<i32>} : memref<8192xf32, #tpu.memory_space<vmem>>, vector<16xf32>,
      %add3A_1538 = arith.constant 32 : i32
      %add3A_1539 = arith.addi %mul3A_1525, %add3A_1538 : i32
      %get3A_1540 = arith.index_cast %add3A_1539 : i32 to index
      %get3A_1541 = tpu.vector_load %arg7[%get3A_1540] {strides = array<i32>} : memref<1536xf32, #tpu.memory_space<vmem>>, vector<16xf32>,
      %swap3A_1542 = arith.constant 3104 : index
      %swap3A_1543 = tpu.vector_load %arg8[%swap3A_1542] {strides = array<i32>} : memref<8192xf32, #tpu.memory_space<vmem>>, vector<16xf32>,
      tpu.vector_store %arg8[%swap3A_1542], %get3A_1541 {strides = array<i32>} : memref<8192xf32, #tpu.memory_space<vmem>>, vector<16xf32>,
      %add3A_1544 = arith.constant 48 : i32
      %add3A_1545 = arith.addi %mul3A_1525, %add3A_1544 : i32
      %get3A_1546 = arith.index_cast %add3A_1545 : i32 to index
      %get3A_1547 = tpu.vector_load %arg7[%get3A_1546] {strides = array<i32>} : memref<1536xf32, #tpu.memory_space<vmem>>, vector<16xf32>,
      %swap3A_1548 = arith.constant 3120 : index
      %swap3A_1549 = tpu.vector_load %arg8[%swap3A_1548] {strides = array<i32>} : memref<8192xf32, #tpu.memory_space<vmem>>, vector<16xf32>,
      tpu.vector_store %arg8[%swap3A_1548], %get3A_1547 {strides = array<i32>} : memref<8192xf32, #tpu.memory_space<vmem>>, vector<16xf32>,
      %add3A_1550 = arith.constant 64 : i32
      %add3A_1551 = arith.addi %mul3A_1525, %add3A_1550 : i32
      %get3A_1552 = arith.index_cast %add3A_1551 : i32 to index
      %get3A_1553 = tpu.vector_load %arg7[%get3A_1552] {strides = array<i32>} : memref<1536xf32, #tpu.memory_space<vmem>>, vector<16xf32>,
      %swap3A_1554 = arith.constant 3136 : index
      %swap3A_1555 = tpu.vector_load %arg8[%swap3A_1554] {strides = array<i32>} : memref<8192xf32, #tpu.memory_space<vmem>>, vector<16xf32>,
      tpu.vector_store %arg8[%swap3A_1554], %get3A_1553 {strides = array<i32>} : memref<8192xf32, #tpu.memory_space<vmem>>, vector<16xf32>,
      %add3A_1556 = arith.constant 80 : i32
      %add3A_1557 = arith.addi %mul3A_1525, %add3A_1556 : i32
      %get3A_1558 = arith.index_cast %add3A_1557 : i32 to index
      %get3A_1559 = tpu.vector_load %arg7[%get3A_1558] {strides = array<i32>} : memref<1536xf32, #tpu.memory_space<vmem>>, vector<16xf32>,
      %swap3A_1560 = arith.constant 3152 : index
      %swap3A_1561 = tpu.vector_load %arg8[%swap3A_1560] {strides = array<i32>} : memref<8192xf32, #tpu.memory_space<vmem>>, vector<16xf32>,
      tpu.vector_store %arg8[%swap3A_1560], %get3A_1559 {strides = array<i32>} : memref<8192xf32, #tpu.memory_space<vmem>>, vector<16xf32>,
      %add3A_1562 = arith.constant 96 : i32
      %add3A_1563 = arith.addi %mul3A_1525, %add3A_1562 : i32
      %get3A_1564 = arith.index_cast %add3A_1563 : i32 to index
      %get3A_1565 = tpu.vector_load %arg7[%get3A_1564] {strides = array<i32>} : memref<1536xf32, #tpu.memory_space<vmem>>, vector<16xf32>,
      %swap3A_1566 = arith.constant 3168 : index
      %swap3A_1567 = tpu.vector_load %arg8[%swap3A_1566] {strides = array<i32>} : memref<8192xf32, #tpu.memory_space<vmem>>, vector<16xf32>,
      tpu.vector_store %arg8[%swap3A_1566], %get3A_1565 {strides = array<i32>} : memref<8192xf32, #tpu.memory_space<vmem>>, vector<16xf32>,
      %add3A_1568 = arith.constant 112 : i32
      %add3A_1569 = arith.addi %mul3A_1525, %add3A_1568 : i32
      %get3A_1570 = arith.index_cast %add3A_1569 : i32 to index
      %get3A_1571 = tpu.vector_load %arg7[%get3A_1570] {strides = array<i32>} : memref<1536xf32, #tpu.memory_space<vmem>>, vector<16xf32>,
      %swap3A_1572 = arith.constant 3184 : index
      %swap3A_1573 = tpu.vector_load %arg8[%swap3A_1572] {strides = array<i32>} : memref<8192xf32, #tpu.memory_space<vmem>>, vector<16xf32>,
      tpu.vector_store %arg8[%swap3A_1572], %get3A_1571 {strides = array<i32>} : memref<8192xf32, #tpu.memory_space<vmem>>, vector<16xf32>,
      %get3A_1574 = arith.constant 0 : i32
      %get3A_1575 = arith.constant 25 : i32
      %get3A_1576 = arith.index_cast %get3A_1574 : i32 to index
      %get3A_1577 = arith.index_cast %get3A_1575 : i32 to index
      %get3A_1578 = memref.load %arg9[%get3A_1576, %get3A_1577] : memref<2x32xi32, #tpu.memory_space<smem>>
      %gt3A_1579 = arith.constant 1000 : i32
      %gt3A_1580 = arith.cmpi sgt, %get3A_1578, %gt3A_1579 : i32
      %min3A_1581 = arith.constant 10 : i32
      %min3A_1582 = arith.minsi %get3A_1578, %min3A_1581 : i32
      %jit3A_1583 = arith.constant 11 : i32
      %select_n3A_1584 = arith.select %gt3A_1580, %jit3A_1583, %min3A_1582 : i32
      %mul3A_1585 = arith.constant 128 : i32
      %mul3A_1586 = arith.muli %select_n3A_1584, %mul3A_1585 : i32
      %add3A_1587 = arith.constant 0 : i32
      %add3A_1588 = arith.addi %mul3A_1586, %add3A_1587 : i32
      %get3A_1589 = arith.index_cast %add3A_1588 : i32 to index
      %get3A_1590 = tpu.vector_load %arg7[%get3A_1589] {strides = array<i32>} : memref<1536xf32, #tpu.memory_space<vmem>>, vector<16xf32>,
      %swap3A_1591 = arith.constant 3200 : index
      %swap3A_1592 = tpu.vector_load %arg8[%swap3A_1591] {strides = array<i32>} : memref<8192xf32, #tpu.memory_space<vmem>>, vector<16xf32>,
      tpu.vector_store %arg8[%swap3A_1591], %get3A_1590 {strides = array<i32>} : memref<8192xf32, #tpu.memory_space<vmem>>, vector<16xf32>,
      %add3A_1593 = arith.constant 16 : i32
      %add3A_1594 = arith.addi %mul3A_1586, %add3A_1593 : i32
      %get3A_1595 = arith.index_cast %add3A_1594 : i32 to index
      %get3A_1596 = tpu.vector_load %arg7[%get3A_1595] {strides = array<i32>} : memref<1536xf32, #tpu.memory_space<vmem>>, vector<16xf32>,
      %swap3A_1597 = arith.constant 3216 : index
      %swap3A_1598 = tpu.vector_load %arg8[%swap3A_1597] {strides = array<i32>} : memref<8192xf32, #tpu.memory_space<vmem>>, vector<16xf32>,
      tpu.vector_store %arg8[%swap3A_1597], %get3A_1596 {strides = array<i32>} : memref<8192xf32, #tpu.memory_space<vmem>>, vector<16xf32>,
      %add3A_1599 = arith.constant 32 : i32
      %add3A_1600 = arith.addi %mul3A_1586, %add3A_1599 : i32
      %get3A_1601 = arith.index_cast %add3A_1600 : i32 to index
      %get3A_1602 = tpu.vector_load %arg7[%get3A_1601] {strides = array<i32>} : memref<1536xf32, #tpu.memory_space<vmem>>, vector<16xf32>,
      %swap3A_1603 = arith.constant 3232 : index
      %swap3A_1604 = tpu.vector_load %arg8[%swap3A_1603] {strides = array<i32>} : memref<8192xf32, #tpu.memory_space<vmem>>, vector<16xf32>,
      tpu.vector_store %arg8[%swap3A_1603], %get3A_1602 {strides = array<i32>} : memref<8192xf32, #tpu.memory_space<vmem>>, vector<16xf32>,
      %add3A_1605 = arith.constant 48 : i32
      %add3A_1606 = arith.addi %mul3A_1586, %add3A_1605 : i32
      %get3A_1607 = arith.index_cast %add3A_1606 : i32 to index
      %get3A_1608 = tpu.vector_load %arg7[%get3A_1607] {strides = array<i32>} : memref<1536xf32, #tpu.memory_space<vmem>>, vector<16xf32>,
      %swap3A_1609 = arith.constant 3248 : index
      %swap3A_1610 = tpu.vector_load %arg8[%swap3A_1609] {strides = array<i32>} : memref<8192xf32, #tpu.memory_space<vmem>>, vector<16xf32>,
      tpu.vector_store %arg8[%swap3A_1609], %get3A_1608 {strides = array<i32>} : memref<8192xf32, #tpu.memory_space<vmem>>, vector<16xf32>,
      %add3A_1611 = arith.constant 64 : i32
      %add3A_1612 = arith.addi %mul3A_1586, %add3A_1611 : i32
      %get3A_1613 = arith.index_cast %add3A_1612 : i32 to index
      %get3A_1614 = tpu.vector_load %arg7[%get3A_1613] {strides = array<i32>} : memref<1536xf32, #tpu.memory_space<vmem>>, vector<16xf32>,
      %swap3A_1615 = arith.constant 3264 : index
      %swap3A_1616 = tpu.vector_load %arg8[%swap3A_1615] {strides = array<i32>} : memref<8192xf32, #tpu.memory_space<vmem>>, vector<16xf32>,
      tpu.vector_store %arg8[%swap3A_1615], %get3A_1614 {strides = array<i32>} : memref<8192xf32, #tpu.memory_space<vmem>>, vector<16xf32>,
      %add3A_1617 = arith.constant 80 : i32
      %add3A_1618 = arith.addi %mul3A_1586, %add3A_1617 : i32
      %get3A_1619 = arith.index_cast %add3A_1618 : i32 to index
      %get3A_1620 = tpu.vector_load %arg7[%get3A_1619] {strides = array<i32>} : memref<1536xf32, #tpu.memory_space<vmem>>, vector<16xf32>,
      %swap3A_1621 = arith.constant 3280 : index
      %swap3A_1622 = tpu.vector_load %arg8[%swap3A_1621] {strides = array<i32>} : memref<8192xf32, #tpu.memory_space<vmem>>, vector<16xf32>,
      tpu.vector_store %arg8[%swap3A_1621], %get3A_1620 {strides = array<i32>} : memref<8192xf32, #tpu.memory_space<vmem>>, vector<16xf32>,
      %add3A_1623 = arith.constant 96 : i32
      %add3A_1624 = arith.addi %mul3A_1586, %add3A_1623 : i32
      %get3A_1625 = arith.index_cast %add3A_1624 : i32 to index
      %get3A_1626 = tpu.vector_load %arg7[%get3A_1625] {strides = array<i32>} : memref<1536xf32, #tpu.memory_space<vmem>>, vector<16xf32>,
      %swap3A_1627 = arith.constant 3296 : index
      %swap3A_1628 = tpu.vector_load %arg8[%swap3A_1627] {strides = array<i32>} : memref<8192xf32, #tpu.memory_space<vmem>>, vector<16xf32>,
      tpu.vector_store %arg8[%swap3A_1627], %get3A_1626 {strides = array<i32>} : memref<8192xf32, #tpu.memory_space<vmem>>, vector<16xf32>,
      %add3A_1629 = arith.constant 112 : i32
      %add3A_1630 = arith.addi %mul3A_1586, %add3A_1629 : i32
      %get3A_1631 = arith.index_cast %add3A_1630 : i32 to index
      %get3A_1632 = tpu.vector_load %arg7[%get3A_1631] {strides = array<i32>} : memref<1536xf32, #tpu.memory_space<vmem>>, vector<16xf32>,
      %swap3A_1633 = arith.constant 3312 : index
      %swap3A_1634 = tpu.vector_load %arg8[%swap3A_1633] {strides = array<i32>} : memref<8192xf32, #tpu.memory_space<vmem>>, vector<16xf32>,
      tpu.vector_store %arg8[%swap3A_1633], %get3A_1632 {strides = array<i32>} : memref<8192xf32, #tpu.memory_space<vmem>>, vector<16xf32>,
      %get3A_1635 = arith.constant 0 : i32
      %get3A_1636 = arith.constant 26 : i32
      %get3A_1637 = arith.index_cast %get3A_1635 : i32 to index
      %get3A_1638 = arith.index_cast %get3A_1636 : i32 to index
      %get3A_1639 = memref.load %arg9[%get3A_1637, %get3A_1638] : memref<2x32xi32, #tpu.memory_space<smem>>
      %gt3A_1640 = arith.constant 1000 : i32
      %gt3A_1641 = arith.cmpi sgt, %get3A_1639, %gt3A_1640 : i32
      %min3A_1642 = arith.constant 10 : i32
      %min3A_1643 = arith.minsi %get3A_1639, %min3A_1642 : i32
      %jit3A_1644 = arith.constant 11 : i32
      %select_n3A_1645 = arith.select %gt3A_1641, %jit3A_1644, %min3A_1643 : i32
      %mul3A_1646 = arith.constant 128 : i32
      %mul3A_1647 = arith.muli %select_n3A_1645, %mul3A_1646 : i32
      %add3A_1648 = arith.constant 0 : i32
      %add3A_1649 = arith.addi %mul3A_1647, %add3A_1648 : i32
      %get3A_1650 = arith.index_cast %add3A_1649 : i32 to index
      %get3A_1651 = tpu.vector_load %arg7[%get3A_1650] {strides = array<i32>} : memref<1536xf32, #tpu.memory_space<vmem>>, vector<16xf32>,
      %swap3A_1652 = arith.constant 3328 : index
      %swap3A_1653 = tpu.vector_load %arg8[%swap3A_1652] {strides = array<i32>} : memref<8192xf32, #tpu.memory_space<vmem>>, vector<16xf32>,
      tpu.vector_store %arg8[%swap3A_1652], %get3A_1651 {strides = array<i32>} : memref<8192xf32, #tpu.memory_space<vmem>>, vector<16xf32>,
      %add3A_1654 = arith.constant 16 : i32
      %add3A_1655 = arith.addi %mul3A_1647, %add3A_1654 : i32
      %get3A_1656 = arith.index_cast %add3A_1655 : i32 to index
      %get3A_1657 = tpu.vector_load %arg7[%get3A_1656] {strides = array<i32>} : memref<1536xf32, #tpu.memory_space<vmem>>, vector<16xf32>,
      %swap3A_1658 = arith.constant 3344 : index
      %swap3A_1659 = tpu.vector_load %arg8[%swap3A_1658] {strides = array<i32>} : memref<8192xf32, #tpu.memory_space<vmem>>, vector<16xf32>,
      tpu.vector_store %arg8[%swap3A_1658], %get3A_1657 {strides = array<i32>} : memref<8192xf32, #tpu.memory_space<vmem>>, vector<16xf32>,
      %add3A_1660 = arith.constant 32 : i32
      %add3A_1661 = arith.addi %mul3A_1647, %add3A_1660 : i32
      %get3A_1662 = arith.index_cast %add3A_1661 : i32 to index
      %get3A_1663 = tpu.vector_load %arg7[%get3A_1662] {strides = array<i32>} : memref<1536xf32, #tpu.memory_space<vmem>>, vector<16xf32>,
      %swap3A_1664 = arith.constant 3360 : index
      %swap3A_1665 = tpu.vector_load %arg8[%swap3A_1664] {strides = array<i32>} : memref<8192xf32, #tpu.memory_space<vmem>>, vector<16xf32>,
      tpu.vector_store %arg8[%swap3A_1664], %get3A_1663 {strides = array<i32>} : memref<8192xf32, #tpu.memory_space<vmem>>, vector<16xf32>,
      %add3A_1666 = arith.constant 48 : i32
      %add3A_1667 = arith.addi %mul3A_1647, %add3A_1666 : i32
      %get3A_1668 = arith.index_cast %add3A_1667 : i32 to index
      %get3A_1669 = tpu.vector_load %arg7[%get3A_1668] {strides = array<i32>} : memref<1536xf32, #tpu.memory_space<vmem>>, vector<16xf32>,
      %swap3A_1670 = arith.constant 3376 : index
      %swap3A_1671 = tpu.vector_load %arg8[%swap3A_1670] {strides = array<i32>} : memref<8192xf32, #tpu.memory_space<vmem>>, vector<16xf32>,
      tpu.vector_store %arg8[%swap3A_1670], %get3A_1669 {strides = array<i32>} : memref<8192xf32, #tpu.memory_space<vmem>>, vector<16xf32>,
      %add3A_1672 = arith.constant 64 : i32
      %add3A_1673 = arith.addi %mul3A_1647, %add3A_1672 : i32
      %get3A_1674 = arith.index_cast %add3A_1673 : i32 to index
      %get3A_1675 = tpu.vector_load %arg7[%get3A_1674] {strides = array<i32>} : memref<1536xf32, #tpu.memory_space<vmem>>, vector<16xf32>,
      %swap3A_1676 = arith.constant 3392 : index
      %swap3A_1677 = tpu.vector_load %arg8[%swap3A_1676] {strides = array<i32>} : memref<8192xf32, #tpu.memory_space<vmem>>, vector<16xf32>,
      tpu.vector_store %arg8[%swap3A_1676], %get3A_1675 {strides = array<i32>} : memref<8192xf32, #tpu.memory_space<vmem>>, vector<16xf32>,
      %add3A_1678 = arith.constant 80 : i32
      %add3A_1679 = arith.addi %mul3A_1647, %add3A_1678 : i32
      %get3A_1680 = arith.index_cast %add3A_1679 : i32 to index
      %get3A_1681 = tpu.vector_load %arg7[%get3A_1680] {strides = array<i32>} : memref<1536xf32, #tpu.memory_space<vmem>>, vector<16xf32>,
      %swap3A_1682 = arith.constant 3408 : index
      %swap3A_1683 = tpu.vector_load %arg8[%swap3A_1682] {strides = array<i32>} : memref<8192xf32, #tpu.memory_space<vmem>>, vector<16xf32>,
      tpu.vector_store %arg8[%swap3A_1682], %get3A_1681 {strides = array<i32>} : memref<8192xf32, #tpu.memory_space<vmem>>, vector<16xf32>,
      %add3A_1684 = arith.constant 96 : i32
      %add3A_1685 = arith.addi %mul3A_1647, %add3A_1684 : i32
      %get3A_1686 = arith.index_cast %add3A_1685 : i32 to index
      %get3A_1687 = tpu.vector_load %arg7[%get3A_1686] {strides = array<i32>} : memref<1536xf32, #tpu.memory_space<vmem>>, vector<16xf32>,
      %swap3A_1688 = arith.constant 3424 : index
      %swap3A_1689 = tpu.vector_load %arg8[%swap3A_1688] {strides = array<i32>} : memref<8192xf32, #tpu.memory_space<vmem>>, vector<16xf32>,
      tpu.vector_store %arg8[%swap3A_1688], %get3A_1687 {strides = array<i32>} : memref<8192xf32, #tpu.memory_space<vmem>>, vector<16xf32>,
      %add3A_1690 = arith.constant 112 : i32
      %add3A_1691 = arith.addi %mul3A_1647, %add3A_1690 : i32
      %get3A_1692 = arith.index_cast %add3A_1691 : i32 to index
      %get3A_1693 = tpu.vector_load %arg7[%get3A_1692] {strides = array<i32>} : memref<1536xf32, #tpu.memory_space<vmem>>, vector<16xf32>,
      %swap3A_1694 = arith.constant 3440 : index
      %swap3A_1695 = tpu.vector_load %arg8[%swap3A_1694] {strides = array<i32>} : memref<8192xf32, #tpu.memory_space<vmem>>, vector<16xf32>,
      tpu.vector_store %arg8[%swap3A_1694], %get3A_1693 {strides = array<i32>} : memref<8192xf32, #tpu.memory_space<vmem>>, vector<16xf32>,
      %get3A_1696 = arith.constant 0 : i32
      %get3A_1697 = arith.constant 27 : i32
      %get3A_1698 = arith.index_cast %get3A_1696 : i32 to index
      %get3A_1699 = arith.index_cast %get3A_1697 : i32 to index
      %get3A_1700 = memref.load %arg9[%get3A_1698, %get3A_1699] : memref<2x32xi32, #tpu.memory_space<smem>>
      %gt3A_1701 = arith.constant 1000 : i32
      %gt3A_1702 = arith.cmpi sgt, %get3A_1700, %gt3A_1701 : i32
      %min3A_1703 = arith.constant 10 : i32
      %min3A_1704 = arith.minsi %get3A_1700, %min3A_1703 : i32
      %jit3A_1705 = arith.constant 11 : i32
      %select_n3A_1706 = arith.select %gt3A_1702, %jit3A_1705, %min3A_1704 : i32
      %mul3A_1707 = arith.constant 128 : i32
      %mul3A_1708 = arith.muli %select_n3A_1706, %mul3A_1707 : i32
      %add3A_1709 = arith.constant 0 : i32
      %add3A_1710 = arith.addi %mul3A_1708, %add3A_1709 : i32
      %get3A_1711 = arith.index_cast %add3A_1710 : i32 to index
      %get3A_1712 = tpu.vector_load %arg7[%get3A_1711] {strides = array<i32>} : memref<1536xf32, #tpu.memory_space<vmem>>, vector<16xf32>,
      %swap3A_1713 = arith.constant 3456 : index
      %swap3A_1714 = tpu.vector_load %arg8[%swap3A_1713] {strides = array<i32>} : memref<8192xf32, #tpu.memory_space<vmem>>, vector<16xf32>,
      tpu.vector_store %arg8[%swap3A_1713], %get3A_1712 {strides = array<i32>} : memref<8192xf32, #tpu.memory_space<vmem>>, vector<16xf32>,
      %add3A_1715 = arith.constant 16 : i32
      %add3A_1716 = arith.addi %mul3A_1708, %add3A_1715 : i32
      %get3A_1717 = arith.index_cast %add3A_1716 : i32 to index
      %get3A_1718 = tpu.vector_load %arg7[%get3A_1717] {strides = array<i32>} : memref<1536xf32, #tpu.memory_space<vmem>>, vector<16xf32>,
      %swap3A_1719 = arith.constant 3472 : index
      %swap3A_1720 = tpu.vector_load %arg8[%swap3A_1719] {strides = array<i32>} : memref<8192xf32, #tpu.memory_space<vmem>>, vector<16xf32>,
      tpu.vector_store %arg8[%swap3A_1719], %get3A_1718 {strides = array<i32>} : memref<8192xf32, #tpu.memory_space<vmem>>, vector<16xf32>,
      %add3A_1721 = arith.constant 32 : i32
      %add3A_1722 = arith.addi %mul3A_1708, %add3A_1721 : i32
      %get3A_1723 = arith.index_cast %add3A_1722 : i32 to index
      %get3A_1724 = tpu.vector_load %arg7[%get3A_1723] {strides = array<i32>} : memref<1536xf32, #tpu.memory_space<vmem>>, vector<16xf32>,
      %swap3A_1725 = arith.constant 3488 : index
      %swap3A_1726 = tpu.vector_load %arg8[%swap3A_1725] {strides = array<i32>} : memref<8192xf32, #tpu.memory_space<vmem>>, vector<16xf32>,
      tpu.vector_store %arg8[%swap3A_1725], %get3A_1724 {strides = array<i32>} : memref<8192xf32, #tpu.memory_space<vmem>>, vector<16xf32>,
      %add3A_1727 = arith.constant 48 : i32
      %add3A_1728 = arith.addi %mul3A_1708, %add3A_1727 : i32
      %get3A_1729 = arith.index_cast %add3A_1728 : i32 to index
      %get3A_1730 = tpu.vector_load %arg7[%get3A_1729] {strides = array<i32>} : memref<1536xf32, #tpu.memory_space<vmem>>, vector<16xf32>,
      %swap3A_1731 = arith.constant 3504 : index
      %swap3A_1732 = tpu.vector_load %arg8[%swap3A_1731] {strides = array<i32>} : memref<8192xf32, #tpu.memory_space<vmem>>, vector<16xf32>,
      tpu.vector_store %arg8[%swap3A_1731], %get3A_1730 {strides = array<i32>} : memref<8192xf32, #tpu.memory_space<vmem>>, vector<16xf32>,
      %add3A_1733 = arith.constant 64 : i32
      %add3A_1734 = arith.addi %mul3A_1708, %add3A_1733 : i32
      %get3A_1735 = arith.index_cast %add3A_1734 : i32 to index
      %get3A_1736 = tpu.vector_load %arg7[%get3A_1735] {strides = array<i32>} : memref<1536xf32, #tpu.memory_space<vmem>>, vector<16xf32>,
      %swap3A_1737 = arith.constant 3520 : index
      %swap3A_1738 = tpu.vector_load %arg8[%swap3A_1737] {strides = array<i32>} : memref<8192xf32, #tpu.memory_space<vmem>>, vector<16xf32>,
      tpu.vector_store %arg8[%swap3A_1737], %get3A_1736 {strides = array<i32>} : memref<8192xf32, #tpu.memory_space<vmem>>, vector<16xf32>,
      %add3A_1739 = arith.constant 80 : i32
      %add3A_1740 = arith.addi %mul3A_1708, %add3A_1739 : i32
      %get3A_1741 = arith.index_cast %add3A_1740 : i32 to index
      %get3A_1742 = tpu.vector_load %arg7[%get3A_1741] {strides = array<i32>} : memref<1536xf32, #tpu.memory_space<vmem>>, vector<16xf32>,
      %swap3A_1743 = arith.constant 3536 : index
      %swap3A_1744 = tpu.vector_load %arg8[%swap3A_1743] {strides = array<i32>} : memref<8192xf32, #tpu.memory_space<vmem>>, vector<16xf32>,
      tpu.vector_store %arg8[%swap3A_1743], %get3A_1742 {strides = array<i32>} : memref<8192xf32, #tpu.memory_space<vmem>>, vector<16xf32>,
      %add3A_1745 = arith.constant 96 : i32
      %add3A_1746 = arith.addi %mul3A_1708, %add3A_1745 : i32
      %get3A_1747 = arith.index_cast %add3A_1746 : i32 to index
      %get3A_1748 = tpu.vector_load %arg7[%get3A_1747] {strides = array<i32>} : memref<1536xf32, #tpu.memory_space<vmem>>, vector<16xf32>,
      %swap3A_1749 = arith.constant 3552 : index
      %swap3A_1750 = tpu.vector_load %arg8[%swap3A_1749] {strides = array<i32>} : memref<8192xf32, #tpu.memory_space<vmem>>, vector<16xf32>,
      tpu.vector_store %arg8[%swap3A_1749], %get3A_1748 {strides = array<i32>} : memref<8192xf32, #tpu.memory_space<vmem>>, vector<16xf32>,
      %add3A_1751 = arith.constant 112 : i32
      %add3A_1752 = arith.addi %mul3A_1708, %add3A_1751 : i32
      %get3A_1753 = arith.index_cast %add3A_1752 : i32 to index
      %get3A_1754 = tpu.vector_load %arg7[%get3A_1753] {strides = array<i32>} : memref<1536xf32, #tpu.memory_space<vmem>>, vector<16xf32>,
      %swap3A_1755 = arith.constant 3568 : index
      %swap3A_1756 = tpu.vector_load %arg8[%swap3A_1755] {strides = array<i32>} : memref<8192xf32, #tpu.memory_space<vmem>>, vector<16xf32>,
      tpu.vector_store %arg8[%swap3A_1755], %get3A_1754 {strides = array<i32>} : memref<8192xf32, #tpu.memory_space<vmem>>, vector<16xf32>,
      %get3A_1757 = arith.constant 0 : i32
      %get3A_1758 = arith.constant 28 : i32
      %get3A_1759 = arith.index_cast %get3A_1757 : i32 to index
      %get3A_1760 = arith.index_cast %get3A_1758 : i32 to index
      %get3A_1761 = memref.load %arg9[%get3A_1759, %get3A_1760] : memref<2x32xi32, #tpu.memory_space<smem>>
      %gt3A_1762 = arith.constant 1000 : i32
      %gt3A_1763 = arith.cmpi sgt, %get3A_1761, %gt3A_1762 : i32
      %min3A_1764 = arith.constant 10 : i32
      %min3A_1765 = arith.minsi %get3A_1761, %min3A_1764 : i32
      %jit3A_1766 = arith.constant 11 : i32
      %select_n3A_1767 = arith.select %gt3A_1763, %jit3A_1766, %min3A_1765 : i32
      %mul3A_1768 = arith.constant 128 : i32
      %mul3A_1769 = arith.muli %select_n3A_1767, %mul3A_1768 : i32
      %add3A_1770 = arith.constant 0 : i32
      %add3A_1771 = arith.addi %mul3A_1769, %add3A_1770 : i32
      %get3A_1772 = arith.index_cast %add3A_1771 : i32 to index
      %get3A_1773 = tpu.vector_load %arg7[%get3A_1772] {strides = array<i32>} : memref<1536xf32, #tpu.memory_space<vmem>>, vector<16xf32>,
      %swap3A_1774 = arith.constant 3584 : index
      %swap3A_1775 = tpu.vector_load %arg8[%swap3A_1774] {strides = array<i32>} : memref<8192xf32, #tpu.memory_space<vmem>>, vector<16xf32>,
      tpu.vector_store %arg8[%swap3A_1774], %get3A_1773 {strides = array<i32>} : memref<8192xf32, #tpu.memory_space<vmem>>, vector<16xf32>,
      %add3A_1776 = arith.constant 16 : i32
      %add3A_1777 = arith.addi %mul3A_1769, %add3A_1776 : i32
      %get3A_1778 = arith.index_cast %add3A_1777 : i32 to index
      %get3A_1779 = tpu.vector_load %arg7[%get3A_1778] {strides = array<i32>} : memref<1536xf32, #tpu.memory_space<vmem>>, vector<16xf32>,
      %swap3A_1780 = arith.constant 3600 : index
      %swap3A_1781 = tpu.vector_load %arg8[%swap3A_1780] {strides = array<i32>} : memref<8192xf32, #tpu.memory_space<vmem>>, vector<16xf32>,
      tpu.vector_store %arg8[%swap3A_1780], %get3A_1779 {strides = array<i32>} : memref<8192xf32, #tpu.memory_space<vmem>>, vector<16xf32>,
      %add3A_1782 = arith.constant 32 : i32
      %add3A_1783 = arith.addi %mul3A_1769, %add3A_1782 : i32
      %get3A_1784 = arith.index_cast %add3A_1783 : i32 to index
      %get3A_1785 = tpu.vector_load %arg7[%get3A_1784] {strides = array<i32>} : memref<1536xf32, #tpu.memory_space<vmem>>, vector<16xf32>,
      %swap3A_1786 = arith.constant 3616 : index
      %swap3A_1787 = tpu.vector_load %arg8[%swap3A_1786] {strides = array<i32>} : memref<8192xf32, #tpu.memory_space<vmem>>, vector<16xf32>,
      tpu.vector_store %arg8[%swap3A_1786], %get3A_1785 {strides = array<i32>} : memref<8192xf32, #tpu.memory_space<vmem>>, vector<16xf32>,
      %add3A_1788 = arith.constant 48 : i32
      %add3A_1789 = arith.addi %mul3A_1769, %add3A_1788 : i32
      %get3A_1790 = arith.index_cast %add3A_1789 : i32 to index
      %get3A_1791 = tpu.vector_load %arg7[%get3A_1790] {strides = array<i32>} : memref<1536xf32, #tpu.memory_space<vmem>>, vector<16xf32>,
      %swap3A_1792 = arith.constant 3632 : index
      %swap3A_1793 = tpu.vector_load %arg8[%swap3A_1792] {strides = array<i32>} : memref<8192xf32, #tpu.memory_space<vmem>>, vector<16xf32>,
      tpu.vector_store %arg8[%swap3A_1792], %get3A_1791 {strides = array<i32>} : memref<8192xf32, #tpu.memory_space<vmem>>, vector<16xf32>,
      %add3A_1794 = arith.constant 64 : i32
      %add3A_1795 = arith.addi %mul3A_1769, %add3A_1794 : i32
      %get3A_1796 = arith.index_cast %add3A_1795 : i32 to index
      %get3A_1797 = tpu.vector_load %arg7[%get3A_1796] {strides = array<i32>} : memref<1536xf32, #tpu.memory_space<vmem>>, vector<16xf32>,
      %swap3A_1798 = arith.constant 3648 : index
      %swap3A_1799 = tpu.vector_load %arg8[%swap3A_1798] {strides = array<i32>} : memref<8192xf32, #tpu.memory_space<vmem>>, vector<16xf32>,
      tpu.vector_store %arg8[%swap3A_1798], %get3A_1797 {strides = array<i32>} : memref<8192xf32, #tpu.memory_space<vmem>>, vector<16xf32>,
      %add3A_1800 = arith.constant 80 : i32
      %add3A_1801 = arith.addi %mul3A_1769, %add3A_1800 : i32
      %get3A_1802 = arith.index_cast %add3A_1801 : i32 to index
      %get3A_1803 = tpu.vector_load %arg7[%get3A_1802] {strides = array<i32>} : memref<1536xf32, #tpu.memory_space<vmem>>, vector<16xf32>,
      %swap3A_1804 = arith.constant 3664 : index
      %swap3A_1805 = tpu.vector_load %arg8[%swap3A_1804] {strides = array<i32>} : memref<8192xf32, #tpu.memory_space<vmem>>, vector<16xf32>,
      tpu.vector_store %arg8[%swap3A_1804], %get3A_1803 {strides = array<i32>} : memref<8192xf32, #tpu.memory_space<vmem>>, vector<16xf32>,
      %add3A_1806 = arith.constant 96 : i32
      %add3A_1807 = arith.addi %mul3A_1769, %add3A_1806 : i32
      %get3A_1808 = arith.index_cast %add3A_1807 : i32 to index
      %get3A_1809 = tpu.vector_load %arg7[%get3A_1808] {strides = array<i32>} : memref<1536xf32, #tpu.memory_space<vmem>>, vector<16xf32>,
      %swap3A_1810 = arith.constant 3680 : index
      %swap3A_1811 = tpu.vector_load %arg8[%swap3A_1810] {strides = array<i32>} : memref<8192xf32, #tpu.memory_space<vmem>>, vector<16xf32>,
      tpu.vector_store %arg8[%swap3A_1810], %get3A_1809 {strides = array<i32>} : memref<8192xf32, #tpu.memory_space<vmem>>, vector<16xf32>,
      %add3A_1812 = arith.constant 112 : i32
      %add3A_1813 = arith.addi %mul3A_1769, %add3A_1812 : i32
      %get3A_1814 = arith.index_cast %add3A_1813 : i32 to index
      %get3A_1815 = tpu.vector_load %arg7[%get3A_1814] {strides = array<i32>} : memref<1536xf32, #tpu.memory_space<vmem>>, vector<16xf32>,
      %swap3A_1816 = arith.constant 3696 : index
      %swap3A_1817 = tpu.vector_load %arg8[%swap3A_1816] {strides = array<i32>} : memref<8192xf32, #tpu.memory_space<vmem>>, vector<16xf32>,
      tpu.vector_store %arg8[%swap3A_1816], %get3A_1815 {strides = array<i32>} : memref<8192xf32, #tpu.memory_space<vmem>>, vector<16xf32>,
      %get3A_1818 = arith.constant 0 : i32
      %get3A_1819 = arith.constant 29 : i32
      %get3A_1820 = arith.index_cast %get3A_1818 : i32 to index
      %get3A_1821 = arith.index_cast %get3A_1819 : i32 to index
      %get3A_1822 = memref.load %arg9[%get3A_1820, %get3A_1821] : memref<2x32xi32, #tpu.memory_space<smem>>
      %gt3A_1823 = arith.constant 1000 : i32
      %gt3A_1824 = arith.cmpi sgt, %get3A_1822, %gt3A_1823 : i32
      %min3A_1825 = arith.constant 10 : i32
      %min3A_1826 = arith.minsi %get3A_1822, %min3A_1825 : i32
      %jit3A_1827 = arith.constant 11 : i32
      %select_n3A_1828 = arith.select %gt3A_1824, %jit3A_1827, %min3A_1826 : i32
      %mul3A_1829 = arith.constant 128 : i32
      %mul3A_1830 = arith.muli %select_n3A_1828, %mul3A_1829 : i32
      %add3A_1831 = arith.constant 0 : i32
      %add3A_1832 = arith.addi %mul3A_1830, %add3A_1831 : i32
      %get3A_1833 = arith.index_cast %add3A_1832 : i32 to index
      %get3A_1834 = tpu.vector_load %arg7[%get3A_1833] {strides = array<i32>} : memref<1536xf32, #tpu.memory_space<vmem>>, vector<16xf32>,
      %swap3A_1835 = arith.constant 3712 : index
      %swap3A_1836 = tpu.vector_load %arg8[%swap3A_1835] {strides = array<i32>} : memref<8192xf32, #tpu.memory_space<vmem>>, vector<16xf32>,
      tpu.vector_store %arg8[%swap3A_1835], %get3A_1834 {strides = array<i32>} : memref<8192xf32, #tpu.memory_space<vmem>>, vector<16xf32>,
      %add3A_1837 = arith.constant 16 : i32
      %add3A_1838 = arith.addi %mul3A_1830, %add3A_1837 : i32
      %get3A_1839 = arith.index_cast %add3A_1838 : i32 to index
      %get3A_1840 = tpu.vector_load %arg7[%get3A_1839] {strides = array<i32>} : memref<1536xf32, #tpu.memory_space<vmem>>, vector<16xf32>,
      %swap3A_1841 = arith.constant 3728 : index
      %swap3A_1842 = tpu.vector_load %arg8[%swap3A_1841] {strides = array<i32>} : memref<8192xf32, #tpu.memory_space<vmem>>, vector<16xf32>,
      tpu.vector_store %arg8[%swap3A_1841], %get3A_1840 {strides = array<i32>} : memref<8192xf32, #tpu.memory_space<vmem>>, vector<16xf32>,
      %add3A_1843 = arith.constant 32 : i32
      %add3A_1844 = arith.addi %mul3A_1830, %add3A_1843 : i32
      %get3A_1845 = arith.index_cast %add3A_1844 : i32 to index
      %get3A_1846 = tpu.vector_load %arg7[%get3A_1845] {strides = array<i32>} : memref<1536xf32, #tpu.memory_space<vmem>>, vector<16xf32>,
      %swap3A_1847 = arith.constant 3744 : index
      %swap3A_1848 = tpu.vector_load %arg8[%swap3A_1847] {strides = array<i32>} : memref<8192xf32, #tpu.memory_space<vmem>>, vector<16xf32>,
      tpu.vector_store %arg8[%swap3A_1847], %get3A_1846 {strides = array<i32>} : memref<8192xf32, #tpu.memory_space<vmem>>, vector<16xf32>,
      %add3A_1849 = arith.constant 48 : i32
      %add3A_1850 = arith.addi %mul3A_1830, %add3A_1849 : i32
      %get3A_1851 = arith.index_cast %add3A_1850 : i32 to index
      %get3A_1852 = tpu.vector_load %arg7[%get3A_1851] {strides = array<i32>} : memref<1536xf32, #tpu.memory_space<vmem>>, vector<16xf32>,
      %swap3A_1853 = arith.constant 3760 : index
      %swap3A_1854 = tpu.vector_load %arg8[%swap3A_1853] {strides = array<i32>} : memref<8192xf32, #tpu.memory_space<vmem>>, vector<16xf32>,
      tpu.vector_store %arg8[%swap3A_1853], %get3A_1852 {strides = array<i32>} : memref<8192xf32, #tpu.memory_space<vmem>>, vector<16xf32>,
      %add3A_1855 = arith.constant 64 : i32
      %add3A_1856 = arith.addi %mul3A_1830, %add3A_1855 : i32
      %get3A_1857 = arith.index_cast %add3A_1856 : i32 to index
      %get3A_1858 = tpu.vector_load %arg7[%get3A_1857] {strides = array<i32>} : memref<1536xf32, #tpu.memory_space<vmem>>, vector<16xf32>,
      %swap3A_1859 = arith.constant 3776 : index
      %swap3A_1860 = tpu.vector_load %arg8[%swap3A_1859] {strides = array<i32>} : memref<8192xf32, #tpu.memory_space<vmem>>, vector<16xf32>,
      tpu.vector_store %arg8[%swap3A_1859], %get3A_1858 {strides = array<i32>} : memref<8192xf32, #tpu.memory_space<vmem>>, vector<16xf32>,
      %add3A_1861 = arith.constant 80 : i32
      %add3A_1862 = arith.addi %mul3A_1830, %add3A_1861 : i32
      %get3A_1863 = arith.index_cast %add3A_1862 : i32 to index
      %get3A_1864 = tpu.vector_load %arg7[%get3A_1863] {strides = array<i32>} : memref<1536xf32, #tpu.memory_space<vmem>>, vector<16xf32>,
      %swap3A_1865 = arith.constant 3792 : index
      %swap3A_1866 = tpu.vector_load %arg8[%swap3A_1865] {strides = array<i32>} : memref<8192xf32, #tpu.memory_space<vmem>>, vector<16xf32>,
      tpu.vector_store %arg8[%swap3A_1865], %get3A_1864 {strides = array<i32>} : memref<8192xf32, #tpu.memory_space<vmem>>, vector<16xf32>,
      %add3A_1867 = arith.constant 96 : i32
      %add3A_1868 = arith.addi %mul3A_1830, %add3A_1867 : i32
      %get3A_1869 = arith.index_cast %add3A_1868 : i32 to index
      %get3A_1870 = tpu.vector_load %arg7[%get3A_1869] {strides = array<i32>} : memref<1536xf32, #tpu.memory_space<vmem>>, vector<16xf32>,
      %swap3A_1871 = arith.constant 3808 : index
      %swap3A_1872 = tpu.vector_load %arg8[%swap3A_1871] {strides = array<i32>} : memref<8192xf32, #tpu.memory_space<vmem>>, vector<16xf32>,
      tpu.vector_store %arg8[%swap3A_1871], %get3A_1870 {strides = array<i32>} : memref<8192xf32, #tpu.memory_space<vmem>>, vector<16xf32>,
      %add3A_1873 = arith.constant 112 : i32
      %add3A_1874 = arith.addi %mul3A_1830, %add3A_1873 : i32
      %get3A_1875 = arith.index_cast %add3A_1874 : i32 to index
      %get3A_1876 = tpu.vector_load %arg7[%get3A_1875] {strides = array<i32>} : memref<1536xf32, #tpu.memory_space<vmem>>, vector<16xf32>,
      %swap3A_1877 = arith.constant 3824 : index
      %swap3A_1878 = tpu.vector_load %arg8[%swap3A_1877] {strides = array<i32>} : memref<8192xf32, #tpu.memory_space<vmem>>, vector<16xf32>,
      tpu.vector_store %arg8[%swap3A_1877], %get3A_1876 {strides = array<i32>} : memref<8192xf32, #tpu.memory_space<vmem>>, vector<16xf32>,
      %get3A_1879 = arith.constant 0 : i32
      %get3A_1880 = arith.constant 30 : i32
      %get3A_1881 = arith.index_cast %get3A_1879 : i32 to index
      %get3A_1882 = arith.index_cast %get3A_1880 : i32 to index
      %get3A_1883 = memref.load %arg9[%get3A_1881, %get3A_1882] : memref<2x32xi32, #tpu.memory_space<smem>>
      %gt3A_1884 = arith.constant 1000 : i32
      %gt3A_1885 = arith.cmpi sgt, %get3A_1883, %gt3A_1884 : i32
      %min3A_1886 = arith.constant 10 : i32
      %min3A_1887 = arith.minsi %get3A_1883, %min3A_1886 : i32
      %jit3A_1888 = arith.constant 11 : i32
      %select_n3A_1889 = arith.select %gt3A_1885, %jit3A_1888, %min3A_1887 : i32
      %mul3A_1890 = arith.constant 128 : i32
      %mul3A_1891 = arith.muli %select_n3A_1889, %mul3A_1890 : i32
      %add3A_1892 = arith.constant 0 : i32
      %add3A_1893 = arith.addi %mul3A_1891, %add3A_1892 : i32
      %get3A_1894 = arith.index_cast %add3A_1893 : i32 to index
      %get3A_1895 = tpu.vector_load %arg7[%get3A_1894] {strides = array<i32>} : memref<1536xf32, #tpu.memory_space<vmem>>, vector<16xf32>,
      %swap3A_1896 = arith.constant 3840 : index
      %swap3A_1897 = tpu.vector_load %arg8[%swap3A_1896] {strides = array<i32>} : memref<8192xf32, #tpu.memory_space<vmem>>, vector<16xf32>,
      tpu.vector_store %arg8[%swap3A_1896], %get3A_1895 {strides = array<i32>} : memref<8192xf32, #tpu.memory_space<vmem>>, vector<16xf32>,
      %add3A_1898 = arith.constant 16 : i32
      %add3A_1899 = arith.addi %mul3A_1891, %add3A_1898 : i32
      %get3A_1900 = arith.index_cast %add3A_1899 : i32 to index
      %get3A_1901 = tpu.vector_load %arg7[%get3A_1900] {strides = array<i32>} : memref<1536xf32, #tpu.memory_space<vmem>>, vector<16xf32>,
      %swap3A_1902 = arith.constant 3856 : index
      %swap3A_1903 = tpu.vector_load %arg8[%swap3A_1902] {strides = array<i32>} : memref<8192xf32, #tpu.memory_space<vmem>>, vector<16xf32>,
      tpu.vector_store %arg8[%swap3A_1902], %get3A_1901 {strides = array<i32>} : memref<8192xf32, #tpu.memory_space<vmem>>, vector<16xf32>,
      %add3A_1904 = arith.constant 32 : i32
      %add3A_1905 = arith.addi %mul3A_1891, %add3A_1904 : i32
      %get3A_1906 = arith.index_cast %add3A_1905 : i32 to index
      %get3A_1907 = tpu.vector_load %arg7[%get3A_1906] {strides = array<i32>} : memref<1536xf32, #tpu.memory_space<vmem>>, vector<16xf32>,
      %swap3A_1908 = arith.constant 3872 : index
      %swap3A_1909 = tpu.vector_load %arg8[%swap3A_1908] {strides = array<i32>} : memref<8192xf32, #tpu.memory_space<vmem>>, vector<16xf32>,
      tpu.vector_store %arg8[%swap3A_1908], %get3A_1907 {strides = array<i32>} : memref<8192xf32, #tpu.memory_space<vmem>>, vector<16xf32>,
      %add3A_1910 = arith.constant 48 : i32
      %add3A_1911 = arith.addi %mul3A_1891, %add3A_1910 : i32
      %get3A_1912 = arith.index_cast %add3A_1911 : i32 to index
      %get3A_1913 = tpu.vector_load %arg7[%get3A_1912] {strides = array<i32>} : memref<1536xf32, #tpu.memory_space<vmem>>, vector<16xf32>,
      %swap3A_1914 = arith.constant 3888 : index
      %swap3A_1915 = tpu.vector_load %arg8[%swap3A_1914] {strides = array<i32>} : memref<8192xf32, #tpu.memory_space<vmem>>, vector<16xf32>,
      tpu.vector_store %arg8[%swap3A_1914], %get3A_1913 {strides = array<i32>} : memref<8192xf32, #tpu.memory_space<vmem>>, vector<16xf32>,
      %add3A_1916 = arith.constant 64 : i32
      %add3A_1917 = arith.addi %mul3A_1891, %add3A_1916 : i32
      %get3A_1918 = arith.index_cast %add3A_1917 : i32 to index
      %get3A_1919 = tpu.vector_load %arg7[%get3A_1918] {strides = array<i32>} : memref<1536xf32, #tpu.memory_space<vmem>>, vector<16xf32>,
      %swap3A_1920 = arith.constant 3904 : index
      %swap3A_1921 = tpu.vector_load %arg8[%swap3A_1920] {strides = array<i32>} : memref<8192xf32, #tpu.memory_space<vmem>>, vector<16xf32>,
      tpu.vector_store %arg8[%swap3A_1920], %get3A_1919 {strides = array<i32>} : memref<8192xf32, #tpu.memory_space<vmem>>, vector<16xf32>,
      %add3A_1922 = arith.constant 80 : i32
      %add3A_1923 = arith.addi %mul3A_1891, %add3A_1922 : i32
      %get3A_1924 = arith.index_cast %add3A_1923 : i32 to index
      %get3A_1925 = tpu.vector_load %arg7[%get3A_1924] {strides = array<i32>} : memref<1536xf32, #tpu.memory_space<vmem>>, vector<16xf32>,
      %swap3A_1926 = arith.constant 3920 : index
      %swap3A_1927 = tpu.vector_load %arg8[%swap3A_1926] {strides = array<i32>} : memref<8192xf32, #tpu.memory_space<vmem>>, vector<16xf32>,
      tpu.vector_store %arg8[%swap3A_1926], %get3A_1925 {strides = array<i32>} : memref<8192xf32, #tpu.memory_space<vmem>>, vector<16xf32>,
      %add3A_1928 = arith.constant 96 : i32
      %add3A_1929 = arith.addi %mul3A_1891, %add3A_1928 : i32
      %get3A_1930 = arith.index_cast %add3A_1929 : i32 to index
      %get3A_1931 = tpu.vector_load %arg7[%get3A_1930] {strides = array<i32>} : memref<1536xf32, #tpu.memory_space<vmem>>, vector<16xf32>,
      %swap3A_1932 = arith.constant 3936 : index
      %swap3A_1933 = tpu.vector_load %arg8[%swap3A_1932] {strides = array<i32>} : memref<8192xf32, #tpu.memory_space<vmem>>, vector<16xf32>,
      tpu.vector_store %arg8[%swap3A_1932], %get3A_1931 {strides = array<i32>} : memref<8192xf32, #tpu.memory_space<vmem>>, vector<16xf32>,
      %add3A_1934 = arith.constant 112 : i32
      %add3A_1935 = arith.addi %mul3A_1891, %add3A_1934 : i32
      %get3A_1936 = arith.index_cast %add3A_1935 : i32 to index
      %get3A_1937 = tpu.vector_load %arg7[%get3A_1936] {strides = array<i32>} : memref<1536xf32, #tpu.memory_space<vmem>>, vector<16xf32>,
      %swap3A_1938 = arith.constant 3952 : index
      %swap3A_1939 = tpu.vector_load %arg8[%swap3A_1938] {strides = array<i32>} : memref<8192xf32, #tpu.memory_space<vmem>>, vector<16xf32>,
      tpu.vector_store %arg8[%swap3A_1938], %get3A_1937 {strides = array<i32>} : memref<8192xf32, #tpu.memory_space<vmem>>, vector<16xf32>,
      %get3A_1940 = arith.constant 0 : i32
      %get3A_1941 = arith.constant 31 : i32
      %get3A_1942 = arith.index_cast %get3A_1940 : i32 to index
      %get3A_1943 = arith.index_cast %get3A_1941 : i32 to index
      %get3A_1944 = memref.load %arg9[%get3A_1942, %get3A_1943] : memref<2x32xi32, #tpu.memory_space<smem>>
      %gt3A_1945 = arith.constant 1000 : i32
      %gt3A_1946 = arith.cmpi sgt, %get3A_1944, %gt3A_1945 : i32
      %min3A_1947 = arith.constant 10 : i32
      %min3A_1948 = arith.minsi %get3A_1944, %min3A_1947 : i32
      %jit3A_1949 = arith.constant 11 : i32
      %select_n3A_1950 = arith.select %gt3A_1946, %jit3A_1949, %min3A_1948 : i32
      %mul3A_1951 = arith.constant 128 : i32
      %mul3A_1952 = arith.muli %select_n3A_1950, %mul3A_1951 : i32
      %add3A_1953 = arith.constant 0 : i32
      %add3A_1954 = arith.addi %mul3A_1952, %add3A_1953 : i32
      %get3A_1955 = arith.index_cast %add3A_1954 : i32 to index
      %get3A_1956 = tpu.vector_load %arg7[%get3A_1955] {strides = array<i32>} : memref<1536xf32, #tpu.memory_space<vmem>>, vector<16xf32>,
      %swap3A_1957 = arith.constant 3968 : index
      %swap3A_1958 = tpu.vector_load %arg8[%swap3A_1957] {strides = array<i32>} : memref<8192xf32, #tpu.memory_space<vmem>>, vector<16xf32>,
      tpu.vector_store %arg8[%swap3A_1957], %get3A_1956 {strides = array<i32>} : memref<8192xf32, #tpu.memory_space<vmem>>, vector<16xf32>,
      %add3A_1959 = arith.constant 16 : i32
      %add3A_1960 = arith.addi %mul3A_1952, %add3A_1959 : i32
      %get3A_1961 = arith.index_cast %add3A_1960 : i32 to index
      %get3A_1962 = tpu.vector_load %arg7[%get3A_1961] {strides = array<i32>} : memref<1536xf32, #tpu.memory_space<vmem>>, vector<16xf32>,
      %swap3A_1963 = arith.constant 3984 : index
      %swap3A_1964 = tpu.vector_load %arg8[%swap3A_1963] {strides = array<i32>} : memref<8192xf32, #tpu.memory_space<vmem>>, vector<16xf32>,
      tpu.vector_store %arg8[%swap3A_1963], %get3A_1962 {strides = array<i32>} : memref<8192xf32, #tpu.memory_space<vmem>>, vector<16xf32>,
      %add3A_1965 = arith.constant 32 : i32
      %add3A_1966 = arith.addi %mul3A_1952, %add3A_1965 : i32
      %get3A_1967 = arith.index_cast %add3A_1966 : i32 to index
      %get3A_1968 = tpu.vector_load %arg7[%get3A_1967] {strides = array<i32>} : memref<1536xf32, #tpu.memory_space<vmem>>, vector<16xf32>,
      %swap3A_1969 = arith.constant 4000 : index
      %swap3A_1970 = tpu.vector_load %arg8[%swap3A_1969] {strides = array<i32>} : memref<8192xf32, #tpu.memory_space<vmem>>, vector<16xf32>,
      tpu.vector_store %arg8[%swap3A_1969], %get3A_1968 {strides = array<i32>} : memref<8192xf32, #tpu.memory_space<vmem>>, vector<16xf32>,
      %add3A_1971 = arith.constant 48 : i32
      %add3A_1972 = arith.addi %mul3A_1952, %add3A_1971 : i32
      %get3A_1973 = arith.index_cast %add3A_1972 : i32 to index
      %get3A_1974 = tpu.vector_load %arg7[%get3A_1973] {strides = array<i32>} : memref<1536xf32, #tpu.memory_space<vmem>>, vector<16xf32>,
      %swap3A_1975 = arith.constant 4016 : index
      %swap3A_1976 = tpu.vector_load %arg8[%swap3A_1975] {strides = array<i32>} : memref<8192xf32, #tpu.memory_space<vmem>>, vector<16xf32>,
      tpu.vector_store %arg8[%swap3A_1975], %get3A_1974 {strides = array<i32>} : memref<8192xf32, #tpu.memory_space<vmem>>, vector<16xf32>,
      %add3A_1977 = arith.constant 64 : i32
      %add3A_1978 = arith.addi %mul3A_1952, %add3A_1977 : i32
      %get3A_1979 = arith.index_cast %add3A_1978 : i32 to index
      %get3A_1980 = tpu.vector_load %arg7[%get3A_1979] {strides = array<i32>} : memref<1536xf32, #tpu.memory_space<vmem>>, vector<16xf32>,
      %swap3A_1981 = arith.constant 4032 : index
      %swap3A_1982 = tpu.vector_load %arg8[%swap3A_1981] {strides = array<i32>} : memref<8192xf32, #tpu.memory_space<vmem>>, vector<16xf32>,
      tpu.vector_store %arg8[%swap3A_1981], %get3A_1980 {strides = array<i32>} : memref<8192xf32, #tpu.memory_space<vmem>>, vector<16xf32>,
      %add3A_1983 = arith.constant 80 : i32
      %add3A_1984 = arith.addi %mul3A_1952, %add3A_1983 : i32
      %get3A_1985 = arith.index_cast %add3A_1984 : i32 to index
      %get3A_1986 = tpu.vector_load %arg7[%get3A_1985] {strides = array<i32>} : memref<1536xf32, #tpu.memory_space<vmem>>, vector<16xf32>,
      %swap3A_1987 = arith.constant 4048 : index
      %swap3A_1988 = tpu.vector_load %arg8[%swap3A_1987] {strides = array<i32>} : memref<8192xf32, #tpu.memory_space<vmem>>, vector<16xf32>,
      tpu.vector_store %arg8[%swap3A_1987], %get3A_1986 {strides = array<i32>} : memref<8192xf32, #tpu.memory_space<vmem>>, vector<16xf32>,
      %add3A_1989 = arith.constant 96 : i32
      %add3A_1990 = arith.addi %mul3A_1952, %add3A_1989 : i32
      %get3A_1991 = arith.index_cast %add3A_1990 : i32 to index
      %get3A_1992 = tpu.vector_load %arg7[%get3A_1991] {strides = array<i32>} : memref<1536xf32, #tpu.memory_space<vmem>>, vector<16xf32>,
      %swap3A_1993 = arith.constant 4064 : index
      %swap3A_1994 = tpu.vector_load %arg8[%swap3A_1993] {strides = array<i32>} : memref<8192xf32, #tpu.memory_space<vmem>>, vector<16xf32>,
      tpu.vector_store %arg8[%swap3A_1993], %get3A_1992 {strides = array<i32>} : memref<8192xf32, #tpu.memory_space<vmem>>, vector<16xf32>,
      %add3A_1995 = arith.constant 112 : i32
      %add3A_1996 = arith.addi %mul3A_1952, %add3A_1995 : i32
      %get3A_1997 = arith.index_cast %add3A_1996 : i32 to index
      %get3A_1998 = tpu.vector_load %arg7[%get3A_1997] {strides = array<i32>} : memref<1536xf32, #tpu.memory_space<vmem>>, vector<16xf32>,
      %swap3A_1999 = arith.constant 4080 : index
      %swap3A_2000 = tpu.vector_load %arg8[%swap3A_1999] {strides = array<i32>} : memref<8192xf32, #tpu.memory_space<vmem>>, vector<16xf32>,
      tpu.vector_store %arg8[%swap3A_1999], %get3A_1998 {strides = array<i32>} : memref<8192xf32, #tpu.memory_space<vmem>>, vector<16xf32>,
      %mul3A_2001 = arith.constant 32 : i32
      %mul3A_2002 = arith.muli %add3A_39, %mul3A_2001 : i32
      %add3A_2003 = arith.addi %mul3A_6, %mul3A_2002 : i32
      %mul3A_2004 = arith.constant 128 : i32
      %mul3A_2005 = arith.muli %add3A_2003, %mul3A_2004 : i32
      %multiple_of3A = tpu.assume_multiple %mul3A_2005, 4096 : i32
      %dma_start3A_2006 = arith.constant 0 : i32
      %dma_start3A_2007 = tpu.memref_slice %arg8[%dma_start3A_2006] : memref<8192xf32, #tpu.memory_space<vmem>> -> memref<4096xf32, #tpu.memory_space<vmem>>
      %dma_start3A_2008 = tpu.memref_slice %arg4[%multiple_of3A] : memref<12845056xf32, #tpu.memory_space<hbm>> -> memref<4096xf32, #tpu.memory_space<hbm>>
      %dma_start3A_2009 = tpu.memref_slice %arg4[%multiple_of3A] : memref<12845056xf32, #tpu.memory_space<hbm>> -> memref<4096xf32, #tpu.memory_space<hbm>>
      %dma_start3A_2010 = arith.constant 0 : i32
      %dma_start3A_2011 = tpu.memref_slice %arg8[%dma_start3A_2010] : memref<8192xf32, #tpu.memory_space<vmem>> -> memref<4096xf32, #tpu.memory_space<vmem>>
      tpu.enqueue_dma source(%dma_start3A_2011 : memref<4096xf32, #tpu.memory_space<vmem>>) target(%dma_start3A_2009 : memref<4096xf32, #tpu.memory_space<hbm>>) target_semaphore(%arg10 : memref<!tpu.dma_semaphore, #tpu.memory_space<semaphore_mem>>)
      %mul3A_2012 = arith.constant 2 : i32
      %mul3A_2013 = arith.muli %scan3A_35, %mul3A_2012 : i32
      %add3A_2014 = arith.constant 1 : i32
      %add3A_2015 = arith.addi %mul3A_2013, %add3A_2014 : i32
      %gt3A_2016 = arith.constant 0 : i32
      %gt3A_2017 = arith.cmpi sgt, %scan3A_35, %gt3A_2016 : i32
      %convert_element_type3A_2018 = arith.extui %gt3A_2017 : i1 to i32
      %cond3A_2019 = arith.constant 0 : i32
      %cond3A_2020 = arith.cmpi ne, %convert_element_type3A_2018, %cond3A_2019 : i32
      scf.if %cond3A_2020 {
        %dma_wait3A_3998 = arith.constant 0 : i32
        %dma_wait3A_3999 = tpu.memref_slice %arg8[%dma_wait3A_3998] : memref<8192xf32, #tpu.memory_space<vmem>> -> memref<4096xf32, #tpu.memory_space<vmem>>
        %dma_wait3A_4000 = arith.constant 0 : i32
        %dma_wait3A_4001 = tpu.memref_slice %arg4[%dma_wait3A_4000] : memref<12845056xf32, #tpu.memory_space<hbm>> -> memref<4096xf32, #tpu.memory_space<hbm>>
        %dma_wait3A_4002 = arith.constant 0 : i32
        %dma_wait3A_4003 = tpu.memref_slice %arg4[%dma_wait3A_4002] : memref<12845056xf32, #tpu.memory_space<hbm>> -> memref<4096xf32, #tpu.memory_space<hbm>>
        %dma_wait3A_4004 = arith.constant 0 : i32
        %dma_wait3A_4005 = tpu.memref_slice %arg8[%dma_wait3A_4004] : memref<8192xf32, #tpu.memory_space<vmem>> -> memref<4096xf32, #tpu.memory_space<vmem>>
        tpu.wait_dma2 semaphore(%arg10 : memref<!tpu.dma_semaphore, #tpu.memory_space<semaphore_mem>>) src(%dma_wait3A_4005 : memref<4096xf32, #tpu.memory_space<vmem>>) dst(%dma_wait3A_4003 : memref<4096xf32, #tpu.memory_space<hbm>>)
      } else {
      }
      %dma_wait3A_2021 = arith.constant 0 : i32
      %dma_wait3A_2022 = arith.constant 0 : i32
      %dma_wait3A_2023 = tpu.memref_slice %arg9[%dma_wait3A_2021, %dma_wait3A_2022] : memref<2x32xi32, #tpu.memory_space<smem>> -> memref<1x32xi32, #tpu.memory_space<smem>>
      %dma_wait3A_2024 = tpu.memref_squeeze %dma_wait3A_2023 : memref<1x32xi32, #tpu.memory_space<smem>> -> memref<32xi32, #tpu.memory_space<smem>>
      %dma_wait3A_2025 = arith.constant 0 : i32
      %dma_wait3A_2026 = tpu.memref_slice %arg5[%dma_wait3A_2025] : memref<50176xi32, #tpu.memory_space<vmem_shared>> -> memref<32xi32, #tpu.memory_space<vmem_shared>>
      tpu.wait_dma2 semaphore(%arg11 : memref<!tpu.dma_semaphore, #tpu.memory_space<semaphore_mem>>) src(%dma_wait3A_2026 : memref<32xi32, #tpu.memory_space<vmem_shared>>) dst(%dma_wait3A_2024 : memref<32xi32, #tpu.memory_space<smem>>)
      %add3A_2027 = arith.constant 1 : i32
      %add3A_2028 = arith.addi %add3A_2015, %add3A_2027 : i32
      %lt3A_2029 = arith.constant 98 : i32
      %lt3A_2030 = arith.cmpi slt, %add3A_2028, %lt3A_2029 : i32
      %convert_element_type3A_2031 = arith.extui %lt3A_2030 : i1 to i32
      %cond3A_2032 = arith.constant 0 : i32
      %cond3A_2033 = arith.cmpi ne, %convert_element_type3A_2031, %cond3A_2032 : i32
      scf.if %cond3A_2033 {
        %add3A_3998 = arith.constant 1 : i32
        %add3A_3999 = arith.addi %add3A_2015, %add3A_3998 : i32
        %mul3A_4000 = arith.constant 3136 : i32
        %mul3A_4001 = arith.muli %arg1, %mul3A_4000 : i32
        %mul3A_4002 = arith.constant 32 : i32
        %mul3A_4003 = arith.muli %add3A_3999, %mul3A_4002 : i32
        %add3A_4004 = arith.addi %mul3A_4001, %mul3A_4003 : i32
        %dma_start3A_4005 = arith.constant 0 : i32
        %dma_start3A_4006 = arith.constant 0 : i32
        %dma_start3A_4007 = tpu.memref_slice %arg9[%dma_start3A_4005, %dma_start3A_4006] : memref<2x32xi32, #tpu.memory_space<smem>> -> memref<1x32xi32, #tpu.memory_space<smem>>
        %dma_start3A_4008 = tpu.memref_squeeze %dma_start3A_4007 : memref<1x32xi32, #tpu.memory_space<smem>> -> memref<32xi32, #tpu.memory_space<smem>>
        %dma_start3A_4009 = tpu.memref_slice %arg5[%add3A_4004] : memref<50176xi32, #tpu.memory_space<vmem_shared>> -> memref<32xi32, #tpu.memory_space<vmem_shared>>
        tpu.enqueue_dma source(%dma_start3A_4009 : memref<32xi32, #tpu.memory_space<vmem_shared>>) target(%dma_start3A_4008 : memref<32xi32, #tpu.memory_space<smem>>) target_semaphore(%arg11 : memref<!tpu.dma_semaphore, #tpu.memory_space<semaphore_mem>>)
      } else {
      }
      %get3A_2034 = arith.constant 1 : i32
      %get3A_2035 = arith.constant 0 : i32
      %get3A_2036 = arith.index_cast %get3A_2034 : i32 to index
      %get3A_2037 = arith.index_cast %get3A_2035 : i32 to index
      %get3A_2038 = memref.load %arg9[%get3A_2036, %get3A_2037] : memref<2x32xi32, #tpu.memory_space<smem>>
      %gt3A_2039 = arith.constant 1000 : i32
      %gt3A_2040 = arith.cmpi sgt, %get3A_2038, %gt3A_2039 : i32
      %min3A_2041 = arith.constant 10 : i32
      %min3A_2042 = arith.minsi %get3A_2038, %min3A_2041 : i32
      %jit3A_2043 = arith.constant 11 : i32
      %select_n3A_2044 = arith.select %gt3A_2040, %jit3A_2043, %min3A_2042 : i32
      %mul3A_2045 = arith.constant 128 : i32
      %mul3A_2046 = arith.muli %select_n3A_2044, %mul3A_2045 : i32
      %add3A_2047 = arith.constant 0 : i32
      %add3A_2048 = arith.addi %mul3A_2046, %add3A_2047 : i32
      %get3A_2049 = arith.index_cast %add3A_2048 : i32 to index
      %get3A_2050 = tpu.vector_load %arg7[%get3A_2049] {strides = array<i32>} : memref<1536xf32, #tpu.memory_space<vmem>>, vector<16xf32>,
      %swap3A_2051 = arith.constant 4096 : index
      %swap3A_2052 = tpu.vector_load %arg8[%swap3A_2051] {strides = array<i32>} : memref<8192xf32, #tpu.memory_space<vmem>>, vector<16xf32>,
      tpu.vector_store %arg8[%swap3A_2051], %get3A_2050 {strides = array<i32>} : memref<8192xf32, #tpu.memory_space<vmem>>, vector<16xf32>,
      %add3A_2053 = arith.constant 16 : i32
      %add3A_2054 = arith.addi %mul3A_2046, %add3A_2053 : i32
      %get3A_2055 = arith.index_cast %add3A_2054 : i32 to index
      %get3A_2056 = tpu.vector_load %arg7[%get3A_2055] {strides = array<i32>} : memref<1536xf32, #tpu.memory_space<vmem>>, vector<16xf32>,
      %swap3A_2057 = arith.constant 4112 : index
      %swap3A_2058 = tpu.vector_load %arg8[%swap3A_2057] {strides = array<i32>} : memref<8192xf32, #tpu.memory_space<vmem>>, vector<16xf32>,
      tpu.vector_store %arg8[%swap3A_2057], %get3A_2056 {strides = array<i32>} : memref<8192xf32, #tpu.memory_space<vmem>>, vector<16xf32>,
      %add3A_2059 = arith.constant 32 : i32
      %add3A_2060 = arith.addi %mul3A_2046, %add3A_2059 : i32
      %get3A_2061 = arith.index_cast %add3A_2060 : i32 to index
      %get3A_2062 = tpu.vector_load %arg7[%get3A_2061] {strides = array<i32>} : memref<1536xf32, #tpu.memory_space<vmem>>, vector<16xf32>,
      %swap3A_2063 = arith.constant 4128 : index
      %swap3A_2064 = tpu.vector_load %arg8[%swap3A_2063] {strides = array<i32>} : memref<8192xf32, #tpu.memory_space<vmem>>, vector<16xf32>,
      tpu.vector_store %arg8[%swap3A_2063], %get3A_2062 {strides = array<i32>} : memref<8192xf32, #tpu.memory_space<vmem>>, vector<16xf32>,
      %add3A_2065 = arith.constant 48 : i32
      %add3A_2066 = arith.addi %mul3A_2046, %add3A_2065 : i32
      %get3A_2067 = arith.index_cast %add3A_2066 : i32 to index
      %get3A_2068 = tpu.vector_load %arg7[%get3A_2067] {strides = array<i32>} : memref<1536xf32, #tpu.memory_space<vmem>>, vector<16xf32>,
      %swap3A_2069 = arith.constant 4144 : index
      %swap3A_2070 = tpu.vector_load %arg8[%swap3A_2069] {strides = array<i32>} : memref<8192xf32, #tpu.memory_space<vmem>>, vector<16xf32>,
      tpu.vector_store %arg8[%swap3A_2069], %get3A_2068 {strides = array<i32>} : memref<8192xf32, #tpu.memory_space<vmem>>, vector<16xf32>,
      %add3A_2071 = arith.constant 64 : i32
      %add3A_2072 = arith.addi %mul3A_2046, %add3A_2071 : i32
      %get3A_2073 = arith.index_cast %add3A_2072 : i32 to index
      %get3A_2074 = tpu.vector_load %arg7[%get3A_2073] {strides = array<i32>} : memref<1536xf32, #tpu.memory_space<vmem>>, vector<16xf32>,
      %swap3A_2075 = arith.constant 4160 : index
      %swap3A_2076 = tpu.vector_load %arg8[%swap3A_2075] {strides = array<i32>} : memref<8192xf32, #tpu.memory_space<vmem>>, vector<16xf32>,
      tpu.vector_store %arg8[%swap3A_2075], %get3A_2074 {strides = array<i32>} : memref<8192xf32, #tpu.memory_space<vmem>>, vector<16xf32>,
      %add3A_2077 = arith.constant 80 : i32
      %add3A_2078 = arith.addi %mul3A_2046, %add3A_2077 : i32
      %get3A_2079 = arith.index_cast %add3A_2078 : i32 to index
      %get3A_2080 = tpu.vector_load %arg7[%get3A_2079] {strides = array<i32>} : memref<1536xf32, #tpu.memory_space<vmem>>, vector<16xf32>,
      %swap3A_2081 = arith.constant 4176 : index
      %swap3A_2082 = tpu.vector_load %arg8[%swap3A_2081] {strides = array<i32>} : memref<8192xf32, #tpu.memory_space<vmem>>, vector<16xf32>,
      tpu.vector_store %arg8[%swap3A_2081], %get3A_2080 {strides = array<i32>} : memref<8192xf32, #tpu.memory_space<vmem>>, vector<16xf32>,
      %add3A_2083 = arith.constant 96 : i32
      %add3A_2084 = arith.addi %mul3A_2046, %add3A_2083 : i32
      %get3A_2085 = arith.index_cast %add3A_2084 : i32 to index
      %get3A_2086 = tpu.vector_load %arg7[%get3A_2085] {strides = array<i32>} : memref<1536xf32, #tpu.memory_space<vmem>>, vector<16xf32>,
      %swap3A_2087 = arith.constant 4192 : index
      %swap3A_2088 = tpu.vector_load %arg8[%swap3A_2087] {strides = array<i32>} : memref<8192xf32, #tpu.memory_space<vmem>>, vector<16xf32>,
      tpu.vector_store %arg8[%swap3A_2087], %get3A_2086 {strides = array<i32>} : memref<8192xf32, #tpu.memory_space<vmem>>, vector<16xf32>,
      %add3A_2089 = arith.constant 112 : i32
      %add3A_2090 = arith.addi %mul3A_2046, %add3A_2089 : i32
      %get3A_2091 = arith.index_cast %add3A_2090 : i32 to index
      %get3A_2092 = tpu.vector_load %arg7[%get3A_2091] {strides = array<i32>} : memref<1536xf32, #tpu.memory_space<vmem>>, vector<16xf32>,
      %swap3A_2093 = arith.constant 4208 : index
      %swap3A_2094 = tpu.vector_load %arg8[%swap3A_2093] {strides = array<i32>} : memref<8192xf32, #tpu.memory_space<vmem>>, vector<16xf32>,
      tpu.vector_store %arg8[%swap3A_2093], %get3A_2092 {strides = array<i32>} : memref<8192xf32, #tpu.memory_space<vmem>>, vector<16xf32>,
      %get3A_2095 = arith.constant 1 : i32
      %get3A_2096 = arith.constant 1 : i32
      %get3A_2097 = arith.index_cast %get3A_2095 : i32 to index
      %get3A_2098 = arith.index_cast %get3A_2096 : i32 to index
      %get3A_2099 = memref.load %arg9[%get3A_2097, %get3A_2098] : memref<2x32xi32, #tpu.memory_space<smem>>
      %gt3A_2100 = arith.constant 1000 : i32
      %gt3A_2101 = arith.cmpi sgt, %get3A_2099, %gt3A_2100 : i32
      %min3A_2102 = arith.constant 10 : i32
      %min3A_2103 = arith.minsi %get3A_2099, %min3A_2102 : i32
      %jit3A_2104 = arith.constant 11 : i32
      %select_n3A_2105 = arith.select %gt3A_2101, %jit3A_2104, %min3A_2103 : i32
      %mul3A_2106 = arith.constant 128 : i32
      %mul3A_2107 = arith.muli %select_n3A_2105, %mul3A_2106 : i32
      %add3A_2108 = arith.constant 0 : i32
      %add3A_2109 = arith.addi %mul3A_2107, %add3A_2108 : i32
      %get3A_2110 = arith.index_cast %add3A_2109 : i32 to index
      %get3A_2111 = tpu.vector_load %arg7[%get3A_2110] {strides = array<i32>} : memref<1536xf32, #tpu.memory_space<vmem>>, vector<16xf32>,
      %swap3A_2112 = arith.constant 4224 : index
      %swap3A_2113 = tpu.vector_load %arg8[%swap3A_2112] {strides = array<i32>} : memref<8192xf32, #tpu.memory_space<vmem>>, vector<16xf32>,
      tpu.vector_store %arg8[%swap3A_2112], %get3A_2111 {strides = array<i32>} : memref<8192xf32, #tpu.memory_space<vmem>>, vector<16xf32>,
      %add3A_2114 = arith.constant 16 : i32
      %add3A_2115 = arith.addi %mul3A_2107, %add3A_2114 : i32
      %get3A_2116 = arith.index_cast %add3A_2115 : i32 to index
      %get3A_2117 = tpu.vector_load %arg7[%get3A_2116] {strides = array<i32>} : memref<1536xf32, #tpu.memory_space<vmem>>, vector<16xf32>,
      %swap3A_2118 = arith.constant 4240 : index
      %swap3A_2119 = tpu.vector_load %arg8[%swap3A_2118] {strides = array<i32>} : memref<8192xf32, #tpu.memory_space<vmem>>, vector<16xf32>,
      tpu.vector_store %arg8[%swap3A_2118], %get3A_2117 {strides = array<i32>} : memref<8192xf32, #tpu.memory_space<vmem>>, vector<16xf32>,
      %add3A_2120 = arith.constant 32 : i32
      %add3A_2121 = arith.addi %mul3A_2107, %add3A_2120 : i32
      %get3A_2122 = arith.index_cast %add3A_2121 : i32 to index
      %get3A_2123 = tpu.vector_load %arg7[%get3A_2122] {strides = array<i32>} : memref<1536xf32, #tpu.memory_space<vmem>>, vector<16xf32>,
      %swap3A_2124 = arith.constant 4256 : index
      %swap3A_2125 = tpu.vector_load %arg8[%swap3A_2124] {strides = array<i32>} : memref<8192xf32, #tpu.memory_space<vmem>>, vector<16xf32>,
      tpu.vector_store %arg8[%swap3A_2124], %get3A_2123 {strides = array<i32>} : memref<8192xf32, #tpu.memory_space<vmem>>, vector<16xf32>,
      %add3A_2126 = arith.constant 48 : i32
      %add3A_2127 = arith.addi %mul3A_2107, %add3A_2126 : i32
      %get3A_2128 = arith.index_cast %add3A_2127 : i32 to index
      %get3A_2129 = tpu.vector_load %arg7[%get3A_2128] {strides = array<i32>} : memref<1536xf32, #tpu.memory_space<vmem>>, vector<16xf32>,
      %swap3A_2130 = arith.constant 4272 : index
      %swap3A_2131 = tpu.vector_load %arg8[%swap3A_2130] {strides = array<i32>} : memref<8192xf32, #tpu.memory_space<vmem>>, vector<16xf32>,
      tpu.vector_store %arg8[%swap3A_2130], %get3A_2129 {strides = array<i32>} : memref<8192xf32, #tpu.memory_space<vmem>>, vector<16xf32>,
      %add3A_2132 = arith.constant 64 : i32
      %add3A_2133 = arith.addi %mul3A_2107, %add3A_2132 : i32
      %get3A_2134 = arith.index_cast %add3A_2133 : i32 to index
      %get3A_2135 = tpu.vector_load %arg7[%get3A_2134] {strides = array<i32>} : memref<1536xf32, #tpu.memory_space<vmem>>, vector<16xf32>,
      %swap3A_2136 = arith.constant 4288 : index
      %swap3A_2137 = tpu.vector_load %arg8[%swap3A_2136] {strides = array<i32>} : memref<8192xf32, #tpu.memory_space<vmem>>, vector<16xf32>,
      tpu.vector_store %arg8[%swap3A_2136], %get3A_2135 {strides = array<i32>} : memref<8192xf32, #tpu.memory_space<vmem>>, vector<16xf32>,
      %add3A_2138 = arith.constant 80 : i32
      %add3A_2139 = arith.addi %mul3A_2107, %add3A_2138 : i32
      %get3A_2140 = arith.index_cast %add3A_2139 : i32 to index
      %get3A_2141 = tpu.vector_load %arg7[%get3A_2140] {strides = array<i32>} : memref<1536xf32, #tpu.memory_space<vmem>>, vector<16xf32>,
      %swap3A_2142 = arith.constant 4304 : index
      %swap3A_2143 = tpu.vector_load %arg8[%swap3A_2142] {strides = array<i32>} : memref<8192xf32, #tpu.memory_space<vmem>>, vector<16xf32>,
      tpu.vector_store %arg8[%swap3A_2142], %get3A_2141 {strides = array<i32>} : memref<8192xf32, #tpu.memory_space<vmem>>, vector<16xf32>,
      %add3A_2144 = arith.constant 96 : i32
      %add3A_2145 = arith.addi %mul3A_2107, %add3A_2144 : i32
      %get3A_2146 = arith.index_cast %add3A_2145 : i32 to index
      %get3A_2147 = tpu.vector_load %arg7[%get3A_2146] {strides = array<i32>} : memref<1536xf32, #tpu.memory_space<vmem>>, vector<16xf32>,
      %swap3A_2148 = arith.constant 4320 : index
      %swap3A_2149 = tpu.vector_load %arg8[%swap3A_2148] {strides = array<i32>} : memref<8192xf32, #tpu.memory_space<vmem>>, vector<16xf32>,
      tpu.vector_store %arg8[%swap3A_2148], %get3A_2147 {strides = array<i32>} : memref<8192xf32, #tpu.memory_space<vmem>>, vector<16xf32>,
      %add3A_2150 = arith.constant 112 : i32
      %add3A_2151 = arith.addi %mul3A_2107, %add3A_2150 : i32
      %get3A_2152 = arith.index_cast %add3A_2151 : i32 to index
      %get3A_2153 = tpu.vector_load %arg7[%get3A_2152] {strides = array<i32>} : memref<1536xf32, #tpu.memory_space<vmem>>, vector<16xf32>,
      %swap3A_2154 = arith.constant 4336 : index
      %swap3A_2155 = tpu.vector_load %arg8[%swap3A_2154] {strides = array<i32>} : memref<8192xf32, #tpu.memory_space<vmem>>, vector<16xf32>,
      tpu.vector_store %arg8[%swap3A_2154], %get3A_2153 {strides = array<i32>} : memref<8192xf32, #tpu.memory_space<vmem>>, vector<16xf32>,
      %get3A_2156 = arith.constant 1 : i32
      %get3A_2157 = arith.constant 2 : i32
      %get3A_2158 = arith.index_cast %get3A_2156 : i32 to index
      %get3A_2159 = arith.index_cast %get3A_2157 : i32 to index
      %get3A_2160 = memref.load %arg9[%get3A_2158, %get3A_2159] : memref<2x32xi32, #tpu.memory_space<smem>>
      %gt3A_2161 = arith.constant 1000 : i32
      %gt3A_2162 = arith.cmpi sgt, %get3A_2160, %gt3A_2161 : i32
      %min3A_2163 = arith.constant 10 : i32
      %min3A_2164 = arith.minsi %get3A_2160, %min3A_2163 : i32
      %jit3A_2165 = arith.constant 11 : i32
      %select_n3A_2166 = arith.select %gt3A_2162, %jit3A_2165, %min3A_2164 : i32
      %mul3A_2167 = arith.constant 128 : i32
      %mul3A_2168 = arith.muli %select_n3A_2166, %mul3A_2167 : i32
      %add3A_2169 = arith.constant 0 : i32
      %add3A_2170 = arith.addi %mul3A_2168, %add3A_2169 : i32
      %get3A_2171 = arith.index_cast %add3A_2170 : i32 to index
      %get3A_2172 = tpu.vector_load %arg7[%get3A_2171] {strides = array<i32>} : memref<1536xf32, #tpu.memory_space<vmem>>, vector<16xf32>,
      %swap3A_2173 = arith.constant 4352 : index
      %swap3A_2174 = tpu.vector_load %arg8[%swap3A_2173] {strides = array<i32>} : memref<8192xf32, #tpu.memory_space<vmem>>, vector<16xf32>,
      tpu.vector_store %arg8[%swap3A_2173], %get3A_2172 {strides = array<i32>} : memref<8192xf32, #tpu.memory_space<vmem>>, vector<16xf32>,
      %add3A_2175 = arith.constant 16 : i32
      %add3A_2176 = arith.addi %mul3A_2168, %add3A_2175 : i32
      %get3A_2177 = arith.index_cast %add3A_2176 : i32 to index
      %get3A_2178 = tpu.vector_load %arg7[%get3A_2177] {strides = array<i32>} : memref<1536xf32, #tpu.memory_space<vmem>>, vector<16xf32>,
      %swap3A_2179 = arith.constant 4368 : index
      %swap3A_2180 = tpu.vector_load %arg8[%swap3A_2179] {strides = array<i32>} : memref<8192xf32, #tpu.memory_space<vmem>>, vector<16xf32>,
      tpu.vector_store %arg8[%swap3A_2179], %get3A_2178 {strides = array<i32>} : memref<8192xf32, #tpu.memory_space<vmem>>, vector<16xf32>,
      %add3A_2181 = arith.constant 32 : i32
      %add3A_2182 = arith.addi %mul3A_2168, %add3A_2181 : i32
      %get3A_2183 = arith.index_cast %add3A_2182 : i32 to index
      %get3A_2184 = tpu.vector_load %arg7[%get3A_2183] {strides = array<i32>} : memref<1536xf32, #tpu.memory_space<vmem>>, vector<16xf32>,
      %swap3A_2185 = arith.constant 4384 : index
      %swap3A_2186 = tpu.vector_load %arg8[%swap3A_2185] {strides = array<i32>} : memref<8192xf32, #tpu.memory_space<vmem>>, vector<16xf32>,
      tpu.vector_store %arg8[%swap3A_2185], %get3A_2184 {strides = array<i32>} : memref<8192xf32, #tpu.memory_space<vmem>>, vector<16xf32>,
      %add3A_2187 = arith.constant 48 : i32
      %add3A_2188 = arith.addi %mul3A_2168, %add3A_2187 : i32
      %get3A_2189 = arith.index_cast %add3A_2188 : i32 to index
      %get3A_2190 = tpu.vector_load %arg7[%get3A_2189] {strides = array<i32>} : memref<1536xf32, #tpu.memory_space<vmem>>, vector<16xf32>,
      %swap3A_2191 = arith.constant 4400 : index
      %swap3A_2192 = tpu.vector_load %arg8[%swap3A_2191] {strides = array<i32>} : memref<8192xf32, #tpu.memory_space<vmem>>, vector<16xf32>,
      tpu.vector_store %arg8[%swap3A_2191], %get3A_2190 {strides = array<i32>} : memref<8192xf32, #tpu.memory_space<vmem>>, vector<16xf32>,
      %add3A_2193 = arith.constant 64 : i32
      %add3A_2194 = arith.addi %mul3A_2168, %add3A_2193 : i32
      %get3A_2195 = arith.index_cast %add3A_2194 : i32 to index
      %get3A_2196 = tpu.vector_load %arg7[%get3A_2195] {strides = array<i32>} : memref<1536xf32, #tpu.memory_space<vmem>>, vector<16xf32>,
      %swap3A_2197 = arith.constant 4416 : index
      %swap3A_2198 = tpu.vector_load %arg8[%swap3A_2197] {strides = array<i32>} : memref<8192xf32, #tpu.memory_space<vmem>>, vector<16xf32>,
      tpu.vector_store %arg8[%swap3A_2197], %get3A_2196 {strides = array<i32>} : memref<8192xf32, #tpu.memory_space<vmem>>, vector<16xf32>,
      %add3A_2199 = arith.constant 80 : i32
      %add3A_2200 = arith.addi %mul3A_2168, %add3A_2199 : i32
      %get3A_2201 = arith.index_cast %add3A_2200 : i32 to index
      %get3A_2202 = tpu.vector_load %arg7[%get3A_2201] {strides = array<i32>} : memref<1536xf32, #tpu.memory_space<vmem>>, vector<16xf32>,
      %swap3A_2203 = arith.constant 4432 : index
      %swap3A_2204 = tpu.vector_load %arg8[%swap3A_2203] {strides = array<i32>} : memref<8192xf32, #tpu.memory_space<vmem>>, vector<16xf32>,
      tpu.vector_store %arg8[%swap3A_2203], %get3A_2202 {strides = array<i32>} : memref<8192xf32, #tpu.memory_space<vmem>>, vector<16xf32>,
      %add3A_2205 = arith.constant 96 : i32
      %add3A_2206 = arith.addi %mul3A_2168, %add3A_2205 : i32
      %get3A_2207 = arith.index_cast %add3A_2206 : i32 to index
      %get3A_2208 = tpu.vector_load %arg7[%get3A_2207] {strides = array<i32>} : memref<1536xf32, #tpu.memory_space<vmem>>, vector<16xf32>,
      %swap3A_2209 = arith.constant 4448 : index
      %swap3A_2210 = tpu.vector_load %arg8[%swap3A_2209] {strides = array<i32>} : memref<8192xf32, #tpu.memory_space<vmem>>, vector<16xf32>,
      tpu.vector_store %arg8[%swap3A_2209], %get3A_2208 {strides = array<i32>} : memref<8192xf32, #tpu.memory_space<vmem>>, vector<16xf32>,
      %add3A_2211 = arith.constant 112 : i32
      %add3A_2212 = arith.addi %mul3A_2168, %add3A_2211 : i32
      %get3A_2213 = arith.index_cast %add3A_2212 : i32 to index
      %get3A_2214 = tpu.vector_load %arg7[%get3A_2213] {strides = array<i32>} : memref<1536xf32, #tpu.memory_space<vmem>>, vector<16xf32>,
      %swap3A_2215 = arith.constant 4464 : index
      %swap3A_2216 = tpu.vector_load %arg8[%swap3A_2215] {strides = array<i32>} : memref<8192xf32, #tpu.memory_space<vmem>>, vector<16xf32>,
      tpu.vector_store %arg8[%swap3A_2215], %get3A_2214 {strides = array<i32>} : memref<8192xf32, #tpu.memory_space<vmem>>, vector<16xf32>,
      %get3A_2217 = arith.constant 1 : i32
      %get3A_2218 = arith.constant 3 : i32
      %get3A_2219 = arith.index_cast %get3A_2217 : i32 to index
      %get3A_2220 = arith.index_cast %get3A_2218 : i32 to index
      %get3A_2221 = memref.load %arg9[%get3A_2219, %get3A_2220] : memref<2x32xi32, #tpu.memory_space<smem>>
      %gt3A_2222 = arith.constant 1000 : i32
      %gt3A_2223 = arith.cmpi sgt, %get3A_2221, %gt3A_2222 : i32
      %min3A_2224 = arith.constant 10 : i32
      %min3A_2225 = arith.minsi %get3A_2221, %min3A_2224 : i32
      %jit3A_2226 = arith.constant 11 : i32
      %select_n3A_2227 = arith.select %gt3A_2223, %jit3A_2226, %min3A_2225 : i32
      %mul3A_2228 = arith.constant 128 : i32
      %mul3A_2229 = arith.muli %select_n3A_2227, %mul3A_2228 : i32
      %add3A_2230 = arith.constant 0 : i32
      %add3A_2231 = arith.addi %mul3A_2229, %add3A_2230 : i32
      %get3A_2232 = arith.index_cast %add3A_2231 : i32 to index
      %get3A_2233 = tpu.vector_load %arg7[%get3A_2232] {strides = array<i32>} : memref<1536xf32, #tpu.memory_space<vmem>>, vector<16xf32>,
      %swap3A_2234 = arith.constant 4480 : index
      %swap3A_2235 = tpu.vector_load %arg8[%swap3A_2234] {strides = array<i32>} : memref<8192xf32, #tpu.memory_space<vmem>>, vector<16xf32>,
      tpu.vector_store %arg8[%swap3A_2234], %get3A_2233 {strides = array<i32>} : memref<8192xf32, #tpu.memory_space<vmem>>, vector<16xf32>,
      %add3A_2236 = arith.constant 16 : i32
      %add3A_2237 = arith.addi %mul3A_2229, %add3A_2236 : i32
      %get3A_2238 = arith.index_cast %add3A_2237 : i32 to index
      %get3A_2239 = tpu.vector_load %arg7[%get3A_2238] {strides = array<i32>} : memref<1536xf32, #tpu.memory_space<vmem>>, vector<16xf32>,
      %swap3A_2240 = arith.constant 4496 : index
      %swap3A_2241 = tpu.vector_load %arg8[%swap3A_2240] {strides = array<i32>} : memref<8192xf32, #tpu.memory_space<vmem>>, vector<16xf32>,
      tpu.vector_store %arg8[%swap3A_2240], %get3A_2239 {strides = array<i32>} : memref<8192xf32, #tpu.memory_space<vmem>>, vector<16xf32>,
      %add3A_2242 = arith.constant 32 : i32
      %add3A_2243 = arith.addi %mul3A_2229, %add3A_2242 : i32
      %get3A_2244 = arith.index_cast %add3A_2243 : i32 to index
      %get3A_2245 = tpu.vector_load %arg7[%get3A_2244] {strides = array<i32>} : memref<1536xf32, #tpu.memory_space<vmem>>, vector<16xf32>,
      %swap3A_2246 = arith.constant 4512 : index
      %swap3A_2247 = tpu.vector_load %arg8[%swap3A_2246] {strides = array<i32>} : memref<8192xf32, #tpu.memory_space<vmem>>, vector<16xf32>,
      tpu.vector_store %arg8[%swap3A_2246], %get3A_2245 {strides = array<i32>} : memref<8192xf32, #tpu.memory_space<vmem>>, vector<16xf32>,
      %add3A_2248 = arith.constant 48 : i32
      %add3A_2249 = arith.addi %mul3A_2229, %add3A_2248 : i32
      %get3A_2250 = arith.index_cast %add3A_2249 : i32 to index
      %get3A_2251 = tpu.vector_load %arg7[%get3A_2250] {strides = array<i32>} : memref<1536xf32, #tpu.memory_space<vmem>>, vector<16xf32>,
      %swap3A_2252 = arith.constant 4528 : index
      %swap3A_2253 = tpu.vector_load %arg8[%swap3A_2252] {strides = array<i32>} : memref<8192xf32, #tpu.memory_space<vmem>>, vector<16xf32>,
      tpu.vector_store %arg8[%swap3A_2252], %get3A_2251 {strides = array<i32>} : memref<8192xf32, #tpu.memory_space<vmem>>, vector<16xf32>,
      %add3A_2254 = arith.constant 64 : i32
      %add3A_2255 = arith.addi %mul3A_2229, %add3A_2254 : i32
      %get3A_2256 = arith.index_cast %add3A_2255 : i32 to index
      %get3A_2257 = tpu.vector_load %arg7[%get3A_2256] {strides = array<i32>} : memref<1536xf32, #tpu.memory_space<vmem>>, vector<16xf32>,
      %swap3A_2258 = arith.constant 4544 : index
      %swap3A_2259 = tpu.vector_load %arg8[%swap3A_2258] {strides = array<i32>} : memref<8192xf32, #tpu.memory_space<vmem>>, vector<16xf32>,
      tpu.vector_store %arg8[%swap3A_2258], %get3A_2257 {strides = array<i32>} : memref<8192xf32, #tpu.memory_space<vmem>>, vector<16xf32>,
      %add3A_2260 = arith.constant 80 : i32
      %add3A_2261 = arith.addi %mul3A_2229, %add3A_2260 : i32
      %get3A_2262 = arith.index_cast %add3A_2261 : i32 to index
      %get3A_2263 = tpu.vector_load %arg7[%get3A_2262] {strides = array<i32>} : memref<1536xf32, #tpu.memory_space<vmem>>, vector<16xf32>,
      %swap3A_2264 = arith.constant 4560 : index
      %swap3A_2265 = tpu.vector_load %arg8[%swap3A_2264] {strides = array<i32>} : memref<8192xf32, #tpu.memory_space<vmem>>, vector<16xf32>,
      tpu.vector_store %arg8[%swap3A_2264], %get3A_2263 {strides = array<i32>} : memref<8192xf32, #tpu.memory_space<vmem>>, vector<16xf32>,
      %add3A_2266 = arith.constant 96 : i32
      %add3A_2267 = arith.addi %mul3A_2229, %add3A_2266 : i32
      %get3A_2268 = arith.index_cast %add3A_2267 : i32 to index
      %get3A_2269 = tpu.vector_load %arg7[%get3A_2268] {strides = array<i32>} : memref<1536xf32, #tpu.memory_space<vmem>>, vector<16xf32>,
      %swap3A_2270 = arith.constant 4576 : index
      %swap3A_2271 = tpu.vector_load %arg8[%swap3A_2270] {strides = array<i32>} : memref<8192xf32, #tpu.memory_space<vmem>>, vector<16xf32>,
      tpu.vector_store %arg8[%swap3A_2270], %get3A_2269 {strides = array<i32>} : memref<8192xf32, #tpu.memory_space<vmem>>, vector<16xf32>,
      %add3A_2272 = arith.constant 112 : i32
      %add3A_2273 = arith.addi %mul3A_2229, %add3A_2272 : i32
      %get3A_2274 = arith.index_cast %add3A_2273 : i32 to index
      %get3A_2275 = tpu.vector_load %arg7[%get3A_2274] {strides = array<i32>} : memref<1536xf32, #tpu.memory_space<vmem>>, vector<16xf32>,
      %swap3A_2276 = arith.constant 4592 : index
      %swap3A_2277 = tpu.vector_load %arg8[%swap3A_2276] {strides = array<i32>} : memref<8192xf32, #tpu.memory_space<vmem>>, vector<16xf32>,
      tpu.vector_store %arg8[%swap3A_2276], %get3A_2275 {strides = array<i32>} : memref<8192xf32, #tpu.memory_space<vmem>>, vector<16xf32>,
      %get3A_2278 = arith.constant 1 : i32
      %get3A_2279 = arith.constant 4 : i32
      %get3A_2280 = arith.index_cast %get3A_2278 : i32 to index
      %get3A_2281 = arith.index_cast %get3A_2279 : i32 to index
      %get3A_2282 = memref.load %arg9[%get3A_2280, %get3A_2281] : memref<2x32xi32, #tpu.memory_space<smem>>
      %gt3A_2283 = arith.constant 1000 : i32
      %gt3A_2284 = arith.cmpi sgt, %get3A_2282, %gt3A_2283 : i32
      %min3A_2285 = arith.constant 10 : i32
      %min3A_2286 = arith.minsi %get3A_2282, %min3A_2285 : i32
      %jit3A_2287 = arith.constant 11 : i32
      %select_n3A_2288 = arith.select %gt3A_2284, %jit3A_2287, %min3A_2286 : i32
      %mul3A_2289 = arith.constant 128 : i32
      %mul3A_2290 = arith.muli %select_n3A_2288, %mul3A_2289 : i32
      %add3A_2291 = arith.constant 0 : i32
      %add3A_2292 = arith.addi %mul3A_2290, %add3A_2291 : i32
      %get3A_2293 = arith.index_cast %add3A_2292 : i32 to index
      %get3A_2294 = tpu.vector_load %arg7[%get3A_2293] {strides = array<i32>} : memref<1536xf32, #tpu.memory_space<vmem>>, vector<16xf32>,
      %swap3A_2295 = arith.constant 4608 : index
      %swap3A_2296 = tpu.vector_load %arg8[%swap3A_2295] {strides = array<i32>} : memref<8192xf32, #tpu.memory_space<vmem>>, vector<16xf32>,
      tpu.vector_store %arg8[%swap3A_2295], %get3A_2294 {strides = array<i32>} : memref<8192xf32, #tpu.memory_space<vmem>>, vector<16xf32>,
      %add3A_2297 = arith.constant 16 : i32
      %add3A_2298 = arith.addi %mul3A_2290, %add3A_2297 : i32
      %get3A_2299 = arith.index_cast %add3A_2298 : i32 to index
      %get3A_2300 = tpu.vector_load %arg7[%get3A_2299] {strides = array<i32>} : memref<1536xf32, #tpu.memory_space<vmem>>, vector<16xf32>,
      %swap3A_2301 = arith.constant 4624 : index
      %swap3A_2302 = tpu.vector_load %arg8[%swap3A_2301] {strides = array<i32>} : memref<8192xf32, #tpu.memory_space<vmem>>, vector<16xf32>,
      tpu.vector_store %arg8[%swap3A_2301], %get3A_2300 {strides = array<i32>} : memref<8192xf32, #tpu.memory_space<vmem>>, vector<16xf32>,
      %add3A_2303 = arith.constant 32 : i32
      %add3A_2304 = arith.addi %mul3A_2290, %add3A_2303 : i32
      %get3A_2305 = arith.index_cast %add3A_2304 : i32 to index
      %get3A_2306 = tpu.vector_load %arg7[%get3A_2305] {strides = array<i32>} : memref<1536xf32, #tpu.memory_space<vmem>>, vector<16xf32>,
      %swap3A_2307 = arith.constant 4640 : index
      %swap3A_2308 = tpu.vector_load %arg8[%swap3A_2307] {strides = array<i32>} : memref<8192xf32, #tpu.memory_space<vmem>>, vector<16xf32>,
      tpu.vector_store %arg8[%swap3A_2307], %get3A_2306 {strides = array<i32>} : memref<8192xf32, #tpu.memory_space<vmem>>, vector<16xf32>,
      %add3A_2309 = arith.constant 48 : i32
      %add3A_2310 = arith.addi %mul3A_2290, %add3A_2309 : i32
      %get3A_2311 = arith.index_cast %add3A_2310 : i32 to index
      %get3A_2312 = tpu.vector_load %arg7[%get3A_2311] {strides = array<i32>} : memref<1536xf32, #tpu.memory_space<vmem>>, vector<16xf32>,
      %swap3A_2313 = arith.constant 4656 : index
      %swap3A_2314 = tpu.vector_load %arg8[%swap3A_2313] {strides = array<i32>} : memref<8192xf32, #tpu.memory_space<vmem>>, vector<16xf32>,
      tpu.vector_store %arg8[%swap3A_2313], %get3A_2312 {strides = array<i32>} : memref<8192xf32, #tpu.memory_space<vmem>>, vector<16xf32>,
      %add3A_2315 = arith.constant 64 : i32
      %add3A_2316 = arith.addi %mul3A_2290, %add3A_2315 : i32
      %get3A_2317 = arith.index_cast %add3A_2316 : i32 to index
      %get3A_2318 = tpu.vector_load %arg7[%get3A_2317] {strides = array<i32>} : memref<1536xf32, #tpu.memory_space<vmem>>, vector<16xf32>,
      %swap3A_2319 = arith.constant 4672 : index
      %swap3A_2320 = tpu.vector_load %arg8[%swap3A_2319] {strides = array<i32>} : memref<8192xf32, #tpu.memory_space<vmem>>, vector<16xf32>,
      tpu.vector_store %arg8[%swap3A_2319], %get3A_2318 {strides = array<i32>} : memref<8192xf32, #tpu.memory_space<vmem>>, vector<16xf32>,
      %add3A_2321 = arith.constant 80 : i32
      %add3A_2322 = arith.addi %mul3A_2290, %add3A_2321 : i32
      %get3A_2323 = arith.index_cast %add3A_2322 : i32 to index
      %get3A_2324 = tpu.vector_load %arg7[%get3A_2323] {strides = array<i32>} : memref<1536xf32, #tpu.memory_space<vmem>>, vector<16xf32>,
      %swap3A_2325 = arith.constant 4688 : index
      %swap3A_2326 = tpu.vector_load %arg8[%swap3A_2325] {strides = array<i32>} : memref<8192xf32, #tpu.memory_space<vmem>>, vector<16xf32>,
      tpu.vector_store %arg8[%swap3A_2325], %get3A_2324 {strides = array<i32>} : memref<8192xf32, #tpu.memory_space<vmem>>, vector<16xf32>,
      %add3A_2327 = arith.constant 96 : i32
      %add3A_2328 = arith.addi %mul3A_2290, %add3A_2327 : i32
      %get3A_2329 = arith.index_cast %add3A_2328 : i32 to index
      %get3A_2330 = tpu.vector_load %arg7[%get3A_2329] {strides = array<i32>} : memref<1536xf32, #tpu.memory_space<vmem>>, vector<16xf32>,
      %swap3A_2331 = arith.constant 4704 : index
      %swap3A_2332 = tpu.vector_load %arg8[%swap3A_2331] {strides = array<i32>} : memref<8192xf32, #tpu.memory_space<vmem>>, vector<16xf32>,
      tpu.vector_store %arg8[%swap3A_2331], %get3A_2330 {strides = array<i32>} : memref<8192xf32, #tpu.memory_space<vmem>>, vector<16xf32>,
      %add3A_2333 = arith.constant 112 : i32
      %add3A_2334 = arith.addi %mul3A_2290, %add3A_2333 : i32
      %get3A_2335 = arith.index_cast %add3A_2334 : i32 to index
      %get3A_2336 = tpu.vector_load %arg7[%get3A_2335] {strides = array<i32>} : memref<1536xf32, #tpu.memory_space<vmem>>, vector<16xf32>,
      %swap3A_2337 = arith.constant 4720 : index
      %swap3A_2338 = tpu.vector_load %arg8[%swap3A_2337] {strides = array<i32>} : memref<8192xf32, #tpu.memory_space<vmem>>, vector<16xf32>,
      tpu.vector_store %arg8[%swap3A_2337], %get3A_2336 {strides = array<i32>} : memref<8192xf32, #tpu.memory_space<vmem>>, vector<16xf32>,
      %get3A_2339 = arith.constant 1 : i32
      %get3A_2340 = arith.constant 5 : i32
      %get3A_2341 = arith.index_cast %get3A_2339 : i32 to index
      %get3A_2342 = arith.index_cast %get3A_2340 : i32 to index
      %get3A_2343 = memref.load %arg9[%get3A_2341, %get3A_2342] : memref<2x32xi32, #tpu.memory_space<smem>>
      %gt3A_2344 = arith.constant 1000 : i32
      %gt3A_2345 = arith.cmpi sgt, %get3A_2343, %gt3A_2344 : i32
      %min3A_2346 = arith.constant 10 : i32
      %min3A_2347 = arith.minsi %get3A_2343, %min3A_2346 : i32
      %jit3A_2348 = arith.constant 11 : i32
      %select_n3A_2349 = arith.select %gt3A_2345, %jit3A_2348, %min3A_2347 : i32
      %mul3A_2350 = arith.constant 128 : i32
      %mul3A_2351 = arith.muli %select_n3A_2349, %mul3A_2350 : i32
      %add3A_2352 = arith.constant 0 : i32
      %add3A_2353 = arith.addi %mul3A_2351, %add3A_2352 : i32
      %get3A_2354 = arith.index_cast %add3A_2353 : i32 to index
      %get3A_2355 = tpu.vector_load %arg7[%get3A_2354] {strides = array<i32>} : memref<1536xf32, #tpu.memory_space<vmem>>, vector<16xf32>,
      %swap3A_2356 = arith.constant 4736 : index
      %swap3A_2357 = tpu.vector_load %arg8[%swap3A_2356] {strides = array<i32>} : memref<8192xf32, #tpu.memory_space<vmem>>, vector<16xf32>,
      tpu.vector_store %arg8[%swap3A_2356], %get3A_2355 {strides = array<i32>} : memref<8192xf32, #tpu.memory_space<vmem>>, vector<16xf32>,
      %add3A_2358 = arith.constant 16 : i32
      %add3A_2359 = arith.addi %mul3A_2351, %add3A_2358 : i32
      %get3A_2360 = arith.index_cast %add3A_2359 : i32 to index
      %get3A_2361 = tpu.vector_load %arg7[%get3A_2360] {strides = array<i32>} : memref<1536xf32, #tpu.memory_space<vmem>>, vector<16xf32>,
      %swap3A_2362 = arith.constant 4752 : index
      %swap3A_2363 = tpu.vector_load %arg8[%swap3A_2362] {strides = array<i32>} : memref<8192xf32, #tpu.memory_space<vmem>>, vector<16xf32>,
      tpu.vector_store %arg8[%swap3A_2362], %get3A_2361 {strides = array<i32>} : memref<8192xf32, #tpu.memory_space<vmem>>, vector<16xf32>,
      %add3A_2364 = arith.constant 32 : i32
      %add3A_2365 = arith.addi %mul3A_2351, %add3A_2364 : i32
      %get3A_2366 = arith.index_cast %add3A_2365 : i32 to index
      %get3A_2367 = tpu.vector_load %arg7[%get3A_2366] {strides = array<i32>} : memref<1536xf32, #tpu.memory_space<vmem>>, vector<16xf32>,
      %swap3A_2368 = arith.constant 4768 : index
      %swap3A_2369 = tpu.vector_load %arg8[%swap3A_2368] {strides = array<i32>} : memref<8192xf32, #tpu.memory_space<vmem>>, vector<16xf32>,
      tpu.vector_store %arg8[%swap3A_2368], %get3A_2367 {strides = array<i32>} : memref<8192xf32, #tpu.memory_space<vmem>>, vector<16xf32>,
      %add3A_2370 = arith.constant 48 : i32
      %add3A_2371 = arith.addi %mul3A_2351, %add3A_2370 : i32
      %get3A_2372 = arith.index_cast %add3A_2371 : i32 to index
      %get3A_2373 = tpu.vector_load %arg7[%get3A_2372] {strides = array<i32>} : memref<1536xf32, #tpu.memory_space<vmem>>, vector<16xf32>,
      %swap3A_2374 = arith.constant 4784 : index
      %swap3A_2375 = tpu.vector_load %arg8[%swap3A_2374] {strides = array<i32>} : memref<8192xf32, #tpu.memory_space<vmem>>, vector<16xf32>,
      tpu.vector_store %arg8[%swap3A_2374], %get3A_2373 {strides = array<i32>} : memref<8192xf32, #tpu.memory_space<vmem>>, vector<16xf32>,
      %add3A_2376 = arith.constant 64 : i32
      %add3A_2377 = arith.addi %mul3A_2351, %add3A_2376 : i32
      %get3A_2378 = arith.index_cast %add3A_2377 : i32 to index
      %get3A_2379 = tpu.vector_load %arg7[%get3A_2378] {strides = array<i32>} : memref<1536xf32, #tpu.memory_space<vmem>>, vector<16xf32>,
      %swap3A_2380 = arith.constant 4800 : index
      %swap3A_2381 = tpu.vector_load %arg8[%swap3A_2380] {strides = array<i32>} : memref<8192xf32, #tpu.memory_space<vmem>>, vector<16xf32>,
      tpu.vector_store %arg8[%swap3A_2380], %get3A_2379 {strides = array<i32>} : memref<8192xf32, #tpu.memory_space<vmem>>, vector<16xf32>,
      %add3A_2382 = arith.constant 80 : i32
      %add3A_2383 = arith.addi %mul3A_2351, %add3A_2382 : i32
      %get3A_2384 = arith.index_cast %add3A_2383 : i32 to index
      %get3A_2385 = tpu.vector_load %arg7[%get3A_2384] {strides = array<i32>} : memref<1536xf32, #tpu.memory_space<vmem>>, vector<16xf32>,
      %swap3A_2386 = arith.constant 4816 : index
      %swap3A_2387 = tpu.vector_load %arg8[%swap3A_2386] {strides = array<i32>} : memref<8192xf32, #tpu.memory_space<vmem>>, vector<16xf32>,
      tpu.vector_store %arg8[%swap3A_2386], %get3A_2385 {strides = array<i32>} : memref<8192xf32, #tpu.memory_space<vmem>>, vector<16xf32>,
      %add3A_2388 = arith.constant 96 : i32
      %add3A_2389 = arith.addi %mul3A_2351, %add3A_2388 : i32
      %get3A_2390 = arith.index_cast %add3A_2389 : i32 to index
      %get3A_2391 = tpu.vector_load %arg7[%get3A_2390] {strides = array<i32>} : memref<1536xf32, #tpu.memory_space<vmem>>, vector<16xf32>,
      %swap3A_2392 = arith.constant 4832 : index
      %swap3A_2393 = tpu.vector_load %arg8[%swap3A_2392] {strides = array<i32>} : memref<8192xf32, #tpu.memory_space<vmem>>, vector<16xf32>,
      tpu.vector_store %arg8[%swap3A_2392], %get3A_2391 {strides = array<i32>} : memref<8192xf32, #tpu.memory_space<vmem>>, vector<16xf32>,
      %add3A_2394 = arith.constant 112 : i32
      %add3A_2395 = arith.addi %mul3A_2351, %add3A_2394 : i32
      %get3A_2396 = arith.index_cast %add3A_2395 : i32 to index
      %get3A_2397 = tpu.vector_load %arg7[%get3A_2396] {strides = array<i32>} : memref<1536xf32, #tpu.memory_space<vmem>>, vector<16xf32>,
      %swap3A_2398 = arith.constant 4848 : index
      %swap3A_2399 = tpu.vector_load %arg8[%swap3A_2398] {strides = array<i32>} : memref<8192xf32, #tpu.memory_space<vmem>>, vector<16xf32>,
      tpu.vector_store %arg8[%swap3A_2398], %get3A_2397 {strides = array<i32>} : memref<8192xf32, #tpu.memory_space<vmem>>, vector<16xf32>,
      %get3A_2400 = arith.constant 1 : i32
      %get3A_2401 = arith.constant 6 : i32
      %get3A_2402 = arith.index_cast %get3A_2400 : i32 to index
      %get3A_2403 = arith.index_cast %get3A_2401 : i32 to index
      %get3A_2404 = memref.load %arg9[%get3A_2402, %get3A_2403] : memref<2x32xi32, #tpu.memory_space<smem>>
      %gt3A_2405 = arith.constant 1000 : i32
      %gt3A_2406 = arith.cmpi sgt, %get3A_2404, %gt3A_2405 : i32
      %min3A_2407 = arith.constant 10 : i32
      %min3A_2408 = arith.minsi %get3A_2404, %min3A_2407 : i32
      %jit3A_2409 = arith.constant 11 : i32
      %select_n3A_2410 = arith.select %gt3A_2406, %jit3A_2409, %min3A_2408 : i32
      %mul3A_2411 = arith.constant 128 : i32
      %mul3A_2412 = arith.muli %select_n3A_2410, %mul3A_2411 : i32
      %add3A_2413 = arith.constant 0 : i32
      %add3A_2414 = arith.addi %mul3A_2412, %add3A_2413 : i32
      %get3A_2415 = arith.index_cast %add3A_2414 : i32 to index
      %get3A_2416 = tpu.vector_load %arg7[%get3A_2415] {strides = array<i32>} : memref<1536xf32, #tpu.memory_space<vmem>>, vector<16xf32>,
      %swap3A_2417 = arith.constant 4864 : index
      %swap3A_2418 = tpu.vector_load %arg8[%swap3A_2417] {strides = array<i32>} : memref<8192xf32, #tpu.memory_space<vmem>>, vector<16xf32>,
      tpu.vector_store %arg8[%swap3A_2417], %get3A_2416 {strides = array<i32>} : memref<8192xf32, #tpu.memory_space<vmem>>, vector<16xf32>,
      %add3A_2419 = arith.constant 16 : i32
      %add3A_2420 = arith.addi %mul3A_2412, %add3A_2419 : i32
      %get3A_2421 = arith.index_cast %add3A_2420 : i32 to index
      %get3A_2422 = tpu.vector_load %arg7[%get3A_2421] {strides = array<i32>} : memref<1536xf32, #tpu.memory_space<vmem>>, vector<16xf32>,
      %swap3A_2423 = arith.constant 4880 : index
      %swap3A_2424 = tpu.vector_load %arg8[%swap3A_2423] {strides = array<i32>} : memref<8192xf32, #tpu.memory_space<vmem>>, vector<16xf32>,
      tpu.vector_store %arg8[%swap3A_2423], %get3A_2422 {strides = array<i32>} : memref<8192xf32, #tpu.memory_space<vmem>>, vector<16xf32>,
      %add3A_2425 = arith.constant 32 : i32
      %add3A_2426 = arith.addi %mul3A_2412, %add3A_2425 : i32
      %get3A_2427 = arith.index_cast %add3A_2426 : i32 to index
      %get3A_2428 = tpu.vector_load %arg7[%get3A_2427] {strides = array<i32>} : memref<1536xf32, #tpu.memory_space<vmem>>, vector<16xf32>,
      %swap3A_2429 = arith.constant 4896 : index
      %swap3A_2430 = tpu.vector_load %arg8[%swap3A_2429] {strides = array<i32>} : memref<8192xf32, #tpu.memory_space<vmem>>, vector<16xf32>,
      tpu.vector_store %arg8[%swap3A_2429], %get3A_2428 {strides = array<i32>} : memref<8192xf32, #tpu.memory_space<vmem>>, vector<16xf32>,
      %add3A_2431 = arith.constant 48 : i32
      %add3A_2432 = arith.addi %mul3A_2412, %add3A_2431 : i32
      %get3A_2433 = arith.index_cast %add3A_2432 : i32 to index
      %get3A_2434 = tpu.vector_load %arg7[%get3A_2433] {strides = array<i32>} : memref<1536xf32, #tpu.memory_space<vmem>>, vector<16xf32>,
      %swap3A_2435 = arith.constant 4912 : index
      %swap3A_2436 = tpu.vector_load %arg8[%swap3A_2435] {strides = array<i32>} : memref<8192xf32, #tpu.memory_space<vmem>>, vector<16xf32>,
      tpu.vector_store %arg8[%swap3A_2435], %get3A_2434 {strides = array<i32>} : memref<8192xf32, #tpu.memory_space<vmem>>, vector<16xf32>,
      %add3A_2437 = arith.constant 64 : i32
      %add3A_2438 = arith.addi %mul3A_2412, %add3A_2437 : i32
      %get3A_2439 = arith.index_cast %add3A_2438 : i32 to index
      %get3A_2440 = tpu.vector_load %arg7[%get3A_2439] {strides = array<i32>} : memref<1536xf32, #tpu.memory_space<vmem>>, vector<16xf32>,
      %swap3A_2441 = arith.constant 4928 : index
      %swap3A_2442 = tpu.vector_load %arg8[%swap3A_2441] {strides = array<i32>} : memref<8192xf32, #tpu.memory_space<vmem>>, vector<16xf32>,
      tpu.vector_store %arg8[%swap3A_2441], %get3A_2440 {strides = array<i32>} : memref<8192xf32, #tpu.memory_space<vmem>>, vector<16xf32>,
      %add3A_2443 = arith.constant 80 : i32
      %add3A_2444 = arith.addi %mul3A_2412, %add3A_2443 : i32
      %get3A_2445 = arith.index_cast %add3A_2444 : i32 to index
      %get3A_2446 = tpu.vector_load %arg7[%get3A_2445] {strides = array<i32>} : memref<1536xf32, #tpu.memory_space<vmem>>, vector<16xf32>,
      %swap3A_2447 = arith.constant 4944 : index
      %swap3A_2448 = tpu.vector_load %arg8[%swap3A_2447] {strides = array<i32>} : memref<8192xf32, #tpu.memory_space<vmem>>, vector<16xf32>,
      tpu.vector_store %arg8[%swap3A_2447], %get3A_2446 {strides = array<i32>} : memref<8192xf32, #tpu.memory_space<vmem>>, vector<16xf32>,
      %add3A_2449 = arith.constant 96 : i32
      %add3A_2450 = arith.addi %mul3A_2412, %add3A_2449 : i32
      %get3A_2451 = arith.index_cast %add3A_2450 : i32 to index
      %get3A_2452 = tpu.vector_load %arg7[%get3A_2451] {strides = array<i32>} : memref<1536xf32, #tpu.memory_space<vmem>>, vector<16xf32>,
      %swap3A_2453 = arith.constant 4960 : index
      %swap3A_2454 = tpu.vector_load %arg8[%swap3A_2453] {strides = array<i32>} : memref<8192xf32, #tpu.memory_space<vmem>>, vector<16xf32>,
      tpu.vector_store %arg8[%swap3A_2453], %get3A_2452 {strides = array<i32>} : memref<8192xf32, #tpu.memory_space<vmem>>, vector<16xf32>,
      %add3A_2455 = arith.constant 112 : i32
      %add3A_2456 = arith.addi %mul3A_2412, %add3A_2455 : i32
      %get3A_2457 = arith.index_cast %add3A_2456 : i32 to index
      %get3A_2458 = tpu.vector_load %arg7[%get3A_2457] {strides = array<i32>} : memref<1536xf32, #tpu.memory_space<vmem>>, vector<16xf32>,
      %swap3A_2459 = arith.constant 4976 : index
      %swap3A_2460 = tpu.vector_load %arg8[%swap3A_2459] {strides = array<i32>} : memref<8192xf32, #tpu.memory_space<vmem>>, vector<16xf32>,
      tpu.vector_store %arg8[%swap3A_2459], %get3A_2458 {strides = array<i32>} : memref<8192xf32, #tpu.memory_space<vmem>>, vector<16xf32>,
      %get3A_2461 = arith.constant 1 : i32
      %get3A_2462 = arith.constant 7 : i32
      %get3A_2463 = arith.index_cast %get3A_2461 : i32 to index
      %get3A_2464 = arith.index_cast %get3A_2462 : i32 to index
      %get3A_2465 = memref.load %arg9[%get3A_2463, %get3A_2464] : memref<2x32xi32, #tpu.memory_space<smem>>
      %gt3A_2466 = arith.constant 1000 : i32
      %gt3A_2467 = arith.cmpi sgt, %get3A_2465, %gt3A_2466 : i32
      %min3A_2468 = arith.constant 10 : i32
      %min3A_2469 = arith.minsi %get3A_2465, %min3A_2468 : i32
      %jit3A_2470 = arith.constant 11 : i32
      %select_n3A_2471 = arith.select %gt3A_2467, %jit3A_2470, %min3A_2469 : i32
      %mul3A_2472 = arith.constant 128 : i32
      %mul3A_2473 = arith.muli %select_n3A_2471, %mul3A_2472 : i32
      %add3A_2474 = arith.constant 0 : i32
      %add3A_2475 = arith.addi %mul3A_2473, %add3A_2474 : i32
      %get3A_2476 = arith.index_cast %add3A_2475 : i32 to index
      %get3A_2477 = tpu.vector_load %arg7[%get3A_2476] {strides = array<i32>} : memref<1536xf32, #tpu.memory_space<vmem>>, vector<16xf32>,
      %swap3A_2478 = arith.constant 4992 : index
      %swap3A_2479 = tpu.vector_load %arg8[%swap3A_2478] {strides = array<i32>} : memref<8192xf32, #tpu.memory_space<vmem>>, vector<16xf32>,
      tpu.vector_store %arg8[%swap3A_2478], %get3A_2477 {strides = array<i32>} : memref<8192xf32, #tpu.memory_space<vmem>>, vector<16xf32>,
      %add3A_2480 = arith.constant 16 : i32
      %add3A_2481 = arith.addi %mul3A_2473, %add3A_2480 : i32
      %get3A_2482 = arith.index_cast %add3A_2481 : i32 to index
      %get3A_2483 = tpu.vector_load %arg7[%get3A_2482] {strides = array<i32>} : memref<1536xf32, #tpu.memory_space<vmem>>, vector<16xf32>,
      %swap3A_2484 = arith.constant 5008 : index
      %swap3A_2485 = tpu.vector_load %arg8[%swap3A_2484] {strides = array<i32>} : memref<8192xf32, #tpu.memory_space<vmem>>, vector<16xf32>,
      tpu.vector_store %arg8[%swap3A_2484], %get3A_2483 {strides = array<i32>} : memref<8192xf32, #tpu.memory_space<vmem>>, vector<16xf32>,
      %add3A_2486 = arith.constant 32 : i32
      %add3A_2487 = arith.addi %mul3A_2473, %add3A_2486 : i32
      %get3A_2488 = arith.index_cast %add3A_2487 : i32 to index
      %get3A_2489 = tpu.vector_load %arg7[%get3A_2488] {strides = array<i32>} : memref<1536xf32, #tpu.memory_space<vmem>>, vector<16xf32>,
      %swap3A_2490 = arith.constant 5024 : index
      %swap3A_2491 = tpu.vector_load %arg8[%swap3A_2490] {strides = array<i32>} : memref<8192xf32, #tpu.memory_space<vmem>>, vector<16xf32>,
      tpu.vector_store %arg8[%swap3A_2490], %get3A_2489 {strides = array<i32>} : memref<8192xf32, #tpu.memory_space<vmem>>, vector<16xf32>,
      %add3A_2492 = arith.constant 48 : i32
      %add3A_2493 = arith.addi %mul3A_2473, %add3A_2492 : i32
      %get3A_2494 = arith.index_cast %add3A_2493 : i32 to index
      %get3A_2495 = tpu.vector_load %arg7[%get3A_2494] {strides = array<i32>} : memref<1536xf32, #tpu.memory_space<vmem>>, vector<16xf32>,
      %swap3A_2496 = arith.constant 5040 : index
      %swap3A_2497 = tpu.vector_load %arg8[%swap3A_2496] {strides = array<i32>} : memref<8192xf32, #tpu.memory_space<vmem>>, vector<16xf32>,
      tpu.vector_store %arg8[%swap3A_2496], %get3A_2495 {strides = array<i32>} : memref<8192xf32, #tpu.memory_space<vmem>>, vector<16xf32>,
      %add3A_2498 = arith.constant 64 : i32
      %add3A_2499 = arith.addi %mul3A_2473, %add3A_2498 : i32
      %get3A_2500 = arith.index_cast %add3A_2499 : i32 to index
      %get3A_2501 = tpu.vector_load %arg7[%get3A_2500] {strides = array<i32>} : memref<1536xf32, #tpu.memory_space<vmem>>, vector<16xf32>,
      %swap3A_2502 = arith.constant 5056 : index
      %swap3A_2503 = tpu.vector_load %arg8[%swap3A_2502] {strides = array<i32>} : memref<8192xf32, #tpu.memory_space<vmem>>, vector<16xf32>,
      tpu.vector_store %arg8[%swap3A_2502], %get3A_2501 {strides = array<i32>} : memref<8192xf32, #tpu.memory_space<vmem>>, vector<16xf32>,
      %add3A_2504 = arith.constant 80 : i32
      %add3A_2505 = arith.addi %mul3A_2473, %add3A_2504 : i32
      %get3A_2506 = arith.index_cast %add3A_2505 : i32 to index
      %get3A_2507 = tpu.vector_load %arg7[%get3A_2506] {strides = array<i32>} : memref<1536xf32, #tpu.memory_space<vmem>>, vector<16xf32>,
      %swap3A_2508 = arith.constant 5072 : index
      %swap3A_2509 = tpu.vector_load %arg8[%swap3A_2508] {strides = array<i32>} : memref<8192xf32, #tpu.memory_space<vmem>>, vector<16xf32>,
      tpu.vector_store %arg8[%swap3A_2508], %get3A_2507 {strides = array<i32>} : memref<8192xf32, #tpu.memory_space<vmem>>, vector<16xf32>,
      %add3A_2510 = arith.constant 96 : i32
      %add3A_2511 = arith.addi %mul3A_2473, %add3A_2510 : i32
      %get3A_2512 = arith.index_cast %add3A_2511 : i32 to index
      %get3A_2513 = tpu.vector_load %arg7[%get3A_2512] {strides = array<i32>} : memref<1536xf32, #tpu.memory_space<vmem>>, vector<16xf32>,
      %swap3A_2514 = arith.constant 5088 : index
      %swap3A_2515 = tpu.vector_load %arg8[%swap3A_2514] {strides = array<i32>} : memref<8192xf32, #tpu.memory_space<vmem>>, vector<16xf32>,
      tpu.vector_store %arg8[%swap3A_2514], %get3A_2513 {strides = array<i32>} : memref<8192xf32, #tpu.memory_space<vmem>>, vector<16xf32>,
      %add3A_2516 = arith.constant 112 : i32
      %add3A_2517 = arith.addi %mul3A_2473, %add3A_2516 : i32
      %get3A_2518 = arith.index_cast %add3A_2517 : i32 to index
      %get3A_2519 = tpu.vector_load %arg7[%get3A_2518] {strides = array<i32>} : memref<1536xf32, #tpu.memory_space<vmem>>, vector<16xf32>,
      %swap3A_2520 = arith.constant 5104 : index
      %swap3A_2521 = tpu.vector_load %arg8[%swap3A_2520] {strides = array<i32>} : memref<8192xf32, #tpu.memory_space<vmem>>, vector<16xf32>,
      tpu.vector_store %arg8[%swap3A_2520], %get3A_2519 {strides = array<i32>} : memref<8192xf32, #tpu.memory_space<vmem>>, vector<16xf32>,
      %get3A_2522 = arith.constant 1 : i32
      %get3A_2523 = arith.constant 8 : i32
      %get3A_2524 = arith.index_cast %get3A_2522 : i32 to index
      %get3A_2525 = arith.index_cast %get3A_2523 : i32 to index
      %get3A_2526 = memref.load %arg9[%get3A_2524, %get3A_2525] : memref<2x32xi32, #tpu.memory_space<smem>>
      %gt3A_2527 = arith.constant 1000 : i32
      %gt3A_2528 = arith.cmpi sgt, %get3A_2526, %gt3A_2527 : i32
      %min3A_2529 = arith.constant 10 : i32
      %min3A_2530 = arith.minsi %get3A_2526, %min3A_2529 : i32
      %jit3A_2531 = arith.constant 11 : i32
      %select_n3A_2532 = arith.select %gt3A_2528, %jit3A_2531, %min3A_2530 : i32
      %mul3A_2533 = arith.constant 128 : i32
      %mul3A_2534 = arith.muli %select_n3A_2532, %mul3A_2533 : i32
      %add3A_2535 = arith.constant 0 : i32
      %add3A_2536 = arith.addi %mul3A_2534, %add3A_2535 : i32
      %get3A_2537 = arith.index_cast %add3A_2536 : i32 to index
      %get3A_2538 = tpu.vector_load %arg7[%get3A_2537] {strides = array<i32>} : memref<1536xf32, #tpu.memory_space<vmem>>, vector<16xf32>,
      %swap3A_2539 = arith.constant 5120 : index
      %swap3A_2540 = tpu.vector_load %arg8[%swap3A_2539] {strides = array<i32>} : memref<8192xf32, #tpu.memory_space<vmem>>, vector<16xf32>,
      tpu.vector_store %arg8[%swap3A_2539], %get3A_2538 {strides = array<i32>} : memref<8192xf32, #tpu.memory_space<vmem>>, vector<16xf32>,
      %add3A_2541 = arith.constant 16 : i32
      %add3A_2542 = arith.addi %mul3A_2534, %add3A_2541 : i32
      %get3A_2543 = arith.index_cast %add3A_2542 : i32 to index
      %get3A_2544 = tpu.vector_load %arg7[%get3A_2543] {strides = array<i32>} : memref<1536xf32, #tpu.memory_space<vmem>>, vector<16xf32>,
      %swap3A_2545 = arith.constant 5136 : index
      %swap3A_2546 = tpu.vector_load %arg8[%swap3A_2545] {strides = array<i32>} : memref<8192xf32, #tpu.memory_space<vmem>>, vector<16xf32>,
      tpu.vector_store %arg8[%swap3A_2545], %get3A_2544 {strides = array<i32>} : memref<8192xf32, #tpu.memory_space<vmem>>, vector<16xf32>,
      %add3A_2547 = arith.constant 32 : i32
      %add3A_2548 = arith.addi %mul3A_2534, %add3A_2547 : i32
      %get3A_2549 = arith.index_cast %add3A_2548 : i32 to index
      %get3A_2550 = tpu.vector_load %arg7[%get3A_2549] {strides = array<i32>} : memref<1536xf32, #tpu.memory_space<vmem>>, vector<16xf32>,
      %swap3A_2551 = arith.constant 5152 : index
      %swap3A_2552 = tpu.vector_load %arg8[%swap3A_2551] {strides = array<i32>} : memref<8192xf32, #tpu.memory_space<vmem>>, vector<16xf32>,
      tpu.vector_store %arg8[%swap3A_2551], %get3A_2550 {strides = array<i32>} : memref<8192xf32, #tpu.memory_space<vmem>>, vector<16xf32>,
      %add3A_2553 = arith.constant 48 : i32
      %add3A_2554 = arith.addi %mul3A_2534, %add3A_2553 : i32
      %get3A_2555 = arith.index_cast %add3A_2554 : i32 to index
      %get3A_2556 = tpu.vector_load %arg7[%get3A_2555] {strides = array<i32>} : memref<1536xf32, #tpu.memory_space<vmem>>, vector<16xf32>,
      %swap3A_2557 = arith.constant 5168 : index
      %swap3A_2558 = tpu.vector_load %arg8[%swap3A_2557] {strides = array<i32>} : memref<8192xf32, #tpu.memory_space<vmem>>, vector<16xf32>,
      tpu.vector_store %arg8[%swap3A_2557], %get3A_2556 {strides = array<i32>} : memref<8192xf32, #tpu.memory_space<vmem>>, vector<16xf32>,
      %add3A_2559 = arith.constant 64 : i32
      %add3A_2560 = arith.addi %mul3A_2534, %add3A_2559 : i32
      %get3A_2561 = arith.index_cast %add3A_2560 : i32 to index
      %get3A_2562 = tpu.vector_load %arg7[%get3A_2561] {strides = array<i32>} : memref<1536xf32, #tpu.memory_space<vmem>>, vector<16xf32>,
      %swap3A_2563 = arith.constant 5184 : index
      %swap3A_2564 = tpu.vector_load %arg8[%swap3A_2563] {strides = array<i32>} : memref<8192xf32, #tpu.memory_space<vmem>>, vector<16xf32>,
      tpu.vector_store %arg8[%swap3A_2563], %get3A_2562 {strides = array<i32>} : memref<8192xf32, #tpu.memory_space<vmem>>, vector<16xf32>,
      %add3A_2565 = arith.constant 80 : i32
      %add3A_2566 = arith.addi %mul3A_2534, %add3A_2565 : i32
      %get3A_2567 = arith.index_cast %add3A_2566 : i32 to index
      %get3A_2568 = tpu.vector_load %arg7[%get3A_2567] {strides = array<i32>} : memref<1536xf32, #tpu.memory_space<vmem>>, vector<16xf32>,
      %swap3A_2569 = arith.constant 5200 : index
      %swap3A_2570 = tpu.vector_load %arg8[%swap3A_2569] {strides = array<i32>} : memref<8192xf32, #tpu.memory_space<vmem>>, vector<16xf32>,
      tpu.vector_store %arg8[%swap3A_2569], %get3A_2568 {strides = array<i32>} : memref<8192xf32, #tpu.memory_space<vmem>>, vector<16xf32>,
      %add3A_2571 = arith.constant 96 : i32
      %add3A_2572 = arith.addi %mul3A_2534, %add3A_2571 : i32
      %get3A_2573 = arith.index_cast %add3A_2572 : i32 to index
      %get3A_2574 = tpu.vector_load %arg7[%get3A_2573] {strides = array<i32>} : memref<1536xf32, #tpu.memory_space<vmem>>, vector<16xf32>,
      %swap3A_2575 = arith.constant 5216 : index
      %swap3A_2576 = tpu.vector_load %arg8[%swap3A_2575] {strides = array<i32>} : memref<8192xf32, #tpu.memory_space<vmem>>, vector<16xf32>,
      tpu.vector_store %arg8[%swap3A_2575], %get3A_2574 {strides = array<i32>} : memref<8192xf32, #tpu.memory_space<vmem>>, vector<16xf32>,
      %add3A_2577 = arith.constant 112 : i32
      %add3A_2578 = arith.addi %mul3A_2534, %add3A_2577 : i32
      %get3A_2579 = arith.index_cast %add3A_2578 : i32 to index
      %get3A_2580 = tpu.vector_load %arg7[%get3A_2579] {strides = array<i32>} : memref<1536xf32, #tpu.memory_space<vmem>>, vector<16xf32>,
      %swap3A_2581 = arith.constant 5232 : index
      %swap3A_2582 = tpu.vector_load %arg8[%swap3A_2581] {strides = array<i32>} : memref<8192xf32, #tpu.memory_space<vmem>>, vector<16xf32>,
      tpu.vector_store %arg8[%swap3A_2581], %get3A_2580 {strides = array<i32>} : memref<8192xf32, #tpu.memory_space<vmem>>, vector<16xf32>,
      %get3A_2583 = arith.constant 1 : i32
      %get3A_2584 = arith.constant 9 : i32
      %get3A_2585 = arith.index_cast %get3A_2583 : i32 to index
      %get3A_2586 = arith.index_cast %get3A_2584 : i32 to index
      %get3A_2587 = memref.load %arg9[%get3A_2585, %get3A_2586] : memref<2x32xi32, #tpu.memory_space<smem>>
      %gt3A_2588 = arith.constant 1000 : i32
      %gt3A_2589 = arith.cmpi sgt, %get3A_2587, %gt3A_2588 : i32
      %min3A_2590 = arith.constant 10 : i32
      %min3A_2591 = arith.minsi %get3A_2587, %min3A_2590 : i32
      %jit3A_2592 = arith.constant 11 : i32
      %select_n3A_2593 = arith.select %gt3A_2589, %jit3A_2592, %min3A_2591 : i32
      %mul3A_2594 = arith.constant 128 : i32
      %mul3A_2595 = arith.muli %select_n3A_2593, %mul3A_2594 : i32
      %add3A_2596 = arith.constant 0 : i32
      %add3A_2597 = arith.addi %mul3A_2595, %add3A_2596 : i32
      %get3A_2598 = arith.index_cast %add3A_2597 : i32 to index
      %get3A_2599 = tpu.vector_load %arg7[%get3A_2598] {strides = array<i32>} : memref<1536xf32, #tpu.memory_space<vmem>>, vector<16xf32>,
      %swap3A_2600 = arith.constant 5248 : index
      %swap3A_2601 = tpu.vector_load %arg8[%swap3A_2600] {strides = array<i32>} : memref<8192xf32, #tpu.memory_space<vmem>>, vector<16xf32>,
      tpu.vector_store %arg8[%swap3A_2600], %get3A_2599 {strides = array<i32>} : memref<8192xf32, #tpu.memory_space<vmem>>, vector<16xf32>,
      %add3A_2602 = arith.constant 16 : i32
      %add3A_2603 = arith.addi %mul3A_2595, %add3A_2602 : i32
      %get3A_2604 = arith.index_cast %add3A_2603 : i32 to index
      %get3A_2605 = tpu.vector_load %arg7[%get3A_2604] {strides = array<i32>} : memref<1536xf32, #tpu.memory_space<vmem>>, vector<16xf32>,
      %swap3A_2606 = arith.constant 5264 : index
      %swap3A_2607 = tpu.vector_load %arg8[%swap3A_2606] {strides = array<i32>} : memref<8192xf32, #tpu.memory_space<vmem>>, vector<16xf32>,
      tpu.vector_store %arg8[%swap3A_2606], %get3A_2605 {strides = array<i32>} : memref<8192xf32, #tpu.memory_space<vmem>>, vector<16xf32>,
      %add3A_2608 = arith.constant 32 : i32
      %add3A_2609 = arith.addi %mul3A_2595, %add3A_2608 : i32
      %get3A_2610 = arith.index_cast %add3A_2609 : i32 to index
      %get3A_2611 = tpu.vector_load %arg7[%get3A_2610] {strides = array<i32>} : memref<1536xf32, #tpu.memory_space<vmem>>, vector<16xf32>,
      %swap3A_2612 = arith.constant 5280 : index
      %swap3A_2613 = tpu.vector_load %arg8[%swap3A_2612] {strides = array<i32>} : memref<8192xf32, #tpu.memory_space<vmem>>, vector<16xf32>,
      tpu.vector_store %arg8[%swap3A_2612], %get3A_2611 {strides = array<i32>} : memref<8192xf32, #tpu.memory_space<vmem>>, vector<16xf32>,
      %add3A_2614 = arith.constant 48 : i32
      %add3A_2615 = arith.addi %mul3A_2595, %add3A_2614 : i32
      %get3A_2616 = arith.index_cast %add3A_2615 : i32 to index
      %get3A_2617 = tpu.vector_load %arg7[%get3A_2616] {strides = array<i32>} : memref<1536xf32, #tpu.memory_space<vmem>>, vector<16xf32>,
      %swap3A_2618 = arith.constant 5296 : index
      %swap3A_2619 = tpu.vector_load %arg8[%swap3A_2618] {strides = array<i32>} : memref<8192xf32, #tpu.memory_space<vmem>>, vector<16xf32>,
      tpu.vector_store %arg8[%swap3A_2618], %get3A_2617 {strides = array<i32>} : memref<8192xf32, #tpu.memory_space<vmem>>, vector<16xf32>,
      %add3A_2620 = arith.constant 64 : i32
      %add3A_2621 = arith.addi %mul3A_2595, %add3A_2620 : i32
      %get3A_2622 = arith.index_cast %add3A_2621 : i32 to index
      %get3A_2623 = tpu.vector_load %arg7[%get3A_2622] {strides = array<i32>} : memref<1536xf32, #tpu.memory_space<vmem>>, vector<16xf32>,
      %swap3A_2624 = arith.constant 5312 : index
      %swap3A_2625 = tpu.vector_load %arg8[%swap3A_2624] {strides = array<i32>} : memref<8192xf32, #tpu.memory_space<vmem>>, vector<16xf32>,
      tpu.vector_store %arg8[%swap3A_2624], %get3A_2623 {strides = array<i32>} : memref<8192xf32, #tpu.memory_space<vmem>>, vector<16xf32>,
      %add3A_2626 = arith.constant 80 : i32
      %add3A_2627 = arith.addi %mul3A_2595, %add3A_2626 : i32
      %get3A_2628 = arith.index_cast %add3A_2627 : i32 to index
      %get3A_2629 = tpu.vector_load %arg7[%get3A_2628] {strides = array<i32>} : memref<1536xf32, #tpu.memory_space<vmem>>, vector<16xf32>,
      %swap3A_2630 = arith.constant 5328 : index
      %swap3A_2631 = tpu.vector_load %arg8[%swap3A_2630] {strides = array<i32>} : memref<8192xf32, #tpu.memory_space<vmem>>, vector<16xf32>,
      tpu.vector_store %arg8[%swap3A_2630], %get3A_2629 {strides = array<i32>} : memref<8192xf32, #tpu.memory_space<vmem>>, vector<16xf32>,
      %add3A_2632 = arith.constant 96 : i32
      %add3A_2633 = arith.addi %mul3A_2595, %add3A_2632 : i32
      %get3A_2634 = arith.index_cast %add3A_2633 : i32 to index
      %get3A_2635 = tpu.vector_load %arg7[%get3A_2634] {strides = array<i32>} : memref<1536xf32, #tpu.memory_space<vmem>>, vector<16xf32>,
      %swap3A_2636 = arith.constant 5344 : index
      %swap3A_2637 = tpu.vector_load %arg8[%swap3A_2636] {strides = array<i32>} : memref<8192xf32, #tpu.memory_space<vmem>>, vector<16xf32>,
      tpu.vector_store %arg8[%swap3A_2636], %get3A_2635 {strides = array<i32>} : memref<8192xf32, #tpu.memory_space<vmem>>, vector<16xf32>,
      %add3A_2638 = arith.constant 112 : i32
      %add3A_2639 = arith.addi %mul3A_2595, %add3A_2638 : i32
      %get3A_2640 = arith.index_cast %add3A_2639 : i32 to index
      %get3A_2641 = tpu.vector_load %arg7[%get3A_2640] {strides = array<i32>} : memref<1536xf32, #tpu.memory_space<vmem>>, vector<16xf32>,
      %swap3A_2642 = arith.constant 5360 : index
      %swap3A_2643 = tpu.vector_load %arg8[%swap3A_2642] {strides = array<i32>} : memref<8192xf32, #tpu.memory_space<vmem>>, vector<16xf32>,
      tpu.vector_store %arg8[%swap3A_2642], %get3A_2641 {strides = array<i32>} : memref<8192xf32, #tpu.memory_space<vmem>>, vector<16xf32>,
      %get3A_2644 = arith.constant 1 : i32
      %get3A_2645 = arith.constant 10 : i32
      %get3A_2646 = arith.index_cast %get3A_2644 : i32 to index
      %get3A_2647 = arith.index_cast %get3A_2645 : i32 to index
      %get3A_2648 = memref.load %arg9[%get3A_2646, %get3A_2647] : memref<2x32xi32, #tpu.memory_space<smem>>
      %gt3A_2649 = arith.constant 1000 : i32
      %gt3A_2650 = arith.cmpi sgt, %get3A_2648, %gt3A_2649 : i32
      %min3A_2651 = arith.constant 10 : i32
      %min3A_2652 = arith.minsi %get3A_2648, %min3A_2651 : i32
      %jit3A_2653 = arith.constant 11 : i32
      %select_n3A_2654 = arith.select %gt3A_2650, %jit3A_2653, %min3A_2652 : i32
      %mul3A_2655 = arith.constant 128 : i32
      %mul3A_2656 = arith.muli %select_n3A_2654, %mul3A_2655 : i32
      %add3A_2657 = arith.constant 0 : i32
      %add3A_2658 = arith.addi %mul3A_2656, %add3A_2657 : i32
      %get3A_2659 = arith.index_cast %add3A_2658 : i32 to index
      %get3A_2660 = tpu.vector_load %arg7[%get3A_2659] {strides = array<i32>} : memref<1536xf32, #tpu.memory_space<vmem>>, vector<16xf32>,
      %swap3A_2661 = arith.constant 5376 : index
      %swap3A_2662 = tpu.vector_load %arg8[%swap3A_2661] {strides = array<i32>} : memref<8192xf32, #tpu.memory_space<vmem>>, vector<16xf32>,
      tpu.vector_store %arg8[%swap3A_2661], %get3A_2660 {strides = array<i32>} : memref<8192xf32, #tpu.memory_space<vmem>>, vector<16xf32>,
      %add3A_2663 = arith.constant 16 : i32
      %add3A_2664 = arith.addi %mul3A_2656, %add3A_2663 : i32
      %get3A_2665 = arith.index_cast %add3A_2664 : i32 to index
      %get3A_2666 = tpu.vector_load %arg7[%get3A_2665] {strides = array<i32>} : memref<1536xf32, #tpu.memory_space<vmem>>, vector<16xf32>,
      %swap3A_2667 = arith.constant 5392 : index
      %swap3A_2668 = tpu.vector_load %arg8[%swap3A_2667] {strides = array<i32>} : memref<8192xf32, #tpu.memory_space<vmem>>, vector<16xf32>,
      tpu.vector_store %arg8[%swap3A_2667], %get3A_2666 {strides = array<i32>} : memref<8192xf32, #tpu.memory_space<vmem>>, vector<16xf32>,
      %add3A_2669 = arith.constant 32 : i32
      %add3A_2670 = arith.addi %mul3A_2656, %add3A_2669 : i32
      %get3A_2671 = arith.index_cast %add3A_2670 : i32 to index
      %get3A_2672 = tpu.vector_load %arg7[%get3A_2671] {strides = array<i32>} : memref<1536xf32, #tpu.memory_space<vmem>>, vector<16xf32>,
      %swap3A_2673 = arith.constant 5408 : index
      %swap3A_2674 = tpu.vector_load %arg8[%swap3A_2673] {strides = array<i32>} : memref<8192xf32, #tpu.memory_space<vmem>>, vector<16xf32>,
      tpu.vector_store %arg8[%swap3A_2673], %get3A_2672 {strides = array<i32>} : memref<8192xf32, #tpu.memory_space<vmem>>, vector<16xf32>,
      %add3A_2675 = arith.constant 48 : i32
      %add3A_2676 = arith.addi %mul3A_2656, %add3A_2675 : i32
      %get3A_2677 = arith.index_cast %add3A_2676 : i32 to index
      %get3A_2678 = tpu.vector_load %arg7[%get3A_2677] {strides = array<i32>} : memref<1536xf32, #tpu.memory_space<vmem>>, vector<16xf32>,
      %swap3A_2679 = arith.constant 5424 : index
      %swap3A_2680 = tpu.vector_load %arg8[%swap3A_2679] {strides = array<i32>} : memref<8192xf32, #tpu.memory_space<vmem>>, vector<16xf32>,
      tpu.vector_store %arg8[%swap3A_2679], %get3A_2678 {strides = array<i32>} : memref<8192xf32, #tpu.memory_space<vmem>>, vector<16xf32>,
      %add3A_2681 = arith.constant 64 : i32
      %add3A_2682 = arith.addi %mul3A_2656, %add3A_2681 : i32
      %get3A_2683 = arith.index_cast %add3A_2682 : i32 to index
      %get3A_2684 = tpu.vector_load %arg7[%get3A_2683] {strides = array<i32>} : memref<1536xf32, #tpu.memory_space<vmem>>, vector<16xf32>,
      %swap3A_2685 = arith.constant 5440 : index
      %swap3A_2686 = tpu.vector_load %arg8[%swap3A_2685] {strides = array<i32>} : memref<8192xf32, #tpu.memory_space<vmem>>, vector<16xf32>,
      tpu.vector_store %arg8[%swap3A_2685], %get3A_2684 {strides = array<i32>} : memref<8192xf32, #tpu.memory_space<vmem>>, vector<16xf32>,
      %add3A_2687 = arith.constant 80 : i32
      %add3A_2688 = arith.addi %mul3A_2656, %add3A_2687 : i32
      %get3A_2689 = arith.index_cast %add3A_2688 : i32 to index
      %get3A_2690 = tpu.vector_load %arg7[%get3A_2689] {strides = array<i32>} : memref<1536xf32, #tpu.memory_space<vmem>>, vector<16xf32>,
      %swap3A_2691 = arith.constant 5456 : index
      %swap3A_2692 = tpu.vector_load %arg8[%swap3A_2691] {strides = array<i32>} : memref<8192xf32, #tpu.memory_space<vmem>>, vector<16xf32>,
      tpu.vector_store %arg8[%swap3A_2691], %get3A_2690 {strides = array<i32>} : memref<8192xf32, #tpu.memory_space<vmem>>, vector<16xf32>,
      %add3A_2693 = arith.constant 96 : i32
      %add3A_2694 = arith.addi %mul3A_2656, %add3A_2693 : i32
      %get3A_2695 = arith.index_cast %add3A_2694 : i32 to index
      %get3A_2696 = tpu.vector_load %arg7[%get3A_2695] {strides = array<i32>} : memref<1536xf32, #tpu.memory_space<vmem>>, vector<16xf32>,
      %swap3A_2697 = arith.constant 5472 : index
      %swap3A_2698 = tpu.vector_load %arg8[%swap3A_2697] {strides = array<i32>} : memref<8192xf32, #tpu.memory_space<vmem>>, vector<16xf32>,
      tpu.vector_store %arg8[%swap3A_2697], %get3A_2696 {strides = array<i32>} : memref<8192xf32, #tpu.memory_space<vmem>>, vector<16xf32>,
      %add3A_2699 = arith.constant 112 : i32
      %add3A_2700 = arith.addi %mul3A_2656, %add3A_2699 : i32
      %get3A_2701 = arith.index_cast %add3A_2700 : i32 to index
      %get3A_2702 = tpu.vector_load %arg7[%get3A_2701] {strides = array<i32>} : memref<1536xf32, #tpu.memory_space<vmem>>, vector<16xf32>,
      %swap3A_2703 = arith.constant 5488 : index
      %swap3A_2704 = tpu.vector_load %arg8[%swap3A_2703] {strides = array<i32>} : memref<8192xf32, #tpu.memory_space<vmem>>, vector<16xf32>,
      tpu.vector_store %arg8[%swap3A_2703], %get3A_2702 {strides = array<i32>} : memref<8192xf32, #tpu.memory_space<vmem>>, vector<16xf32>,
      %get3A_2705 = arith.constant 1 : i32
      %get3A_2706 = arith.constant 11 : i32
      %get3A_2707 = arith.index_cast %get3A_2705 : i32 to index
      %get3A_2708 = arith.index_cast %get3A_2706 : i32 to index
      %get3A_2709 = memref.load %arg9[%get3A_2707, %get3A_2708] : memref<2x32xi32, #tpu.memory_space<smem>>
      %gt3A_2710 = arith.constant 1000 : i32
      %gt3A_2711 = arith.cmpi sgt, %get3A_2709, %gt3A_2710 : i32
      %min3A_2712 = arith.constant 10 : i32
      %min3A_2713 = arith.minsi %get3A_2709, %min3A_2712 : i32
      %jit3A_2714 = arith.constant 11 : i32
      %select_n3A_2715 = arith.select %gt3A_2711, %jit3A_2714, %min3A_2713 : i32
      %mul3A_2716 = arith.constant 128 : i32
      %mul3A_2717 = arith.muli %select_n3A_2715, %mul3A_2716 : i32
      %add3A_2718 = arith.constant 0 : i32
      %add3A_2719 = arith.addi %mul3A_2717, %add3A_2718 : i32
      %get3A_2720 = arith.index_cast %add3A_2719 : i32 to index
      %get3A_2721 = tpu.vector_load %arg7[%get3A_2720] {strides = array<i32>} : memref<1536xf32, #tpu.memory_space<vmem>>, vector<16xf32>,
      %swap3A_2722 = arith.constant 5504 : index
      %swap3A_2723 = tpu.vector_load %arg8[%swap3A_2722] {strides = array<i32>} : memref<8192xf32, #tpu.memory_space<vmem>>, vector<16xf32>,
      tpu.vector_store %arg8[%swap3A_2722], %get3A_2721 {strides = array<i32>} : memref<8192xf32, #tpu.memory_space<vmem>>, vector<16xf32>,
      %add3A_2724 = arith.constant 16 : i32
      %add3A_2725 = arith.addi %mul3A_2717, %add3A_2724 : i32
      %get3A_2726 = arith.index_cast %add3A_2725 : i32 to index
      %get3A_2727 = tpu.vector_load %arg7[%get3A_2726] {strides = array<i32>} : memref<1536xf32, #tpu.memory_space<vmem>>, vector<16xf32>,
      %swap3A_2728 = arith.constant 5520 : index
      %swap3A_2729 = tpu.vector_load %arg8[%swap3A_2728] {strides = array<i32>} : memref<8192xf32, #tpu.memory_space<vmem>>, vector<16xf32>,
      tpu.vector_store %arg8[%swap3A_2728], %get3A_2727 {strides = array<i32>} : memref<8192xf32, #tpu.memory_space<vmem>>, vector<16xf32>,
      %add3A_2730 = arith.constant 32 : i32
      %add3A_2731 = arith.addi %mul3A_2717, %add3A_2730 : i32
      %get3A_2732 = arith.index_cast %add3A_2731 : i32 to index
      %get3A_2733 = tpu.vector_load %arg7[%get3A_2732] {strides = array<i32>} : memref<1536xf32, #tpu.memory_space<vmem>>, vector<16xf32>,
      %swap3A_2734 = arith.constant 5536 : index
      %swap3A_2735 = tpu.vector_load %arg8[%swap3A_2734] {strides = array<i32>} : memref<8192xf32, #tpu.memory_space<vmem>>, vector<16xf32>,
      tpu.vector_store %arg8[%swap3A_2734], %get3A_2733 {strides = array<i32>} : memref<8192xf32, #tpu.memory_space<vmem>>, vector<16xf32>,
      %add3A_2736 = arith.constant 48 : i32
      %add3A_2737 = arith.addi %mul3A_2717, %add3A_2736 : i32
      %get3A_2738 = arith.index_cast %add3A_2737 : i32 to index
      %get3A_2739 = tpu.vector_load %arg7[%get3A_2738] {strides = array<i32>} : memref<1536xf32, #tpu.memory_space<vmem>>, vector<16xf32>,
      %swap3A_2740 = arith.constant 5552 : index
      %swap3A_2741 = tpu.vector_load %arg8[%swap3A_2740] {strides = array<i32>} : memref<8192xf32, #tpu.memory_space<vmem>>, vector<16xf32>,
      tpu.vector_store %arg8[%swap3A_2740], %get3A_2739 {strides = array<i32>} : memref<8192xf32, #tpu.memory_space<vmem>>, vector<16xf32>,
      %add3A_2742 = arith.constant 64 : i32
      %add3A_2743 = arith.addi %mul3A_2717, %add3A_2742 : i32
      %get3A_2744 = arith.index_cast %add3A_2743 : i32 to index
      %get3A_2745 = tpu.vector_load %arg7[%get3A_2744] {strides = array<i32>} : memref<1536xf32, #tpu.memory_space<vmem>>, vector<16xf32>,
      %swap3A_2746 = arith.constant 5568 : index
      %swap3A_2747 = tpu.vector_load %arg8[%swap3A_2746] {strides = array<i32>} : memref<8192xf32, #tpu.memory_space<vmem>>, vector<16xf32>,
      tpu.vector_store %arg8[%swap3A_2746], %get3A_2745 {strides = array<i32>} : memref<8192xf32, #tpu.memory_space<vmem>>, vector<16xf32>,
      %add3A_2748 = arith.constant 80 : i32
      %add3A_2749 = arith.addi %mul3A_2717, %add3A_2748 : i32
      %get3A_2750 = arith.index_cast %add3A_2749 : i32 to index
      %get3A_2751 = tpu.vector_load %arg7[%get3A_2750] {strides = array<i32>} : memref<1536xf32, #tpu.memory_space<vmem>>, vector<16xf32>,
      %swap3A_2752 = arith.constant 5584 : index
      %swap3A_2753 = tpu.vector_load %arg8[%swap3A_2752] {strides = array<i32>} : memref<8192xf32, #tpu.memory_space<vmem>>, vector<16xf32>,
      tpu.vector_store %arg8[%swap3A_2752], %get3A_2751 {strides = array<i32>} : memref<8192xf32, #tpu.memory_space<vmem>>, vector<16xf32>,
      %add3A_2754 = arith.constant 96 : i32
      %add3A_2755 = arith.addi %mul3A_2717, %add3A_2754 : i32
      %get3A_2756 = arith.index_cast %add3A_2755 : i32 to index
      %get3A_2757 = tpu.vector_load %arg7[%get3A_2756] {strides = array<i32>} : memref<1536xf32, #tpu.memory_space<vmem>>, vector<16xf32>,
      %swap3A_2758 = arith.constant 5600 : index
      %swap3A_2759 = tpu.vector_load %arg8[%swap3A_2758] {strides = array<i32>} : memref<8192xf32, #tpu.memory_space<vmem>>, vector<16xf32>,
      tpu.vector_store %arg8[%swap3A_2758], %get3A_2757 {strides = array<i32>} : memref<8192xf32, #tpu.memory_space<vmem>>, vector<16xf32>,
      %add3A_2760 = arith.constant 112 : i32
      %add3A_2761 = arith.addi %mul3A_2717, %add3A_2760 : i32
      %get3A_2762 = arith.index_cast %add3A_2761 : i32 to index
      %get3A_2763 = tpu.vector_load %arg7[%get3A_2762] {strides = array<i32>} : memref<1536xf32, #tpu.memory_space<vmem>>, vector<16xf32>,
      %swap3A_2764 = arith.constant 5616 : index
      %swap3A_2765 = tpu.vector_load %arg8[%swap3A_2764] {strides = array<i32>} : memref<8192xf32, #tpu.memory_space<vmem>>, vector<16xf32>,
      tpu.vector_store %arg8[%swap3A_2764], %get3A_2763 {strides = array<i32>} : memref<8192xf32, #tpu.memory_space<vmem>>, vector<16xf32>,
      %get3A_2766 = arith.constant 1 : i32
      %get3A_2767 = arith.constant 12 : i32
      %get3A_2768 = arith.index_cast %get3A_2766 : i32 to index
      %get3A_2769 = arith.index_cast %get3A_2767 : i32 to index
      %get3A_2770 = memref.load %arg9[%get3A_2768, %get3A_2769] : memref<2x32xi32, #tpu.memory_space<smem>>
      %gt3A_2771 = arith.constant 1000 : i32
      %gt3A_2772 = arith.cmpi sgt, %get3A_2770, %gt3A_2771 : i32
      %min3A_2773 = arith.constant 10 : i32
      %min3A_2774 = arith.minsi %get3A_2770, %min3A_2773 : i32
      %jit3A_2775 = arith.constant 11 : i32
      %select_n3A_2776 = arith.select %gt3A_2772, %jit3A_2775, %min3A_2774 : i32
      %mul3A_2777 = arith.constant 128 : i32
      %mul3A_2778 = arith.muli %select_n3A_2776, %mul3A_2777 : i32
      %add3A_2779 = arith.constant 0 : i32
      %add3A_2780 = arith.addi %mul3A_2778, %add3A_2779 : i32
      %get3A_2781 = arith.index_cast %add3A_2780 : i32 to index
      %get3A_2782 = tpu.vector_load %arg7[%get3A_2781] {strides = array<i32>} : memref<1536xf32, #tpu.memory_space<vmem>>, vector<16xf32>,
      %swap3A_2783 = arith.constant 5632 : index
      %swap3A_2784 = tpu.vector_load %arg8[%swap3A_2783] {strides = array<i32>} : memref<8192xf32, #tpu.memory_space<vmem>>, vector<16xf32>,
      tpu.vector_store %arg8[%swap3A_2783], %get3A_2782 {strides = array<i32>} : memref<8192xf32, #tpu.memory_space<vmem>>, vector<16xf32>,
      %add3A_2785 = arith.constant 16 : i32
      %add3A_2786 = arith.addi %mul3A_2778, %add3A_2785 : i32
      %get3A_2787 = arith.index_cast %add3A_2786 : i32 to index
      %get3A_2788 = tpu.vector_load %arg7[%get3A_2787] {strides = array<i32>} : memref<1536xf32, #tpu.memory_space<vmem>>, vector<16xf32>,
      %swap3A_2789 = arith.constant 5648 : index
      %swap3A_2790 = tpu.vector_load %arg8[%swap3A_2789] {strides = array<i32>} : memref<8192xf32, #tpu.memory_space<vmem>>, vector<16xf32>,
      tpu.vector_store %arg8[%swap3A_2789], %get3A_2788 {strides = array<i32>} : memref<8192xf32, #tpu.memory_space<vmem>>, vector<16xf32>,
      %add3A_2791 = arith.constant 32 : i32
      %add3A_2792 = arith.addi %mul3A_2778, %add3A_2791 : i32
      %get3A_2793 = arith.index_cast %add3A_2792 : i32 to index
      %get3A_2794 = tpu.vector_load %arg7[%get3A_2793] {strides = array<i32>} : memref<1536xf32, #tpu.memory_space<vmem>>, vector<16xf32>,
      %swap3A_2795 = arith.constant 5664 : index
      %swap3A_2796 = tpu.vector_load %arg8[%swap3A_2795] {strides = array<i32>} : memref<8192xf32, #tpu.memory_space<vmem>>, vector<16xf32>,
      tpu.vector_store %arg8[%swap3A_2795], %get3A_2794 {strides = array<i32>} : memref<8192xf32, #tpu.memory_space<vmem>>, vector<16xf32>,
      %add3A_2797 = arith.constant 48 : i32
      %add3A_2798 = arith.addi %mul3A_2778, %add3A_2797 : i32
      %get3A_2799 = arith.index_cast %add3A_2798 : i32 to index
      %get3A_2800 = tpu.vector_load %arg7[%get3A_2799] {strides = array<i32>} : memref<1536xf32, #tpu.memory_space<vmem>>, vector<16xf32>,
      %swap3A_2801 = arith.constant 5680 : index
      %swap3A_2802 = tpu.vector_load %arg8[%swap3A_2801] {strides = array<i32>} : memref<8192xf32, #tpu.memory_space<vmem>>, vector<16xf32>,
      tpu.vector_store %arg8[%swap3A_2801], %get3A_2800 {strides = array<i32>} : memref<8192xf32, #tpu.memory_space<vmem>>, vector<16xf32>,
      %add3A_2803 = arith.constant 64 : i32
      %add3A_2804 = arith.addi %mul3A_2778, %add3A_2803 : i32
      %get3A_2805 = arith.index_cast %add3A_2804 : i32 to index
      %get3A_2806 = tpu.vector_load %arg7[%get3A_2805] {strides = array<i32>} : memref<1536xf32, #tpu.memory_space<vmem>>, vector<16xf32>,
      %swap3A_2807 = arith.constant 5696 : index
      %swap3A_2808 = tpu.vector_load %arg8[%swap3A_2807] {strides = array<i32>} : memref<8192xf32, #tpu.memory_space<vmem>>, vector<16xf32>,
      tpu.vector_store %arg8[%swap3A_2807], %get3A_2806 {strides = array<i32>} : memref<8192xf32, #tpu.memory_space<vmem>>, vector<16xf32>,
      %add3A_2809 = arith.constant 80 : i32
      %add3A_2810 = arith.addi %mul3A_2778, %add3A_2809 : i32
      %get3A_2811 = arith.index_cast %add3A_2810 : i32 to index
      %get3A_2812 = tpu.vector_load %arg7[%get3A_2811] {strides = array<i32>} : memref<1536xf32, #tpu.memory_space<vmem>>, vector<16xf32>,
      %swap3A_2813 = arith.constant 5712 : index
      %swap3A_2814 = tpu.vector_load %arg8[%swap3A_2813] {strides = array<i32>} : memref<8192xf32, #tpu.memory_space<vmem>>, vector<16xf32>,
      tpu.vector_store %arg8[%swap3A_2813], %get3A_2812 {strides = array<i32>} : memref<8192xf32, #tpu.memory_space<vmem>>, vector<16xf32>,
      %add3A_2815 = arith.constant 96 : i32
      %add3A_2816 = arith.addi %mul3A_2778, %add3A_2815 : i32
      %get3A_2817 = arith.index_cast %add3A_2816 : i32 to index
      %get3A_2818 = tpu.vector_load %arg7[%get3A_2817] {strides = array<i32>} : memref<1536xf32, #tpu.memory_space<vmem>>, vector<16xf32>,
      %swap3A_2819 = arith.constant 5728 : index
      %swap3A_2820 = tpu.vector_load %arg8[%swap3A_2819] {strides = array<i32>} : memref<8192xf32, #tpu.memory_space<vmem>>, vector<16xf32>,
      tpu.vector_store %arg8[%swap3A_2819], %get3A_2818 {strides = array<i32>} : memref<8192xf32, #tpu.memory_space<vmem>>, vector<16xf32>,
      %add3A_2821 = arith.constant 112 : i32
      %add3A_2822 = arith.addi %mul3A_2778, %add3A_2821 : i32
      %get3A_2823 = arith.index_cast %add3A_2822 : i32 to index
      %get3A_2824 = tpu.vector_load %arg7[%get3A_2823] {strides = array<i32>} : memref<1536xf32, #tpu.memory_space<vmem>>, vector<16xf32>,
      %swap3A_2825 = arith.constant 5744 : index
      %swap3A_2826 = tpu.vector_load %arg8[%swap3A_2825] {strides = array<i32>} : memref<8192xf32, #tpu.memory_space<vmem>>, vector<16xf32>,
      tpu.vector_store %arg8[%swap3A_2825], %get3A_2824 {strides = array<i32>} : memref<8192xf32, #tpu.memory_space<vmem>>, vector<16xf32>,
      %get3A_2827 = arith.constant 1 : i32
      %get3A_2828 = arith.constant 13 : i32
      %get3A_2829 = arith.index_cast %get3A_2827 : i32 to index
      %get3A_2830 = arith.index_cast %get3A_2828 : i32 to index
      %get3A_2831 = memref.load %arg9[%get3A_2829, %get3A_2830] : memref<2x32xi32, #tpu.memory_space<smem>>
      %gt3A_2832 = arith.constant 1000 : i32
      %gt3A_2833 = arith.cmpi sgt, %get3A_2831, %gt3A_2832 : i32
      %min3A_2834 = arith.constant 10 : i32
      %min3A_2835 = arith.minsi %get3A_2831, %min3A_2834 : i32
      %jit3A_2836 = arith.constant 11 : i32
      %select_n3A_2837 = arith.select %gt3A_2833, %jit3A_2836, %min3A_2835 : i32
      %mul3A_2838 = arith.constant 128 : i32
      %mul3A_2839 = arith.muli %select_n3A_2837, %mul3A_2838 : i32
      %add3A_2840 = arith.constant 0 : i32
      %add3A_2841 = arith.addi %mul3A_2839, %add3A_2840 : i32
      %get3A_2842 = arith.index_cast %add3A_2841 : i32 to index
      %get3A_2843 = tpu.vector_load %arg7[%get3A_2842] {strides = array<i32>} : memref<1536xf32, #tpu.memory_space<vmem>>, vector<16xf32>,
      %swap3A_2844 = arith.constant 5760 : index
      %swap3A_2845 = tpu.vector_load %arg8[%swap3A_2844] {strides = array<i32>} : memref<8192xf32, #tpu.memory_space<vmem>>, vector<16xf32>,
      tpu.vector_store %arg8[%swap3A_2844], %get3A_2843 {strides = array<i32>} : memref<8192xf32, #tpu.memory_space<vmem>>, vector<16xf32>,
      %add3A_2846 = arith.constant 16 : i32
      %add3A_2847 = arith.addi %mul3A_2839, %add3A_2846 : i32
      %get3A_2848 = arith.index_cast %add3A_2847 : i32 to index
      %get3A_2849 = tpu.vector_load %arg7[%get3A_2848] {strides = array<i32>} : memref<1536xf32, #tpu.memory_space<vmem>>, vector<16xf32>,
      %swap3A_2850 = arith.constant 5776 : index
      %swap3A_2851 = tpu.vector_load %arg8[%swap3A_2850] {strides = array<i32>} : memref<8192xf32, #tpu.memory_space<vmem>>, vector<16xf32>,
      tpu.vector_store %arg8[%swap3A_2850], %get3A_2849 {strides = array<i32>} : memref<8192xf32, #tpu.memory_space<vmem>>, vector<16xf32>,
      %add3A_2852 = arith.constant 32 : i32
      %add3A_2853 = arith.addi %mul3A_2839, %add3A_2852 : i32
      %get3A_2854 = arith.index_cast %add3A_2853 : i32 to index
      %get3A_2855 = tpu.vector_load %arg7[%get3A_2854] {strides = array<i32>} : memref<1536xf32, #tpu.memory_space<vmem>>, vector<16xf32>,
      %swap3A_2856 = arith.constant 5792 : index
      %swap3A_2857 = tpu.vector_load %arg8[%swap3A_2856] {strides = array<i32>} : memref<8192xf32, #tpu.memory_space<vmem>>, vector<16xf32>,
      tpu.vector_store %arg8[%swap3A_2856], %get3A_2855 {strides = array<i32>} : memref<8192xf32, #tpu.memory_space<vmem>>, vector<16xf32>,
      %add3A_2858 = arith.constant 48 : i32
      %add3A_2859 = arith.addi %mul3A_2839, %add3A_2858 : i32
      %get3A_2860 = arith.index_cast %add3A_2859 : i32 to index
      %get3A_2861 = tpu.vector_load %arg7[%get3A_2860] {strides = array<i32>} : memref<1536xf32, #tpu.memory_space<vmem>>, vector<16xf32>,
      %swap3A_2862 = arith.constant 5808 : index
      %swap3A_2863 = tpu.vector_load %arg8[%swap3A_2862] {strides = array<i32>} : memref<8192xf32, #tpu.memory_space<vmem>>, vector<16xf32>,
      tpu.vector_store %arg8[%swap3A_2862], %get3A_2861 {strides = array<i32>} : memref<8192xf32, #tpu.memory_space<vmem>>, vector<16xf32>,
      %add3A_2864 = arith.constant 64 : i32
      %add3A_2865 = arith.addi %mul3A_2839, %add3A_2864 : i32
      %get3A_2866 = arith.index_cast %add3A_2865 : i32 to index
      %get3A_2867 = tpu.vector_load %arg7[%get3A_2866] {strides = array<i32>} : memref<1536xf32, #tpu.memory_space<vmem>>, vector<16xf32>,
      %swap3A_2868 = arith.constant 5824 : index
      %swap3A_2869 = tpu.vector_load %arg8[%swap3A_2868] {strides = array<i32>} : memref<8192xf32, #tpu.memory_space<vmem>>, vector<16xf32>,
      tpu.vector_store %arg8[%swap3A_2868], %get3A_2867 {strides = array<i32>} : memref<8192xf32, #tpu.memory_space<vmem>>, vector<16xf32>,
      %add3A_2870 = arith.constant 80 : i32
      %add3A_2871 = arith.addi %mul3A_2839, %add3A_2870 : i32
      %get3A_2872 = arith.index_cast %add3A_2871 : i32 to index
      %get3A_2873 = tpu.vector_load %arg7[%get3A_2872] {strides = array<i32>} : memref<1536xf32, #tpu.memory_space<vmem>>, vector<16xf32>,
      %swap3A_2874 = arith.constant 5840 : index
      %swap3A_2875 = tpu.vector_load %arg8[%swap3A_2874] {strides = array<i32>} : memref<8192xf32, #tpu.memory_space<vmem>>, vector<16xf32>,
      tpu.vector_store %arg8[%swap3A_2874], %get3A_2873 {strides = array<i32>} : memref<8192xf32, #tpu.memory_space<vmem>>, vector<16xf32>,
      %add3A_2876 = arith.constant 96 : i32
      %add3A_2877 = arith.addi %mul3A_2839, %add3A_2876 : i32
      %get3A_2878 = arith.index_cast %add3A_2877 : i32 to index
      %get3A_2879 = tpu.vector_load %arg7[%get3A_2878] {strides = array<i32>} : memref<1536xf32, #tpu.memory_space<vmem>>, vector<16xf32>,
      %swap3A_2880 = arith.constant 5856 : index
      %swap3A_2881 = tpu.vector_load %arg8[%swap3A_2880] {strides = array<i32>} : memref<8192xf32, #tpu.memory_space<vmem>>, vector<16xf32>,
      tpu.vector_store %arg8[%swap3A_2880], %get3A_2879 {strides = array<i32>} : memref<8192xf32, #tpu.memory_space<vmem>>, vector<16xf32>,
      %add3A_2882 = arith.constant 112 : i32
      %add3A_2883 = arith.addi %mul3A_2839, %add3A_2882 : i32
      %get3A_2884 = arith.index_cast %add3A_2883 : i32 to index
      %get3A_2885 = tpu.vector_load %arg7[%get3A_2884] {strides = array<i32>} : memref<1536xf32, #tpu.memory_space<vmem>>, vector<16xf32>,
      %swap3A_2886 = arith.constant 5872 : index
      %swap3A_2887 = tpu.vector_load %arg8[%swap3A_2886] {strides = array<i32>} : memref<8192xf32, #tpu.memory_space<vmem>>, vector<16xf32>,
      tpu.vector_store %arg8[%swap3A_2886], %get3A_2885 {strides = array<i32>} : memref<8192xf32, #tpu.memory_space<vmem>>, vector<16xf32>,
      %get3A_2888 = arith.constant 1 : i32
      %get3A_2889 = arith.constant 14 : i32
      %get3A_2890 = arith.index_cast %get3A_2888 : i32 to index
      %get3A_2891 = arith.index_cast %get3A_2889 : i32 to index
      %get3A_2892 = memref.load %arg9[%get3A_2890, %get3A_2891] : memref<2x32xi32, #tpu.memory_space<smem>>
      %gt3A_2893 = arith.constant 1000 : i32
      %gt3A_2894 = arith.cmpi sgt, %get3A_2892, %gt3A_2893 : i32
      %min3A_2895 = arith.constant 10 : i32
      %min3A_2896 = arith.minsi %get3A_2892, %min3A_2895 : i32
      %jit3A_2897 = arith.constant 11 : i32
      %select_n3A_2898 = arith.select %gt3A_2894, %jit3A_2897, %min3A_2896 : i32
      %mul3A_2899 = arith.constant 128 : i32
      %mul3A_2900 = arith.muli %select_n3A_2898, %mul3A_2899 : i32
      %add3A_2901 = arith.constant 0 : i32
      %add3A_2902 = arith.addi %mul3A_2900, %add3A_2901 : i32
      %get3A_2903 = arith.index_cast %add3A_2902 : i32 to index
      %get3A_2904 = tpu.vector_load %arg7[%get3A_2903] {strides = array<i32>} : memref<1536xf32, #tpu.memory_space<vmem>>, vector<16xf32>,
      %swap3A_2905 = arith.constant 5888 : index
      %swap3A_2906 = tpu.vector_load %arg8[%swap3A_2905] {strides = array<i32>} : memref<8192xf32, #tpu.memory_space<vmem>>, vector<16xf32>,
      tpu.vector_store %arg8[%swap3A_2905], %get3A_2904 {strides = array<i32>} : memref<8192xf32, #tpu.memory_space<vmem>>, vector<16xf32>,
      %add3A_2907 = arith.constant 16 : i32
      %add3A_2908 = arith.addi %mul3A_2900, %add3A_2907 : i32
      %get3A_2909 = arith.index_cast %add3A_2908 : i32 to index
      %get3A_2910 = tpu.vector_load %arg7[%get3A_2909] {strides = array<i32>} : memref<1536xf32, #tpu.memory_space<vmem>>, vector<16xf32>,
      %swap3A_2911 = arith.constant 5904 : index
      %swap3A_2912 = tpu.vector_load %arg8[%swap3A_2911] {strides = array<i32>} : memref<8192xf32, #tpu.memory_space<vmem>>, vector<16xf32>,
      tpu.vector_store %arg8[%swap3A_2911], %get3A_2910 {strides = array<i32>} : memref<8192xf32, #tpu.memory_space<vmem>>, vector<16xf32>,
      %add3A_2913 = arith.constant 32 : i32
      %add3A_2914 = arith.addi %mul3A_2900, %add3A_2913 : i32
      %get3A_2915 = arith.index_cast %add3A_2914 : i32 to index
      %get3A_2916 = tpu.vector_load %arg7[%get3A_2915] {strides = array<i32>} : memref<1536xf32, #tpu.memory_space<vmem>>, vector<16xf32>,
      %swap3A_2917 = arith.constant 5920 : index
      %swap3A_2918 = tpu.vector_load %arg8[%swap3A_2917] {strides = array<i32>} : memref<8192xf32, #tpu.memory_space<vmem>>, vector<16xf32>,
      tpu.vector_store %arg8[%swap3A_2917], %get3A_2916 {strides = array<i32>} : memref<8192xf32, #tpu.memory_space<vmem>>, vector<16xf32>,
      %add3A_2919 = arith.constant 48 : i32
      %add3A_2920 = arith.addi %mul3A_2900, %add3A_2919 : i32
      %get3A_2921 = arith.index_cast %add3A_2920 : i32 to index
      %get3A_2922 = tpu.vector_load %arg7[%get3A_2921] {strides = array<i32>} : memref<1536xf32, #tpu.memory_space<vmem>>, vector<16xf32>,
      %swap3A_2923 = arith.constant 5936 : index
      %swap3A_2924 = tpu.vector_load %arg8[%swap3A_2923] {strides = array<i32>} : memref<8192xf32, #tpu.memory_space<vmem>>, vector<16xf32>,
      tpu.vector_store %arg8[%swap3A_2923], %get3A_2922 {strides = array<i32>} : memref<8192xf32, #tpu.memory_space<vmem>>, vector<16xf32>,
      %add3A_2925 = arith.constant 64 : i32
      %add3A_2926 = arith.addi %mul3A_2900, %add3A_2925 : i32
      %get3A_2927 = arith.index_cast %add3A_2926 : i32 to index
      %get3A_2928 = tpu.vector_load %arg7[%get3A_2927] {strides = array<i32>} : memref<1536xf32, #tpu.memory_space<vmem>>, vector<16xf32>,
      %swap3A_2929 = arith.constant 5952 : index
      %swap3A_2930 = tpu.vector_load %arg8[%swap3A_2929] {strides = array<i32>} : memref<8192xf32, #tpu.memory_space<vmem>>, vector<16xf32>,
      tpu.vector_store %arg8[%swap3A_2929], %get3A_2928 {strides = array<i32>} : memref<8192xf32, #tpu.memory_space<vmem>>, vector<16xf32>,
      %add3A_2931 = arith.constant 80 : i32
      %add3A_2932 = arith.addi %mul3A_2900, %add3A_2931 : i32
      %get3A_2933 = arith.index_cast %add3A_2932 : i32 to index
      %get3A_2934 = tpu.vector_load %arg7[%get3A_2933] {strides = array<i32>} : memref<1536xf32, #tpu.memory_space<vmem>>, vector<16xf32>,
      %swap3A_2935 = arith.constant 5968 : index
      %swap3A_2936 = tpu.vector_load %arg8[%swap3A_2935] {strides = array<i32>} : memref<8192xf32, #tpu.memory_space<vmem>>, vector<16xf32>,
      tpu.vector_store %arg8[%swap3A_2935], %get3A_2934 {strides = array<i32>} : memref<8192xf32, #tpu.memory_space<vmem>>, vector<16xf32>,
      %add3A_2937 = arith.constant 96 : i32
      %add3A_2938 = arith.addi %mul3A_2900, %add3A_2937 : i32
      %get3A_2939 = arith.index_cast %add3A_2938 : i32 to index
      %get3A_2940 = tpu.vector_load %arg7[%get3A_2939] {strides = array<i32>} : memref<1536xf32, #tpu.memory_space<vmem>>, vector<16xf32>,
      %swap3A_2941 = arith.constant 5984 : index
      %swap3A_2942 = tpu.vector_load %arg8[%swap3A_2941] {strides = array<i32>} : memref<8192xf32, #tpu.memory_space<vmem>>, vector<16xf32>,
      tpu.vector_store %arg8[%swap3A_2941], %get3A_2940 {strides = array<i32>} : memref<8192xf32, #tpu.memory_space<vmem>>, vector<16xf32>,
      %add3A_2943 = arith.constant 112 : i32
      %add3A_2944 = arith.addi %mul3A_2900, %add3A_2943 : i32
      %get3A_2945 = arith.index_cast %add3A_2944 : i32 to index
      %get3A_2946 = tpu.vector_load %arg7[%get3A_2945] {strides = array<i32>} : memref<1536xf32, #tpu.memory_space<vmem>>, vector<16xf32>,
      %swap3A_2947 = arith.constant 6000 : index
      %swap3A_2948 = tpu.vector_load %arg8[%swap3A_2947] {strides = array<i32>} : memref<8192xf32, #tpu.memory_space<vmem>>, vector<16xf32>,
      tpu.vector_store %arg8[%swap3A_2947], %get3A_2946 {strides = array<i32>} : memref<8192xf32, #tpu.memory_space<vmem>>, vector<16xf32>,
      %get3A_2949 = arith.constant 1 : i32
      %get3A_2950 = arith.constant 15 : i32
      %get3A_2951 = arith.index_cast %get3A_2949 : i32 to index
      %get3A_2952 = arith.index_cast %get3A_2950 : i32 to index
      %get3A_2953 = memref.load %arg9[%get3A_2951, %get3A_2952] : memref<2x32xi32, #tpu.memory_space<smem>>
      %gt3A_2954 = arith.constant 1000 : i32
      %gt3A_2955 = arith.cmpi sgt, %get3A_2953, %gt3A_2954 : i32
      %min3A_2956 = arith.constant 10 : i32
      %min3A_2957 = arith.minsi %get3A_2953, %min3A_2956 : i32
      %jit3A_2958 = arith.constant 11 : i32
      %select_n3A_2959 = arith.select %gt3A_2955, %jit3A_2958, %min3A_2957 : i32
      %mul3A_2960 = arith.constant 128 : i32
      %mul3A_2961 = arith.muli %select_n3A_2959, %mul3A_2960 : i32
      %add3A_2962 = arith.constant 0 : i32
      %add3A_2963 = arith.addi %mul3A_2961, %add3A_2962 : i32
      %get3A_2964 = arith.index_cast %add3A_2963 : i32 to index
      %get3A_2965 = tpu.vector_load %arg7[%get3A_2964] {strides = array<i32>} : memref<1536xf32, #tpu.memory_space<vmem>>, vector<16xf32>,
      %swap3A_2966 = arith.constant 6016 : index
      %swap3A_2967 = tpu.vector_load %arg8[%swap3A_2966] {strides = array<i32>} : memref<8192xf32, #tpu.memory_space<vmem>>, vector<16xf32>,
      tpu.vector_store %arg8[%swap3A_2966], %get3A_2965 {strides = array<i32>} : memref<8192xf32, #tpu.memory_space<vmem>>, vector<16xf32>,
      %add3A_2968 = arith.constant 16 : i32
      %add3A_2969 = arith.addi %mul3A_2961, %add3A_2968 : i32
      %get3A_2970 = arith.index_cast %add3A_2969 : i32 to index
      %get3A_2971 = tpu.vector_load %arg7[%get3A_2970] {strides = array<i32>} : memref<1536xf32, #tpu.memory_space<vmem>>, vector<16xf32>,
      %swap3A_2972 = arith.constant 6032 : index
      %swap3A_2973 = tpu.vector_load %arg8[%swap3A_2972] {strides = array<i32>} : memref<8192xf32, #tpu.memory_space<vmem>>, vector<16xf32>,
      tpu.vector_store %arg8[%swap3A_2972], %get3A_2971 {strides = array<i32>} : memref<8192xf32, #tpu.memory_space<vmem>>, vector<16xf32>,
      %add3A_2974 = arith.constant 32 : i32
      %add3A_2975 = arith.addi %mul3A_2961, %add3A_2974 : i32
      %get3A_2976 = arith.index_cast %add3A_2975 : i32 to index
      %get3A_2977 = tpu.vector_load %arg7[%get3A_2976] {strides = array<i32>} : memref<1536xf32, #tpu.memory_space<vmem>>, vector<16xf32>,
      %swap3A_2978 = arith.constant 6048 : index
      %swap3A_2979 = tpu.vector_load %arg8[%swap3A_2978] {strides = array<i32>} : memref<8192xf32, #tpu.memory_space<vmem>>, vector<16xf32>,
      tpu.vector_store %arg8[%swap3A_2978], %get3A_2977 {strides = array<i32>} : memref<8192xf32, #tpu.memory_space<vmem>>, vector<16xf32>,
      %add3A_2980 = arith.constant 48 : i32
      %add3A_2981 = arith.addi %mul3A_2961, %add3A_2980 : i32
      %get3A_2982 = arith.index_cast %add3A_2981 : i32 to index
      %get3A_2983 = tpu.vector_load %arg7[%get3A_2982] {strides = array<i32>} : memref<1536xf32, #tpu.memory_space<vmem>>, vector<16xf32>,
      %swap3A_2984 = arith.constant 6064 : index
      %swap3A_2985 = tpu.vector_load %arg8[%swap3A_2984] {strides = array<i32>} : memref<8192xf32, #tpu.memory_space<vmem>>, vector<16xf32>,
      tpu.vector_store %arg8[%swap3A_2984], %get3A_2983 {strides = array<i32>} : memref<8192xf32, #tpu.memory_space<vmem>>, vector<16xf32>,
      %add3A_2986 = arith.constant 64 : i32
      %add3A_2987 = arith.addi %mul3A_2961, %add3A_2986 : i32
      %get3A_2988 = arith.index_cast %add3A_2987 : i32 to index
      %get3A_2989 = tpu.vector_load %arg7[%get3A_2988] {strides = array<i32>} : memref<1536xf32, #tpu.memory_space<vmem>>, vector<16xf32>,
      %swap3A_2990 = arith.constant 6080 : index
      %swap3A_2991 = tpu.vector_load %arg8[%swap3A_2990] {strides = array<i32>} : memref<8192xf32, #tpu.memory_space<vmem>>, vector<16xf32>,
      tpu.vector_store %arg8[%swap3A_2990], %get3A_2989 {strides = array<i32>} : memref<8192xf32, #tpu.memory_space<vmem>>, vector<16xf32>,
      %add3A_2992 = arith.constant 80 : i32
      %add3A_2993 = arith.addi %mul3A_2961, %add3A_2992 : i32
      %get3A_2994 = arith.index_cast %add3A_2993 : i32 to index
      %get3A_2995 = tpu.vector_load %arg7[%get3A_2994] {strides = array<i32>} : memref<1536xf32, #tpu.memory_space<vmem>>, vector<16xf32>,
      %swap3A_2996 = arith.constant 6096 : index
      %swap3A_2997 = tpu.vector_load %arg8[%swap3A_2996] {strides = array<i32>} : memref<8192xf32, #tpu.memory_space<vmem>>, vector<16xf32>,
      tpu.vector_store %arg8[%swap3A_2996], %get3A_2995 {strides = array<i32>} : memref<8192xf32, #tpu.memory_space<vmem>>, vector<16xf32>,
      %add3A_2998 = arith.constant 96 : i32
      %add3A_2999 = arith.addi %mul3A_2961, %add3A_2998 : i32
      %get3A_3000 = arith.index_cast %add3A_2999 : i32 to index
      %get3A_3001 = tpu.vector_load %arg7[%get3A_3000] {strides = array<i32>} : memref<1536xf32, #tpu.memory_space<vmem>>, vector<16xf32>,
      %swap3A_3002 = arith.constant 6112 : index
      %swap3A_3003 = tpu.vector_load %arg8[%swap3A_3002] {strides = array<i32>} : memref<8192xf32, #tpu.memory_space<vmem>>, vector<16xf32>,
      tpu.vector_store %arg8[%swap3A_3002], %get3A_3001 {strides = array<i32>} : memref<8192xf32, #tpu.memory_space<vmem>>, vector<16xf32>,
      %add3A_3004 = arith.constant 112 : i32
      %add3A_3005 = arith.addi %mul3A_2961, %add3A_3004 : i32
      %get3A_3006 = arith.index_cast %add3A_3005 : i32 to index
      %get3A_3007 = tpu.vector_load %arg7[%get3A_3006] {strides = array<i32>} : memref<1536xf32, #tpu.memory_space<vmem>>, vector<16xf32>,
      %swap3A_3008 = arith.constant 6128 : index
      %swap3A_3009 = tpu.vector_load %arg8[%swap3A_3008] {strides = array<i32>} : memref<8192xf32, #tpu.memory_space<vmem>>, vector<16xf32>,
      tpu.vector_store %arg8[%swap3A_3008], %get3A_3007 {strides = array<i32>} : memref<8192xf32, #tpu.memory_space<vmem>>, vector<16xf32>,
      %get3A_3010 = arith.constant 1 : i32
      %get3A_3011 = arith.constant 16 : i32
      %get3A_3012 = arith.index_cast %get3A_3010 : i32 to index
      %get3A_3013 = arith.index_cast %get3A_3011 : i32 to index
      %get3A_3014 = memref.load %arg9[%get3A_3012, %get3A_3013] : memref<2x32xi32, #tpu.memory_space<smem>>
      %gt3A_3015 = arith.constant 1000 : i32
      %gt3A_3016 = arith.cmpi sgt, %get3A_3014, %gt3A_3015 : i32
      %min3A_3017 = arith.constant 10 : i32
      %min3A_3018 = arith.minsi %get3A_3014, %min3A_3017 : i32
      %jit3A_3019 = arith.constant 11 : i32
      %select_n3A_3020 = arith.select %gt3A_3016, %jit3A_3019, %min3A_3018 : i32
      %mul3A_3021 = arith.constant 128 : i32
      %mul3A_3022 = arith.muli %select_n3A_3020, %mul3A_3021 : i32
      %add3A_3023 = arith.constant 0 : i32
      %add3A_3024 = arith.addi %mul3A_3022, %add3A_3023 : i32
      %get3A_3025 = arith.index_cast %add3A_3024 : i32 to index
      %get3A_3026 = tpu.vector_load %arg7[%get3A_3025] {strides = array<i32>} : memref<1536xf32, #tpu.memory_space<vmem>>, vector<16xf32>,
      %swap3A_3027 = arith.constant 6144 : index
      %swap3A_3028 = tpu.vector_load %arg8[%swap3A_3027] {strides = array<i32>} : memref<8192xf32, #tpu.memory_space<vmem>>, vector<16xf32>,
      tpu.vector_store %arg8[%swap3A_3027], %get3A_3026 {strides = array<i32>} : memref<8192xf32, #tpu.memory_space<vmem>>, vector<16xf32>,
      %add3A_3029 = arith.constant 16 : i32
      %add3A_3030 = arith.addi %mul3A_3022, %add3A_3029 : i32
      %get3A_3031 = arith.index_cast %add3A_3030 : i32 to index
      %get3A_3032 = tpu.vector_load %arg7[%get3A_3031] {strides = array<i32>} : memref<1536xf32, #tpu.memory_space<vmem>>, vector<16xf32>,
      %swap3A_3033 = arith.constant 6160 : index
      %swap3A_3034 = tpu.vector_load %arg8[%swap3A_3033] {strides = array<i32>} : memref<8192xf32, #tpu.memory_space<vmem>>, vector<16xf32>,
      tpu.vector_store %arg8[%swap3A_3033], %get3A_3032 {strides = array<i32>} : memref<8192xf32, #tpu.memory_space<vmem>>, vector<16xf32>,
      %add3A_3035 = arith.constant 32 : i32
      %add3A_3036 = arith.addi %mul3A_3022, %add3A_3035 : i32
      %get3A_3037 = arith.index_cast %add3A_3036 : i32 to index
      %get3A_3038 = tpu.vector_load %arg7[%get3A_3037] {strides = array<i32>} : memref<1536xf32, #tpu.memory_space<vmem>>, vector<16xf32>,
      %swap3A_3039 = arith.constant 6176 : index
      %swap3A_3040 = tpu.vector_load %arg8[%swap3A_3039] {strides = array<i32>} : memref<8192xf32, #tpu.memory_space<vmem>>, vector<16xf32>,
      tpu.vector_store %arg8[%swap3A_3039], %get3A_3038 {strides = array<i32>} : memref<8192xf32, #tpu.memory_space<vmem>>, vector<16xf32>,
      %add3A_3041 = arith.constant 48 : i32
      %add3A_3042 = arith.addi %mul3A_3022, %add3A_3041 : i32
      %get3A_3043 = arith.index_cast %add3A_3042 : i32 to index
      %get3A_3044 = tpu.vector_load %arg7[%get3A_3043] {strides = array<i32>} : memref<1536xf32, #tpu.memory_space<vmem>>, vector<16xf32>,
      %swap3A_3045 = arith.constant 6192 : index
      %swap3A_3046 = tpu.vector_load %arg8[%swap3A_3045] {strides = array<i32>} : memref<8192xf32, #tpu.memory_space<vmem>>, vector<16xf32>,
      tpu.vector_store %arg8[%swap3A_3045], %get3A_3044 {strides = array<i32>} : memref<8192xf32, #tpu.memory_space<vmem>>, vector<16xf32>,
      %add3A_3047 = arith.constant 64 : i32
      %add3A_3048 = arith.addi %mul3A_3022, %add3A_3047 : i32
      %get3A_3049 = arith.index_cast %add3A_3048 : i32 to index
      %get3A_3050 = tpu.vector_load %arg7[%get3A_3049] {strides = array<i32>} : memref<1536xf32, #tpu.memory_space<vmem>>, vector<16xf32>,
      %swap3A_3051 = arith.constant 6208 : index
      %swap3A_3052 = tpu.vector_load %arg8[%swap3A_3051] {strides = array<i32>} : memref<8192xf32, #tpu.memory_space<vmem>>, vector<16xf32>,
      tpu.vector_store %arg8[%swap3A_3051], %get3A_3050 {strides = array<i32>} : memref<8192xf32, #tpu.memory_space<vmem>>, vector<16xf32>,
      %add3A_3053 = arith.constant 80 : i32
      %add3A_3054 = arith.addi %mul3A_3022, %add3A_3053 : i32
      %get3A_3055 = arith.index_cast %add3A_3054 : i32 to index
      %get3A_3056 = tpu.vector_load %arg7[%get3A_3055] {strides = array<i32>} : memref<1536xf32, #tpu.memory_space<vmem>>, vector<16xf32>,
      %swap3A_3057 = arith.constant 6224 : index
      %swap3A_3058 = tpu.vector_load %arg8[%swap3A_3057] {strides = array<i32>} : memref<8192xf32, #tpu.memory_space<vmem>>, vector<16xf32>,
      tpu.vector_store %arg8[%swap3A_3057], %get3A_3056 {strides = array<i32>} : memref<8192xf32, #tpu.memory_space<vmem>>, vector<16xf32>,
      %add3A_3059 = arith.constant 96 : i32
      %add3A_3060 = arith.addi %mul3A_3022, %add3A_3059 : i32
      %get3A_3061 = arith.index_cast %add3A_3060 : i32 to index
      %get3A_3062 = tpu.vector_load %arg7[%get3A_3061] {strides = array<i32>} : memref<1536xf32, #tpu.memory_space<vmem>>, vector<16xf32>,
      %swap3A_3063 = arith.constant 6240 : index
      %swap3A_3064 = tpu.vector_load %arg8[%swap3A_3063] {strides = array<i32>} : memref<8192xf32, #tpu.memory_space<vmem>>, vector<16xf32>,
      tpu.vector_store %arg8[%swap3A_3063], %get3A_3062 {strides = array<i32>} : memref<8192xf32, #tpu.memory_space<vmem>>, vector<16xf32>,
      %add3A_3065 = arith.constant 112 : i32
      %add3A_3066 = arith.addi %mul3A_3022, %add3A_3065 : i32
      %get3A_3067 = arith.index_cast %add3A_3066 : i32 to index
      %get3A_3068 = tpu.vector_load %arg7[%get3A_3067] {strides = array<i32>} : memref<1536xf32, #tpu.memory_space<vmem>>, vector<16xf32>,
      %swap3A_3069 = arith.constant 6256 : index
      %swap3A_3070 = tpu.vector_load %arg8[%swap3A_3069] {strides = array<i32>} : memref<8192xf32, #tpu.memory_space<vmem>>, vector<16xf32>,
      tpu.vector_store %arg8[%swap3A_3069], %get3A_3068 {strides = array<i32>} : memref<8192xf32, #tpu.memory_space<vmem>>, vector<16xf32>,
      %get3A_3071 = arith.constant 1 : i32
      %get3A_3072 = arith.constant 17 : i32
      %get3A_3073 = arith.index_cast %get3A_3071 : i32 to index
      %get3A_3074 = arith.index_cast %get3A_3072 : i32 to index
      %get3A_3075 = memref.load %arg9[%get3A_3073, %get3A_3074] : memref<2x32xi32, #tpu.memory_space<smem>>
      %gt3A_3076 = arith.constant 1000 : i32
      %gt3A_3077 = arith.cmpi sgt, %get3A_3075, %gt3A_3076 : i32
      %min3A_3078 = arith.constant 10 : i32
      %min3A_3079 = arith.minsi %get3A_3075, %min3A_3078 : i32
      %jit3A_3080 = arith.constant 11 : i32
      %select_n3A_3081 = arith.select %gt3A_3077, %jit3A_3080, %min3A_3079 : i32
      %mul3A_3082 = arith.constant 128 : i32
      %mul3A_3083 = arith.muli %select_n3A_3081, %mul3A_3082 : i32
      %add3A_3084 = arith.constant 0 : i32
      %add3A_3085 = arith.addi %mul3A_3083, %add3A_3084 : i32
      %get3A_3086 = arith.index_cast %add3A_3085 : i32 to index
      %get3A_3087 = tpu.vector_load %arg7[%get3A_3086] {strides = array<i32>} : memref<1536xf32, #tpu.memory_space<vmem>>, vector<16xf32>,
      %swap3A_3088 = arith.constant 6272 : index
      %swap3A_3089 = tpu.vector_load %arg8[%swap3A_3088] {strides = array<i32>} : memref<8192xf32, #tpu.memory_space<vmem>>, vector<16xf32>,
      tpu.vector_store %arg8[%swap3A_3088], %get3A_3087 {strides = array<i32>} : memref<8192xf32, #tpu.memory_space<vmem>>, vector<16xf32>,
      %add3A_3090 = arith.constant 16 : i32
      %add3A_3091 = arith.addi %mul3A_3083, %add3A_3090 : i32
      %get3A_3092 = arith.index_cast %add3A_3091 : i32 to index
      %get3A_3093 = tpu.vector_load %arg7[%get3A_3092] {strides = array<i32>} : memref<1536xf32, #tpu.memory_space<vmem>>, vector<16xf32>,
      %swap3A_3094 = arith.constant 6288 : index
      %swap3A_3095 = tpu.vector_load %arg8[%swap3A_3094] {strides = array<i32>} : memref<8192xf32, #tpu.memory_space<vmem>>, vector<16xf32>,
      tpu.vector_store %arg8[%swap3A_3094], %get3A_3093 {strides = array<i32>} : memref<8192xf32, #tpu.memory_space<vmem>>, vector<16xf32>,
      %add3A_3096 = arith.constant 32 : i32
      %add3A_3097 = arith.addi %mul3A_3083, %add3A_3096 : i32
      %get3A_3098 = arith.index_cast %add3A_3097 : i32 to index
      %get3A_3099 = tpu.vector_load %arg7[%get3A_3098] {strides = array<i32>} : memref<1536xf32, #tpu.memory_space<vmem>>, vector<16xf32>,
      %swap3A_3100 = arith.constant 6304 : index
      %swap3A_3101 = tpu.vector_load %arg8[%swap3A_3100] {strides = array<i32>} : memref<8192xf32, #tpu.memory_space<vmem>>, vector<16xf32>,
      tpu.vector_store %arg8[%swap3A_3100], %get3A_3099 {strides = array<i32>} : memref<8192xf32, #tpu.memory_space<vmem>>, vector<16xf32>,
      %add3A_3102 = arith.constant 48 : i32
      %add3A_3103 = arith.addi %mul3A_3083, %add3A_3102 : i32
      %get3A_3104 = arith.index_cast %add3A_3103 : i32 to index
      %get3A_3105 = tpu.vector_load %arg7[%get3A_3104] {strides = array<i32>} : memref<1536xf32, #tpu.memory_space<vmem>>, vector<16xf32>,
      %swap3A_3106 = arith.constant 6320 : index
      %swap3A_3107 = tpu.vector_load %arg8[%swap3A_3106] {strides = array<i32>} : memref<8192xf32, #tpu.memory_space<vmem>>, vector<16xf32>,
      tpu.vector_store %arg8[%swap3A_3106], %get3A_3105 {strides = array<i32>} : memref<8192xf32, #tpu.memory_space<vmem>>, vector<16xf32>,
      %add3A_3108 = arith.constant 64 : i32
      %add3A_3109 = arith.addi %mul3A_3083, %add3A_3108 : i32
      %get3A_3110 = arith.index_cast %add3A_3109 : i32 to index
      %get3A_3111 = tpu.vector_load %arg7[%get3A_3110] {strides = array<i32>} : memref<1536xf32, #tpu.memory_space<vmem>>, vector<16xf32>,
      %swap3A_3112 = arith.constant 6336 : index
      %swap3A_3113 = tpu.vector_load %arg8[%swap3A_3112] {strides = array<i32>} : memref<8192xf32, #tpu.memory_space<vmem>>, vector<16xf32>,
      tpu.vector_store %arg8[%swap3A_3112], %get3A_3111 {strides = array<i32>} : memref<8192xf32, #tpu.memory_space<vmem>>, vector<16xf32>,
      %add3A_3114 = arith.constant 80 : i32
      %add3A_3115 = arith.addi %mul3A_3083, %add3A_3114 : i32
      %get3A_3116 = arith.index_cast %add3A_3115 : i32 to index
      %get3A_3117 = tpu.vector_load %arg7[%get3A_3116] {strides = array<i32>} : memref<1536xf32, #tpu.memory_space<vmem>>, vector<16xf32>,
      %swap3A_3118 = arith.constant 6352 : index
      %swap3A_3119 = tpu.vector_load %arg8[%swap3A_3118] {strides = array<i32>} : memref<8192xf32, #tpu.memory_space<vmem>>, vector<16xf32>,
      tpu.vector_store %arg8[%swap3A_3118], %get3A_3117 {strides = array<i32>} : memref<8192xf32, #tpu.memory_space<vmem>>, vector<16xf32>,
      %add3A_3120 = arith.constant 96 : i32
      %add3A_3121 = arith.addi %mul3A_3083, %add3A_3120 : i32
      %get3A_3122 = arith.index_cast %add3A_3121 : i32 to index
      %get3A_3123 = tpu.vector_load %arg7[%get3A_3122] {strides = array<i32>} : memref<1536xf32, #tpu.memory_space<vmem>>, vector<16xf32>,
      %swap3A_3124 = arith.constant 6368 : index
      %swap3A_3125 = tpu.vector_load %arg8[%swap3A_3124] {strides = array<i32>} : memref<8192xf32, #tpu.memory_space<vmem>>, vector<16xf32>,
      tpu.vector_store %arg8[%swap3A_3124], %get3A_3123 {strides = array<i32>} : memref<8192xf32, #tpu.memory_space<vmem>>, vector<16xf32>,
      %add3A_3126 = arith.constant 112 : i32
      %add3A_3127 = arith.addi %mul3A_3083, %add3A_3126 : i32
      %get3A_3128 = arith.index_cast %add3A_3127 : i32 to index
      %get3A_3129 = tpu.vector_load %arg7[%get3A_3128] {strides = array<i32>} : memref<1536xf32, #tpu.memory_space<vmem>>, vector<16xf32>,
      %swap3A_3130 = arith.constant 6384 : index
      %swap3A_3131 = tpu.vector_load %arg8[%swap3A_3130] {strides = array<i32>} : memref<8192xf32, #tpu.memory_space<vmem>>, vector<16xf32>,
      tpu.vector_store %arg8[%swap3A_3130], %get3A_3129 {strides = array<i32>} : memref<8192xf32, #tpu.memory_space<vmem>>, vector<16xf32>,
      %get3A_3132 = arith.constant 1 : i32
      %get3A_3133 = arith.constant 18 : i32
      %get3A_3134 = arith.index_cast %get3A_3132 : i32 to index
      %get3A_3135 = arith.index_cast %get3A_3133 : i32 to index
      %get3A_3136 = memref.load %arg9[%get3A_3134, %get3A_3135] : memref<2x32xi32, #tpu.memory_space<smem>>
      %gt3A_3137 = arith.constant 1000 : i32
      %gt3A_3138 = arith.cmpi sgt, %get3A_3136, %gt3A_3137 : i32
      %min3A_3139 = arith.constant 10 : i32
      %min3A_3140 = arith.minsi %get3A_3136, %min3A_3139 : i32
      %jit3A_3141 = arith.constant 11 : i32
      %select_n3A_3142 = arith.select %gt3A_3138, %jit3A_3141, %min3A_3140 : i32
      %mul3A_3143 = arith.constant 128 : i32
      %mul3A_3144 = arith.muli %select_n3A_3142, %mul3A_3143 : i32
      %add3A_3145 = arith.constant 0 : i32
      %add3A_3146 = arith.addi %mul3A_3144, %add3A_3145 : i32
      %get3A_3147 = arith.index_cast %add3A_3146 : i32 to index
      %get3A_3148 = tpu.vector_load %arg7[%get3A_3147] {strides = array<i32>} : memref<1536xf32, #tpu.memory_space<vmem>>, vector<16xf32>,
      %swap3A_3149 = arith.constant 6400 : index
      %swap3A_3150 = tpu.vector_load %arg8[%swap3A_3149] {strides = array<i32>} : memref<8192xf32, #tpu.memory_space<vmem>>, vector<16xf32>,
      tpu.vector_store %arg8[%swap3A_3149], %get3A_3148 {strides = array<i32>} : memref<8192xf32, #tpu.memory_space<vmem>>, vector<16xf32>,
      %add3A_3151 = arith.constant 16 : i32
      %add3A_3152 = arith.addi %mul3A_3144, %add3A_3151 : i32
      %get3A_3153 = arith.index_cast %add3A_3152 : i32 to index
      %get3A_3154 = tpu.vector_load %arg7[%get3A_3153] {strides = array<i32>} : memref<1536xf32, #tpu.memory_space<vmem>>, vector<16xf32>,
      %swap3A_3155 = arith.constant 6416 : index
      %swap3A_3156 = tpu.vector_load %arg8[%swap3A_3155] {strides = array<i32>} : memref<8192xf32, #tpu.memory_space<vmem>>, vector<16xf32>,
      tpu.vector_store %arg8[%swap3A_3155], %get3A_3154 {strides = array<i32>} : memref<8192xf32, #tpu.memory_space<vmem>>, vector<16xf32>,
      %add3A_3157 = arith.constant 32 : i32
      %add3A_3158 = arith.addi %mul3A_3144, %add3A_3157 : i32
      %get3A_3159 = arith.index_cast %add3A_3158 : i32 to index
      %get3A_3160 = tpu.vector_load %arg7[%get3A_3159] {strides = array<i32>} : memref<1536xf32, #tpu.memory_space<vmem>>, vector<16xf32>,
      %swap3A_3161 = arith.constant 6432 : index
      %swap3A_3162 = tpu.vector_load %arg8[%swap3A_3161] {strides = array<i32>} : memref<8192xf32, #tpu.memory_space<vmem>>, vector<16xf32>,
      tpu.vector_store %arg8[%swap3A_3161], %get3A_3160 {strides = array<i32>} : memref<8192xf32, #tpu.memory_space<vmem>>, vector<16xf32>,
      %add3A_3163 = arith.constant 48 : i32
      %add3A_3164 = arith.addi %mul3A_3144, %add3A_3163 : i32
      %get3A_3165 = arith.index_cast %add3A_3164 : i32 to index
      %get3A_3166 = tpu.vector_load %arg7[%get3A_3165] {strides = array<i32>} : memref<1536xf32, #tpu.memory_space<vmem>>, vector<16xf32>,
      %swap3A_3167 = arith.constant 6448 : index
      %swap3A_3168 = tpu.vector_load %arg8[%swap3A_3167] {strides = array<i32>} : memref<8192xf32, #tpu.memory_space<vmem>>, vector<16xf32>,
      tpu.vector_store %arg8[%swap3A_3167], %get3A_3166 {strides = array<i32>} : memref<8192xf32, #tpu.memory_space<vmem>>, vector<16xf32>,
      %add3A_3169 = arith.constant 64 : i32
      %add3A_3170 = arith.addi %mul3A_3144, %add3A_3169 : i32
      %get3A_3171 = arith.index_cast %add3A_3170 : i32 to index
      %get3A_3172 = tpu.vector_load %arg7[%get3A_3171] {strides = array<i32>} : memref<1536xf32, #tpu.memory_space<vmem>>, vector<16xf32>,
      %swap3A_3173 = arith.constant 6464 : index
      %swap3A_3174 = tpu.vector_load %arg8[%swap3A_3173] {strides = array<i32>} : memref<8192xf32, #tpu.memory_space<vmem>>, vector<16xf32>,
      tpu.vector_store %arg8[%swap3A_3173], %get3A_3172 {strides = array<i32>} : memref<8192xf32, #tpu.memory_space<vmem>>, vector<16xf32>,
      %add3A_3175 = arith.constant 80 : i32
      %add3A_3176 = arith.addi %mul3A_3144, %add3A_3175 : i32
      %get3A_3177 = arith.index_cast %add3A_3176 : i32 to index
      %get3A_3178 = tpu.vector_load %arg7[%get3A_3177] {strides = array<i32>} : memref<1536xf32, #tpu.memory_space<vmem>>, vector<16xf32>,
      %swap3A_3179 = arith.constant 6480 : index
      %swap3A_3180 = tpu.vector_load %arg8[%swap3A_3179] {strides = array<i32>} : memref<8192xf32, #tpu.memory_space<vmem>>, vector<16xf32>,
      tpu.vector_store %arg8[%swap3A_3179], %get3A_3178 {strides = array<i32>} : memref<8192xf32, #tpu.memory_space<vmem>>, vector<16xf32>,
      %add3A_3181 = arith.constant 96 : i32
      %add3A_3182 = arith.addi %mul3A_3144, %add3A_3181 : i32
      %get3A_3183 = arith.index_cast %add3A_3182 : i32 to index
      %get3A_3184 = tpu.vector_load %arg7[%get3A_3183] {strides = array<i32>} : memref<1536xf32, #tpu.memory_space<vmem>>, vector<16xf32>,
      %swap3A_3185 = arith.constant 6496 : index
      %swap3A_3186 = tpu.vector_load %arg8[%swap3A_3185] {strides = array<i32>} : memref<8192xf32, #tpu.memory_space<vmem>>, vector<16xf32>,
      tpu.vector_store %arg8[%swap3A_3185], %get3A_3184 {strides = array<i32>} : memref<8192xf32, #tpu.memory_space<vmem>>, vector<16xf32>,
      %add3A_3187 = arith.constant 112 : i32
      %add3A_3188 = arith.addi %mul3A_3144, %add3A_3187 : i32
      %get3A_3189 = arith.index_cast %add3A_3188 : i32 to index
      %get3A_3190 = tpu.vector_load %arg7[%get3A_3189] {strides = array<i32>} : memref<1536xf32, #tpu.memory_space<vmem>>, vector<16xf32>,
      %swap3A_3191 = arith.constant 6512 : index
      %swap3A_3192 = tpu.vector_load %arg8[%swap3A_3191] {strides = array<i32>} : memref<8192xf32, #tpu.memory_space<vmem>>, vector<16xf32>,
      tpu.vector_store %arg8[%swap3A_3191], %get3A_3190 {strides = array<i32>} : memref<8192xf32, #tpu.memory_space<vmem>>, vector<16xf32>,
      %get3A_3193 = arith.constant 1 : i32
      %get3A_3194 = arith.constant 19 : i32
      %get3A_3195 = arith.index_cast %get3A_3193 : i32 to index
      %get3A_3196 = arith.index_cast %get3A_3194 : i32 to index
      %get3A_3197 = memref.load %arg9[%get3A_3195, %get3A_3196] : memref<2x32xi32, #tpu.memory_space<smem>>
      %gt3A_3198 = arith.constant 1000 : i32
      %gt3A_3199 = arith.cmpi sgt, %get3A_3197, %gt3A_3198 : i32
      %min3A_3200 = arith.constant 10 : i32
      %min3A_3201 = arith.minsi %get3A_3197, %min3A_3200 : i32
      %jit3A_3202 = arith.constant 11 : i32
      %select_n3A_3203 = arith.select %gt3A_3199, %jit3A_3202, %min3A_3201 : i32
      %mul3A_3204 = arith.constant 128 : i32
      %mul3A_3205 = arith.muli %select_n3A_3203, %mul3A_3204 : i32
      %add3A_3206 = arith.constant 0 : i32
      %add3A_3207 = arith.addi %mul3A_3205, %add3A_3206 : i32
      %get3A_3208 = arith.index_cast %add3A_3207 : i32 to index
      %get3A_3209 = tpu.vector_load %arg7[%get3A_3208] {strides = array<i32>} : memref<1536xf32, #tpu.memory_space<vmem>>, vector<16xf32>,
      %swap3A_3210 = arith.constant 6528 : index
      %swap3A_3211 = tpu.vector_load %arg8[%swap3A_3210] {strides = array<i32>} : memref<8192xf32, #tpu.memory_space<vmem>>, vector<16xf32>,
      tpu.vector_store %arg8[%swap3A_3210], %get3A_3209 {strides = array<i32>} : memref<8192xf32, #tpu.memory_space<vmem>>, vector<16xf32>,
      %add3A_3212 = arith.constant 16 : i32
      %add3A_3213 = arith.addi %mul3A_3205, %add3A_3212 : i32
      %get3A_3214 = arith.index_cast %add3A_3213 : i32 to index
      %get3A_3215 = tpu.vector_load %arg7[%get3A_3214] {strides = array<i32>} : memref<1536xf32, #tpu.memory_space<vmem>>, vector<16xf32>,
      %swap3A_3216 = arith.constant 6544 : index
      %swap3A_3217 = tpu.vector_load %arg8[%swap3A_3216] {strides = array<i32>} : memref<8192xf32, #tpu.memory_space<vmem>>, vector<16xf32>,
      tpu.vector_store %arg8[%swap3A_3216], %get3A_3215 {strides = array<i32>} : memref<8192xf32, #tpu.memory_space<vmem>>, vector<16xf32>,
      %add3A_3218 = arith.constant 32 : i32
      %add3A_3219 = arith.addi %mul3A_3205, %add3A_3218 : i32
      %get3A_3220 = arith.index_cast %add3A_3219 : i32 to index
      %get3A_3221 = tpu.vector_load %arg7[%get3A_3220] {strides = array<i32>} : memref<1536xf32, #tpu.memory_space<vmem>>, vector<16xf32>,
      %swap3A_3222 = arith.constant 6560 : index
      %swap3A_3223 = tpu.vector_load %arg8[%swap3A_3222] {strides = array<i32>} : memref<8192xf32, #tpu.memory_space<vmem>>, vector<16xf32>,
      tpu.vector_store %arg8[%swap3A_3222], %get3A_3221 {strides = array<i32>} : memref<8192xf32, #tpu.memory_space<vmem>>, vector<16xf32>,
      %add3A_3224 = arith.constant 48 : i32
      %add3A_3225 = arith.addi %mul3A_3205, %add3A_3224 : i32
      %get3A_3226 = arith.index_cast %add3A_3225 : i32 to index
      %get3A_3227 = tpu.vector_load %arg7[%get3A_3226] {strides = array<i32>} : memref<1536xf32, #tpu.memory_space<vmem>>, vector<16xf32>,
      %swap3A_3228 = arith.constant 6576 : index
      %swap3A_3229 = tpu.vector_load %arg8[%swap3A_3228] {strides = array<i32>} : memref<8192xf32, #tpu.memory_space<vmem>>, vector<16xf32>,
      tpu.vector_store %arg8[%swap3A_3228], %get3A_3227 {strides = array<i32>} : memref<8192xf32, #tpu.memory_space<vmem>>, vector<16xf32>,
      %add3A_3230 = arith.constant 64 : i32
      %add3A_3231 = arith.addi %mul3A_3205, %add3A_3230 : i32
      %get3A_3232 = arith.index_cast %add3A_3231 : i32 to index
      %get3A_3233 = tpu.vector_load %arg7[%get3A_3232] {strides = array<i32>} : memref<1536xf32, #tpu.memory_space<vmem>>, vector<16xf32>,
      %swap3A_3234 = arith.constant 6592 : index
      %swap3A_3235 = tpu.vector_load %arg8[%swap3A_3234] {strides = array<i32>} : memref<8192xf32, #tpu.memory_space<vmem>>, vector<16xf32>,
      tpu.vector_store %arg8[%swap3A_3234], %get3A_3233 {strides = array<i32>} : memref<8192xf32, #tpu.memory_space<vmem>>, vector<16xf32>,
      %add3A_3236 = arith.constant 80 : i32
      %add3A_3237 = arith.addi %mul3A_3205, %add3A_3236 : i32
      %get3A_3238 = arith.index_cast %add3A_3237 : i32 to index
      %get3A_3239 = tpu.vector_load %arg7[%get3A_3238] {strides = array<i32>} : memref<1536xf32, #tpu.memory_space<vmem>>, vector<16xf32>,
      %swap3A_3240 = arith.constant 6608 : index
      %swap3A_3241 = tpu.vector_load %arg8[%swap3A_3240] {strides = array<i32>} : memref<8192xf32, #tpu.memory_space<vmem>>, vector<16xf32>,
      tpu.vector_store %arg8[%swap3A_3240], %get3A_3239 {strides = array<i32>} : memref<8192xf32, #tpu.memory_space<vmem>>, vector<16xf32>,
      %add3A_3242 = arith.constant 96 : i32
      %add3A_3243 = arith.addi %mul3A_3205, %add3A_3242 : i32
      %get3A_3244 = arith.index_cast %add3A_3243 : i32 to index
      %get3A_3245 = tpu.vector_load %arg7[%get3A_3244] {strides = array<i32>} : memref<1536xf32, #tpu.memory_space<vmem>>, vector<16xf32>,
      %swap3A_3246 = arith.constant 6624 : index
      %swap3A_3247 = tpu.vector_load %arg8[%swap3A_3246] {strides = array<i32>} : memref<8192xf32, #tpu.memory_space<vmem>>, vector<16xf32>,
      tpu.vector_store %arg8[%swap3A_3246], %get3A_3245 {strides = array<i32>} : memref<8192xf32, #tpu.memory_space<vmem>>, vector<16xf32>,
      %add3A_3248 = arith.constant 112 : i32
      %add3A_3249 = arith.addi %mul3A_3205, %add3A_3248 : i32
      %get3A_3250 = arith.index_cast %add3A_3249 : i32 to index
      %get3A_3251 = tpu.vector_load %arg7[%get3A_3250] {strides = array<i32>} : memref<1536xf32, #tpu.memory_space<vmem>>, vector<16xf32>,
      %swap3A_3252 = arith.constant 6640 : index
      %swap3A_3253 = tpu.vector_load %arg8[%swap3A_3252] {strides = array<i32>} : memref<8192xf32, #tpu.memory_space<vmem>>, vector<16xf32>,
      tpu.vector_store %arg8[%swap3A_3252], %get3A_3251 {strides = array<i32>} : memref<8192xf32, #tpu.memory_space<vmem>>, vector<16xf32>,
      %get3A_3254 = arith.constant 1 : i32
      %get3A_3255 = arith.constant 20 : i32
      %get3A_3256 = arith.index_cast %get3A_3254 : i32 to index
      %get3A_3257 = arith.index_cast %get3A_3255 : i32 to index
      %get3A_3258 = memref.load %arg9[%get3A_3256, %get3A_3257] : memref<2x32xi32, #tpu.memory_space<smem>>
      %gt3A_3259 = arith.constant 1000 : i32
      %gt3A_3260 = arith.cmpi sgt, %get3A_3258, %gt3A_3259 : i32
      %min3A_3261 = arith.constant 10 : i32
      %min3A_3262 = arith.minsi %get3A_3258, %min3A_3261 : i32
      %jit3A_3263 = arith.constant 11 : i32
      %select_n3A_3264 = arith.select %gt3A_3260, %jit3A_3263, %min3A_3262 : i32
      %mul3A_3265 = arith.constant 128 : i32
      %mul3A_3266 = arith.muli %select_n3A_3264, %mul3A_3265 : i32
      %add3A_3267 = arith.constant 0 : i32
      %add3A_3268 = arith.addi %mul3A_3266, %add3A_3267 : i32
      %get3A_3269 = arith.index_cast %add3A_3268 : i32 to index
      %get3A_3270 = tpu.vector_load %arg7[%get3A_3269] {strides = array<i32>} : memref<1536xf32, #tpu.memory_space<vmem>>, vector<16xf32>,
      %swap3A_3271 = arith.constant 6656 : index
      %swap3A_3272 = tpu.vector_load %arg8[%swap3A_3271] {strides = array<i32>} : memref<8192xf32, #tpu.memory_space<vmem>>, vector<16xf32>,
      tpu.vector_store %arg8[%swap3A_3271], %get3A_3270 {strides = array<i32>} : memref<8192xf32, #tpu.memory_space<vmem>>, vector<16xf32>,
      %add3A_3273 = arith.constant 16 : i32
      %add3A_3274 = arith.addi %mul3A_3266, %add3A_3273 : i32
      %get3A_3275 = arith.index_cast %add3A_3274 : i32 to index
      %get3A_3276 = tpu.vector_load %arg7[%get3A_3275] {strides = array<i32>} : memref<1536xf32, #tpu.memory_space<vmem>>, vector<16xf32>,
      %swap3A_3277 = arith.constant 6672 : index
      %swap3A_3278 = tpu.vector_load %arg8[%swap3A_3277] {strides = array<i32>} : memref<8192xf32, #tpu.memory_space<vmem>>, vector<16xf32>,
      tpu.vector_store %arg8[%swap3A_3277], %get3A_3276 {strides = array<i32>} : memref<8192xf32, #tpu.memory_space<vmem>>, vector<16xf32>,
      %add3A_3279 = arith.constant 32 : i32
      %add3A_3280 = arith.addi %mul3A_3266, %add3A_3279 : i32
      %get3A_3281 = arith.index_cast %add3A_3280 : i32 to index
      %get3A_3282 = tpu.vector_load %arg7[%get3A_3281] {strides = array<i32>} : memref<1536xf32, #tpu.memory_space<vmem>>, vector<16xf32>,
      %swap3A_3283 = arith.constant 6688 : index
      %swap3A_3284 = tpu.vector_load %arg8[%swap3A_3283] {strides = array<i32>} : memref<8192xf32, #tpu.memory_space<vmem>>, vector<16xf32>,
      tpu.vector_store %arg8[%swap3A_3283], %get3A_3282 {strides = array<i32>} : memref<8192xf32, #tpu.memory_space<vmem>>, vector<16xf32>,
      %add3A_3285 = arith.constant 48 : i32
      %add3A_3286 = arith.addi %mul3A_3266, %add3A_3285 : i32
      %get3A_3287 = arith.index_cast %add3A_3286 : i32 to index
      %get3A_3288 = tpu.vector_load %arg7[%get3A_3287] {strides = array<i32>} : memref<1536xf32, #tpu.memory_space<vmem>>, vector<16xf32>,
      %swap3A_3289 = arith.constant 6704 : index
      %swap3A_3290 = tpu.vector_load %arg8[%swap3A_3289] {strides = array<i32>} : memref<8192xf32, #tpu.memory_space<vmem>>, vector<16xf32>,
      tpu.vector_store %arg8[%swap3A_3289], %get3A_3288 {strides = array<i32>} : memref<8192xf32, #tpu.memory_space<vmem>>, vector<16xf32>,
      %add3A_3291 = arith.constant 64 : i32
      %add3A_3292 = arith.addi %mul3A_3266, %add3A_3291 : i32
      %get3A_3293 = arith.index_cast %add3A_3292 : i32 to index
      %get3A_3294 = tpu.vector_load %arg7[%get3A_3293] {strides = array<i32>} : memref<1536xf32, #tpu.memory_space<vmem>>, vector<16xf32>,
      %swap3A_3295 = arith.constant 6720 : index
      %swap3A_3296 = tpu.vector_load %arg8[%swap3A_3295] {strides = array<i32>} : memref<8192xf32, #tpu.memory_space<vmem>>, vector<16xf32>,
      tpu.vector_store %arg8[%swap3A_3295], %get3A_3294 {strides = array<i32>} : memref<8192xf32, #tpu.memory_space<vmem>>, vector<16xf32>,
      %add3A_3297 = arith.constant 80 : i32
      %add3A_3298 = arith.addi %mul3A_3266, %add3A_3297 : i32
      %get3A_3299 = arith.index_cast %add3A_3298 : i32 to index
      %get3A_3300 = tpu.vector_load %arg7[%get3A_3299] {strides = array<i32>} : memref<1536xf32, #tpu.memory_space<vmem>>, vector<16xf32>,
      %swap3A_3301 = arith.constant 6736 : index
      %swap3A_3302 = tpu.vector_load %arg8[%swap3A_3301] {strides = array<i32>} : memref<8192xf32, #tpu.memory_space<vmem>>, vector<16xf32>,
      tpu.vector_store %arg8[%swap3A_3301], %get3A_3300 {strides = array<i32>} : memref<8192xf32, #tpu.memory_space<vmem>>, vector<16xf32>,
      %add3A_3303 = arith.constant 96 : i32
      %add3A_3304 = arith.addi %mul3A_3266, %add3A_3303 : i32
      %get3A_3305 = arith.index_cast %add3A_3304 : i32 to index
      %get3A_3306 = tpu.vector_load %arg7[%get3A_3305] {strides = array<i32>} : memref<1536xf32, #tpu.memory_space<vmem>>, vector<16xf32>,
      %swap3A_3307 = arith.constant 6752 : index
      %swap3A_3308 = tpu.vector_load %arg8[%swap3A_3307] {strides = array<i32>} : memref<8192xf32, #tpu.memory_space<vmem>>, vector<16xf32>,
      tpu.vector_store %arg8[%swap3A_3307], %get3A_3306 {strides = array<i32>} : memref<8192xf32, #tpu.memory_space<vmem>>, vector<16xf32>,
      %add3A_3309 = arith.constant 112 : i32
      %add3A_3310 = arith.addi %mul3A_3266, %add3A_3309 : i32
      %get3A_3311 = arith.index_cast %add3A_3310 : i32 to index
      %get3A_3312 = tpu.vector_load %arg7[%get3A_3311] {strides = array<i32>} : memref<1536xf32, #tpu.memory_space<vmem>>, vector<16xf32>,
      %swap3A_3313 = arith.constant 6768 : index
      %swap3A_3314 = tpu.vector_load %arg8[%swap3A_3313] {strides = array<i32>} : memref<8192xf32, #tpu.memory_space<vmem>>, vector<16xf32>,
      tpu.vector_store %arg8[%swap3A_3313], %get3A_3312 {strides = array<i32>} : memref<8192xf32, #tpu.memory_space<vmem>>, vector<16xf32>,
      %get3A_3315 = arith.constant 1 : i32
      %get3A_3316 = arith.constant 21 : i32
      %get3A_3317 = arith.index_cast %get3A_3315 : i32 to index
      %get3A_3318 = arith.index_cast %get3A_3316 : i32 to index
      %get3A_3319 = memref.load %arg9[%get3A_3317, %get3A_3318] : memref<2x32xi32, #tpu.memory_space<smem>>
      %gt3A_3320 = arith.constant 1000 : i32
      %gt3A_3321 = arith.cmpi sgt, %get3A_3319, %gt3A_3320 : i32
      %min3A_3322 = arith.constant 10 : i32
      %min3A_3323 = arith.minsi %get3A_3319, %min3A_3322 : i32
      %jit3A_3324 = arith.constant 11 : i32
      %select_n3A_3325 = arith.select %gt3A_3321, %jit3A_3324, %min3A_3323 : i32
      %mul3A_3326 = arith.constant 128 : i32
      %mul3A_3327 = arith.muli %select_n3A_3325, %mul3A_3326 : i32
      %add3A_3328 = arith.constant 0 : i32
      %add3A_3329 = arith.addi %mul3A_3327, %add3A_3328 : i32
      %get3A_3330 = arith.index_cast %add3A_3329 : i32 to index
      %get3A_3331 = tpu.vector_load %arg7[%get3A_3330] {strides = array<i32>} : memref<1536xf32, #tpu.memory_space<vmem>>, vector<16xf32>,
      %swap3A_3332 = arith.constant 6784 : index
      %swap3A_3333 = tpu.vector_load %arg8[%swap3A_3332] {strides = array<i32>} : memref<8192xf32, #tpu.memory_space<vmem>>, vector<16xf32>,
      tpu.vector_store %arg8[%swap3A_3332], %get3A_3331 {strides = array<i32>} : memref<8192xf32, #tpu.memory_space<vmem>>, vector<16xf32>,
      %add3A_3334 = arith.constant 16 : i32
      %add3A_3335 = arith.addi %mul3A_3327, %add3A_3334 : i32
      %get3A_3336 = arith.index_cast %add3A_3335 : i32 to index
      %get3A_3337 = tpu.vector_load %arg7[%get3A_3336] {strides = array<i32>} : memref<1536xf32, #tpu.memory_space<vmem>>, vector<16xf32>,
      %swap3A_3338 = arith.constant 6800 : index
      %swap3A_3339 = tpu.vector_load %arg8[%swap3A_3338] {strides = array<i32>} : memref<8192xf32, #tpu.memory_space<vmem>>, vector<16xf32>,
      tpu.vector_store %arg8[%swap3A_3338], %get3A_3337 {strides = array<i32>} : memref<8192xf32, #tpu.memory_space<vmem>>, vector<16xf32>,
      %add3A_3340 = arith.constant 32 : i32
      %add3A_3341 = arith.addi %mul3A_3327, %add3A_3340 : i32
      %get3A_3342 = arith.index_cast %add3A_3341 : i32 to index
      %get3A_3343 = tpu.vector_load %arg7[%get3A_3342] {strides = array<i32>} : memref<1536xf32, #tpu.memory_space<vmem>>, vector<16xf32>,
      %swap3A_3344 = arith.constant 6816 : index
      %swap3A_3345 = tpu.vector_load %arg8[%swap3A_3344] {strides = array<i32>} : memref<8192xf32, #tpu.memory_space<vmem>>, vector<16xf32>,
      tpu.vector_store %arg8[%swap3A_3344], %get3A_3343 {strides = array<i32>} : memref<8192xf32, #tpu.memory_space<vmem>>, vector<16xf32>,
      %add3A_3346 = arith.constant 48 : i32
      %add3A_3347 = arith.addi %mul3A_3327, %add3A_3346 : i32
      %get3A_3348 = arith.index_cast %add3A_3347 : i32 to index
      %get3A_3349 = tpu.vector_load %arg7[%get3A_3348] {strides = array<i32>} : memref<1536xf32, #tpu.memory_space<vmem>>, vector<16xf32>,
      %swap3A_3350 = arith.constant 6832 : index
      %swap3A_3351 = tpu.vector_load %arg8[%swap3A_3350] {strides = array<i32>} : memref<8192xf32, #tpu.memory_space<vmem>>, vector<16xf32>,
      tpu.vector_store %arg8[%swap3A_3350], %get3A_3349 {strides = array<i32>} : memref<8192xf32, #tpu.memory_space<vmem>>, vector<16xf32>,
      %add3A_3352 = arith.constant 64 : i32
      %add3A_3353 = arith.addi %mul3A_3327, %add3A_3352 : i32
      %get3A_3354 = arith.index_cast %add3A_3353 : i32 to index
      %get3A_3355 = tpu.vector_load %arg7[%get3A_3354] {strides = array<i32>} : memref<1536xf32, #tpu.memory_space<vmem>>, vector<16xf32>,
      %swap3A_3356 = arith.constant 6848 : index
      %swap3A_3357 = tpu.vector_load %arg8[%swap3A_3356] {strides = array<i32>} : memref<8192xf32, #tpu.memory_space<vmem>>, vector<16xf32>,
      tpu.vector_store %arg8[%swap3A_3356], %get3A_3355 {strides = array<i32>} : memref<8192xf32, #tpu.memory_space<vmem>>, vector<16xf32>,
      %add3A_3358 = arith.constant 80 : i32
      %add3A_3359 = arith.addi %mul3A_3327, %add3A_3358 : i32
      %get3A_3360 = arith.index_cast %add3A_3359 : i32 to index
      %get3A_3361 = tpu.vector_load %arg7[%get3A_3360] {strides = array<i32>} : memref<1536xf32, #tpu.memory_space<vmem>>, vector<16xf32>,
      %swap3A_3362 = arith.constant 6864 : index
      %swap3A_3363 = tpu.vector_load %arg8[%swap3A_3362] {strides = array<i32>} : memref<8192xf32, #tpu.memory_space<vmem>>, vector<16xf32>,
      tpu.vector_store %arg8[%swap3A_3362], %get3A_3361 {strides = array<i32>} : memref<8192xf32, #tpu.memory_space<vmem>>, vector<16xf32>,
      %add3A_3364 = arith.constant 96 : i32
      %add3A_3365 = arith.addi %mul3A_3327, %add3A_3364 : i32
      %get3A_3366 = arith.index_cast %add3A_3365 : i32 to index
      %get3A_3367 = tpu.vector_load %arg7[%get3A_3366] {strides = array<i32>} : memref<1536xf32, #tpu.memory_space<vmem>>, vector<16xf32>,
      %swap3A_3368 = arith.constant 6880 : index
      %swap3A_3369 = tpu.vector_load %arg8[%swap3A_3368] {strides = array<i32>} : memref<8192xf32, #tpu.memory_space<vmem>>, vector<16xf32>,
      tpu.vector_store %arg8[%swap3A_3368], %get3A_3367 {strides = array<i32>} : memref<8192xf32, #tpu.memory_space<vmem>>, vector<16xf32>,
      %add3A_3370 = arith.constant 112 : i32
      %add3A_3371 = arith.addi %mul3A_3327, %add3A_3370 : i32
      %get3A_3372 = arith.index_cast %add3A_3371 : i32 to index
      %get3A_3373 = tpu.vector_load %arg7[%get3A_3372] {strides = array<i32>} : memref<1536xf32, #tpu.memory_space<vmem>>, vector<16xf32>,
      %swap3A_3374 = arith.constant 6896 : index
      %swap3A_3375 = tpu.vector_load %arg8[%swap3A_3374] {strides = array<i32>} : memref<8192xf32, #tpu.memory_space<vmem>>, vector<16xf32>,
      tpu.vector_store %arg8[%swap3A_3374], %get3A_3373 {strides = array<i32>} : memref<8192xf32, #tpu.memory_space<vmem>>, vector<16xf32>,
      %get3A_3376 = arith.constant 1 : i32
      %get3A_3377 = arith.constant 22 : i32
      %get3A_3378 = arith.index_cast %get3A_3376 : i32 to index
      %get3A_3379 = arith.index_cast %get3A_3377 : i32 to index
      %get3A_3380 = memref.load %arg9[%get3A_3378, %get3A_3379] : memref<2x32xi32, #tpu.memory_space<smem>>
      %gt3A_3381 = arith.constant 1000 : i32
      %gt3A_3382 = arith.cmpi sgt, %get3A_3380, %gt3A_3381 : i32
      %min3A_3383 = arith.constant 10 : i32
      %min3A_3384 = arith.minsi %get3A_3380, %min3A_3383 : i32
      %jit3A_3385 = arith.constant 11 : i32
      %select_n3A_3386 = arith.select %gt3A_3382, %jit3A_3385, %min3A_3384 : i32
      %mul3A_3387 = arith.constant 128 : i32
      %mul3A_3388 = arith.muli %select_n3A_3386, %mul3A_3387 : i32
      %add3A_3389 = arith.constant 0 : i32
      %add3A_3390 = arith.addi %mul3A_3388, %add3A_3389 : i32
      %get3A_3391 = arith.index_cast %add3A_3390 : i32 to index
      %get3A_3392 = tpu.vector_load %arg7[%get3A_3391] {strides = array<i32>} : memref<1536xf32, #tpu.memory_space<vmem>>, vector<16xf32>,
      %swap3A_3393 = arith.constant 6912 : index
      %swap3A_3394 = tpu.vector_load %arg8[%swap3A_3393] {strides = array<i32>} : memref<8192xf32, #tpu.memory_space<vmem>>, vector<16xf32>,
      tpu.vector_store %arg8[%swap3A_3393], %get3A_3392 {strides = array<i32>} : memref<8192xf32, #tpu.memory_space<vmem>>, vector<16xf32>,
      %add3A_3395 = arith.constant 16 : i32
      %add3A_3396 = arith.addi %mul3A_3388, %add3A_3395 : i32
      %get3A_3397 = arith.index_cast %add3A_3396 : i32 to index
      %get3A_3398 = tpu.vector_load %arg7[%get3A_3397] {strides = array<i32>} : memref<1536xf32, #tpu.memory_space<vmem>>, vector<16xf32>,
      %swap3A_3399 = arith.constant 6928 : index
      %swap3A_3400 = tpu.vector_load %arg8[%swap3A_3399] {strides = array<i32>} : memref<8192xf32, #tpu.memory_space<vmem>>, vector<16xf32>,
      tpu.vector_store %arg8[%swap3A_3399], %get3A_3398 {strides = array<i32>} : memref<8192xf32, #tpu.memory_space<vmem>>, vector<16xf32>,
      %add3A_3401 = arith.constant 32 : i32
      %add3A_3402 = arith.addi %mul3A_3388, %add3A_3401 : i32
      %get3A_3403 = arith.index_cast %add3A_3402 : i32 to index
      %get3A_3404 = tpu.vector_load %arg7[%get3A_3403] {strides = array<i32>} : memref<1536xf32, #tpu.memory_space<vmem>>, vector<16xf32>,
      %swap3A_3405 = arith.constant 6944 : index
      %swap3A_3406 = tpu.vector_load %arg8[%swap3A_3405] {strides = array<i32>} : memref<8192xf32, #tpu.memory_space<vmem>>, vector<16xf32>,
      tpu.vector_store %arg8[%swap3A_3405], %get3A_3404 {strides = array<i32>} : memref<8192xf32, #tpu.memory_space<vmem>>, vector<16xf32>,
      %add3A_3407 = arith.constant 48 : i32
      %add3A_3408 = arith.addi %mul3A_3388, %add3A_3407 : i32
      %get3A_3409 = arith.index_cast %add3A_3408 : i32 to index
      %get3A_3410 = tpu.vector_load %arg7[%get3A_3409] {strides = array<i32>} : memref<1536xf32, #tpu.memory_space<vmem>>, vector<16xf32>,
      %swap3A_3411 = arith.constant 6960 : index
      %swap3A_3412 = tpu.vector_load %arg8[%swap3A_3411] {strides = array<i32>} : memref<8192xf32, #tpu.memory_space<vmem>>, vector<16xf32>,
      tpu.vector_store %arg8[%swap3A_3411], %get3A_3410 {strides = array<i32>} : memref<8192xf32, #tpu.memory_space<vmem>>, vector<16xf32>,
      %add3A_3413 = arith.constant 64 : i32
      %add3A_3414 = arith.addi %mul3A_3388, %add3A_3413 : i32
      %get3A_3415 = arith.index_cast %add3A_3414 : i32 to index
      %get3A_3416 = tpu.vector_load %arg7[%get3A_3415] {strides = array<i32>} : memref<1536xf32, #tpu.memory_space<vmem>>, vector<16xf32>,
      %swap3A_3417 = arith.constant 6976 : index
      %swap3A_3418 = tpu.vector_load %arg8[%swap3A_3417] {strides = array<i32>} : memref<8192xf32, #tpu.memory_space<vmem>>, vector<16xf32>,
      tpu.vector_store %arg8[%swap3A_3417], %get3A_3416 {strides = array<i32>} : memref<8192xf32, #tpu.memory_space<vmem>>, vector<16xf32>,
      %add3A_3419 = arith.constant 80 : i32
      %add3A_3420 = arith.addi %mul3A_3388, %add3A_3419 : i32
      %get3A_3421 = arith.index_cast %add3A_3420 : i32 to index
      %get3A_3422 = tpu.vector_load %arg7[%get3A_3421] {strides = array<i32>} : memref<1536xf32, #tpu.memory_space<vmem>>, vector<16xf32>,
      %swap3A_3423 = arith.constant 6992 : index
      %swap3A_3424 = tpu.vector_load %arg8[%swap3A_3423] {strides = array<i32>} : memref<8192xf32, #tpu.memory_space<vmem>>, vector<16xf32>,
      tpu.vector_store %arg8[%swap3A_3423], %get3A_3422 {strides = array<i32>} : memref<8192xf32, #tpu.memory_space<vmem>>, vector<16xf32>,
      %add3A_3425 = arith.constant 96 : i32
      %add3A_3426 = arith.addi %mul3A_3388, %add3A_3425 : i32
      %get3A_3427 = arith.index_cast %add3A_3426 : i32 to index
      %get3A_3428 = tpu.vector_load %arg7[%get3A_3427] {strides = array<i32>} : memref<1536xf32, #tpu.memory_space<vmem>>, vector<16xf32>,
      %swap3A_3429 = arith.constant 7008 : index
      %swap3A_3430 = tpu.vector_load %arg8[%swap3A_3429] {strides = array<i32>} : memref<8192xf32, #tpu.memory_space<vmem>>, vector<16xf32>,
      tpu.vector_store %arg8[%swap3A_3429], %get3A_3428 {strides = array<i32>} : memref<8192xf32, #tpu.memory_space<vmem>>, vector<16xf32>,
      %add3A_3431 = arith.constant 112 : i32
      %add3A_3432 = arith.addi %mul3A_3388, %add3A_3431 : i32
      %get3A_3433 = arith.index_cast %add3A_3432 : i32 to index
      %get3A_3434 = tpu.vector_load %arg7[%get3A_3433] {strides = array<i32>} : memref<1536xf32, #tpu.memory_space<vmem>>, vector<16xf32>,
      %swap3A_3435 = arith.constant 7024 : index
      %swap3A_3436 = tpu.vector_load %arg8[%swap3A_3435] {strides = array<i32>} : memref<8192xf32, #tpu.memory_space<vmem>>, vector<16xf32>,
      tpu.vector_store %arg8[%swap3A_3435], %get3A_3434 {strides = array<i32>} : memref<8192xf32, #tpu.memory_space<vmem>>, vector<16xf32>,
      %get3A_3437 = arith.constant 1 : i32
      %get3A_3438 = arith.constant 23 : i32
      %get3A_3439 = arith.index_cast %get3A_3437 : i32 to index
      %get3A_3440 = arith.index_cast %get3A_3438 : i32 to index
      %get3A_3441 = memref.load %arg9[%get3A_3439, %get3A_3440] : memref<2x32xi32, #tpu.memory_space<smem>>
      %gt3A_3442 = arith.constant 1000 : i32
      %gt3A_3443 = arith.cmpi sgt, %get3A_3441, %gt3A_3442 : i32
      %min3A_3444 = arith.constant 10 : i32
      %min3A_3445 = arith.minsi %get3A_3441, %min3A_3444 : i32
      %jit3A_3446 = arith.constant 11 : i32
      %select_n3A_3447 = arith.select %gt3A_3443, %jit3A_3446, %min3A_3445 : i32
      %mul3A_3448 = arith.constant 128 : i32
      %mul3A_3449 = arith.muli %select_n3A_3447, %mul3A_3448 : i32
      %add3A_3450 = arith.constant 0 : i32
      %add3A_3451 = arith.addi %mul3A_3449, %add3A_3450 : i32
      %get3A_3452 = arith.index_cast %add3A_3451 : i32 to index
      %get3A_3453 = tpu.vector_load %arg7[%get3A_3452] {strides = array<i32>} : memref<1536xf32, #tpu.memory_space<vmem>>, vector<16xf32>,
      %swap3A_3454 = arith.constant 7040 : index
      %swap3A_3455 = tpu.vector_load %arg8[%swap3A_3454] {strides = array<i32>} : memref<8192xf32, #tpu.memory_space<vmem>>, vector<16xf32>,
      tpu.vector_store %arg8[%swap3A_3454], %get3A_3453 {strides = array<i32>} : memref<8192xf32, #tpu.memory_space<vmem>>, vector<16xf32>,
      %add3A_3456 = arith.constant 16 : i32
      %add3A_3457 = arith.addi %mul3A_3449, %add3A_3456 : i32
      %get3A_3458 = arith.index_cast %add3A_3457 : i32 to index
      %get3A_3459 = tpu.vector_load %arg7[%get3A_3458] {strides = array<i32>} : memref<1536xf32, #tpu.memory_space<vmem>>, vector<16xf32>,
      %swap3A_3460 = arith.constant 7056 : index
      %swap3A_3461 = tpu.vector_load %arg8[%swap3A_3460] {strides = array<i32>} : memref<8192xf32, #tpu.memory_space<vmem>>, vector<16xf32>,
      tpu.vector_store %arg8[%swap3A_3460], %get3A_3459 {strides = array<i32>} : memref<8192xf32, #tpu.memory_space<vmem>>, vector<16xf32>,
      %add3A_3462 = arith.constant 32 : i32
      %add3A_3463 = arith.addi %mul3A_3449, %add3A_3462 : i32
      %get3A_3464 = arith.index_cast %add3A_3463 : i32 to index
      %get3A_3465 = tpu.vector_load %arg7[%get3A_3464] {strides = array<i32>} : memref<1536xf32, #tpu.memory_space<vmem>>, vector<16xf32>,
      %swap3A_3466 = arith.constant 7072 : index
      %swap3A_3467 = tpu.vector_load %arg8[%swap3A_3466] {strides = array<i32>} : memref<8192xf32, #tpu.memory_space<vmem>>, vector<16xf32>,
      tpu.vector_store %arg8[%swap3A_3466], %get3A_3465 {strides = array<i32>} : memref<8192xf32, #tpu.memory_space<vmem>>, vector<16xf32>,
      %add3A_3468 = arith.constant 48 : i32
      %add3A_3469 = arith.addi %mul3A_3449, %add3A_3468 : i32
      %get3A_3470 = arith.index_cast %add3A_3469 : i32 to index
      %get3A_3471 = tpu.vector_load %arg7[%get3A_3470] {strides = array<i32>} : memref<1536xf32, #tpu.memory_space<vmem>>, vector<16xf32>,
      %swap3A_3472 = arith.constant 7088 : index
      %swap3A_3473 = tpu.vector_load %arg8[%swap3A_3472] {strides = array<i32>} : memref<8192xf32, #tpu.memory_space<vmem>>, vector<16xf32>,
      tpu.vector_store %arg8[%swap3A_3472], %get3A_3471 {strides = array<i32>} : memref<8192xf32, #tpu.memory_space<vmem>>, vector<16xf32>,
      %add3A_3474 = arith.constant 64 : i32
      %add3A_3475 = arith.addi %mul3A_3449, %add3A_3474 : i32
      %get3A_3476 = arith.index_cast %add3A_3475 : i32 to index
      %get3A_3477 = tpu.vector_load %arg7[%get3A_3476] {strides = array<i32>} : memref<1536xf32, #tpu.memory_space<vmem>>, vector<16xf32>,
      %swap3A_3478 = arith.constant 7104 : index
      %swap3A_3479 = tpu.vector_load %arg8[%swap3A_3478] {strides = array<i32>} : memref<8192xf32, #tpu.memory_space<vmem>>, vector<16xf32>,
      tpu.vector_store %arg8[%swap3A_3478], %get3A_3477 {strides = array<i32>} : memref<8192xf32, #tpu.memory_space<vmem>>, vector<16xf32>,
      %add3A_3480 = arith.constant 80 : i32
      %add3A_3481 = arith.addi %mul3A_3449, %add3A_3480 : i32
      %get3A_3482 = arith.index_cast %add3A_3481 : i32 to index
      %get3A_3483 = tpu.vector_load %arg7[%get3A_3482] {strides = array<i32>} : memref<1536xf32, #tpu.memory_space<vmem>>, vector<16xf32>,
      %swap3A_3484 = arith.constant 7120 : index
      %swap3A_3485 = tpu.vector_load %arg8[%swap3A_3484] {strides = array<i32>} : memref<8192xf32, #tpu.memory_space<vmem>>, vector<16xf32>,
      tpu.vector_store %arg8[%swap3A_3484], %get3A_3483 {strides = array<i32>} : memref<8192xf32, #tpu.memory_space<vmem>>, vector<16xf32>,
      %add3A_3486 = arith.constant 96 : i32
      %add3A_3487 = arith.addi %mul3A_3449, %add3A_3486 : i32
      %get3A_3488 = arith.index_cast %add3A_3487 : i32 to index
      %get3A_3489 = tpu.vector_load %arg7[%get3A_3488] {strides = array<i32>} : memref<1536xf32, #tpu.memory_space<vmem>>, vector<16xf32>,
      %swap3A_3490 = arith.constant 7136 : index
      %swap3A_3491 = tpu.vector_load %arg8[%swap3A_3490] {strides = array<i32>} : memref<8192xf32, #tpu.memory_space<vmem>>, vector<16xf32>,
      tpu.vector_store %arg8[%swap3A_3490], %get3A_3489 {strides = array<i32>} : memref<8192xf32, #tpu.memory_space<vmem>>, vector<16xf32>,
      %add3A_3492 = arith.constant 112 : i32
      %add3A_3493 = arith.addi %mul3A_3449, %add3A_3492 : i32
      %get3A_3494 = arith.index_cast %add3A_3493 : i32 to index
      %get3A_3495 = tpu.vector_load %arg7[%get3A_3494] {strides = array<i32>} : memref<1536xf32, #tpu.memory_space<vmem>>, vector<16xf32>,
      %swap3A_3496 = arith.constant 7152 : index
      %swap3A_3497 = tpu.vector_load %arg8[%swap3A_3496] {strides = array<i32>} : memref<8192xf32, #tpu.memory_space<vmem>>, vector<16xf32>,
      tpu.vector_store %arg8[%swap3A_3496], %get3A_3495 {strides = array<i32>} : memref<8192xf32, #tpu.memory_space<vmem>>, vector<16xf32>,
      %get3A_3498 = arith.constant 1 : i32
      %get3A_3499 = arith.constant 24 : i32
      %get3A_3500 = arith.index_cast %get3A_3498 : i32 to index
      %get3A_3501 = arith.index_cast %get3A_3499 : i32 to index
      %get3A_3502 = memref.load %arg9[%get3A_3500, %get3A_3501] : memref<2x32xi32, #tpu.memory_space<smem>>
      %gt3A_3503 = arith.constant 1000 : i32
      %gt3A_3504 = arith.cmpi sgt, %get3A_3502, %gt3A_3503 : i32
      %min3A_3505 = arith.constant 10 : i32
      %min3A_3506 = arith.minsi %get3A_3502, %min3A_3505 : i32
      %jit3A_3507 = arith.constant 11 : i32
      %select_n3A_3508 = arith.select %gt3A_3504, %jit3A_3507, %min3A_3506 : i32
      %mul3A_3509 = arith.constant 128 : i32
      %mul3A_3510 = arith.muli %select_n3A_3508, %mul3A_3509 : i32
      %add3A_3511 = arith.constant 0 : i32
      %add3A_3512 = arith.addi %mul3A_3510, %add3A_3511 : i32
      %get3A_3513 = arith.index_cast %add3A_3512 : i32 to index
      %get3A_3514 = tpu.vector_load %arg7[%get3A_3513] {strides = array<i32>} : memref<1536xf32, #tpu.memory_space<vmem>>, vector<16xf32>,
      %swap3A_3515 = arith.constant 7168 : index
      %swap3A_3516 = tpu.vector_load %arg8[%swap3A_3515] {strides = array<i32>} : memref<8192xf32, #tpu.memory_space<vmem>>, vector<16xf32>,
      tpu.vector_store %arg8[%swap3A_3515], %get3A_3514 {strides = array<i32>} : memref<8192xf32, #tpu.memory_space<vmem>>, vector<16xf32>,
      %add3A_3517 = arith.constant 16 : i32
      %add3A_3518 = arith.addi %mul3A_3510, %add3A_3517 : i32
      %get3A_3519 = arith.index_cast %add3A_3518 : i32 to index
      %get3A_3520 = tpu.vector_load %arg7[%get3A_3519] {strides = array<i32>} : memref<1536xf32, #tpu.memory_space<vmem>>, vector<16xf32>,
      %swap3A_3521 = arith.constant 7184 : index
      %swap3A_3522 = tpu.vector_load %arg8[%swap3A_3521] {strides = array<i32>} : memref<8192xf32, #tpu.memory_space<vmem>>, vector<16xf32>,
      tpu.vector_store %arg8[%swap3A_3521], %get3A_3520 {strides = array<i32>} : memref<8192xf32, #tpu.memory_space<vmem>>, vector<16xf32>,
      %add3A_3523 = arith.constant 32 : i32
      %add3A_3524 = arith.addi %mul3A_3510, %add3A_3523 : i32
      %get3A_3525 = arith.index_cast %add3A_3524 : i32 to index
      %get3A_3526 = tpu.vector_load %arg7[%get3A_3525] {strides = array<i32>} : memref<1536xf32, #tpu.memory_space<vmem>>, vector<16xf32>,
      %swap3A_3527 = arith.constant 7200 : index
      %swap3A_3528 = tpu.vector_load %arg8[%swap3A_3527] {strides = array<i32>} : memref<8192xf32, #tpu.memory_space<vmem>>, vector<16xf32>,
      tpu.vector_store %arg8[%swap3A_3527], %get3A_3526 {strides = array<i32>} : memref<8192xf32, #tpu.memory_space<vmem>>, vector<16xf32>,
      %add3A_3529 = arith.constant 48 : i32
      %add3A_3530 = arith.addi %mul3A_3510, %add3A_3529 : i32
      %get3A_3531 = arith.index_cast %add3A_3530 : i32 to index
      %get3A_3532 = tpu.vector_load %arg7[%get3A_3531] {strides = array<i32>} : memref<1536xf32, #tpu.memory_space<vmem>>, vector<16xf32>,
      %swap3A_3533 = arith.constant 7216 : index
      %swap3A_3534 = tpu.vector_load %arg8[%swap3A_3533] {strides = array<i32>} : memref<8192xf32, #tpu.memory_space<vmem>>, vector<16xf32>,
      tpu.vector_store %arg8[%swap3A_3533], %get3A_3532 {strides = array<i32>} : memref<8192xf32, #tpu.memory_space<vmem>>, vector<16xf32>,
      %add3A_3535 = arith.constant 64 : i32
      %add3A_3536 = arith.addi %mul3A_3510, %add3A_3535 : i32
      %get3A_3537 = arith.index_cast %add3A_3536 : i32 to index
      %get3A_3538 = tpu.vector_load %arg7[%get3A_3537] {strides = array<i32>} : memref<1536xf32, #tpu.memory_space<vmem>>, vector<16xf32>,
      %swap3A_3539 = arith.constant 7232 : index
      %swap3A_3540 = tpu.vector_load %arg8[%swap3A_3539] {strides = array<i32>} : memref<8192xf32, #tpu.memory_space<vmem>>, vector<16xf32>,
      tpu.vector_store %arg8[%swap3A_3539], %get3A_3538 {strides = array<i32>} : memref<8192xf32, #tpu.memory_space<vmem>>, vector<16xf32>,
      %add3A_3541 = arith.constant 80 : i32
      %add3A_3542 = arith.addi %mul3A_3510, %add3A_3541 : i32
      %get3A_3543 = arith.index_cast %add3A_3542 : i32 to index
      %get3A_3544 = tpu.vector_load %arg7[%get3A_3543] {strides = array<i32>} : memref<1536xf32, #tpu.memory_space<vmem>>, vector<16xf32>,
      %swap3A_3545 = arith.constant 7248 : index
      %swap3A_3546 = tpu.vector_load %arg8[%swap3A_3545] {strides = array<i32>} : memref<8192xf32, #tpu.memory_space<vmem>>, vector<16xf32>,
      tpu.vector_store %arg8[%swap3A_3545], %get3A_3544 {strides = array<i32>} : memref<8192xf32, #tpu.memory_space<vmem>>, vector<16xf32>,
      %add3A_3547 = arith.constant 96 : i32
      %add3A_3548 = arith.addi %mul3A_3510, %add3A_3547 : i32
      %get3A_3549 = arith.index_cast %add3A_3548 : i32 to index
      %get3A_3550 = tpu.vector_load %arg7[%get3A_3549] {strides = array<i32>} : memref<1536xf32, #tpu.memory_space<vmem>>, vector<16xf32>,
      %swap3A_3551 = arith.constant 7264 : index
      %swap3A_3552 = tpu.vector_load %arg8[%swap3A_3551] {strides = array<i32>} : memref<8192xf32, #tpu.memory_space<vmem>>, vector<16xf32>,
      tpu.vector_store %arg8[%swap3A_3551], %get3A_3550 {strides = array<i32>} : memref<8192xf32, #tpu.memory_space<vmem>>, vector<16xf32>,
      %add3A_3553 = arith.constant 112 : i32
      %add3A_3554 = arith.addi %mul3A_3510, %add3A_3553 : i32
      %get3A_3555 = arith.index_cast %add3A_3554 : i32 to index
      %get3A_3556 = tpu.vector_load %arg7[%get3A_3555] {strides = array<i32>} : memref<1536xf32, #tpu.memory_space<vmem>>, vector<16xf32>,
      %swap3A_3557 = arith.constant 7280 : index
      %swap3A_3558 = tpu.vector_load %arg8[%swap3A_3557] {strides = array<i32>} : memref<8192xf32, #tpu.memory_space<vmem>>, vector<16xf32>,
      tpu.vector_store %arg8[%swap3A_3557], %get3A_3556 {strides = array<i32>} : memref<8192xf32, #tpu.memory_space<vmem>>, vector<16xf32>,
      %get3A_3559 = arith.constant 1 : i32
      %get3A_3560 = arith.constant 25 : i32
      %get3A_3561 = arith.index_cast %get3A_3559 : i32 to index
      %get3A_3562 = arith.index_cast %get3A_3560 : i32 to index
      %get3A_3563 = memref.load %arg9[%get3A_3561, %get3A_3562] : memref<2x32xi32, #tpu.memory_space<smem>>
      %gt3A_3564 = arith.constant 1000 : i32
      %gt3A_3565 = arith.cmpi sgt, %get3A_3563, %gt3A_3564 : i32
      %min3A_3566 = arith.constant 10 : i32
      %min3A_3567 = arith.minsi %get3A_3563, %min3A_3566 : i32
      %jit3A_3568 = arith.constant 11 : i32
      %select_n3A_3569 = arith.select %gt3A_3565, %jit3A_3568, %min3A_3567 : i32
      %mul3A_3570 = arith.constant 128 : i32
      %mul3A_3571 = arith.muli %select_n3A_3569, %mul3A_3570 : i32
      %add3A_3572 = arith.constant 0 : i32
      %add3A_3573 = arith.addi %mul3A_3571, %add3A_3572 : i32
      %get3A_3574 = arith.index_cast %add3A_3573 : i32 to index
      %get3A_3575 = tpu.vector_load %arg7[%get3A_3574] {strides = array<i32>} : memref<1536xf32, #tpu.memory_space<vmem>>, vector<16xf32>,
      %swap3A_3576 = arith.constant 7296 : index
      %swap3A_3577 = tpu.vector_load %arg8[%swap3A_3576] {strides = array<i32>} : memref<8192xf32, #tpu.memory_space<vmem>>, vector<16xf32>,
      tpu.vector_store %arg8[%swap3A_3576], %get3A_3575 {strides = array<i32>} : memref<8192xf32, #tpu.memory_space<vmem>>, vector<16xf32>,
      %add3A_3578 = arith.constant 16 : i32
      %add3A_3579 = arith.addi %mul3A_3571, %add3A_3578 : i32
      %get3A_3580 = arith.index_cast %add3A_3579 : i32 to index
      %get3A_3581 = tpu.vector_load %arg7[%get3A_3580] {strides = array<i32>} : memref<1536xf32, #tpu.memory_space<vmem>>, vector<16xf32>,
      %swap3A_3582 = arith.constant 7312 : index
      %swap3A_3583 = tpu.vector_load %arg8[%swap3A_3582] {strides = array<i32>} : memref<8192xf32, #tpu.memory_space<vmem>>, vector<16xf32>,
      tpu.vector_store %arg8[%swap3A_3582], %get3A_3581 {strides = array<i32>} : memref<8192xf32, #tpu.memory_space<vmem>>, vector<16xf32>,
      %add3A_3584 = arith.constant 32 : i32
      %add3A_3585 = arith.addi %mul3A_3571, %add3A_3584 : i32
      %get3A_3586 = arith.index_cast %add3A_3585 : i32 to index
      %get3A_3587 = tpu.vector_load %arg7[%get3A_3586] {strides = array<i32>} : memref<1536xf32, #tpu.memory_space<vmem>>, vector<16xf32>,
      %swap3A_3588 = arith.constant 7328 : index
      %swap3A_3589 = tpu.vector_load %arg8[%swap3A_3588] {strides = array<i32>} : memref<8192xf32, #tpu.memory_space<vmem>>, vector<16xf32>,
      tpu.vector_store %arg8[%swap3A_3588], %get3A_3587 {strides = array<i32>} : memref<8192xf32, #tpu.memory_space<vmem>>, vector<16xf32>,
      %add3A_3590 = arith.constant 48 : i32
      %add3A_3591 = arith.addi %mul3A_3571, %add3A_3590 : i32
      %get3A_3592 = arith.index_cast %add3A_3591 : i32 to index
      %get3A_3593 = tpu.vector_load %arg7[%get3A_3592] {strides = array<i32>} : memref<1536xf32, #tpu.memory_space<vmem>>, vector<16xf32>,
      %swap3A_3594 = arith.constant 7344 : index
      %swap3A_3595 = tpu.vector_load %arg8[%swap3A_3594] {strides = array<i32>} : memref<8192xf32, #tpu.memory_space<vmem>>, vector<16xf32>,
      tpu.vector_store %arg8[%swap3A_3594], %get3A_3593 {strides = array<i32>} : memref<8192xf32, #tpu.memory_space<vmem>>, vector<16xf32>,
      %add3A_3596 = arith.constant 64 : i32
      %add3A_3597 = arith.addi %mul3A_3571, %add3A_3596 : i32
      %get3A_3598 = arith.index_cast %add3A_3597 : i32 to index
      %get3A_3599 = tpu.vector_load %arg7[%get3A_3598] {strides = array<i32>} : memref<1536xf32, #tpu.memory_space<vmem>>, vector<16xf32>,
      %swap3A_3600 = arith.constant 7360 : index
      %swap3A_3601 = tpu.vector_load %arg8[%swap3A_3600] {strides = array<i32>} : memref<8192xf32, #tpu.memory_space<vmem>>, vector<16xf32>,
      tpu.vector_store %arg8[%swap3A_3600], %get3A_3599 {strides = array<i32>} : memref<8192xf32, #tpu.memory_space<vmem>>, vector<16xf32>,
      %add3A_3602 = arith.constant 80 : i32
      %add3A_3603 = arith.addi %mul3A_3571, %add3A_3602 : i32
      %get3A_3604 = arith.index_cast %add3A_3603 : i32 to index
      %get3A_3605 = tpu.vector_load %arg7[%get3A_3604] {strides = array<i32>} : memref<1536xf32, #tpu.memory_space<vmem>>, vector<16xf32>,
      %swap3A_3606 = arith.constant 7376 : index
      %swap3A_3607 = tpu.vector_load %arg8[%swap3A_3606] {strides = array<i32>} : memref<8192xf32, #tpu.memory_space<vmem>>, vector<16xf32>,
      tpu.vector_store %arg8[%swap3A_3606], %get3A_3605 {strides = array<i32>} : memref<8192xf32, #tpu.memory_space<vmem>>, vector<16xf32>,
      %add3A_3608 = arith.constant 96 : i32
      %add3A_3609 = arith.addi %mul3A_3571, %add3A_3608 : i32
      %get3A_3610 = arith.index_cast %add3A_3609 : i32 to index
      %get3A_3611 = tpu.vector_load %arg7[%get3A_3610] {strides = array<i32>} : memref<1536xf32, #tpu.memory_space<vmem>>, vector<16xf32>,
      %swap3A_3612 = arith.constant 7392 : index
      %swap3A_3613 = tpu.vector_load %arg8[%swap3A_3612] {strides = array<i32>} : memref<8192xf32, #tpu.memory_space<vmem>>, vector<16xf32>,
      tpu.vector_store %arg8[%swap3A_3612], %get3A_3611 {strides = array<i32>} : memref<8192xf32, #tpu.memory_space<vmem>>, vector<16xf32>,
      %add3A_3614 = arith.constant 112 : i32
      %add3A_3615 = arith.addi %mul3A_3571, %add3A_3614 : i32
      %get3A_3616 = arith.index_cast %add3A_3615 : i32 to index
      %get3A_3617 = tpu.vector_load %arg7[%get3A_3616] {strides = array<i32>} : memref<1536xf32, #tpu.memory_space<vmem>>, vector<16xf32>,
      %swap3A_3618 = arith.constant 7408 : index
      %swap3A_3619 = tpu.vector_load %arg8[%swap3A_3618] {strides = array<i32>} : memref<8192xf32, #tpu.memory_space<vmem>>, vector<16xf32>,
      tpu.vector_store %arg8[%swap3A_3618], %get3A_3617 {strides = array<i32>} : memref<8192xf32, #tpu.memory_space<vmem>>, vector<16xf32>,
      %get3A_3620 = arith.constant 1 : i32
      %get3A_3621 = arith.constant 26 : i32
      %get3A_3622 = arith.index_cast %get3A_3620 : i32 to index
      %get3A_3623 = arith.index_cast %get3A_3621 : i32 to index
      %get3A_3624 = memref.load %arg9[%get3A_3622, %get3A_3623] : memref<2x32xi32, #tpu.memory_space<smem>>
      %gt3A_3625 = arith.constant 1000 : i32
      %gt3A_3626 = arith.cmpi sgt, %get3A_3624, %gt3A_3625 : i32
      %min3A_3627 = arith.constant 10 : i32
      %min3A_3628 = arith.minsi %get3A_3624, %min3A_3627 : i32
      %jit3A_3629 = arith.constant 11 : i32
      %select_n3A_3630 = arith.select %gt3A_3626, %jit3A_3629, %min3A_3628 : i32
      %mul3A_3631 = arith.constant 128 : i32
      %mul3A_3632 = arith.muli %select_n3A_3630, %mul3A_3631 : i32
      %add3A_3633 = arith.constant 0 : i32
      %add3A_3634 = arith.addi %mul3A_3632, %add3A_3633 : i32
      %get3A_3635 = arith.index_cast %add3A_3634 : i32 to index
      %get3A_3636 = tpu.vector_load %arg7[%get3A_3635] {strides = array<i32>} : memref<1536xf32, #tpu.memory_space<vmem>>, vector<16xf32>,
      %swap3A_3637 = arith.constant 7424 : index
      %swap3A_3638 = tpu.vector_load %arg8[%swap3A_3637] {strides = array<i32>} : memref<8192xf32, #tpu.memory_space<vmem>>, vector<16xf32>,
      tpu.vector_store %arg8[%swap3A_3637], %get3A_3636 {strides = array<i32>} : memref<8192xf32, #tpu.memory_space<vmem>>, vector<16xf32>,
      %add3A_3639 = arith.constant 16 : i32
      %add3A_3640 = arith.addi %mul3A_3632, %add3A_3639 : i32
      %get3A_3641 = arith.index_cast %add3A_3640 : i32 to index
      %get3A_3642 = tpu.vector_load %arg7[%get3A_3641] {strides = array<i32>} : memref<1536xf32, #tpu.memory_space<vmem>>, vector<16xf32>,
      %swap3A_3643 = arith.constant 7440 : index
      %swap3A_3644 = tpu.vector_load %arg8[%swap3A_3643] {strides = array<i32>} : memref<8192xf32, #tpu.memory_space<vmem>>, vector<16xf32>,
      tpu.vector_store %arg8[%swap3A_3643], %get3A_3642 {strides = array<i32>} : memref<8192xf32, #tpu.memory_space<vmem>>, vector<16xf32>,
      %add3A_3645 = arith.constant 32 : i32
      %add3A_3646 = arith.addi %mul3A_3632, %add3A_3645 : i32
      %get3A_3647 = arith.index_cast %add3A_3646 : i32 to index
      %get3A_3648 = tpu.vector_load %arg7[%get3A_3647] {strides = array<i32>} : memref<1536xf32, #tpu.memory_space<vmem>>, vector<16xf32>,
      %swap3A_3649 = arith.constant 7456 : index
      %swap3A_3650 = tpu.vector_load %arg8[%swap3A_3649] {strides = array<i32>} : memref<8192xf32, #tpu.memory_space<vmem>>, vector<16xf32>,
      tpu.vector_store %arg8[%swap3A_3649], %get3A_3648 {strides = array<i32>} : memref<8192xf32, #tpu.memory_space<vmem>>, vector<16xf32>,
      %add3A_3651 = arith.constant 48 : i32
      %add3A_3652 = arith.addi %mul3A_3632, %add3A_3651 : i32
      %get3A_3653 = arith.index_cast %add3A_3652 : i32 to index
      %get3A_3654 = tpu.vector_load %arg7[%get3A_3653] {strides = array<i32>} : memref<1536xf32, #tpu.memory_space<vmem>>, vector<16xf32>,
      %swap3A_3655 = arith.constant 7472 : index
      %swap3A_3656 = tpu.vector_load %arg8[%swap3A_3655] {strides = array<i32>} : memref<8192xf32, #tpu.memory_space<vmem>>, vector<16xf32>,
      tpu.vector_store %arg8[%swap3A_3655], %get3A_3654 {strides = array<i32>} : memref<8192xf32, #tpu.memory_space<vmem>>, vector<16xf32>,
      %add3A_3657 = arith.constant 64 : i32
      %add3A_3658 = arith.addi %mul3A_3632, %add3A_3657 : i32
      %get3A_3659 = arith.index_cast %add3A_3658 : i32 to index
      %get3A_3660 = tpu.vector_load %arg7[%get3A_3659] {strides = array<i32>} : memref<1536xf32, #tpu.memory_space<vmem>>, vector<16xf32>,
      %swap3A_3661 = arith.constant 7488 : index
      %swap3A_3662 = tpu.vector_load %arg8[%swap3A_3661] {strides = array<i32>} : memref<8192xf32, #tpu.memory_space<vmem>>, vector<16xf32>,
      tpu.vector_store %arg8[%swap3A_3661], %get3A_3660 {strides = array<i32>} : memref<8192xf32, #tpu.memory_space<vmem>>, vector<16xf32>,
      %add3A_3663 = arith.constant 80 : i32
      %add3A_3664 = arith.addi %mul3A_3632, %add3A_3663 : i32
      %get3A_3665 = arith.index_cast %add3A_3664 : i32 to index
      %get3A_3666 = tpu.vector_load %arg7[%get3A_3665] {strides = array<i32>} : memref<1536xf32, #tpu.memory_space<vmem>>, vector<16xf32>,
      %swap3A_3667 = arith.constant 7504 : index
      %swap3A_3668 = tpu.vector_load %arg8[%swap3A_3667] {strides = array<i32>} : memref<8192xf32, #tpu.memory_space<vmem>>, vector<16xf32>,
      tpu.vector_store %arg8[%swap3A_3667], %get3A_3666 {strides = array<i32>} : memref<8192xf32, #tpu.memory_space<vmem>>, vector<16xf32>,
      %add3A_3669 = arith.constant 96 : i32
      %add3A_3670 = arith.addi %mul3A_3632, %add3A_3669 : i32
      %get3A_3671 = arith.index_cast %add3A_3670 : i32 to index
      %get3A_3672 = tpu.vector_load %arg7[%get3A_3671] {strides = array<i32>} : memref<1536xf32, #tpu.memory_space<vmem>>, vector<16xf32>,
      %swap3A_3673 = arith.constant 7520 : index
      %swap3A_3674 = tpu.vector_load %arg8[%swap3A_3673] {strides = array<i32>} : memref<8192xf32, #tpu.memory_space<vmem>>, vector<16xf32>,
      tpu.vector_store %arg8[%swap3A_3673], %get3A_3672 {strides = array<i32>} : memref<8192xf32, #tpu.memory_space<vmem>>, vector<16xf32>,
      %add3A_3675 = arith.constant 112 : i32
      %add3A_3676 = arith.addi %mul3A_3632, %add3A_3675 : i32
      %get3A_3677 = arith.index_cast %add3A_3676 : i32 to index
      %get3A_3678 = tpu.vector_load %arg7[%get3A_3677] {strides = array<i32>} : memref<1536xf32, #tpu.memory_space<vmem>>, vector<16xf32>,
      %swap3A_3679 = arith.constant 7536 : index
      %swap3A_3680 = tpu.vector_load %arg8[%swap3A_3679] {strides = array<i32>} : memref<8192xf32, #tpu.memory_space<vmem>>, vector<16xf32>,
      tpu.vector_store %arg8[%swap3A_3679], %get3A_3678 {strides = array<i32>} : memref<8192xf32, #tpu.memory_space<vmem>>, vector<16xf32>,
      %get3A_3681 = arith.constant 1 : i32
      %get3A_3682 = arith.constant 27 : i32
      %get3A_3683 = arith.index_cast %get3A_3681 : i32 to index
      %get3A_3684 = arith.index_cast %get3A_3682 : i32 to index
      %get3A_3685 = memref.load %arg9[%get3A_3683, %get3A_3684] : memref<2x32xi32, #tpu.memory_space<smem>>
      %gt3A_3686 = arith.constant 1000 : i32
      %gt3A_3687 = arith.cmpi sgt, %get3A_3685, %gt3A_3686 : i32
      %min3A_3688 = arith.constant 10 : i32
      %min3A_3689 = arith.minsi %get3A_3685, %min3A_3688 : i32
      %jit3A_3690 = arith.constant 11 : i32
      %select_n3A_3691 = arith.select %gt3A_3687, %jit3A_3690, %min3A_3689 : i32
      %mul3A_3692 = arith.constant 128 : i32
      %mul3A_3693 = arith.muli %select_n3A_3691, %mul3A_3692 : i32
      %add3A_3694 = arith.constant 0 : i32
      %add3A_3695 = arith.addi %mul3A_3693, %add3A_3694 : i32
      %get3A_3696 = arith.index_cast %add3A_3695 : i32 to index
      %get3A_3697 = tpu.vector_load %arg7[%get3A_3696] {strides = array<i32>} : memref<1536xf32, #tpu.memory_space<vmem>>, vector<16xf32>,
      %swap3A_3698 = arith.constant 7552 : index
      %swap3A_3699 = tpu.vector_load %arg8[%swap3A_3698] {strides = array<i32>} : memref<8192xf32, #tpu.memory_space<vmem>>, vector<16xf32>,
      tpu.vector_store %arg8[%swap3A_3698], %get3A_3697 {strides = array<i32>} : memref<8192xf32, #tpu.memory_space<vmem>>, vector<16xf32>,
      %add3A_3700 = arith.constant 16 : i32
      %add3A_3701 = arith.addi %mul3A_3693, %add3A_3700 : i32
      %get3A_3702 = arith.index_cast %add3A_3701 : i32 to index
      %get3A_3703 = tpu.vector_load %arg7[%get3A_3702] {strides = array<i32>} : memref<1536xf32, #tpu.memory_space<vmem>>, vector<16xf32>,
      %swap3A_3704 = arith.constant 7568 : index
      %swap3A_3705 = tpu.vector_load %arg8[%swap3A_3704] {strides = array<i32>} : memref<8192xf32, #tpu.memory_space<vmem>>, vector<16xf32>,
      tpu.vector_store %arg8[%swap3A_3704], %get3A_3703 {strides = array<i32>} : memref<8192xf32, #tpu.memory_space<vmem>>, vector<16xf32>,
      %add3A_3706 = arith.constant 32 : i32
      %add3A_3707 = arith.addi %mul3A_3693, %add3A_3706 : i32
      %get3A_3708 = arith.index_cast %add3A_3707 : i32 to index
      %get3A_3709 = tpu.vector_load %arg7[%get3A_3708] {strides = array<i32>} : memref<1536xf32, #tpu.memory_space<vmem>>, vector<16xf32>,
      %swap3A_3710 = arith.constant 7584 : index
      %swap3A_3711 = tpu.vector_load %arg8[%swap3A_3710] {strides = array<i32>} : memref<8192xf32, #tpu.memory_space<vmem>>, vector<16xf32>,
      tpu.vector_store %arg8[%swap3A_3710], %get3A_3709 {strides = array<i32>} : memref<8192xf32, #tpu.memory_space<vmem>>, vector<16xf32>,
      %add3A_3712 = arith.constant 48 : i32
      %add3A_3713 = arith.addi %mul3A_3693, %add3A_3712 : i32
      %get3A_3714 = arith.index_cast %add3A_3713 : i32 to index
      %get3A_3715 = tpu.vector_load %arg7[%get3A_3714] {strides = array<i32>} : memref<1536xf32, #tpu.memory_space<vmem>>, vector<16xf32>,
      %swap3A_3716 = arith.constant 7600 : index
      %swap3A_3717 = tpu.vector_load %arg8[%swap3A_3716] {strides = array<i32>} : memref<8192xf32, #tpu.memory_space<vmem>>, vector<16xf32>,
      tpu.vector_store %arg8[%swap3A_3716], %get3A_3715 {strides = array<i32>} : memref<8192xf32, #tpu.memory_space<vmem>>, vector<16xf32>,
      %add3A_3718 = arith.constant 64 : i32
      %add3A_3719 = arith.addi %mul3A_3693, %add3A_3718 : i32
      %get3A_3720 = arith.index_cast %add3A_3719 : i32 to index
      %get3A_3721 = tpu.vector_load %arg7[%get3A_3720] {strides = array<i32>} : memref<1536xf32, #tpu.memory_space<vmem>>, vector<16xf32>,
      %swap3A_3722 = arith.constant 7616 : index
      %swap3A_3723 = tpu.vector_load %arg8[%swap3A_3722] {strides = array<i32>} : memref<8192xf32, #tpu.memory_space<vmem>>, vector<16xf32>,
      tpu.vector_store %arg8[%swap3A_3722], %get3A_3721 {strides = array<i32>} : memref<8192xf32, #tpu.memory_space<vmem>>, vector<16xf32>,
      %add3A_3724 = arith.constant 80 : i32
      %add3A_3725 = arith.addi %mul3A_3693, %add3A_3724 : i32
      %get3A_3726 = arith.index_cast %add3A_3725 : i32 to index
      %get3A_3727 = tpu.vector_load %arg7[%get3A_3726] {strides = array<i32>} : memref<1536xf32, #tpu.memory_space<vmem>>, vector<16xf32>,
      %swap3A_3728 = arith.constant 7632 : index
      %swap3A_3729 = tpu.vector_load %arg8[%swap3A_3728] {strides = array<i32>} : memref<8192xf32, #tpu.memory_space<vmem>>, vector<16xf32>,
      tpu.vector_store %arg8[%swap3A_3728], %get3A_3727 {strides = array<i32>} : memref<8192xf32, #tpu.memory_space<vmem>>, vector<16xf32>,
      %add3A_3730 = arith.constant 96 : i32
      %add3A_3731 = arith.addi %mul3A_3693, %add3A_3730 : i32
      %get3A_3732 = arith.index_cast %add3A_3731 : i32 to index
      %get3A_3733 = tpu.vector_load %arg7[%get3A_3732] {strides = array<i32>} : memref<1536xf32, #tpu.memory_space<vmem>>, vector<16xf32>,
      %swap3A_3734 = arith.constant 7648 : index
      %swap3A_3735 = tpu.vector_load %arg8[%swap3A_3734] {strides = array<i32>} : memref<8192xf32, #tpu.memory_space<vmem>>, vector<16xf32>,
      tpu.vector_store %arg8[%swap3A_3734], %get3A_3733 {strides = array<i32>} : memref<8192xf32, #tpu.memory_space<vmem>>, vector<16xf32>,
      %add3A_3736 = arith.constant 112 : i32
      %add3A_3737 = arith.addi %mul3A_3693, %add3A_3736 : i32
      %get3A_3738 = arith.index_cast %add3A_3737 : i32 to index
      %get3A_3739 = tpu.vector_load %arg7[%get3A_3738] {strides = array<i32>} : memref<1536xf32, #tpu.memory_space<vmem>>, vector<16xf32>,
      %swap3A_3740 = arith.constant 7664 : index
      %swap3A_3741 = tpu.vector_load %arg8[%swap3A_3740] {strides = array<i32>} : memref<8192xf32, #tpu.memory_space<vmem>>, vector<16xf32>,
      tpu.vector_store %arg8[%swap3A_3740], %get3A_3739 {strides = array<i32>} : memref<8192xf32, #tpu.memory_space<vmem>>, vector<16xf32>,
      %get3A_3742 = arith.constant 1 : i32
      %get3A_3743 = arith.constant 28 : i32
      %get3A_3744 = arith.index_cast %get3A_3742 : i32 to index
      %get3A_3745 = arith.index_cast %get3A_3743 : i32 to index
      %get3A_3746 = memref.load %arg9[%get3A_3744, %get3A_3745] : memref<2x32xi32, #tpu.memory_space<smem>>
      %gt3A_3747 = arith.constant 1000 : i32
      %gt3A_3748 = arith.cmpi sgt, %get3A_3746, %gt3A_3747 : i32
      %min3A_3749 = arith.constant 10 : i32
      %min3A_3750 = arith.minsi %get3A_3746, %min3A_3749 : i32
      %jit3A_3751 = arith.constant 11 : i32
      %select_n3A_3752 = arith.select %gt3A_3748, %jit3A_3751, %min3A_3750 : i32
      %mul3A_3753 = arith.constant 128 : i32
      %mul3A_3754 = arith.muli %select_n3A_3752, %mul3A_3753 : i32
      %add3A_3755 = arith.constant 0 : i32
      %add3A_3756 = arith.addi %mul3A_3754, %add3A_3755 : i32
      %get3A_3757 = arith.index_cast %add3A_3756 : i32 to index
      %get3A_3758 = tpu.vector_load %arg7[%get3A_3757] {strides = array<i32>} : memref<1536xf32, #tpu.memory_space<vmem>>, vector<16xf32>,
      %swap3A_3759 = arith.constant 7680 : index
      %swap3A_3760 = tpu.vector_load %arg8[%swap3A_3759] {strides = array<i32>} : memref<8192xf32, #tpu.memory_space<vmem>>, vector<16xf32>,
      tpu.vector_store %arg8[%swap3A_3759], %get3A_3758 {strides = array<i32>} : memref<8192xf32, #tpu.memory_space<vmem>>, vector<16xf32>,
      %add3A_3761 = arith.constant 16 : i32
      %add3A_3762 = arith.addi %mul3A_3754, %add3A_3761 : i32
      %get3A_3763 = arith.index_cast %add3A_3762 : i32 to index
      %get3A_3764 = tpu.vector_load %arg7[%get3A_3763] {strides = array<i32>} : memref<1536xf32, #tpu.memory_space<vmem>>, vector<16xf32>,
      %swap3A_3765 = arith.constant 7696 : index
      %swap3A_3766 = tpu.vector_load %arg8[%swap3A_3765] {strides = array<i32>} : memref<8192xf32, #tpu.memory_space<vmem>>, vector<16xf32>,
      tpu.vector_store %arg8[%swap3A_3765], %get3A_3764 {strides = array<i32>} : memref<8192xf32, #tpu.memory_space<vmem>>, vector<16xf32>,
      %add3A_3767 = arith.constant 32 : i32
      %add3A_3768 = arith.addi %mul3A_3754, %add3A_3767 : i32
      %get3A_3769 = arith.index_cast %add3A_3768 : i32 to index
      %get3A_3770 = tpu.vector_load %arg7[%get3A_3769] {strides = array<i32>} : memref<1536xf32, #tpu.memory_space<vmem>>, vector<16xf32>,
      %swap3A_3771 = arith.constant 7712 : index
      %swap3A_3772 = tpu.vector_load %arg8[%swap3A_3771] {strides = array<i32>} : memref<8192xf32, #tpu.memory_space<vmem>>, vector<16xf32>,
      tpu.vector_store %arg8[%swap3A_3771], %get3A_3770 {strides = array<i32>} : memref<8192xf32, #tpu.memory_space<vmem>>, vector<16xf32>,
      %add3A_3773 = arith.constant 48 : i32
      %add3A_3774 = arith.addi %mul3A_3754, %add3A_3773 : i32
      %get3A_3775 = arith.index_cast %add3A_3774 : i32 to index
      %get3A_3776 = tpu.vector_load %arg7[%get3A_3775] {strides = array<i32>} : memref<1536xf32, #tpu.memory_space<vmem>>, vector<16xf32>,
      %swap3A_3777 = arith.constant 7728 : index
      %swap3A_3778 = tpu.vector_load %arg8[%swap3A_3777] {strides = array<i32>} : memref<8192xf32, #tpu.memory_space<vmem>>, vector<16xf32>,
      tpu.vector_store %arg8[%swap3A_3777], %get3A_3776 {strides = array<i32>} : memref<8192xf32, #tpu.memory_space<vmem>>, vector<16xf32>,
      %add3A_3779 = arith.constant 64 : i32
      %add3A_3780 = arith.addi %mul3A_3754, %add3A_3779 : i32
      %get3A_3781 = arith.index_cast %add3A_3780 : i32 to index
      %get3A_3782 = tpu.vector_load %arg7[%get3A_3781] {strides = array<i32>} : memref<1536xf32, #tpu.memory_space<vmem>>, vector<16xf32>,
      %swap3A_3783 = arith.constant 7744 : index
      %swap3A_3784 = tpu.vector_load %arg8[%swap3A_3783] {strides = array<i32>} : memref<8192xf32, #tpu.memory_space<vmem>>, vector<16xf32>,
      tpu.vector_store %arg8[%swap3A_3783], %get3A_3782 {strides = array<i32>} : memref<8192xf32, #tpu.memory_space<vmem>>, vector<16xf32>,
      %add3A_3785 = arith.constant 80 : i32
      %add3A_3786 = arith.addi %mul3A_3754, %add3A_3785 : i32
      %get3A_3787 = arith.index_cast %add3A_3786 : i32 to index
      %get3A_3788 = tpu.vector_load %arg7[%get3A_3787] {strides = array<i32>} : memref<1536xf32, #tpu.memory_space<vmem>>, vector<16xf32>,
      %swap3A_3789 = arith.constant 7760 : index
      %swap3A_3790 = tpu.vector_load %arg8[%swap3A_3789] {strides = array<i32>} : memref<8192xf32, #tpu.memory_space<vmem>>, vector<16xf32>,
      tpu.vector_store %arg8[%swap3A_3789], %get3A_3788 {strides = array<i32>} : memref<8192xf32, #tpu.memory_space<vmem>>, vector<16xf32>,
      %add3A_3791 = arith.constant 96 : i32
      %add3A_3792 = arith.addi %mul3A_3754, %add3A_3791 : i32
      %get3A_3793 = arith.index_cast %add3A_3792 : i32 to index
      %get3A_3794 = tpu.vector_load %arg7[%get3A_3793] {strides = array<i32>} : memref<1536xf32, #tpu.memory_space<vmem>>, vector<16xf32>,
      %swap3A_3795 = arith.constant 7776 : index
      %swap3A_3796 = tpu.vector_load %arg8[%swap3A_3795] {strides = array<i32>} : memref<8192xf32, #tpu.memory_space<vmem>>, vector<16xf32>,
      tpu.vector_store %arg8[%swap3A_3795], %get3A_3794 {strides = array<i32>} : memref<8192xf32, #tpu.memory_space<vmem>>, vector<16xf32>,
      %add3A_3797 = arith.constant 112 : i32
      %add3A_3798 = arith.addi %mul3A_3754, %add3A_3797 : i32
      %get3A_3799 = arith.index_cast %add3A_3798 : i32 to index
      %get3A_3800 = tpu.vector_load %arg7[%get3A_3799] {strides = array<i32>} : memref<1536xf32, #tpu.memory_space<vmem>>, vector<16xf32>,
      %swap3A_3801 = arith.constant 7792 : index
      %swap3A_3802 = tpu.vector_load %arg8[%swap3A_3801] {strides = array<i32>} : memref<8192xf32, #tpu.memory_space<vmem>>, vector<16xf32>,
      tpu.vector_store %arg8[%swap3A_3801], %get3A_3800 {strides = array<i32>} : memref<8192xf32, #tpu.memory_space<vmem>>, vector<16xf32>,
      %get3A_3803 = arith.constant 1 : i32
      %get3A_3804 = arith.constant 29 : i32
      %get3A_3805 = arith.index_cast %get3A_3803 : i32 to index
      %get3A_3806 = arith.index_cast %get3A_3804 : i32 to index
      %get3A_3807 = memref.load %arg9[%get3A_3805, %get3A_3806] : memref<2x32xi32, #tpu.memory_space<smem>>
      %gt3A_3808 = arith.constant 1000 : i32
      %gt3A_3809 = arith.cmpi sgt, %get3A_3807, %gt3A_3808 : i32
      %min3A_3810 = arith.constant 10 : i32
      %min3A_3811 = arith.minsi %get3A_3807, %min3A_3810 : i32
      %jit3A_3812 = arith.constant 11 : i32
      %select_n3A_3813 = arith.select %gt3A_3809, %jit3A_3812, %min3A_3811 : i32
      %mul3A_3814 = arith.constant 128 : i32
      %mul3A_3815 = arith.muli %select_n3A_3813, %mul3A_3814 : i32
      %add3A_3816 = arith.constant 0 : i32
      %add3A_3817 = arith.addi %mul3A_3815, %add3A_3816 : i32
      %get3A_3818 = arith.index_cast %add3A_3817 : i32 to index
      %get3A_3819 = tpu.vector_load %arg7[%get3A_3818] {strides = array<i32>} : memref<1536xf32, #tpu.memory_space<vmem>>, vector<16xf32>,
      %swap3A_3820 = arith.constant 7808 : index
      %swap3A_3821 = tpu.vector_load %arg8[%swap3A_3820] {strides = array<i32>} : memref<8192xf32, #tpu.memory_space<vmem>>, vector<16xf32>,
      tpu.vector_store %arg8[%swap3A_3820], %get3A_3819 {strides = array<i32>} : memref<8192xf32, #tpu.memory_space<vmem>>, vector<16xf32>,
      %add3A_3822 = arith.constant 16 : i32
      %add3A_3823 = arith.addi %mul3A_3815, %add3A_3822 : i32
      %get3A_3824 = arith.index_cast %add3A_3823 : i32 to index
      %get3A_3825 = tpu.vector_load %arg7[%get3A_3824] {strides = array<i32>} : memref<1536xf32, #tpu.memory_space<vmem>>, vector<16xf32>,
      %swap3A_3826 = arith.constant 7824 : index
      %swap3A_3827 = tpu.vector_load %arg8[%swap3A_3826] {strides = array<i32>} : memref<8192xf32, #tpu.memory_space<vmem>>, vector<16xf32>,
      tpu.vector_store %arg8[%swap3A_3826], %get3A_3825 {strides = array<i32>} : memref<8192xf32, #tpu.memory_space<vmem>>, vector<16xf32>,
      %add3A_3828 = arith.constant 32 : i32
      %add3A_3829 = arith.addi %mul3A_3815, %add3A_3828 : i32
      %get3A_3830 = arith.index_cast %add3A_3829 : i32 to index
      %get3A_3831 = tpu.vector_load %arg7[%get3A_3830] {strides = array<i32>} : memref<1536xf32, #tpu.memory_space<vmem>>, vector<16xf32>,
      %swap3A_3832 = arith.constant 7840 : index
      %swap3A_3833 = tpu.vector_load %arg8[%swap3A_3832] {strides = array<i32>} : memref<8192xf32, #tpu.memory_space<vmem>>, vector<16xf32>,
      tpu.vector_store %arg8[%swap3A_3832], %get3A_3831 {strides = array<i32>} : memref<8192xf32, #tpu.memory_space<vmem>>, vector<16xf32>,
      %add3A_3834 = arith.constant 48 : i32
      %add3A_3835 = arith.addi %mul3A_3815, %add3A_3834 : i32
      %get3A_3836 = arith.index_cast %add3A_3835 : i32 to index
      %get3A_3837 = tpu.vector_load %arg7[%get3A_3836] {strides = array<i32>} : memref<1536xf32, #tpu.memory_space<vmem>>, vector<16xf32>,
      %swap3A_3838 = arith.constant 7856 : index
      %swap3A_3839 = tpu.vector_load %arg8[%swap3A_3838] {strides = array<i32>} : memref<8192xf32, #tpu.memory_space<vmem>>, vector<16xf32>,
      tpu.vector_store %arg8[%swap3A_3838], %get3A_3837 {strides = array<i32>} : memref<8192xf32, #tpu.memory_space<vmem>>, vector<16xf32>,
      %add3A_3840 = arith.constant 64 : i32
      %add3A_3841 = arith.addi %mul3A_3815, %add3A_3840 : i32
      %get3A_3842 = arith.index_cast %add3A_3841 : i32 to index
      %get3A_3843 = tpu.vector_load %arg7[%get3A_3842] {strides = array<i32>} : memref<1536xf32, #tpu.memory_space<vmem>>, vector<16xf32>,
      %swap3A_3844 = arith.constant 7872 : index
      %swap3A_3845 = tpu.vector_load %arg8[%swap3A_3844] {strides = array<i32>} : memref<8192xf32, #tpu.memory_space<vmem>>, vector<16xf32>,
      tpu.vector_store %arg8[%swap3A_3844], %get3A_3843 {strides = array<i32>} : memref<8192xf32, #tpu.memory_space<vmem>>, vector<16xf32>,
      %add3A_3846 = arith.constant 80 : i32
      %add3A_3847 = arith.addi %mul3A_3815, %add3A_3846 : i32
      %get3A_3848 = arith.index_cast %add3A_3847 : i32 to index
      %get3A_3849 = tpu.vector_load %arg7[%get3A_3848] {strides = array<i32>} : memref<1536xf32, #tpu.memory_space<vmem>>, vector<16xf32>,
      %swap3A_3850 = arith.constant 7888 : index
      %swap3A_3851 = tpu.vector_load %arg8[%swap3A_3850] {strides = array<i32>} : memref<8192xf32, #tpu.memory_space<vmem>>, vector<16xf32>,
      tpu.vector_store %arg8[%swap3A_3850], %get3A_3849 {strides = array<i32>} : memref<8192xf32, #tpu.memory_space<vmem>>, vector<16xf32>,
      %add3A_3852 = arith.constant 96 : i32
      %add3A_3853 = arith.addi %mul3A_3815, %add3A_3852 : i32
      %get3A_3854 = arith.index_cast %add3A_3853 : i32 to index
      %get3A_3855 = tpu.vector_load %arg7[%get3A_3854] {strides = array<i32>} : memref<1536xf32, #tpu.memory_space<vmem>>, vector<16xf32>,
      %swap3A_3856 = arith.constant 7904 : index
      %swap3A_3857 = tpu.vector_load %arg8[%swap3A_3856] {strides = array<i32>} : memref<8192xf32, #tpu.memory_space<vmem>>, vector<16xf32>,
      tpu.vector_store %arg8[%swap3A_3856], %get3A_3855 {strides = array<i32>} : memref<8192xf32, #tpu.memory_space<vmem>>, vector<16xf32>,
      %add3A_3858 = arith.constant 112 : i32
      %add3A_3859 = arith.addi %mul3A_3815, %add3A_3858 : i32
      %get3A_3860 = arith.index_cast %add3A_3859 : i32 to index
      %get3A_3861 = tpu.vector_load %arg7[%get3A_3860] {strides = array<i32>} : memref<1536xf32, #tpu.memory_space<vmem>>, vector<16xf32>,
      %swap3A_3862 = arith.constant 7920 : index
      %swap3A_3863 = tpu.vector_load %arg8[%swap3A_3862] {strides = array<i32>} : memref<8192xf32, #tpu.memory_space<vmem>>, vector<16xf32>,
      tpu.vector_store %arg8[%swap3A_3862], %get3A_3861 {strides = array<i32>} : memref<8192xf32, #tpu.memory_space<vmem>>, vector<16xf32>,
      %get3A_3864 = arith.constant 1 : i32
      %get3A_3865 = arith.constant 30 : i32
      %get3A_3866 = arith.index_cast %get3A_3864 : i32 to index
      %get3A_3867 = arith.index_cast %get3A_3865 : i32 to index
      %get3A_3868 = memref.load %arg9[%get3A_3866, %get3A_3867] : memref<2x32xi32, #tpu.memory_space<smem>>
      %gt3A_3869 = arith.constant 1000 : i32
      %gt3A_3870 = arith.cmpi sgt, %get3A_3868, %gt3A_3869 : i32
      %min3A_3871 = arith.constant 10 : i32
      %min3A_3872 = arith.minsi %get3A_3868, %min3A_3871 : i32
      %jit3A_3873 = arith.constant 11 : i32
      %select_n3A_3874 = arith.select %gt3A_3870, %jit3A_3873, %min3A_3872 : i32
      %mul3A_3875 = arith.constant 128 : i32
      %mul3A_3876 = arith.muli %select_n3A_3874, %mul3A_3875 : i32
      %add3A_3877 = arith.constant 0 : i32
      %add3A_3878 = arith.addi %mul3A_3876, %add3A_3877 : i32
      %get3A_3879 = arith.index_cast %add3A_3878 : i32 to index
      %get3A_3880 = tpu.vector_load %arg7[%get3A_3879] {strides = array<i32>} : memref<1536xf32, #tpu.memory_space<vmem>>, vector<16xf32>,
      %swap3A_3881 = arith.constant 7936 : index
      %swap3A_3882 = tpu.vector_load %arg8[%swap3A_3881] {strides = array<i32>} : memref<8192xf32, #tpu.memory_space<vmem>>, vector<16xf32>,
      tpu.vector_store %arg8[%swap3A_3881], %get3A_3880 {strides = array<i32>} : memref<8192xf32, #tpu.memory_space<vmem>>, vector<16xf32>,
      %add3A_3883 = arith.constant 16 : i32
      %add3A_3884 = arith.addi %mul3A_3876, %add3A_3883 : i32
      %get3A_3885 = arith.index_cast %add3A_3884 : i32 to index
      %get3A_3886 = tpu.vector_load %arg7[%get3A_3885] {strides = array<i32>} : memref<1536xf32, #tpu.memory_space<vmem>>, vector<16xf32>,
      %swap3A_3887 = arith.constant 7952 : index
      %swap3A_3888 = tpu.vector_load %arg8[%swap3A_3887] {strides = array<i32>} : memref<8192xf32, #tpu.memory_space<vmem>>, vector<16xf32>,
      tpu.vector_store %arg8[%swap3A_3887], %get3A_3886 {strides = array<i32>} : memref<8192xf32, #tpu.memory_space<vmem>>, vector<16xf32>,
      %add3A_3889 = arith.constant 32 : i32
      %add3A_3890 = arith.addi %mul3A_3876, %add3A_3889 : i32
      %get3A_3891 = arith.index_cast %add3A_3890 : i32 to index
      %get3A_3892 = tpu.vector_load %arg7[%get3A_3891] {strides = array<i32>} : memref<1536xf32, #tpu.memory_space<vmem>>, vector<16xf32>,
      %swap3A_3893 = arith.constant 7968 : index
      %swap3A_3894 = tpu.vector_load %arg8[%swap3A_3893] {strides = array<i32>} : memref<8192xf32, #tpu.memory_space<vmem>>, vector<16xf32>,
      tpu.vector_store %arg8[%swap3A_3893], %get3A_3892 {strides = array<i32>} : memref<8192xf32, #tpu.memory_space<vmem>>, vector<16xf32>,
      %add3A_3895 = arith.constant 48 : i32
      %add3A_3896 = arith.addi %mul3A_3876, %add3A_3895 : i32
      %get3A_3897 = arith.index_cast %add3A_3896 : i32 to index
      %get3A_3898 = tpu.vector_load %arg7[%get3A_3897] {strides = array<i32>} : memref<1536xf32, #tpu.memory_space<vmem>>, vector<16xf32>,
      %swap3A_3899 = arith.constant 7984 : index
      %swap3A_3900 = tpu.vector_load %arg8[%swap3A_3899] {strides = array<i32>} : memref<8192xf32, #tpu.memory_space<vmem>>, vector<16xf32>,
      tpu.vector_store %arg8[%swap3A_3899], %get3A_3898 {strides = array<i32>} : memref<8192xf32, #tpu.memory_space<vmem>>, vector<16xf32>,
      %add3A_3901 = arith.constant 64 : i32
      %add3A_3902 = arith.addi %mul3A_3876, %add3A_3901 : i32
      %get3A_3903 = arith.index_cast %add3A_3902 : i32 to index
      %get3A_3904 = tpu.vector_load %arg7[%get3A_3903] {strides = array<i32>} : memref<1536xf32, #tpu.memory_space<vmem>>, vector<16xf32>,
      %swap3A_3905 = arith.constant 8000 : index
      %swap3A_3906 = tpu.vector_load %arg8[%swap3A_3905] {strides = array<i32>} : memref<8192xf32, #tpu.memory_space<vmem>>, vector<16xf32>,
      tpu.vector_store %arg8[%swap3A_3905], %get3A_3904 {strides = array<i32>} : memref<8192xf32, #tpu.memory_space<vmem>>, vector<16xf32>,
      %add3A_3907 = arith.constant 80 : i32
      %add3A_3908 = arith.addi %mul3A_3876, %add3A_3907 : i32
      %get3A_3909 = arith.index_cast %add3A_3908 : i32 to index
      %get3A_3910 = tpu.vector_load %arg7[%get3A_3909] {strides = array<i32>} : memref<1536xf32, #tpu.memory_space<vmem>>, vector<16xf32>,
      %swap3A_3911 = arith.constant 8016 : index
      %swap3A_3912 = tpu.vector_load %arg8[%swap3A_3911] {strides = array<i32>} : memref<8192xf32, #tpu.memory_space<vmem>>, vector<16xf32>,
      tpu.vector_store %arg8[%swap3A_3911], %get3A_3910 {strides = array<i32>} : memref<8192xf32, #tpu.memory_space<vmem>>, vector<16xf32>,
      %add3A_3913 = arith.constant 96 : i32
      %add3A_3914 = arith.addi %mul3A_3876, %add3A_3913 : i32
      %get3A_3915 = arith.index_cast %add3A_3914 : i32 to index
      %get3A_3916 = tpu.vector_load %arg7[%get3A_3915] {strides = array<i32>} : memref<1536xf32, #tpu.memory_space<vmem>>, vector<16xf32>,
      %swap3A_3917 = arith.constant 8032 : index
      %swap3A_3918 = tpu.vector_load %arg8[%swap3A_3917] {strides = array<i32>} : memref<8192xf32, #tpu.memory_space<vmem>>, vector<16xf32>,
      tpu.vector_store %arg8[%swap3A_3917], %get3A_3916 {strides = array<i32>} : memref<8192xf32, #tpu.memory_space<vmem>>, vector<16xf32>,
      %add3A_3919 = arith.constant 112 : i32
      %add3A_3920 = arith.addi %mul3A_3876, %add3A_3919 : i32
      %get3A_3921 = arith.index_cast %add3A_3920 : i32 to index
      %get3A_3922 = tpu.vector_load %arg7[%get3A_3921] {strides = array<i32>} : memref<1536xf32, #tpu.memory_space<vmem>>, vector<16xf32>,
      %swap3A_3923 = arith.constant 8048 : index
      %swap3A_3924 = tpu.vector_load %arg8[%swap3A_3923] {strides = array<i32>} : memref<8192xf32, #tpu.memory_space<vmem>>, vector<16xf32>,
      tpu.vector_store %arg8[%swap3A_3923], %get3A_3922 {strides = array<i32>} : memref<8192xf32, #tpu.memory_space<vmem>>, vector<16xf32>,
      %get3A_3925 = arith.constant 1 : i32
      %get3A_3926 = arith.constant 31 : i32
      %get3A_3927 = arith.index_cast %get3A_3925 : i32 to index
      %get3A_3928 = arith.index_cast %get3A_3926 : i32 to index
      %get3A_3929 = memref.load %arg9[%get3A_3927, %get3A_3928] : memref<2x32xi32, #tpu.memory_space<smem>>
      %gt3A_3930 = arith.constant 1000 : i32
      %gt3A_3931 = arith.cmpi sgt, %get3A_3929, %gt3A_3930 : i32
      %min3A_3932 = arith.constant 10 : i32
      %min3A_3933 = arith.minsi %get3A_3929, %min3A_3932 : i32
      %jit3A_3934 = arith.constant 11 : i32
      %select_n3A_3935 = arith.select %gt3A_3931, %jit3A_3934, %min3A_3933 : i32
      %mul3A_3936 = arith.constant 128 : i32
      %mul3A_3937 = arith.muli %select_n3A_3935, %mul3A_3936 : i32
      %add3A_3938 = arith.constant 0 : i32
      %add3A_3939 = arith.addi %mul3A_3937, %add3A_3938 : i32
      %get3A_3940 = arith.index_cast %add3A_3939 : i32 to index
      %get3A_3941 = tpu.vector_load %arg7[%get3A_3940] {strides = array<i32>} : memref<1536xf32, #tpu.memory_space<vmem>>, vector<16xf32>,
      %swap3A_3942 = arith.constant 8064 : index
      %swap3A_3943 = tpu.vector_load %arg8[%swap3A_3942] {strides = array<i32>} : memref<8192xf32, #tpu.memory_space<vmem>>, vector<16xf32>,
      tpu.vector_store %arg8[%swap3A_3942], %get3A_3941 {strides = array<i32>} : memref<8192xf32, #tpu.memory_space<vmem>>, vector<16xf32>,
      %add3A_3944 = arith.constant 16 : i32
      %add3A_3945 = arith.addi %mul3A_3937, %add3A_3944 : i32
      %get3A_3946 = arith.index_cast %add3A_3945 : i32 to index
      %get3A_3947 = tpu.vector_load %arg7[%get3A_3946] {strides = array<i32>} : memref<1536xf32, #tpu.memory_space<vmem>>, vector<16xf32>,
      %swap3A_3948 = arith.constant 8080 : index
      %swap3A_3949 = tpu.vector_load %arg8[%swap3A_3948] {strides = array<i32>} : memref<8192xf32, #tpu.memory_space<vmem>>, vector<16xf32>,
      tpu.vector_store %arg8[%swap3A_3948], %get3A_3947 {strides = array<i32>} : memref<8192xf32, #tpu.memory_space<vmem>>, vector<16xf32>,
      %add3A_3950 = arith.constant 32 : i32
      %add3A_3951 = arith.addi %mul3A_3937, %add3A_3950 : i32
      %get3A_3952 = arith.index_cast %add3A_3951 : i32 to index
      %get3A_3953 = tpu.vector_load %arg7[%get3A_3952] {strides = array<i32>} : memref<1536xf32, #tpu.memory_space<vmem>>, vector<16xf32>,
      %swap3A_3954 = arith.constant 8096 : index
      %swap3A_3955 = tpu.vector_load %arg8[%swap3A_3954] {strides = array<i32>} : memref<8192xf32, #tpu.memory_space<vmem>>, vector<16xf32>,
      tpu.vector_store %arg8[%swap3A_3954], %get3A_3953 {strides = array<i32>} : memref<8192xf32, #tpu.memory_space<vmem>>, vector<16xf32>,
      %add3A_3956 = arith.constant 48 : i32
      %add3A_3957 = arith.addi %mul3A_3937, %add3A_3956 : i32
      %get3A_3958 = arith.index_cast %add3A_3957 : i32 to index
      %get3A_3959 = tpu.vector_load %arg7[%get3A_3958] {strides = array<i32>} : memref<1536xf32, #tpu.memory_space<vmem>>, vector<16xf32>,
      %swap3A_3960 = arith.constant 8112 : index
      %swap3A_3961 = tpu.vector_load %arg8[%swap3A_3960] {strides = array<i32>} : memref<8192xf32, #tpu.memory_space<vmem>>, vector<16xf32>,
      tpu.vector_store %arg8[%swap3A_3960], %get3A_3959 {strides = array<i32>} : memref<8192xf32, #tpu.memory_space<vmem>>, vector<16xf32>,
      %add3A_3962 = arith.constant 64 : i32
      %add3A_3963 = arith.addi %mul3A_3937, %add3A_3962 : i32
      %get3A_3964 = arith.index_cast %add3A_3963 : i32 to index
      %get3A_3965 = tpu.vector_load %arg7[%get3A_3964] {strides = array<i32>} : memref<1536xf32, #tpu.memory_space<vmem>>, vector<16xf32>,
      %swap3A_3966 = arith.constant 8128 : index
      %swap3A_3967 = tpu.vector_load %arg8[%swap3A_3966] {strides = array<i32>} : memref<8192xf32, #tpu.memory_space<vmem>>, vector<16xf32>,
      tpu.vector_store %arg8[%swap3A_3966], %get3A_3965 {strides = array<i32>} : memref<8192xf32, #tpu.memory_space<vmem>>, vector<16xf32>,
      %add3A_3968 = arith.constant 80 : i32
      %add3A_3969 = arith.addi %mul3A_3937, %add3A_3968 : i32
      %get3A_3970 = arith.index_cast %add3A_3969 : i32 to index
      %get3A_3971 = tpu.vector_load %arg7[%get3A_3970] {strides = array<i32>} : memref<1536xf32, #tpu.memory_space<vmem>>, vector<16xf32>,
      %swap3A_3972 = arith.constant 8144 : index
      %swap3A_3973 = tpu.vector_load %arg8[%swap3A_3972] {strides = array<i32>} : memref<8192xf32, #tpu.memory_space<vmem>>, vector<16xf32>,
      tpu.vector_store %arg8[%swap3A_3972], %get3A_3971 {strides = array<i32>} : memref<8192xf32, #tpu.memory_space<vmem>>, vector<16xf32>,
      %add3A_3974 = arith.constant 96 : i32
      %add3A_3975 = arith.addi %mul3A_3937, %add3A_3974 : i32
      %get3A_3976 = arith.index_cast %add3A_3975 : i32 to index
      %get3A_3977 = tpu.vector_load %arg7[%get3A_3976] {strides = array<i32>} : memref<1536xf32, #tpu.memory_space<vmem>>, vector<16xf32>,
      %swap3A_3978 = arith.constant 8160 : index
      %swap3A_3979 = tpu.vector_load %arg8[%swap3A_3978] {strides = array<i32>} : memref<8192xf32, #tpu.memory_space<vmem>>, vector<16xf32>,
      tpu.vector_store %arg8[%swap3A_3978], %get3A_3977 {strides = array<i32>} : memref<8192xf32, #tpu.memory_space<vmem>>, vector<16xf32>,
      %add3A_3980 = arith.constant 112 : i32
      %add3A_3981 = arith.addi %mul3A_3937, %add3A_3980 : i32
      %get3A_3982 = arith.index_cast %add3A_3981 : i32 to index
      %get3A_3983 = tpu.vector_load %arg7[%get3A_3982] {strides = array<i32>} : memref<1536xf32, #tpu.memory_space<vmem>>, vector<16xf32>,
      %swap3A_3984 = arith.constant 8176 : index
      %swap3A_3985 = tpu.vector_load %arg8[%swap3A_3984] {strides = array<i32>} : memref<8192xf32, #tpu.memory_space<vmem>>, vector<16xf32>,
      tpu.vector_store %arg8[%swap3A_3984], %get3A_3983 {strides = array<i32>} : memref<8192xf32, #tpu.memory_space<vmem>>, vector<16xf32>,
      %mul3A_3986 = arith.constant 32 : i32
      %mul3A_3987 = arith.muli %add3A_2015, %mul3A_3986 : i32
      %add3A_3988 = arith.addi %mul3A_6, %mul3A_3987 : i32
      %mul3A_3989 = arith.constant 128 : i32
      %mul3A_3990 = arith.muli %add3A_3988, %mul3A_3989 : i32
      %multiple_of3A_3991 = tpu.assume_multiple %mul3A_3990, 4096 : i32
      %dma_start3A_3992 = arith.constant 4096 : i32
      %dma_start3A_3993 = tpu.memref_slice %arg8[%dma_start3A_3992] : memref<8192xf32, #tpu.memory_space<vmem>> -> memref<4096xf32, #tpu.memory_space<vmem>>
      %dma_start3A_3994 = tpu.memref_slice %arg4[%multiple_of3A_3991] : memref<12845056xf32, #tpu.memory_space<hbm>> -> memref<4096xf32, #tpu.memory_space<hbm>>
      %dma_start3A_3995 = tpu.memref_slice %arg4[%multiple_of3A_3991] : memref<12845056xf32, #tpu.memory_space<hbm>> -> memref<4096xf32, #tpu.memory_space<hbm>>
      %dma_start3A_3996 = arith.constant 4096 : i32
      %dma_start3A_3997 = tpu.memref_slice %arg8[%dma_start3A_3996] : memref<8192xf32, #tpu.memory_space<vmem>> -> memref<4096xf32, #tpu.memory_space<vmem>>
      tpu.enqueue_dma source(%dma_start3A_3997 : memref<4096xf32, #tpu.memory_space<vmem>>) target(%dma_start3A_3995 : memref<4096xf32, #tpu.memory_space<hbm>>) target_semaphore(%arg10 : memref<!tpu.dma_semaphore, #tpu.memory_space<semaphore_mem>>)
    }
    %scan3A_19 = arith.constant 49 : i32
    %dma_wait3A = arith.constant 0 : i32
    %dma_wait3A_20 = tpu.memref_slice %arg8[%dma_wait3A] : memref<8192xf32, #tpu.memory_space<vmem>> -> memref<4096xf32, #tpu.memory_space<vmem>>
    %dma_wait3A_21 = arith.constant 0 : i32
    %dma_wait3A_22 = tpu.memref_slice %arg4[%dma_wait3A_21] : memref<12845056xf32, #tpu.memory_space<hbm>> -> memref<4096xf32, #tpu.memory_space<hbm>>
    %dma_wait3A_23 = arith.constant 0 : i32
    %dma_wait3A_24 = tpu.memref_slice %arg4[%dma_wait3A_23] : memref<12845056xf32, #tpu.memory_space<hbm>> -> memref<4096xf32, #tpu.memory_space<hbm>>
    %dma_wait3A_25 = arith.constant 0 : i32
    %dma_wait3A_26 = tpu.memref_slice %arg8[%dma_wait3A_25] : memref<8192xf32, #tpu.memory_space<vmem>> -> memref<4096xf32, #tpu.memory_space<vmem>>
    tpu.wait_dma2 semaphore(%arg10 : memref<!tpu.dma_semaphore, #tpu.memory_space<semaphore_mem>>) src(%dma_wait3A_26 : memref<4096xf32, #tpu.memory_space<vmem>>) dst(%dma_wait3A_24 : memref<4096xf32, #tpu.memory_space<hbm>>)
    %dma_wait3A_27 = arith.constant 0 : i32
    %dma_wait3A_28 = tpu.memref_slice %arg8[%dma_wait3A_27] : memref<8192xf32, #tpu.memory_space<vmem>> -> memref<4096xf32, #tpu.memory_space<vmem>>
    %dma_wait3A_29 = arith.constant 0 : i32
    %dma_wait3A_30 = tpu.memref_slice %arg4[%dma_wait3A_29] : memref<12845056xf32, #tpu.memory_space<hbm>> -> memref<4096xf32, #tpu.memory_space<hbm>>
    %dma_wait3A_31 = arith.constant 0 : i32
    %dma_wait3A_32 = tpu.memref_slice %arg4[%dma_wait3A_31] : memref<12845056xf32, #tpu.memory_space<hbm>> -> memref<4096xf32, #tpu.memory_space<hbm>>
    %dma_wait3A_33 = arith.constant 0 : i32
    %dma_wait3A_34 = tpu.memref_slice %arg8[%dma_wait3A_33] : memref<8192xf32, #tpu.memory_space<vmem>> -> memref<4096xf32, #tpu.memory_space<vmem>>
    tpu.wait_dma2 semaphore(%arg10 : memref<!tpu.dma_semaphore, #tpu.memory_space<semaphore_mem>>) src(%dma_wait3A_34 : memref<4096xf32, #tpu.memory_space<vmem>>) dst(%dma_wait3A_32 : memref<4096xf32, #tpu.memory_space<hbm>>)
    return
  }
}

</mosaic_0001>

<sc_bundles>
// kernel: kernel.3.cloned.1.call-start
scs
__scs_entry_jumppad:
0x0: {  	(pc) =	sbr.rel $0x88, $3  }
0x1: {  	(tag) =	ssettag $0x0;
	lr =	simm.s32 $0x1  }
0x2: {  	[smem:$0x3F9F] =	sst lr;
	_ =	strace $0xD0000000  }
0x3: {  	_ = 	snop  }
0x4: {  	_ = 	snop  }
0x5: {  	_ = 	snop  }
0x6: {  	_ = 	snop  }
0x7: {  	_ = 	snop  }
__scs_overlays_trampoline_lowered:
0x8: {  	[smem:$0x3FAE] =	sst s0  }
0x9: {  	[smem:$0x3FAF] =	sst s1  }
0xa: {  	[smem:$0x3FB0] =	sst s2  }
0xb: {  	[smem:$0x3FB1] =	sst s3  }
0xc: {  	[smem:$0x3FB2] =	sst s4  }
0xd: {  	[smem:$0x3FB3] =	sst s5  }
0xe: {  	[smem:$0x3FB4] =	sst s6  }
0xf: {  	[smem:$0x3FB5] =	sst s7  }
0x10: {  	[smem:$0x3FB6] =	sst s8  }
0x11: {  	[smem:$0x3FB7] =	sst s9;
	s0 =	simm.s32 @!p0 $0x0  }
0x12: {  	s1 =	sld [smem:$0x3F9D];
	s0 =	simm.s32 @p0 $0x1  }
0x13: {  	[smem:$0x3FB8] =	sst s0;
	s0 =	simm.s32 @!p1 $0x0  }
0x14: {  	s2 =	sld [smem:$0x3F9C];
	s0 =	simm.s32 @p1 $0x1  }
0x15: {  	[smem:$0x3FB9] =	sst s0;
	s0 =	simm.s32 @!p2 $0x0  }
0x16: {  	s3 =	sld [smem:$0x3FDB];
	s0 =	simm.s32 @p2 $0x1  }
0x17: {  	s4 =	simm.s32 $0x1BF5;
	[smem:$0x3FBB] =	sst s0  }
0x18: {  	s0 =	sld [smem:$0x3F9E];
	_ =	swait.ge [sflag:s4], $0x0  }
0x19: {  	s7 =	sld [smem:$0x3F9F]  }
0x1a: {  	s8 =	sadd.s32 $0xFFFFE003, lr  }
0x1b: {  	s9 =	sadd.s32 $0xFFFFFEF7, lr;
	s5 =	simm.s32 $0xFFFFFFFF;
	p2 =	slt.u32 s8, $0xFFFFF086  }
0x1c: {  	p1 =	slt.u32 s9, $0xF7A;
	s5 =	simm.s32 @!p2 $0x0  }
0x1d: {  	s5 =	simm.s32 @p1 $0x1;
	p0 =	seq.s32 s7, s2  }
0x1e: {  	s7 =	smul.u32 @!p0 $0xF7A, s2;
	p2 =	seq.s32 @!p0 s5, $0x0  }
0x1f: {  	s9 =	smul.u32 $0xF7A, s1;
	s8 =	simm.s32 @!p0 $0x1BF5;
	p2 =	por !p2, p0  }
0x20: {  	[sflag:s8] =	ssyncset.s32 @!p0 $0xFFFFF086;
	s6 =	sadd.s32 @!p0 s3, s7;
	s7 =	simm.s32 @!p0 $0x108  }
0x21: {  	s3 =	sadd.s32 s3, s9;
	s6 =	sadd.s32 @!p0 $0x88, s6;
	s7 =	simm.s32 @p2 $0x1082  }
0x22: {  	[simem:s7], [sflag:s8] =	dma.local @!p0 [hbm:s6], $0xF7A  }
0x23: {  	s9 =	sor.u32 $0xD0000000, s2;
	s6 =	simm.s32 $0x108;
	_ =	swait.ge @!p0 [sflag:s8], $0x0  }
0x24: {  	s3 =	sadd.s32 $0x88, s3;
	s6 =	simm.s32 @!p1 $0x1082;
	[sflag:s4] =	ssyncset.s32 $0xFFFFF086  }
0x25: {  	[simem:s6], [sflag:s4] =	dma.local [hbm:s3], $0xF7A  }
0x26: {  	[smem:$0x3F9F] =	sst s1;
	(tag) =	ssettag s2;
	_ =	strace s9  }
0x27: {  	s1 =	sld [smem:$0x3FAF]  }
0x28: {  	s2 =	sld [smem:$0x3FB0]  }
0x29: {  	s4 =	sld [smem:$0x3FB2]  }
0x2a: {  	p0 =	seq.s32 s5, $0x0;
	s5 =	sld [smem:$0x3FB3]  }
0x2b: {  	s6 =	sld [smem:$0x3FB4]  }
0x2c: {  	s7 =	sld [smem:$0x3FB5]  }
0x2d: {  	s3 =	simm.s32 $0x108;
	s8 =	sld [smem:$0x3FB6]  }
0x2e: {  	s3 =	simm.s32 @!p0 $0x1082;
	s9 =	sld [smem:$0x3FB7]  }
0x2f: {  	lr =	sadd.s32 s0, s3;
	s0 =	sld [smem:$0x3FAE]  }
0x30: {  	s3 =	sld [smem:$0x3FB1]  }
0x31: {  	[smem:$0x3FBA] =	sst s10  }
0x32: {  	s10 =	sld [smem:$0x3FB8];
	_ =	sdelay $0x3  }
0x33: {  	p0 =	seq.s32 s10, $0x1;
	s10 =	sld [smem:$0x3FBA];
	_ =	sdelay $0x3  }
0x34: {  	[smem:$0x3FBA] =	sst s10  }
0x35: {  	s10 =	sld [smem:$0x3FB9];
	_ =	sdelay $0x3  }
0x36: {  	p1 =	seq.s32 s10, $0x1;
	s10 =	sld [smem:$0x3FBA];
	_ =	sdelay $0x3  }
0x37: {  	[smem:$0x3FBA] =	sst s10  }
0x38: {  	s10 =	sld [smem:$0x3FBB]  }
0x39: {  	_ = 	snop;
	(pc) =	sbr.ind lr, $3  }
0x3a: {  	_ = 	snop  }
0x3b: {  	_ = 	snop  }
0x3c: {  	p2 =	seq.s32 s10, $0x1;
	s10 =	sld [smem:$0x3FBA]  }
0x3d: {  	_ =	shalt  }
0x3e: {  	_ =	shalt  }
0x3f: {  	_ =	shalt  }
0x40: {  	_ =	shalt  }
0x41: {  	_ =	shalt  }
0x42: {  	_ =	shalt  }
0x43: {  	_ =	shalt  }
0x44: {  	_ =	shalt  }
0x45: {  	_ =	shalt  }
0x46: {  	_ =	shalt  }
0x47: {  	_ =	shalt  }
0x48: {  	_ =	shalt  }
0x49: {  	_ =	shalt  }
0x4a: {  	_ =	shalt  }
0x4b: {  	_ =	shalt  }
0x4c: {  	_ =	shalt  }
0x4d: {  	_ =	shalt  }
0x4e: {  	_ =	shalt  }
0x4f: {  	_ =	shalt  }
0x50: {  	_ =	shalt  }
0x51: {  	_ =	shalt  }
0x52: {  	_ =	shalt  }
0x53: {  	_ =	shalt  }
0x54: {  	_ =	shalt  }
0x55: {  	_ =	shalt  }
0x56: {  	_ =	shalt  }
0x57: {  	_ =	shalt  }
0x58: {  	_ =	shalt  }
0x59: {  	_ =	shalt  }
0x5a: {  	_ =	shalt  }
0x5b: {  	_ =	shalt  }
0x5c: {  	_ =	shalt  }
0x5d: {  	_ =	shalt  }
0x5e: {  	_ =	shalt  }
0x5f: {  	_ =	shalt  }
0x60: {  	_ =	shalt  }
0x61: {  	_ =	shalt  }
0x62: {  	_ =	shalt  }
0x63: {  	_ =	shalt  }
0x64: {  	_ =	shalt  }
0x65: {  	_ =	shalt  }
0x66: {  	_ =	shalt  }
0x67: {  	_ =	shalt  }
0x68: {  	_ =	shalt  }
0x69: {  	_ =	shalt  }
0x6a: {  	_ =	shalt  }
0x6b: {  	_ =	shalt  }
0x6c: {  	_ =	shalt  }
0x6d: {  	_ =	shalt  }
0x6e: {  	_ =	shalt  }
0x6f: {  	_ =	shalt  }
0x70: {  	_ =	shalt  }
0x71: {  	_ =	shalt  }
0x72: {  	_ =	shalt  }
0x73: {  	_ =	shalt  }
0x74: {  	_ =	shalt  }
0x75: {  	_ =	shalt  }
0x76: {  	_ =	shalt  }
0x77: {  	_ =	shalt  }
0x78: {  	_ =	shalt  }
0x79: {  	_ =	shalt  }
0x7a: {  	_ =	shalt  }
0x7b: {  	_ =	shalt  }
0x7c: {  	_ =	shalt  }
0x7d: {  	_ =	shalt  }
0x7e: {  	_ =	shalt  }
0x7f: {  	_ =	shalt  }
0x80: {  	_ =	shalt  }
0x81: {  	_ =	shalt  }
0x82: {  	_ =	shalt  }
0x83: {  	_ =	shalt  }
0x84: {  	_ =	shalt  }
0x85: {  	_ =	shalt  }
0x86: {  	_ =	shalt  }
0x87: {  	_ =	shalt  }
.Lfunc_end0:
.L_simem_size_0:
called_computation_lowered:
.L_overlay_start_0:
0x88: {  	s2 =	sld [smem:$0x3FD9]  }
0x89: {  	s3 =	sld [smem:$0x3FFE];
	_ =	sdelay $0x1  }
0x8a: {  	s1 =	srdreg.scid  }
0x8b: {  	s0 =	sand.u32 $0x1, s1  }
0x8c: {  	s17 =	sshll.u32 s0, $0xA;
	s2 =	sadd.s32 s3, s2  }
0x8d: {  	s2 =	sadd.s32 s2, s17  }
0x8e: {  	[smem:$0x3FC6] =	sst s2  }
0x8f: {  	_ = 	snop  }
0x90: {  	s2 =	sld [smem:$0x3FC8]  }
0x91: {  	s18 =	sld [smem:$0x3FD0];
	(tm) =	ssettm $0x1  }
0x92: {  	s4 =	sld [smem:$0x3FFB];
	_ =	sdelay $0x3  }
0x93: {  	_ =	strace s4  }
0x94: {  	s4 =	sld [smem:$0x3FFC];
	_ =	sdelay $0x3  }
0x95: {  	_ =	strace s4  }
0x96: {  	s4 =	sld [smem:$0x3FFD];
	_ =	sdelay $0x3  }
0x97: {  	_ =	strace s4  }
0x98: {  	_ =	strace $0x8FFFFFFF  }
0x99: {  	s19 =	sld [smem:$0x3FDB];
	_ =	sdelay $0x1  }
0x9a: {  	s5 =	simm.s32 $_scs_section_size  }
0x9b: {  	s6 =	simm.s32 $_size__tile_overlayer_lowered;
	s7 =	simm.s32 $_tile_overlayer_lowered  }
0x9c: {  	s22 =	simm.s32 $0x1BFF;
	s21 =	sshll.u32 s7, $0x1;
	s4 =	sadd.s32 s5, s19  }
0x9d: {  	s8 =	simm.s32 $0x0;
	s20 =	sshll.u32 s6, $0x1;
	s6 =	sadd.s32 s21, s4  }
0x9e: {  	[timem:s8], [sflag:s22] =	dma.local [hbm:s6], s20  }
0x9f: {  	_ =	swait.ge [sflag:s22], s20  }
0xa0: {  	s5 =	ssub.s32 $0x0, s20;
	[sflag:s22] =	ssyncset.done $0x0  }
0xa1: {  	[sflag:s22] =	ssyncadd.s32 s5;
	_ =	sdelay $0x1  }
0xa2: {  	s23 =	simm.s32 $0x1B8B  }
0xa3: {  	_ =	swait.ge [sflag:s23], $0x1  }
0xa4: {  	[sflag:s23] =	ssyncset.done $0x0  }
0xa5: {  	s25 =	simm.s32 $0x1B8E;
	s24 =	sld [smem:$0x3FFE];
	[sflag:s23] =	ssyncadd.s32 $0xFFFFFFFF  }
0xa6: {  	s26 =	simm.s32 $execute0_lowered;
	[smem:$0x3FD2] =	sst s25  }
0xa7: {  	s6 =	sshll.u32 s26, $0x1;
	_ =	strace $0x80000046;
	[dreg:$0x1] =	wrdreg $0xFFFFFFFF  }
0xa8: {  	s28 =	simm.s32 $_size_execute0_lowered;
	s4 =	sadd.s32 s4, s6;
	[dreg:$0x0] =	wrdreg $0x0  }
0xa9: {  	s6 =	sshll.u32 s28, $0x1;
	[dreg:$0x2] =	wrdreg s4  }
0xaa: {  	[dreg:$0x3] =	wrdreg s6  }
0xab: {  	[dreg:$0x4] =	wrdreg $0xC0  }
0xac: {  	_ =	task [dreg:s8], $0x5FFFF  }
0xad: {  	[dreg:$0x1] =	wrdreg $0xFFFFFFFF  }
0xae: {  	[dreg:$0x0] =	wrdreg $0x60  }
0xaf: {  	[dreg:$0x2] =	wrdreg s18  }
0xb0: {  	[dreg:$0x3] =	wrdreg s2  }
0xb1: {  	[dreg:$0x4] =	wrdreg s24  }
0xb2: {  	[dreg:$0x5] =	wrdreg $0x0  }
0xb3: {  	[dreg:$0x6] =	wrdreg $0x9  }
0xb4: {  	_ =	task.clear_ibuf [dreg:s8], $0x7FFFF;
	_ =	strace $0x90000046  }
0xb5: {  	s29 =	simm.s32 $0x9;
	_ =	strace $0x80000048  }
0xb6: {  	_ =	swait.ge [sflag:s29], $0x1  }
0xb7: {  	[sflag:s29] =	ssyncadd.s32 $0xFFFFFFFF  }
0xb8: {  	_ =	strace $0x90000048  }
0xb9: {  	_ =	sfence  }
0xba: {  	s30 =	sld [smem:$0x0];
	_ =	sdelay $0x2  }
0xbb: {  	s31 =	sshll.u32 s1, $0xD;
	s1 =	sshrl.u32 s1, $0x2  }
0xbc: {  	s3 =	sand.u32 $0x4000, s31;
	s1 =	sadd.s32 s1, s30  }
0xbd: {  	s0 =	sor.u32 s3, s0;
	s1 =	sshll.u32 s1, $0x11  }
0xbe: {  	s0 =	sor.u32 s1, s0  }
0xbf: {  	s0 =	sadd.s32 $0x8F2B, s0  }
0xc0: {  	[sflag:s0] =	ssyncadd.remote.s32 $0x1  }
0xc1: {  	_ =	sfence.sel $0xFFFF  }
0xc2: {  	[dreg:$0x0] =	wrdreg $0xFFFFFFFF;
	(pc) =	sbr.abs _section_cstart, $3  }
0xc3: {  	[dreg:$0x1] =	wrdreg $0xFFFFFFFF  }
0xc4: {  	_ =	task.clear_ibuf [dreg:s8], $0x2FFFF;
	_ =	strace $0x9FFFFFFF  }
0xc5: {  	(tm) =	ssettm $0x7FFFFFFF  }
tec
execute0_lowered:
.L_overlay_start_1:
0x0: {  	(tag) =	ssettag $0x1  }
0x1: {  	s4 =	rddreg [dreg:$0x0]  }
0x2: {  	s1 =	rddreg [dreg:$0x1]  }
0x3: {  	s2 =	srdreg.scid;
	s8 =	rddreg [dreg:$0x2]  }
0x4: {  	s0 =	stileid.u32;
	s6 =	rddreg [dreg:$0x3]  }
0x5: {  	s3 =	simm.s32 $0x0;
	s30 =	simm.s32 $0x80;
	s13 =	simm.s32 $0x1EC0  }
0x6: {  	s31 =	simm.s32 $0x2EC0;
	s5 =	sand.u32 $0x1, s2;
	s9 =	smul.u32 $0xC4000, s0  }
0x7: {  	s25 =	sshll.u32 s0, $0x1;
	[smem:$0x7FF] =	sst s3;
	s12 =	smul.u32 $0x3100, s0  }
0x8: {  	s2 =	sor.u32 s5, s25;
	s10 =	ssub.s32 $0x2, s5;
	s5 =	smul.u32 $0x62000, s5  }
0x9: {  	s14 =	simm.s32 $0x0;
	s7 =	smul.u32 $0x188, s2;
	s2 =	rddreg [dreg:$0x4]  }
0xa: {  	s11 =	sshrl.u32 s10, $0x1;
	_ =	strace $0x80000047;
	[dreg:$0x5] =	wrdreg s30  }
0xb: {  	s26 =	sshrl.u32 s12, $0x2;
	s12 =	simm.s32 $0x2;
	[dreg:$0x6] =	wrdreg s13  }
0xc: {  	[dreg:$0x7] =	wrdreg s31;
	s13 =	simm.s32 $0x1;
	s10 =	ssub.s32 s10, s11  }
0xd: {  	s9 =	sadd.s32 s5, s9;
	s5 =	sadd.s32 s26, s6;
	s11 =	simm.s32 $0xC40  }
0xe: {  	s4 =	sadd.s32 s4, s7;
	s28 =	sor.u32 $0x1000, s9;
	s9 =	sshrl.u32 s9, $0x3  }
0xf: {  	s6 =	smax.u32 s10, $0x1;
	s10 =	simm.s32 $0x3;
	s29 =	sshrl.u32 s28, $0x3  }
0x10: {  	s7 =	sadd.s32 s9, s8;
	s9 =	simm.s32 $0x18C0;
	s8 =	sadd.s32 s29, s8  }
.LBB2_1:
0x11: {  	[tilespmem:s9], [sflag:$0x3] =	stream.linear.gather [hbm4b:s1+s3], $0x600, $0x38;
	[tilespmem:$0x3EC0] =	vst v63  }
0x12: {  	_ =	swait.ge [sflag:s10], $0x600  }
0x13: {  	[sflag:s10] =	ssyncset.done $0x0  }
0x14: {  	[sflag:s10] =	ssyncadd.s32 $0xFFFFFA00  }
0x15: {  	[tilespmem:s11], [sflag:$0x3] =	stream.linear.gather [hbm4b:s4+s3], $0xC40, $0x38;
	[tilespmem:$0x3EC0] =	vst v63  }
0x16: {  	_ =	swait.ge [sflag:s10], $0xC40  }
0x17: {  	[sflag:s10] =	ssyncset.done $0x0  }
0x18: {  	[sflag:s10] =	ssyncadd.s32 $0xFFFFF3C0  }
0x19: {  	[spmem:s5] =	stream.linear.scatter [tilespmem:s11], [sflag:$0x3], $0xC40, $0x38;
	[tilespmem:$0x3EC0] =	vst v63  }
0x1a: {  	_ =	swait.ge [sflag:s10], $0xC40  }
0x1b: {  	s15 =	smov.u32 s8;
	[sflag:s10] =	ssyncset.done $0x0  }
0x1c: {  	s16 =	smov.u32 s7;
	s17 =	simm.s32 $0x0;
	[sflag:s10] =	ssyncadd.s32 $0xFFFFF3C0  }
0x1d: {  	[smem:s3], [sflag:$0x2] =	stream.linear.gather [spmem:s5], $0x20, $0x38;
	[tilespmem:$0x3EC0] =	vst v63  }
.LBB2_2:
0x1e: {  	p0 =	seq.s32 s17, $0x0  }
0x1f: {  	s18 =	simm.s32 @!p0 $0x1  }
0x20: {  	_ =	swait.ge @!p0 [sflag:s18], $0x1000  }
0x21: {  	[sflag:s18] =	ssyncset.done @!p0 $0x0  }
0x22: {  	[sflag:s18] =	ssyncadd.s32 @!p0 $0xFFFFF000  }
0x23: {  	s19 =	sshra.s32 s17, $0x2;
	_ =	swait.ge [sflag:s12], $0x20  }
0x24: {  	s19 =	sadd.s32 s19, s5;
	[sflag:s12] =	ssyncset.done $0x0  }
0x25: {  	s19 =	sadd.s32 $0x20, s19;
	s20 =	rddreg [dreg:$0x5];
	[sflag:s12] =	ssyncadd.s32 $0xFFFFFFE0  }
0x26: {  	[smem:s20], [sflag:$0x2] =	stream.linear.gather [spmem:s19], $0x20, $0x38;
	[tilespmem:$0x3EC0] =	vst v63  }
0x27: {  	s19 =	sld [smem:$0x0];
	_ =	sdelay $0x2  }
0x28: {  	p2 =	slt.s32 s19, $0xA  }
0x29: {  	p1 =	sgt.s32 s19, $0x3E8;
	s19 =	simm.s32 @!p2 $0xA  }
0x2a: {  	s19 =	sshll.u32 s19, $0x7  }
0x2b: {  	s19 =	simm.s32 @p1 $0x580  }
0x2c: {  	v0 =	vld [tilespmem:s19+$0x18C0];
	_ =	sdelay $0x4  }
0x2d: {  	[tilespmem:$0x1EC0] =	vst v0  }
0x2e: {  	v0 =	vld [tilespmem:s19+$0x18D0];
	_ =	sdelay $0x4  }
0x2f: {  	[tilespmem:$0x1ED0] =	vst v0  }
0x30: {  	v0 =	vld [tilespmem:s19+$0x18E0];
	_ =	sdelay $0x4  }
0x31: {  	[tilespmem:$0x1EE0] =	vst v0  }
0x32: {  	v0 =	vld [tilespmem:s19+$0x18F0];
	_ =	sdelay $0x4  }
0x33: {  	[tilespmem:$0x1EF0] =	vst v0  }
0x34: {  	v0 =	vld [tilespmem:s19+$0x1900];
	_ =	sdelay $0x4  }
0x35: {  	[tilespmem:$0x1F00] =	vst v0  }
0x36: {  	v0 =	vld [tilespmem:s19+$0x1910];
	_ =	sdelay $0x4  }
0x37: {  	[tilespmem:$0x1F10] =	vst v0  }
0x38: {  	v0 =	vld [tilespmem:s19+$0x1920];
	_ =	sdelay $0x4  }
0x39: {  	s20 =	sld [smem:$0x1];
	[tilespmem:$0x1F20] =	vst v0  }
0x3a: {  	v0 =	vld [tilespmem:s19+$0x1930];
	_ =	sdelay $0x1  }
0x3b: {  	p2 =	slt.s32 s20, $0xA  }
0x3c: {  	p1 =	sgt.s32 s20, $0x3E8;
	s20 =	simm.s32 @!p2 $0xA  }
0x3d: {  	s19 =	sshll.u32 s20, $0x7  }
0x3e: {  	s19 =	simm.s32 @p1 $0x580;
	[tilespmem:$0x1F30] =	vst v0  }
0x3f: {  	v0 =	vld [tilespmem:s19+$0x18C0];
	_ =	sdelay $0x4  }
0x40: {  	[tilespmem:$0x1F40] =	vst v0  }
0x41: {  	v0 =	vld [tilespmem:s19+$0x18D0];
	_ =	sdelay $0x4  }
0x42: {  	[tilespmem:$0x1F50] =	vst v0  }
0x43: {  	v0 =	vld [tilespmem:s19+$0x18E0];
	_ =	sdelay $0x4  }
0x44: {  	[tilespmem:$0x1F60] =	vst v0  }
0x45: {  	v0 =	vld [tilespmem:s19+$0x18F0];
	_ =	sdelay $0x4  }
0x46: {  	[tilespmem:$0x1F70] =	vst v0  }
0x47: {  	v0 =	vld [tilespmem:s19+$0x1900];
	_ =	sdelay $0x4  }
0x48: {  	[tilespmem:$0x1F80] =	vst v0  }
0x49: {  	v0 =	vld [tilespmem:s19+$0x1910];
	_ =	sdelay $0x4  }
0x4a: {  	[tilespmem:$0x1F90] =	vst v0  }
0x4b: {  	v0 =	vld [tilespmem:s19+$0x1920];
	_ =	sdelay $0x4  }
0x4c: {  	s20 =	sld [smem:$0x2];
	[tilespmem:$0x1FA0] =	vst v0  }
0x4d: {  	v0 =	vld [tilespmem:s19+$0x1930];
	_ =	sdelay $0x1  }
0x4e: {  	p2 =	slt.s32 s20, $0xA  }
0x4f: {  	p1 =	sgt.s32 s20, $0x3E8;
	s20 =	simm.s32 @!p2 $0xA  }
0x50: {  	s19 =	sshll.u32 s20, $0x7  }
0x51: {  	s19 =	simm.s32 @p1 $0x580;
	[tilespmem:$0x1FB0] =	vst v0  }
0x52: {  	v0 =	vld [tilespmem:s19+$0x18C0];
	_ =	sdelay $0x4  }
0x53: {  	[tilespmem:$0x1FC0] =	vst v0  }
0x54: {  	v0 =	vld [tilespmem:s19+$0x18D0];
	_ =	sdelay $0x4  }
0x55: {  	[tilespmem:$0x1FD0] =	vst v0  }
0x56: {  	v0 =	vld [tilespmem:s19+$0x18E0];
	_ =	sdelay $0x4  }
0x57: {  	[tilespmem:$0x1FE0] =	vst v0  }
0x58: {  	v0 =	vld [tilespmem:s19+$0x18F0];
	_ =	sdelay $0x4  }
0x59: {  	[tilespmem:$0x1FF0] =	vst v0  }
0x5a: {  	v0 =	vld [tilespmem:s19+$0x1900];
	_ =	sdelay $0x4  }
0x5b: {  	[tilespmem:$0x2000] =	vst v0  }
0x5c: {  	v0 =	vld [tilespmem:s19+$0x1910];
	_ =	sdelay $0x4  }
0x5d: {  	[tilespmem:$0x2010] =	vst v0  }
0x5e: {  	v0 =	vld [tilespmem:s19+$0x1920];
	_ =	sdelay $0x4  }
0x5f: {  	s20 =	sld [smem:$0x3];
	[tilespmem:$0x2020] =	vst v0  }
0x60: {  	v0 =	vld [tilespmem:s19+$0x1930];
	_ =	sdelay $0x1  }
0x61: {  	p2 =	slt.s32 s20, $0xA  }
0x62: {  	p1 =	sgt.s32 s20, $0x3E8;
	s20 =	simm.s32 @!p2 $0xA  }
0x63: {  	s19 =	sshll.u32 s20, $0x7  }
0x64: {  	s19 =	simm.s32 @p1 $0x580;
	[tilespmem:$0x2030] =	vst v0  }
0x65: {  	v0 =	vld [tilespmem:s19+$0x18C0];
	_ =	sdelay $0x4  }
0x66: {  	[tilespmem:$0x2040] =	vst v0  }
0x67: {  	v0 =	vld [tilespmem:s19+$0x18D0];
	_ =	sdelay $0x4  }
0x68: {  	[tilespmem:$0x2050] =	vst v0  }
0x69: {  	v0 =	vld [tilespmem:s19+$0x18E0];
	_ =	sdelay $0x4  }
0x6a: {  	[tilespmem:$0x2060] =	vst v0  }
0x6b: {  	v0 =	vld [tilespmem:s19+$0x18F0];
	_ =	sdelay $0x4  }
0x6c: {  	[tilespmem:$0x2070] =	vst v0  }
0x6d: {  	v0 =	vld [tilespmem:s19+$0x1900];
	_ =	sdelay $0x4  }
0x6e: {  	[tilespmem:$0x2080] =	vst v0  }
0x6f: {  	v0 =	vld [tilespmem:s19+$0x1910];
	_ =	sdelay $0x4  }
0x70: {  	[tilespmem:$0x2090] =	vst v0  }
0x71: {  	v0 =	vld [tilespmem:s19+$0x1920];
	_ =	sdelay $0x4  }
0x72: {  	s20 =	sld [smem:$0x4];
	[tilespmem:$0x20A0] =	vst v0  }
0x73: {  	v0 =	vld [tilespmem:s19+$0x1930];
	_ =	sdelay $0x1  }
0x74: {  	p2 =	slt.s32 s20, $0xA  }
0x75: {  	p1 =	sgt.s32 s20, $0x3E8;
	s20 =	simm.s32 @!p2 $0xA  }
0x76: {  	s19 =	sshll.u32 s20, $0x7  }
0x77: {  	s19 =	simm.s32 @p1 $0x580;
	[tilespmem:$0x20B0] =	vst v0  }
0x78: {  	v0 =	vld [tilespmem:s19+$0x18C0];
	_ =	sdelay $0x4  }
0x79: {  	[tilespmem:$0x20C0] =	vst v0  }
0x7a: {  	v0 =	vld [tilespmem:s19+$0x18D0];
	_ =	sdelay $0x4  }
0x7b: {  	[tilespmem:$0x20D0] =	vst v0  }
0x7c: {  	v0 =	vld [tilespmem:s19+$0x18E0];
	_ =	sdelay $0x4  }
0x7d: {  	[tilespmem:$0x20E0] =	vst v0  }
0x7e: {  	v0 =	vld [tilespmem:s19+$0x18F0];
	_ =	sdelay $0x4  }
0x7f: {  	[tilespmem:$0x20F0] =	vst v0  }
0x80: {  	v0 =	vld [tilespmem:s19+$0x1900];
	_ =	sdelay $0x4  }
0x81: {  	[tilespmem:$0x2100] =	vst v0  }
0x82: {  	v0 =	vld [tilespmem:s19+$0x1910];
	_ =	sdelay $0x4  }
0x83: {  	[tilespmem:$0x2110] =	vst v0  }
0x84: {  	v0 =	vld [tilespmem:s19+$0x1920];
	_ =	sdelay $0x4  }
0x85: {  	s20 =	sld [smem:$0x5];
	[tilespmem:$0x2120] =	vst v0  }
0x86: {  	v0 =	vld [tilespmem:s19+$0x1930];
	_ =	sdelay $0x1  }
0x87: {  	p2 =	slt.s32 s20, $0xA  }
0x88: {  	p1 =	sgt.s32 s20, $0x3E8;
	s20 =	simm.s32 @!p2 $0xA  }
0x89: {  	s19 =	sshll.u32 s20, $0x7  }
0x8a: {  	s19 =	simm.s32 @p1 $0x580;
	[tilespmem:$0x2130] =	vst v0  }
0x8b: {  	v0 =	vld [tilespmem:s19+$0x18C0];
	_ =	sdelay $0x4  }
0x8c: {  	[tilespmem:$0x2140] =	vst v0  }
0x8d: {  	v0 =	vld [tilespmem:s19+$0x18D0];
	_ =	sdelay $0x4  }
0x8e: {  	[tilespmem:$0x2150] =	vst v0  }
0x8f: {  	v0 =	vld [tilespmem:s19+$0x18E0];
	_ =	sdelay $0x4  }
0x90: {  	[tilespmem:$0x2160] =	vst v0  }
0x91: {  	v0 =	vld [tilespmem:s19+$0x18F0];
	_ =	sdelay $0x4  }
0x92: {  	[tilespmem:$0x2170] =	vst v0  }
0x93: {  	v0 =	vld [tilespmem:s19+$0x1900];
	_ =	sdelay $0x4  }
0x94: {  	[tilespmem:$0x2180] =	vst v0  }
0x95: {  	v0 =	vld [tilespmem:s19+$0x1910];
	_ =	sdelay $0x4  }
0x96: {  	[tilespmem:$0x2190] =	vst v0  }
0x97: {  	v0 =	vld [tilespmem:s19+$0x1920];
	_ =	sdelay $0x4  }
0x98: {  	s20 =	sld [smem:$0x6];
	[tilespmem:$0x21A0] =	vst v0  }
0x99: {  	v0 =	vld [tilespmem:s19+$0x1930];
	_ =	sdelay $0x1  }
0x9a: {  	p2 =	slt.s32 s20, $0xA  }
0x9b: {  	p1 =	sgt.s32 s20, $0x3E8;
	s20 =	simm.s32 @!p2 $0xA  }
0x9c: {  	s19 =	sshll.u32 s20, $0x7  }
0x9d: {  	s19 =	simm.s32 @p1 $0x580;
	[tilespmem:$0x21B0] =	vst v0  }
0x9e: {  	v0 =	vld [tilespmem:s19+$0x18C0];
	_ =	sdelay $0x4  }
0x9f: {  	[tilespmem:$0x21C0] =	vst v0  }
0xa0: {  	v0 =	vld [tilespmem:s19+$0x18D0];
	_ =	sdelay $0x4  }
0xa1: {  	[tilespmem:$0x21D0] =	vst v0  }
0xa2: {  	v0 =	vld [tilespmem:s19+$0x18E0];
	_ =	sdelay $0x4  }
0xa3: {  	[tilespmem:$0x21E0] =	vst v0  }
0xa4: {  	v0 =	vld [tilespmem:s19+$0x18F0];
	_ =	sdelay $0x4  }
0xa5: {  	[tilespmem:$0x21F0] =	vst v0  }
0xa6: {  	v0 =	vld [tilespmem:s19+$0x1900];
	_ =	sdelay $0x4  }
0xa7: {  	[tilespmem:$0x2200] =	vst v0  }
0xa8: {  	v0 =	vld [tilespmem:s19+$0x1910];
	_ =	sdelay $0x4  }
0xa9: {  	[tilespmem:$0x2210] =	vst v0  }
0xaa: {  	v0 =	vld [tilespmem:s19+$0x1920];
	_ =	sdelay $0x4  }
0xab: {  	s20 =	sld [smem:$0x7];
	[tilespmem:$0x2220] =	vst v0  }
0xac: {  	v0 =	vld [tilespmem:s19+$0x1930];
	_ =	sdelay $0x1  }
0xad: {  	p2 =	slt.s32 s20, $0xA  }
0xae: {  	p1 =	sgt.s32 s20, $0x3E8;
	s20 =	simm.s32 @!p2 $0xA  }
0xaf: {  	s19 =	sshll.u32 s20, $0x7  }
0xb0: {  	s19 =	simm.s32 @p1 $0x580;
	[tilespmem:$0x2230] =	vst v0  }
0xb1: {  	v0 =	vld [tilespmem:s19+$0x18C0];
	_ =	sdelay $0x4  }
0xb2: {  	[tilespmem:$0x2240] =	vst v0  }
0xb3: {  	v0 =	vld [tilespmem:s19+$0x18D0];
	_ =	sdelay $0x4  }
0xb4: {  	[tilespmem:$0x2250] =	vst v0  }
0xb5: {  	v0 =	vld [tilespmem:s19+$0x18E0];
	_ =	sdelay $0x4  }
0xb6: {  	[tilespmem:$0x2260] =	vst v0  }
0xb7: {  	v0 =	vld [tilespmem:s19+$0x18F0];
	_ =	sdelay $0x4  }
0xb8: {  	[tilespmem:$0x2270] =	vst v0  }
0xb9: {  	v0 =	vld [tilespmem:s19+$0x1900];
	_ =	sdelay $0x4  }
0xba: {  	[tilespmem:$0x2280] =	vst v0  }
0xbb: {  	v0 =	vld [tilespmem:s19+$0x1910];
	_ =	sdelay $0x4  }
0xbc: {  	[tilespmem:$0x2290] =	vst v0  }
0xbd: {  	v0 =	vld [tilespmem:s19+$0x1920];
	_ =	sdelay $0x4  }
0xbe: {  	s20 =	sld [smem:$0x8];
	[tilespmem:$0x22A0] =	vst v0  }
0xbf: {  	v0 =	vld [tilespmem:s19+$0x1930];
	_ =	sdelay $0x1  }
0xc0: {  	p2 =	slt.s32 s20, $0xA  }
0xc1: {  	p1 =	sgt.s32 s20, $0x3E8;
	s20 =	simm.s32 @!p2 $0xA  }
0xc2: {  	s19 =	sshll.u32 s20, $0x7  }
0xc3: {  	s19 =	simm.s32 @p1 $0x580;
	[tilespmem:$0x22B0] =	vst v0  }
0xc4: {  	v0 =	vld [tilespmem:s19+$0x18C0];
	_ =	sdelay $0x4  }
0xc5: {  	[tilespmem:$0x22C0] =	vst v0  }
0xc6: {  	v0 =	vld [tilespmem:s19+$0x18D0];
	_ =	sdelay $0x4  }
0xc7: {  	[tilespmem:$0x22D0] =	vst v0  }
0xc8: {  	v0 =	vld [tilespmem:s19+$0x18E0];
	_ =	sdelay $0x4  }
0xc9: {  	[tilespmem:$0x22E0] =	vst v0  }
0xca: {  	v0 =	vld [tilespmem:s19+$0x18F0];
	_ =	sdelay $0x4  }
0xcb: {  	[tilespmem:$0x22F0] =	vst v0  }
0xcc: {  	v0 =	vld [tilespmem:s19+$0x1900];
	_ =	sdelay $0x4  }
0xcd: {  	[tilespmem:$0x2300] =	vst v0  }
0xce: {  	v0 =	vld [tilespmem:s19+$0x1910];
	_ =	sdelay $0x4  }
0xcf: {  	[tilespmem:$0x2310] =	vst v0  }
0xd0: {  	v0 =	vld [tilespmem:s19+$0x1920];
	_ =	sdelay $0x4  }
0xd1: {  	s20 =	sld [smem:$0x9];
	[tilespmem:$0x2320] =	vst v0  }
0xd2: {  	v0 =	vld [tilespmem:s19+$0x1930];
	_ =	sdelay $0x1  }
0xd3: {  	p2 =	slt.s32 s20, $0xA  }
0xd4: {  	p1 =	sgt.s32 s20, $0x3E8;
	s20 =	simm.s32 @!p2 $0xA  }
0xd5: {  	s19 =	sshll.u32 s20, $0x7  }
0xd6: {  	s19 =	simm.s32 @p1 $0x580;
	[tilespmem:$0x2330] =	vst v0  }
0xd7: {  	v0 =	vld [tilespmem:s19+$0x18C0];
	_ =	sdelay $0x4  }
0xd8: {  	[tilespmem:$0x2340] =	vst v0  }
0xd9: {  	v0 =	vld [tilespmem:s19+$0x18D0];
	_ =	sdelay $0x4  }
0xda: {  	[tilespmem:$0x2350] =	vst v0  }
0xdb: {  	v0 =	vld [tilespmem:s19+$0x18E0];
	_ =	sdelay $0x4  }
0xdc: {  	[tilespmem:$0x2360] =	vst v0  }
0xdd: {  	v0 =	vld [tilespmem:s19+$0x18F0];
	_ =	sdelay $0x4  }
0xde: {  	[tilespmem:$0x2370] =	vst v0  }
0xdf: {  	v0 =	vld [tilespmem:s19+$0x1900];
	_ =	sdelay $0x4  }
0xe0: {  	[tilespmem:$0x2380] =	vst v0  }
0xe1: {  	v0 =	vld [tilespmem:s19+$0x1910];
	_ =	sdelay $0x4  }
0xe2: {  	[tilespmem:$0x2390] =	vst v0  }
0xe3: {  	v0 =	vld [tilespmem:s19+$0x1920];
	_ =	sdelay $0x4  }
0xe4: {  	s20 =	sld [smem:$0xA];
	[tilespmem:$0x23A0] =	vst v0  }
0xe5: {  	v0 =	vld [tilespmem:s19+$0x1930];
	_ =	sdelay $0x1  }
0xe6: {  	p2 =	slt.s32 s20, $0xA  }
0xe7: {  	p1 =	sgt.s32 s20, $0x3E8;
	s20 =	simm.s32 @!p2 $0xA  }
0xe8: {  	s19 =	sshll.u32 s20, $0x7  }
0xe9: {  	s19 =	simm.s32 @p1 $0x580;
	[tilespmem:$0x23B0] =	vst v0  }
0xea: {  	v0 =	vld [tilespmem:s19+$0x18C0];
	_ =	sdelay $0x4  }
0xeb: {  	[tilespmem:$0x23C0] =	vst v0  }
0xec: {  	v0 =	vld [tilespmem:s19+$0x18D0];
	_ =	sdelay $0x4  }
0xed: {  	[tilespmem:$0x23D0] =	vst v0  }
0xee: {  	v0 =	vld [tilespmem:s19+$0x18E0];
	_ =	sdelay $0x4  }
0xef: {  	[tilespmem:$0x23E0] =	vst v0  }
0xf0: {  	v0 =	vld [tilespmem:s19+$0x18F0];
	_ =	sdelay $0x4  }
0xf1: {  	[tilespmem:$0x23F0] =	vst v0  }
0xf2: {  	v0 =	vld [tilespmem:s19+$0x1900];
	_ =	sdelay $0x4  }
0xf3: {  	[tilespmem:$0x2400] =	vst v0  }
0xf4: {  	v0 =	vld [tilespmem:s19+$0x1910];
	_ =	sdelay $0x4  }
0xf5: {  	[tilespmem:$0x2410] =	vst v0  }
0xf6: {  	v0 =	vld [tilespmem:s19+$0x1920];
	_ =	sdelay $0x4  }
0xf7: {  	s20 =	sld [smem:$0xB];
	[tilespmem:$0x2420] =	vst v0  }
0xf8: {  	v0 =	vld [tilespmem:s19+$0x1930];
	_ =	sdelay $0x1  }
0xf9: {  	p2 =	slt.s32 s20, $0xA  }
0xfa: {  	p1 =	sgt.s32 s20, $0x3E8;
	s20 =	simm.s32 @!p2 $0xA  }
0xfb: {  	s19 =	sshll.u32 s20, $0x7  }
0xfc: {  	s19 =	simm.s32 @p1 $0x580;
	[tilespmem:$0x2430] =	vst v0  }
0xfd: {  	v0 =	vld [tilespmem:s19+$0x18C0];
	_ =	sdelay $0x4  }
0xfe: {  	[tilespmem:$0x2440] =	vst v0  }
0xff: {  	v0 =	vld [tilespmem:s19+$0x18D0];
	_ =	sdelay $0x4  }
0x100: {  	[tilespmem:$0x2450] =	vst v0  }
0x101: {  	v0 =	vld [tilespmem:s19+$0x18E0];
	_ =	sdelay $0x4  }
0x102: {  	[tilespmem:$0x2460] =	vst v0  }
0x103: {  	v0 =	vld [tilespmem:s19+$0x18F0];
	_ =	sdelay $0x4  }
0x104: {  	[tilespmem:$0x2470] =	vst v0  }
0x105: {  	v0 =	vld [tilespmem:s19+$0x1900];
	_ =	sdelay $0x4  }
0x106: {  	[tilespmem:$0x2480] =	vst v0  }
0x107: {  	v0 =	vld [tilespmem:s19+$0x1910];
	_ =	sdelay $0x4  }
0x108: {  	[tilespmem:$0x2490] =	vst v0  }
0x109: {  	v0 =	vld [tilespmem:s19+$0x1920];
	_ =	sdelay $0x4  }
0x10a: {  	s20 =	sld [smem:$0xC];
	[tilespmem:$0x24A0] =	vst v0  }
0x10b: {  	v0 =	vld [tilespmem:s19+$0x1930];
	_ =	sdelay $0x1  }
0x10c: {  	p2 =	slt.s32 s20, $0xA  }
0x10d: {  	p1 =	sgt.s32 s20, $0x3E8;
	s20 =	simm.s32 @!p2 $0xA  }
0x10e: {  	s19 =	sshll.u32 s20, $0x7  }
0x10f: {  	s19 =	simm.s32 @p1 $0x580;
	[tilespmem:$0x24B0] =	vst v0  }
0x110: {  	v0 =	vld [tilespmem:s19+$0x18C0];
	_ =	sdelay $0x4  }
0x111: {  	[tilespmem:$0x24C0] =	vst v0  }
0x112: {  	v0 =	vld [tilespmem:s19+$0x18D0];
	_ =	sdelay $0x4  }
0x113: {  	[tilespmem:$0x24D0] =	vst v0  }
0x114: {  	v0 =	vld [tilespmem:s19+$0x18E0];
	_ =	sdelay $0x4  }
0x115: {  	[tilespmem:$0x24E0] =	vst v0  }
0x116: {  	v0 =	vld [tilespmem:s19+$0x18F0];
	_ =	sdelay $0x4  }
0x117: {  	[tilespmem:$0x24F0] =	vst v0  }
0x118: {  	v0 =	vld [tilespmem:s19+$0x1900];
	_ =	sdelay $0x4  }
0x119: {  	[tilespmem:$0x2500] =	vst v0  }
0x11a: {  	v0 =	vld [tilespmem:s19+$0x1910];
	_ =	sdelay $0x4  }
0x11b: {  	[tilespmem:$0x2510] =	vst v0  }
0x11c: {  	v0 =	vld [tilespmem:s19+$0x1920];
	_ =	sdelay $0x4  }
0x11d: {  	s20 =	sld [smem:$0xD];
	[tilespmem:$0x2520] =	vst v0  }
0x11e: {  	v0 =	vld [tilespmem:s19+$0x1930];
	_ =	sdelay $0x1  }
0x11f: {  	p2 =	slt.s32 s20, $0xA  }
0x120: {  	p1 =	sgt.s32 s20, $0x3E8;
	s20 =	simm.s32 @!p2 $0xA  }
0x121: {  	s19 =	sshll.u32 s20, $0x7  }
0x122: {  	s19 =	simm.s32 @p1 $0x580;
	[tilespmem:$0x2530] =	vst v0  }
0x123: {  	v0 =	vld [tilespmem:s19+$0x18C0];
	_ =	sdelay $0x4  }
0x124: {  	[tilespmem:$0x2540] =	vst v0  }
0x125: {  	v0 =	vld [tilespmem:s19+$0x18D0];
	_ =	sdelay $0x4  }
0x126: {  	[tilespmem:$0x2550] =	vst v0  }
0x127: {  	v0 =	vld [tilespmem:s19+$0x18E0];
	_ =	sdelay $0x4  }
0x128: {  	[tilespmem:$0x2560] =	vst v0  }
0x129: {  	v0 =	vld [tilespmem:s19+$0x18F0];
	_ =	sdelay $0x4  }
0x12a: {  	[tilespmem:$0x2570] =	vst v0  }
0x12b: {  	v0 =	vld [tilespmem:s19+$0x1900];
	_ =	sdelay $0x4  }
0x12c: {  	[tilespmem:$0x2580] =	vst v0  }
0x12d: {  	v0 =	vld [tilespmem:s19+$0x1910];
	_ =	sdelay $0x4  }
0x12e: {  	[tilespmem:$0x2590] =	vst v0  }
0x12f: {  	v0 =	vld [tilespmem:s19+$0x1920];
	_ =	sdelay $0x4  }
0x130: {  	s20 =	sld [smem:$0xE];
	[tilespmem:$0x25A0] =	vst v0  }
0x131: {  	v0 =	vld [tilespmem:s19+$0x1930];
	_ =	sdelay $0x1  }
0x132: {  	p2 =	slt.s32 s20, $0xA  }
0x133: {  	p1 =	sgt.s32 s20, $0x3E8;
	s20 =	simm.s32 @!p2 $0xA  }
0x134: {  	s19 =	sshll.u32 s20, $0x7  }
0x135: {  	s19 =	simm.s32 @p1 $0x580;
	[tilespmem:$0x25B0] =	vst v0  }
0x136: {  	v0 =	vld [tilespmem:s19+$0x18C0];
	_ =	sdelay $0x4  }
0x137: {  	[tilespmem:$0x25C0] =	vst v0  }
0x138: {  	v0 =	vld [tilespmem:s19+$0x18D0];
	_ =	sdelay $0x4  }
0x139: {  	[tilespmem:$0x25D0] =	vst v0  }
0x13a: {  	v0 =	vld [tilespmem:s19+$0x18E0];
	_ =	sdelay $0x4  }
0x13b: {  	[tilespmem:$0x25E0] =	vst v0  }
0x13c: {  	v0 =	vld [tilespmem:s19+$0x18F0];
	_ =	sdelay $0x4  }
0x13d: {  	[tilespmem:$0x25F0] =	vst v0  }
0x13e: {  	v0 =	vld [tilespmem:s19+$0x1900];
	_ =	sdelay $0x4  }
0x13f: {  	[tilespmem:$0x2600] =	vst v0  }
0x140: {  	v0 =	vld [tilespmem:s19+$0x1910];
	_ =	sdelay $0x4  }
0x141: {  	[tilespmem:$0x2610] =	vst v0  }
0x142: {  	v0 =	vld [tilespmem:s19+$0x1920];
	_ =	sdelay $0x4  }
0x143: {  	s20 =	sld [smem:$0xF];
	[tilespmem:$0x2620] =	vst v0  }
0x144: {  	v0 =	vld [tilespmem:s19+$0x1930];
	_ =	sdelay $0x1  }
0x145: {  	p2 =	slt.s32 s20, $0xA  }
0x146: {  	p1 =	sgt.s32 s20, $0x3E8;
	s20 =	simm.s32 @!p2 $0xA  }
0x147: {  	s19 =	sshll.u32 s20, $0x7  }
0x148: {  	s19 =	simm.s32 @p1 $0x580;
	[tilespmem:$0x2630] =	vst v0  }
0x149: {  	v0 =	vld [tilespmem:s19+$0x18C0];
	_ =	sdelay $0x4  }
0x14a: {  	[tilespmem:$0x2640] =	vst v0  }
0x14b: {  	v0 =	vld [tilespmem:s19+$0x18D0];
	_ =	sdelay $0x4  }
0x14c: {  	[tilespmem:$0x2650] =	vst v0  }
0x14d: {  	v0 =	vld [tilespmem:s19+$0x18E0];
	_ =	sdelay $0x4  }
0x14e: {  	[tilespmem:$0x2660] =	vst v0  }
0x14f: {  	v0 =	vld [tilespmem:s19+$0x18F0];
	_ =	sdelay $0x4  }
0x150: {  	[tilespmem:$0x2670] =	vst v0  }
0x151: {  	v0 =	vld [tilespmem:s19+$0x1900];
	_ =	sdelay $0x4  }
0x152: {  	[tilespmem:$0x2680] =	vst v0  }
0x153: {  	v0 =	vld [tilespmem:s19+$0x1910];
	_ =	sdelay $0x4  }
0x154: {  	[tilespmem:$0x2690] =	vst v0  }
0x155: {  	v0 =	vld [tilespmem:s19+$0x1920];
	_ =	sdelay $0x4  }
0x156: {  	s20 =	sld [smem:$0x10];
	[tilespmem:$0x26A0] =	vst v0  }
0x157: {  	v0 =	vld [tilespmem:s19+$0x1930];
	_ =	sdelay $0x1  }
0x158: {  	p2 =	slt.s32 s20, $0xA  }
0x159: {  	p1 =	sgt.s32 s20, $0x3E8;
	s20 =	simm.s32 @!p2 $0xA  }
0x15a: {  	s19 =	sshll.u32 s20, $0x7  }
0x15b: {  	s19 =	simm.s32 @p1 $0x580;
	[tilespmem:$0x26B0] =	vst v0  }
0x15c: {  	v0 =	vld [tilespmem:s19+$0x18C0];
	_ =	sdelay $0x4  }
0x15d: {  	[tilespmem:$0x26C0] =	vst v0  }
0x15e: {  	v0 =	vld [tilespmem:s19+$0x18D0];
	_ =	sdelay $0x4  }
0x15f: {  	[tilespmem:$0x26D0] =	vst v0  }
0x160: {  	v0 =	vld [tilespmem:s19+$0x18E0];
	_ =	sdelay $0x4  }
0x161: {  	[tilespmem:$0x26E0] =	vst v0  }
0x162: {  	v0 =	vld [tilespmem:s19+$0x18F0];
	_ =	sdelay $0x4  }
0x163: {  	[tilespmem:$0x26F0] =	vst v0  }
0x164: {  	v0 =	vld [tilespmem:s19+$0x1900];
	_ =	sdelay $0x4  }
0x165: {  	[tilespmem:$0x2700] =	vst v0  }
0x166: {  	v0 =	vld [tilespmem:s19+$0x1910];
	_ =	sdelay $0x4  }
0x167: {  	[tilespmem:$0x2710] =	vst v0  }
0x168: {  	v0 =	vld [tilespmem:s19+$0x1920];
	_ =	sdelay $0x4  }
0x169: {  	s20 =	sld [smem:$0x11];
	[tilespmem:$0x2720] =	vst v0  }
0x16a: {  	v0 =	vld [tilespmem:s19+$0x1930];
	_ =	sdelay $0x1  }
0x16b: {  	p2 =	slt.s32 s20, $0xA  }
0x16c: {  	p1 =	sgt.s32 s20, $0x3E8;
	s20 =	simm.s32 @!p2 $0xA  }
0x16d: {  	s19 =	sshll.u32 s20, $0x7  }
0x16e: {  	s19 =	simm.s32 @p1 $0x580;
	[tilespmem:$0x2730] =	vst v0  }
0x16f: {  	v0 =	vld [tilespmem:s19+$0x18C0];
	_ =	sdelay $0x4  }
0x170: {  	[tilespmem:$0x2740] =	vst v0  }
0x171: {  	v0 =	vld [tilespmem:s19+$0x18D0];
	_ =	sdelay $0x4  }
0x172: {  	[tilespmem:$0x2750] =	vst v0  }
0x173: {  	v0 =	vld [tilespmem:s19+$0x18E0];
	_ =	sdelay $0x4  }
0x174: {  	[tilespmem:$0x2760] =	vst v0  }
0x175: {  	v0 =	vld [tilespmem:s19+$0x18F0];
	_ =	sdelay $0x4  }
0x176: {  	[tilespmem:$0x2770] =	vst v0  }
0x177: {  	v0 =	vld [tilespmem:s19+$0x1900];
	_ =	sdelay $0x4  }
0x178: {  	[tilespmem:$0x2780] =	vst v0  }
0x179: {  	v0 =	vld [tilespmem:s19+$0x1910];
	_ =	sdelay $0x4  }
0x17a: {  	[tilespmem:$0x2790] =	vst v0  }
0x17b: {  	v0 =	vld [tilespmem:s19+$0x1920];
	_ =	sdelay $0x4  }
0x17c: {  	s20 =	sld [smem:$0x12];
	[tilespmem:$0x27A0] =	vst v0  }
0x17d: {  	v0 =	vld [tilespmem:s19+$0x1930];
	_ =	sdelay $0x1  }
0x17e: {  	p2 =	slt.s32 s20, $0xA  }
0x17f: {  	p1 =	sgt.s32 s20, $0x3E8;
	s20 =	simm.s32 @!p2 $0xA  }
0x180: {  	s19 =	sshll.u32 s20, $0x7  }
0x181: {  	s19 =	simm.s32 @p1 $0x580;
	[tilespmem:$0x27B0] =	vst v0  }
0x182: {  	v0 =	vld [tilespmem:s19+$0x18C0];
	_ =	sdelay $0x4  }
0x183: {  	[tilespmem:$0x27C0] =	vst v0  }
0x184: {  	v0 =	vld [tilespmem:s19+$0x18D0];
	_ =	sdelay $0x4  }
0x185: {  	[tilespmem:$0x27D0] =	vst v0  }
0x186: {  	v0 =	vld [tilespmem:s19+$0x18E0];
	_ =	sdelay $0x4  }
0x187: {  	[tilespmem:$0x27E0] =	vst v0  }
0x188: {  	v0 =	vld [tilespmem:s19+$0x18F0];
	_ =	sdelay $0x4  }
0x189: {  	[tilespmem:$0x27F0] =	vst v0  }
0x18a: {  	v0 =	vld [tilespmem:s19+$0x1900];
	_ =	sdelay $0x4  }
0x18b: {  	[tilespmem:$0x2800] =	vst v0  }
0x18c: {  	v0 =	vld [tilespmem:s19+$0x1910];
	_ =	sdelay $0x4  }
0x18d: {  	[tilespmem:$0x2810] =	vst v0  }
0x18e: {  	v0 =	vld [tilespmem:s19+$0x1920];
	_ =	sdelay $0x4  }
0x18f: {  	s20 =	sld [smem:$0x13];
	[tilespmem:$0x2820] =	vst v0  }
0x190: {  	v0 =	vld [tilespmem:s19+$0x1930];
	_ =	sdelay $0x1  }
0x191: {  	p2 =	slt.s32 s20, $0xA  }
0x192: {  	p1 =	sgt.s32 s20, $0x3E8;
	s20 =	simm.s32 @!p2 $0xA  }
0x193: {  	s19 =	sshll.u32 s20, $0x7  }
0x194: {  	s19 =	simm.s32 @p1 $0x580;
	[tilespmem:$0x2830] =	vst v0  }
0x195: {  	v0 =	vld [tilespmem:s19+$0x18C0];
	_ =	sdelay $0x4  }
0x196: {  	[tilespmem:$0x2840] =	vst v0  }
0x197: {  	v0 =	vld [tilespmem:s19+$0x18D0];
	_ =	sdelay $0x4  }
0x198: {  	[tilespmem:$0x2850] =	vst v0  }
0x199: {  	v0 =	vld [tilespmem:s19+$0x18E0];
	_ =	sdelay $0x4  }
0x19a: {  	[tilespmem:$0x2860] =	vst v0  }
0x19b: {  	v0 =	vld [tilespmem:s19+$0x18F0];
	_ =	sdelay $0x4  }
0x19c: {  	[tilespmem:$0x2870] =	vst v0  }
0x19d: {  	v0 =	vld [tilespmem:s19+$0x1900];
	_ =	sdelay $0x4  }
0x19e: {  	[tilespmem:$0x2880] =	vst v0  }
0x19f: {  	v0 =	vld [tilespmem:s19+$0x1910];
	_ =	sdelay $0x4  }
0x1a0: {  	[tilespmem:$0x2890] =	vst v0  }
0x1a1: {  	v0 =	vld [tilespmem:s19+$0x1920];
	_ =	sdelay $0x4  }
0x1a2: {  	s20 =	sld [smem:$0x14];
	[tilespmem:$0x28A0] =	vst v0  }
0x1a3: {  	v0 =	vld [tilespmem:s19+$0x1930];
	_ =	sdelay $0x1  }
0x1a4: {  	p2 =	slt.s32 s20, $0xA  }
0x1a5: {  	p1 =	sgt.s32 s20, $0x3E8;
	s20 =	simm.s32 @!p2 $0xA  }
0x1a6: {  	s19 =	sshll.u32 s20, $0x7  }
0x1a7: {  	s19 =	simm.s32 @p1 $0x580;
	[tilespmem:$0x28B0] =	vst v0  }
0x1a8: {  	v0 =	vld [tilespmem:s19+$0x18C0];
	_ =	sdelay $0x4  }
0x1a9: {  	[tilespmem:$0x28C0] =	vst v0  }
0x1aa: {  	v0 =	vld [tilespmem:s19+$0x18D0];
	_ =	sdelay $0x4  }
0x1ab: {  	[tilespmem:$0x28D0] =	vst v0  }
0x1ac: {  	v0 =	vld [tilespmem:s19+$0x18E0];
	_ =	sdelay $0x4  }
0x1ad: {  	[tilespmem:$0x28E0] =	vst v0  }
0x1ae: {  	v0 =	vld [tilespmem:s19+$0x18F0];
	_ =	sdelay $0x4  }
0x1af: {  	[tilespmem:$0x28F0] =	vst v0  }
0x1b0: {  	v0 =	vld [tilespmem:s19+$0x1900];
	_ =	sdelay $0x4  }
0x1b1: {  	[tilespmem:$0x2900] =	vst v0  }
0x1b2: {  	v0 =	vld [tilespmem:s19+$0x1910];
	_ =	sdelay $0x4  }
0x1b3: {  	[tilespmem:$0x2910] =	vst v0  }
0x1b4: {  	v0 =	vld [tilespmem:s19+$0x1920];
	_ =	sdelay $0x4  }
0x1b5: {  	s20 =	sld [smem:$0x15];
	[tilespmem:$0x2920] =	vst v0  }
0x1b6: {  	v0 =	vld [tilespmem:s19+$0x1930];
	_ =	sdelay $0x1  }
0x1b7: {  	p2 =	slt.s32 s20, $0xA  }
0x1b8: {  	p1 =	sgt.s32 s20, $0x3E8;
	s20 =	simm.s32 @!p2 $0xA  }
0x1b9: {  	s19 =	sshll.u32 s20, $0x7  }
0x1ba: {  	s19 =	simm.s32 @p1 $0x580;
	[tilespmem:$0x2930] =	vst v0  }
0x1bb: {  	v0 =	vld [tilespmem:s19+$0x18C0];
	_ =	sdelay $0x4  }
0x1bc: {  	[tilespmem:$0x2940] =	vst v0  }
0x1bd: {  	v0 =	vld [tilespmem:s19+$0x18D0];
	_ =	sdelay $0x4  }
0x1be: {  	[tilespmem:$0x2950] =	vst v0  }
0x1bf: {  	v0 =	vld [tilespmem:s19+$0x18E0];
	_ =	sdelay $0x4  }
0x1c0: {  	[tilespmem:$0x2960] =	vst v0  }
0x1c1: {  	v0 =	vld [tilespmem:s19+$0x18F0];
	_ =	sdelay $0x4  }
0x1c2: {  	[tilespmem:$0x2970] =	vst v0  }
0x1c3: {  	v0 =	vld [tilespmem:s19+$0x1900];
	_ =	sdelay $0x4  }
0x1c4: {  	[tilespmem:$0x2980] =	vst v0  }
0x1c5: {  	v0 =	vld [tilespmem:s19+$0x1910];
	_ =	sdelay $0x4  }
0x1c6: {  	[tilespmem:$0x2990] =	vst v0  }
0x1c7: {  	v0 =	vld [tilespmem:s19+$0x1920];
	_ =	sdelay $0x4  }
0x1c8: {  	s20 =	sld [smem:$0x16];
	[tilespmem:$0x29A0] =	vst v0  }
0x1c9: {  	v0 =	vld [tilespmem:s19+$0x1930];
	_ =	sdelay $0x1  }
0x1ca: {  	p2 =	slt.s32 s20, $0xA  }
0x1cb: {  	p1 =	sgt.s32 s20, $0x3E8;
	s20 =	simm.s32 @!p2 $0xA  }
0x1cc: {  	s19 =	sshll.u32 s20, $0x7  }
0x1cd: {  	s19 =	simm.s32 @p1 $0x580;
	[tilespmem:$0x29B0] =	vst v0  }
0x1ce: {  	v0 =	vld [tilespmem:s19+$0x18C0];
	_ =	sdelay $0x4  }
0x1cf: {  	[tilespmem:$0x29C0] =	vst v0  }
0x1d0: {  	v0 =	vld [tilespmem:s19+$0x18D0];
	_ =	sdelay $0x4  }
0x1d1: {  	[tilespmem:$0x29D0] =	vst v0  }
0x1d2: {  	v0 =	vld [tilespmem:s19+$0x18E0];
	_ =	sdelay $0x4  }
0x1d3: {  	[tilespmem:$0x29E0] =	vst v0  }
0x1d4: {  	v0 =	vld [tilespmem:s19+$0x18F0];
	_ =	sdelay $0x4  }
0x1d5: {  	[tilespmem:$0x29F0] =	vst v0  }
0x1d6: {  	v0 =	vld [tilespmem:s19+$0x1900];
	_ =	sdelay $0x4  }
0x1d7: {  	[tilespmem:$0x2A00] =	vst v0  }
0x1d8: {  	v0 =	vld [tilespmem:s19+$0x1910];
	_ =	sdelay $0x4  }
0x1d9: {  	[tilespmem:$0x2A10] =	vst v0  }
0x1da: {  	v0 =	vld [tilespmem:s19+$0x1920];
	_ =	sdelay $0x4  }
0x1db: {  	s20 =	sld [smem:$0x17];
	[tilespmem:$0x2A20] =	vst v0  }
0x1dc: {  	v0 =	vld [tilespmem:s19+$0x1930];
	_ =	sdelay $0x1  }
0x1dd: {  	p2 =	slt.s32 s20, $0xA  }
0x1de: {  	p1 =	sgt.s32 s20, $0x3E8;
	s20 =	simm.s32 @!p2 $0xA  }
0x1df: {  	s19 =	sshll.u32 s20, $0x7  }
0x1e0: {  	s19 =	simm.s32 @p1 $0x580;
	[tilespmem:$0x2A30] =	vst v0  }
0x1e1: {  	v0 =	vld [tilespmem:s19+$0x18C0];
	_ =	sdelay $0x4  }
0x1e2: {  	[tilespmem:$0x2A40] =	vst v0  }
0x1e3: {  	v0 =	vld [tilespmem:s19+$0x18D0];
	_ =	sdelay $0x4  }
0x1e4: {  	[tilespmem:$0x2A50] =	vst v0  }
0x1e5: {  	v0 =	vld [tilespmem:s19+$0x18E0];
	_ =	sdelay $0x4  }
0x1e6: {  	[tilespmem:$0x2A60] =	vst v0  }
0x1e7: {  	v0 =	vld [tilespmem:s19+$0x18F0];
	_ =	sdelay $0x4  }
0x1e8: {  	[tilespmem:$0x2A70] =	vst v0  }
0x1e9: {  	v0 =	vld [tilespmem:s19+$0x1900];
	_ =	sdelay $0x4  }
0x1ea: {  	[tilespmem:$0x2A80] =	vst v0  }
0x1eb: {  	v0 =	vld [tilespmem:s19+$0x1910];
	_ =	sdelay $0x4  }
0x1ec: {  	[tilespmem:$0x2A90] =	vst v0  }
0x1ed: {  	v0 =	vld [tilespmem:s19+$0x1920];
	_ =	sdelay $0x4  }
0x1ee: {  	s20 =	sld [smem:$0x18];
	[tilespmem:$0x2AA0] =	vst v0  }
0x1ef: {  	v0 =	vld [tilespmem:s19+$0x1930];
	_ =	sdelay $0x1  }
0x1f0: {  	p2 =	slt.s32 s20, $0xA  }
0x1f1: {  	p1 =	sgt.s32 s20, $0x3E8;
	s20 =	simm.s32 @!p2 $0xA  }
0x1f2: {  	s19 =	sshll.u32 s20, $0x7  }
0x1f3: {  	s19 =	simm.s32 @p1 $0x580;
	[tilespmem:$0x2AB0] =	vst v0  }
0x1f4: {  	v0 =	vld [tilespmem:s19+$0x18C0];
	_ =	sdelay $0x4  }
0x1f5: {  	[tilespmem:$0x2AC0] =	vst v0  }
0x1f6: {  	v0 =	vld [tilespmem:s19+$0x18D0];
	_ =	sdelay $0x4  }
0x1f7: {  	[tilespmem:$0x2AD0] =	vst v0  }
0x1f8: {  	v0 =	vld [tilespmem:s19+$0x18E0];
	_ =	sdelay $0x4  }
0x1f9: {  	[tilespmem:$0x2AE0] =	vst v0  }
0x1fa: {  	v0 =	vld [tilespmem:s19+$0x18F0];
	_ =	sdelay $0x4  }
0x1fb: {  	[tilespmem:$0x2AF0] =	vst v0  }
0x1fc: {  	v0 =	vld [tilespmem:s19+$0x1900];
	_ =	sdelay $0x4  }
0x1fd: {  	[tilespmem:$0x2B00] =	vst v0  }
0x1fe: {  	v0 =	vld [tilespmem:s19+$0x1910];
	_ =	sdelay $0x4  }
0x1ff: {  	[tilespmem:$0x2B10] =	vst v0  }
0x200: {  	v0 =	vld [tilespmem:s19+$0x1920];
	_ =	sdelay $0x4  }
0x201: {  	s20 =	sld [smem:$0x19];
	[tilespmem:$0x2B20] =	vst v0  }
0x202: {  	v0 =	vld [tilespmem:s19+$0x1930];
	_ =	sdelay $0x1  }
0x203: {  	p2 =	slt.s32 s20, $0xA  }
0x204: {  	p1 =	sgt.s32 s20, $0x3E8;
	s20 =	simm.s32 @!p2 $0xA  }
0x205: {  	s19 =	sshll.u32 s20, $0x7  }
0x206: {  	s19 =	simm.s32 @p1 $0x580;
	[tilespmem:$0x2B30] =	vst v0  }
0x207: {  	v0 =	vld [tilespmem:s19+$0x18C0];
	_ =	sdelay $0x4  }
0x208: {  	[tilespmem:$0x2B40] =	vst v0  }
0x209: {  	v0 =	vld [tilespmem:s19+$0x18D0];
	_ =	sdelay $0x4  }
0x20a: {  	[tilespmem:$0x2B50] =	vst v0  }
0x20b: {  	v0 =	vld [tilespmem:s19+$0x18E0];
	_ =	sdelay $0x4  }
0x20c: {  	[tilespmem:$0x2B60] =	vst v0  }
0x20d: {  	v0 =	vld [tilespmem:s19+$0x18F0];
	_ =	sdelay $0x4  }
0x20e: {  	[tilespmem:$0x2B70] =	vst v0  }
0x20f: {  	v0 =	vld [tilespmem:s19+$0x1900];
	_ =	sdelay $0x4  }
0x210: {  	[tilespmem:$0x2B80] =	vst v0  }
0x211: {  	v0 =	vld [tilespmem:s19+$0x1910];
	_ =	sdelay $0x4  }
0x212: {  	[tilespmem:$0x2B90] =	vst v0  }
0x213: {  	v0 =	vld [tilespmem:s19+$0x1920];
	_ =	sdelay $0x4  }
0x214: {  	s20 =	sld [smem:$0x1A];
	[tilespmem:$0x2BA0] =	vst v0  }
0x215: {  	v0 =	vld [tilespmem:s19+$0x1930];
	_ =	sdelay $0x1  }
0x216: {  	p2 =	slt.s32 s20, $0xA  }
0x217: {  	p1 =	sgt.s32 s20, $0x3E8;
	s20 =	simm.s32 @!p2 $0xA  }
0x218: {  	s19 =	sshll.u32 s20, $0x7  }
0x219: {  	s19 =	simm.s32 @p1 $0x580;
	[tilespmem:$0x2BB0] =	vst v0  }
0x21a: {  	v0 =	vld [tilespmem:s19+$0x18C0];
	_ =	sdelay $0x4  }
0x21b: {  	[tilespmem:$0x2BC0] =	vst v0  }
0x21c: {  	v0 =	vld [tilespmem:s19+$0x18D0];
	_ =	sdelay $0x4  }
0x21d: {  	[tilespmem:$0x2BD0] =	vst v0  }
0x21e: {  	v0 =	vld [tilespmem:s19+$0x18E0];
	_ =	sdelay $0x4  }
0x21f: {  	[tilespmem:$0x2BE0] =	vst v0  }
0x220: {  	v0 =	vld [tilespmem:s19+$0x18F0];
	_ =	sdelay $0x4  }
0x221: {  	[tilespmem:$0x2BF0] =	vst v0  }
0x222: {  	v0 =	vld [tilespmem:s19+$0x1900];
	_ =	sdelay $0x4  }
0x223: {  	[tilespmem:$0x2C00] =	vst v0  }
0x224: {  	v0 =	vld [tilespmem:s19+$0x1910];
	_ =	sdelay $0x4  }
0x225: {  	[tilespmem:$0x2C10] =	vst v0  }
0x226: {  	v0 =	vld [tilespmem:s19+$0x1920];
	_ =	sdelay $0x4  }
0x227: {  	s20 =	sld [smem:$0x1B];
	[tilespmem:$0x2C20] =	vst v0  }
0x228: {  	v0 =	vld [tilespmem:s19+$0x1930];
	_ =	sdelay $0x1  }
0x229: {  	p2 =	slt.s32 s20, $0xA  }
0x22a: {  	p1 =	sgt.s32 s20, $0x3E8;
	s20 =	simm.s32 @!p2 $0xA  }
0x22b: {  	s19 =	sshll.u32 s20, $0x7  }
0x22c: {  	s19 =	simm.s32 @p1 $0x580;
	[tilespmem:$0x2C30] =	vst v0  }
0x22d: {  	v0 =	vld [tilespmem:s19+$0x18C0];
	_ =	sdelay $0x4  }
0x22e: {  	[tilespmem:$0x2C40] =	vst v0  }
0x22f: {  	v0 =	vld [tilespmem:s19+$0x18D0];
	_ =	sdelay $0x4  }
0x230: {  	[tilespmem:$0x2C50] =	vst v0  }
0x231: {  	v0 =	vld [tilespmem:s19+$0x18E0];
	_ =	sdelay $0x4  }
0x232: {  	[tilespmem:$0x2C60] =	vst v0  }
0x233: {  	v0 =	vld [tilespmem:s19+$0x18F0];
	_ =	sdelay $0x4  }
0x234: {  	[tilespmem:$0x2C70] =	vst v0  }
0x235: {  	v0 =	vld [tilespmem:s19+$0x1900];
	_ =	sdelay $0x4  }
0x236: {  	[tilespmem:$0x2C80] =	vst v0  }
0x237: {  	v0 =	vld [tilespmem:s19+$0x1910];
	_ =	sdelay $0x4  }
0x238: {  	[tilespmem:$0x2C90] =	vst v0  }
0x239: {  	v0 =	vld [tilespmem:s19+$0x1920];
	_ =	sdelay $0x4  }
0x23a: {  	s20 =	sld [smem:$0x1C];
	[tilespmem:$0x2CA0] =	vst v0  }
0x23b: {  	v0 =	vld [tilespmem:s19+$0x1930];
	_ =	sdelay $0x1  }
0x23c: {  	p2 =	slt.s32 s20, $0xA  }
0x23d: {  	p1 =	sgt.s32 s20, $0x3E8;
	s20 =	simm.s32 @!p2 $0xA  }
0x23e: {  	s19 =	sshll.u32 s20, $0x7  }
0x23f: {  	s19 =	simm.s32 @p1 $0x580;
	[tilespmem:$0x2CB0] =	vst v0  }
0x240: {  	v0 =	vld [tilespmem:s19+$0x18C0];
	_ =	sdelay $0x4  }
0x241: {  	[tilespmem:$0x2CC0] =	vst v0  }
0x242: {  	v0 =	vld [tilespmem:s19+$0x18D0];
	_ =	sdelay $0x4  }
0x243: {  	[tilespmem:$0x2CD0] =	vst v0  }
0x244: {  	v0 =	vld [tilespmem:s19+$0x18E0];
	_ =	sdelay $0x4  }
0x245: {  	[tilespmem:$0x2CE0] =	vst v0  }
0x246: {  	v0 =	vld [tilespmem:s19+$0x18F0];
	_ =	sdelay $0x4  }
0x247: {  	[tilespmem:$0x2CF0] =	vst v0  }
0x248: {  	v0 =	vld [tilespmem:s19+$0x1900];
	_ =	sdelay $0x4  }
0x249: {  	[tilespmem:$0x2D00] =	vst v0  }
0x24a: {  	v0 =	vld [tilespmem:s19+$0x1910];
	_ =	sdelay $0x4  }
0x24b: {  	[tilespmem:$0x2D10] =	vst v0  }
0x24c: {  	v0 =	vld [tilespmem:s19+$0x1920];
	_ =	sdelay $0x4  }
0x24d: {  	s20 =	sld [smem:$0x1D];
	[tilespmem:$0x2D20] =	vst v0  }
0x24e: {  	v0 =	vld [tilespmem:s19+$0x1930];
	_ =	sdelay $0x1  }
0x24f: {  	p2 =	slt.s32 s20, $0xA  }
0x250: {  	p1 =	sgt.s32 s20, $0x3E8;
	s20 =	simm.s32 @!p2 $0xA  }
0x251: {  	s19 =	sshll.u32 s20, $0x7  }
0x252: {  	s19 =	simm.s32 @p1 $0x580;
	[tilespmem:$0x2D30] =	vst v0  }
0x253: {  	v0 =	vld [tilespmem:s19+$0x18C0];
	_ =	sdelay $0x4  }
0x254: {  	[tilespmem:$0x2D40] =	vst v0  }
0x255: {  	v0 =	vld [tilespmem:s19+$0x18D0];
	_ =	sdelay $0x4  }
0x256: {  	[tilespmem:$0x2D50] =	vst v0  }
0x257: {  	v0 =	vld [tilespmem:s19+$0x18E0];
	_ =	sdelay $0x4  }
0x258: {  	[tilespmem:$0x2D60] =	vst v0  }
0x259: {  	v0 =	vld [tilespmem:s19+$0x18F0];
	_ =	sdelay $0x4  }
0x25a: {  	[tilespmem:$0x2D70] =	vst v0  }
0x25b: {  	v0 =	vld [tilespmem:s19+$0x1900];
	_ =	sdelay $0x4  }
0x25c: {  	[tilespmem:$0x2D80] =	vst v0  }
0x25d: {  	v0 =	vld [tilespmem:s19+$0x1910];
	_ =	sdelay $0x4  }
0x25e: {  	[tilespmem:$0x2D90] =	vst v0  }
0x25f: {  	v0 =	vld [tilespmem:s19+$0x1920];
	_ =	sdelay $0x4  }
0x260: {  	s20 =	sld [smem:$0x1E];
	[tilespmem:$0x2DA0] =	vst v0  }
0x261: {  	v0 =	vld [tilespmem:s19+$0x1930];
	_ =	sdelay $0x1  }
0x262: {  	p2 =	slt.s32 s20, $0xA  }
0x263: {  	p1 =	sgt.s32 s20, $0x3E8;
	s20 =	simm.s32 @!p2 $0xA  }
0x264: {  	s19 =	sshll.u32 s20, $0x7  }
0x265: {  	s19 =	simm.s32 @p1 $0x580;
	[tilespmem:$0x2DB0] =	vst v0  }
0x266: {  	v0 =	vld [tilespmem:s19+$0x18C0];
	_ =	sdelay $0x4  }
0x267: {  	[tilespmem:$0x2DC0] =	vst v0  }
0x268: {  	v0 =	vld [tilespmem:s19+$0x18D0];
	_ =	sdelay $0x4  }
0x269: {  	[tilespmem:$0x2DD0] =	vst v0  }
0x26a: {  	v0 =	vld [tilespmem:s19+$0x18E0];
	_ =	sdelay $0x4  }
0x26b: {  	[tilespmem:$0x2DE0] =	vst v0  }
0x26c: {  	v0 =	vld [tilespmem:s19+$0x18F0];
	_ =	sdelay $0x4  }
0x26d: {  	[tilespmem:$0x2DF0] =	vst v0  }
0x26e: {  	v0 =	vld [tilespmem:s19+$0x1900];
	_ =	sdelay $0x4  }
0x26f: {  	[tilespmem:$0x2E00] =	vst v0  }
0x270: {  	v0 =	vld [tilespmem:s19+$0x1910];
	_ =	sdelay $0x4  }
0x271: {  	[tilespmem:$0x2E10] =	vst v0  }
0x272: {  	v0 =	vld [tilespmem:s19+$0x1920];
	_ =	sdelay $0x4  }
0x273: {  	s20 =	sld [smem:$0x1F];
	[tilespmem:$0x2E20] =	vst v0  }
0x274: {  	v0 =	vld [tilespmem:s19+$0x1930];
	_ =	sdelay $0x1  }
0x275: {  	p2 =	slt.s32 s20, $0xA  }
0x276: {  	p1 =	sgt.s32 s20, $0x3E8;
	s20 =	simm.s32 @!p2 $0xA  }
0x277: {  	s19 =	sshll.u32 s20, $0x7  }
0x278: {  	s19 =	simm.s32 @p1 $0x580;
	[tilespmem:$0x2E30] =	vst v0  }
0x279: {  	v0 =	vld [tilespmem:s19+$0x18C0];
	_ =	sdelay $0x4  }
0x27a: {  	[tilespmem:$0x2E40] =	vst v0  }
0x27b: {  	v0 =	vld [tilespmem:s19+$0x18D0];
	_ =	sdelay $0x4  }
0x27c: {  	[tilespmem:$0x2E50] =	vst v0  }
0x27d: {  	v0 =	vld [tilespmem:s19+$0x18E0];
	_ =	sdelay $0x4  }
0x27e: {  	[tilespmem:$0x2E60] =	vst v0  }
0x27f: {  	v0 =	vld [tilespmem:s19+$0x18F0];
	_ =	sdelay $0x4  }
0x280: {  	[tilespmem:$0x2E70] =	vst v0  }
0x281: {  	v0 =	vld [tilespmem:s19+$0x1900];
	_ =	sdelay $0x4  }
0x282: {  	[tilespmem:$0x2E80] =	vst v0  }
0x283: {  	v0 =	vld [tilespmem:s19+$0x1910];
	_ =	sdelay $0x4  }
0x284: {  	[tilespmem:$0x2E90] =	vst v0  }
0x285: {  	v0 =	vld [tilespmem:s19+$0x1920];
	_ =	sdelay $0x4  }
0x286: {  	[tilespmem:$0x2EA0] =	vst v0  }
0x287: {  	v0 =	vld [tilespmem:s19+$0x1930];
	_ =	sdelay $0x4  }
0x288: {  	s30 =	rddreg [dreg:$0x6];
	[tilespmem:$0x2EB0] =	vst v0  }
0x289: {  	[hbm4b:s16+s3] =	stream.linear.scatter [tilespmem:s30], [sflag:$0x1], $0x1000, $0x38;
	[tilespmem:$0x3EC0] =	vst v63  }
0x28a: {  	_ =	swait.ge @!p0 [sflag:s18], $0x1000  }
0x28b: {  	[sflag:s18] =	ssyncset.done @!p0 $0x0  }
0x28c: {  	[sflag:s18] =	ssyncadd.s32 @!p0 $0xFFFFF000;
	p0 =	seq.s32 s17, $0x3000  }
0x28d: {  	_ =	swait.ge [sflag:s12], $0x20;
	s18 =	sshra.s32 @!p0 s17, $0x2  }
0x28e: {  	[sflag:s12] =	ssyncset.done $0x0;
	s18 =	sadd.s32 @!p0 s18, s5  }
0x28f: {  	s19 =	simm.s32 @!p0 $0x0;
	[sflag:s12] =	ssyncadd.s32 $0xFFFFFFE0;
	s18 =	sadd.s32 @!p0 $0x40, s18  }
0x290: {  	[smem:s19], [sflag:$0x2] =	stream.linear.gather @!p0 [spmem:s18], $0x20, $0x38;
	[tilespmem:$0x3EC0] =	vst v63  }
0x291: {  	s18 =	sld [smem:$0x80];
	_ =	sdelay $0x2  }
0x292: {  	p1 =	slt.s32 s18, $0xA  }
0x293: {  	p0 =	sgt.s32 s18, $0x3E8;
	s18 =	simm.s32 @!p1 $0xA  }
0x294: {  	s18 =	sshll.u32 s18, $0x7  }
0x295: {  	s18 =	simm.s32 @p0 $0x580  }
0x296: {  	v63 =	vld [tilespmem:s18+$0x18C0];
	_ =	sdelay $0x4  }
0x297: {  	[tilespmem:$0x2EC0] =	vst v63  }
0x298: {  	v0 =	vld [tilespmem:s18+$0x18D0];
	_ =	sdelay $0x4  }
0x299: {  	[tilespmem:$0x2ED0] =	vst v0  }
0x29a: {  	v0 =	vld [tilespmem:s18+$0x18E0];
	_ =	sdelay $0x4  }
0x29b: {  	[tilespmem:$0x2EE0] =	vst v0  }
0x29c: {  	v0 =	vld [tilespmem:s18+$0x18F0];
	_ =	sdelay $0x4  }
0x29d: {  	[tilespmem:$0x2EF0] =	vst v0  }
0x29e: {  	v0 =	vld [tilespmem:s18+$0x1900];
	_ =	sdelay $0x4  }
0x29f: {  	[tilespmem:$0x2F00] =	vst v0  }
0x2a0: {  	v0 =	vld [tilespmem:s18+$0x1910];
	_ =	sdelay $0x4  }
0x2a1: {  	[tilespmem:$0x2F10] =	vst v0  }
0x2a2: {  	v0 =	vld [tilespmem:s18+$0x1920];
	_ =	sdelay $0x4  }
0x2a3: {  	s19 =	sld [smem:$0x81];
	[tilespmem:$0x2F20] =	vst v0  }
0x2a4: {  	v0 =	vld [tilespmem:s18+$0x1930];
	_ =	sdelay $0x1  }
0x2a5: {  	p1 =	slt.s32 s19, $0xA  }
0x2a6: {  	p0 =	sgt.s32 s19, $0x3E8;
	s19 =	simm.s32 @!p1 $0xA  }
0x2a7: {  	s18 =	sshll.u32 s19, $0x7  }
0x2a8: {  	s18 =	simm.s32 @p0 $0x580;
	[tilespmem:$0x2F30] =	vst v0  }
0x2a9: {  	v0 =	vld [tilespmem:s18+$0x18C0];
	_ =	sdelay $0x4  }
0x2aa: {  	[tilespmem:$0x2F40] =	vst v0  }
0x2ab: {  	v0 =	vld [tilespmem:s18+$0x18D0];
	_ =	sdelay $0x4  }
0x2ac: {  	[tilespmem:$0x2F50] =	vst v0  }
0x2ad: {  	v0 =	vld [tilespmem:s18+$0x18E0];
	_ =	sdelay $0x4  }
0x2ae: {  	[tilespmem:$0x2F60] =	vst v0  }
0x2af: {  	v0 =	vld [tilespmem:s18+$0x18F0];
	_ =	sdelay $0x4  }
0x2b0: {  	[tilespmem:$0x2F70] =	vst v0  }
0x2b1: {  	v0 =	vld [tilespmem:s18+$0x1900];
	_ =	sdelay $0x4  }
0x2b2: {  	[tilespmem:$0x2F80] =	vst v0  }
0x2b3: {  	v0 =	vld [tilespmem:s18+$0x1910];
	_ =	sdelay $0x4  }
0x2b4: {  	[tilespmem:$0x2F90] =	vst v0  }
0x2b5: {  	v0 =	vld [tilespmem:s18+$0x1920];
	_ =	sdelay $0x4  }
0x2b6: {  	s19 =	sld [smem:$0x82];
	[tilespmem:$0x2FA0] =	vst v0  }
0x2b7: {  	v0 =	vld [tilespmem:s18+$0x1930];
	_ =	sdelay $0x1  }
0x2b8: {  	p1 =	slt.s32 s19, $0xA  }
0x2b9: {  	p0 =	sgt.s32 s19, $0x3E8;
	s19 =	simm.s32 @!p1 $0xA  }
0x2ba: {  	s18 =	sshll.u32 s19, $0x7  }
0x2bb: {  	s18 =	simm.s32 @p0 $0x580;
	[tilespmem:$0x2FB0] =	vst v0  }
0x2bc: {  	v0 =	vld [tilespmem:s18+$0x18C0];
	_ =	sdelay $0x4  }
0x2bd: {  	[tilespmem:$0x2FC0] =	vst v0  }
0x2be: {  	v0 =	vld [tilespmem:s18+$0x18D0];
	_ =	sdelay $0x4  }
0x2bf: {  	[tilespmem:$0x2FD0] =	vst v0  }
0x2c0: {  	v0 =	vld [tilespmem:s18+$0x18E0];
	_ =	sdelay $0x4  }
0x2c1: {  	[tilespmem:$0x2FE0] =	vst v0  }
0x2c2: {  	v0 =	vld [tilespmem:s18+$0x18F0];
	_ =	sdelay $0x4  }
0x2c3: {  	[tilespmem:$0x2FF0] =	vst v0  }
0x2c4: {  	v0 =	vld [tilespmem:s18+$0x1900];
	_ =	sdelay $0x4  }
0x2c5: {  	[tilespmem:$0x3000] =	vst v0  }
0x2c6: {  	v0 =	vld [tilespmem:s18+$0x1910];
	_ =	sdelay $0x4  }
0x2c7: {  	[tilespmem:$0x3010] =	vst v0  }
0x2c8: {  	v0 =	vld [tilespmem:s18+$0x1920];
	_ =	sdelay $0x4  }
0x2c9: {  	s19 =	sld [smem:$0x83];
	[tilespmem:$0x3020] =	vst v0  }
0x2ca: {  	v0 =	vld [tilespmem:s18+$0x1930];
	_ =	sdelay $0x1  }
0x2cb: {  	p1 =	slt.s32 s19, $0xA  }
0x2cc: {  	p0 =	sgt.s32 s19, $0x3E8;
	s19 =	simm.s32 @!p1 $0xA  }
0x2cd: {  	s18 =	sshll.u32 s19, $0x7  }
0x2ce: {  	s18 =	simm.s32 @p0 $0x580;
	[tilespmem:$0x3030] =	vst v0  }
0x2cf: {  	v0 =	vld [tilespmem:s18+$0x18C0];
	_ =	sdelay $0x4  }
0x2d0: {  	[tilespmem:$0x3040] =	vst v0  }
0x2d1: {  	v0 =	vld [tilespmem:s18+$0x18D0];
	_ =	sdelay $0x4  }
0x2d2: {  	[tilespmem:$0x3050] =	vst v0  }
0x2d3: {  	v0 =	vld [tilespmem:s18+$0x18E0];
	_ =	sdelay $0x4  }
0x2d4: {  	[tilespmem:$0x3060] =	vst v0  }
0x2d5: {  	v0 =	vld [tilespmem:s18+$0x18F0];
	_ =	sdelay $0x4  }
0x2d6: {  	[tilespmem:$0x3070] =	vst v0  }
0x2d7: {  	v0 =	vld [tilespmem:s18+$0x1900];
	_ =	sdelay $0x4  }
0x2d8: {  	[tilespmem:$0x3080] =	vst v0  }
0x2d9: {  	v0 =	vld [tilespmem:s18+$0x1910];
	_ =	sdelay $0x4  }
0x2da: {  	[tilespmem:$0x3090] =	vst v0  }
0x2db: {  	v0 =	vld [tilespmem:s18+$0x1920];
	_ =	sdelay $0x4  }
0x2dc: {  	s19 =	sld [smem:$0x84];
	[tilespmem:$0x30A0] =	vst v0  }
0x2dd: {  	v0 =	vld [tilespmem:s18+$0x1930];
	_ =	sdelay $0x1  }
0x2de: {  	p1 =	slt.s32 s19, $0xA  }
0x2df: {  	p0 =	sgt.s32 s19, $0x3E8;
	s19 =	simm.s32 @!p1 $0xA  }
0x2e0: {  	s18 =	sshll.u32 s19, $0x7  }
0x2e1: {  	s18 =	simm.s32 @p0 $0x580;
	[tilespmem:$0x30B0] =	vst v0  }
0x2e2: {  	v0 =	vld [tilespmem:s18+$0x18C0];
	_ =	sdelay $0x4  }
0x2e3: {  	[tilespmem:$0x30C0] =	vst v0  }
0x2e4: {  	v0 =	vld [tilespmem:s18+$0x18D0];
	_ =	sdelay $0x4  }
0x2e5: {  	[tilespmem:$0x30D0] =	vst v0  }
0x2e6: {  	v0 =	vld [tilespmem:s18+$0x18E0];
	_ =	sdelay $0x4  }
0x2e7: {  	[tilespmem:$0x30E0] =	vst v0  }
0x2e8: {  	v0 =	vld [tilespmem:s18+$0x18F0];
	_ =	sdelay $0x4  }
0x2e9: {  	[tilespmem:$0x30F0] =	vst v0  }
0x2ea: {  	v0 =	vld [tilespmem:s18+$0x1900];
	_ =	sdelay $0x4  }
0x2eb: {  	[tilespmem:$0x3100] =	vst v0  }
0x2ec: {  	v0 =	vld [tilespmem:s18+$0x1910];
	_ =	sdelay $0x4  }
0x2ed: {  	[tilespmem:$0x3110] =	vst v0  }
0x2ee: {  	v0 =	vld [tilespmem:s18+$0x1920];
	_ =	sdelay $0x4  }
0x2ef: {  	s19 =	sld [smem:$0x85];
	[tilespmem:$0x3120] =	vst v0  }
0x2f0: {  	v0 =	vld [tilespmem:s18+$0x1930];
	_ =	sdelay $0x1  }
0x2f1: {  	p1 =	slt.s32 s19, $0xA  }
0x2f2: {  	p0 =	sgt.s32 s19, $0x3E8;
	s19 =	simm.s32 @!p1 $0xA  }
0x2f3: {  	s18 =	sshll.u32 s19, $0x7  }
0x2f4: {  	s18 =	simm.s32 @p0 $0x580;
	[tilespmem:$0x3130] =	vst v0  }
0x2f5: {  	v0 =	vld [tilespmem:s18+$0x18C0];
	_ =	sdelay $0x4  }
0x2f6: {  	[tilespmem:$0x3140] =	vst v0  }
0x2f7: {  	v0 =	vld [tilespmem:s18+$0x18D0];
	_ =	sdelay $0x4  }
0x2f8: {  	[tilespmem:$0x3150] =	vst v0  }
0x2f9: {  	v0 =	vld [tilespmem:s18+$0x18E0];
	_ =	sdelay $0x4  }
0x2fa: {  	[tilespmem:$0x3160] =	vst v0  }
0x2fb: {  	v0 =	vld [tilespmem:s18+$0x18F0];
	_ =	sdelay $0x4  }
0x2fc: {  	[tilespmem:$0x3170] =	vst v0  }
0x2fd: {  	v0 =	vld [tilespmem:s18+$0x1900];
	_ =	sdelay $0x4  }
0x2fe: {  	[tilespmem:$0x3180] =	vst v0  }
0x2ff: {  	v0 =	vld [tilespmem:s18+$0x1910];
	_ =	sdelay $0x4  }
0x300: {  	[tilespmem:$0x3190] =	vst v0  }
0x301: {  	v0 =	vld [tilespmem:s18+$0x1920];
	_ =	sdelay $0x4  }
0x302: {  	s19 =	sld [smem:$0x86];
	[tilespmem:$0x31A0] =	vst v0  }
0x303: {  	v0 =	vld [tilespmem:s18+$0x1930];
	_ =	sdelay $0x1  }
0x304: {  	p1 =	slt.s32 s19, $0xA  }
0x305: {  	p0 =	sgt.s32 s19, $0x3E8;
	s19 =	simm.s32 @!p1 $0xA  }
0x306: {  	s18 =	sshll.u32 s19, $0x7  }
0x307: {  	s18 =	simm.s32 @p0 $0x580;
	[tilespmem:$0x31B0] =	vst v0  }
0x308: {  	v0 =	vld [tilespmem:s18+$0x18C0];
	_ =	sdelay $0x4  }
0x309: {  	[tilespmem:$0x31C0] =	vst v0  }
0x30a: {  	v0 =	vld [tilespmem:s18+$0x18D0];
	_ =	sdelay $0x4  }
0x30b: {  	[tilespmem:$0x31D0] =	vst v0  }
0x30c: {  	v0 =	vld [tilespmem:s18+$0x18E0];
	_ =	sdelay $0x4  }
0x30d: {  	[tilespmem:$0x31E0] =	vst v0  }
0x30e: {  	v0 =	vld [tilespmem:s18+$0x18F0];
	_ =	sdelay $0x4  }
0x30f: {  	[tilespmem:$0x31F0] =	vst v0  }
0x310: {  	v0 =	vld [tilespmem:s18+$0x1900];
	_ =	sdelay $0x4  }
0x311: {  	[tilespmem:$0x3200] =	vst v0  }
0x312: {  	v0 =	vld [tilespmem:s18+$0x1910];
	_ =	sdelay $0x4  }
0x313: {  	[tilespmem:$0x3210] =	vst v0  }
0x314: {  	v0 =	vld [tilespmem:s18+$0x1920];
	_ =	sdelay $0x4  }
0x315: {  	s19 =	sld [smem:$0x87];
	[tilespmem:$0x3220] =	vst v0  }
0x316: {  	v0 =	vld [tilespmem:s18+$0x1930];
	_ =	sdelay $0x1  }
0x317: {  	p1 =	slt.s32 s19, $0xA  }
0x318: {  	p0 =	sgt.s32 s19, $0x3E8;
	s19 =	simm.s32 @!p1 $0xA  }
0x319: {  	s18 =	sshll.u32 s19, $0x7  }
0x31a: {  	s18 =	simm.s32 @p0 $0x580;
	[tilespmem:$0x3230] =	vst v0  }
0x31b: {  	v0 =	vld [tilespmem:s18+$0x18C0];
	_ =	sdelay $0x4  }
0x31c: {  	[tilespmem:$0x3240] =	vst v0  }
0x31d: {  	v0 =	vld [tilespmem:s18+$0x18D0];
	_ =	sdelay $0x4  }
0x31e: {  	[tilespmem:$0x3250] =	vst v0  }
0x31f: {  	v0 =	vld [tilespmem:s18+$0x18E0];
	_ =	sdelay $0x4  }
0x320: {  	[tilespmem:$0x3260] =	vst v0  }
0x321: {  	v0 =	vld [tilespmem:s18+$0x18F0];
	_ =	sdelay $0x4  }
0x322: {  	[tilespmem:$0x3270] =	vst v0  }
0x323: {  	v0 =	vld [tilespmem:s18+$0x1900];
	_ =	sdelay $0x4  }
0x324: {  	[tilespmem:$0x3280] =	vst v0  }
0x325: {  	v0 =	vld [tilespmem:s18+$0x1910];
	_ =	sdelay $0x4  }
0x326: {  	[tilespmem:$0x3290] =	vst v0  }
0x327: {  	v0 =	vld [tilespmem:s18+$0x1920];
	_ =	sdelay $0x4  }
0x328: {  	s19 =	sld [smem:$0x88];
	[tilespmem:$0x32A0] =	vst v0  }
0x329: {  	v0 =	vld [tilespmem:s18+$0x1930];
	_ =	sdelay $0x1  }
0x32a: {  	p1 =	slt.s32 s19, $0xA  }
0x32b: {  	p0 =	sgt.s32 s19, $0x3E8;
	s19 =	simm.s32 @!p1 $0xA  }
0x32c: {  	s18 =	sshll.u32 s19, $0x7  }
0x32d: {  	s18 =	simm.s32 @p0 $0x580;
	[tilespmem:$0x32B0] =	vst v0  }
0x32e: {  	v0 =	vld [tilespmem:s18+$0x18C0];
	_ =	sdelay $0x4  }
0x32f: {  	[tilespmem:$0x32C0] =	vst v0  }
0x330: {  	v0 =	vld [tilespmem:s18+$0x18D0];
	_ =	sdelay $0x4  }
0x331: {  	[tilespmem:$0x32D0] =	vst v0  }
0x332: {  	v0 =	vld [tilespmem:s18+$0x18E0];
	_ =	sdelay $0x4  }
0x333: {  	[tilespmem:$0x32E0] =	vst v0  }
0x334: {  	v0 =	vld [tilespmem:s18+$0x18F0];
	_ =	sdelay $0x4  }
0x335: {  	[tilespmem:$0x32F0] =	vst v0  }
0x336: {  	v0 =	vld [tilespmem:s18+$0x1900];
	_ =	sdelay $0x4  }
0x337: {  	[tilespmem:$0x3300] =	vst v0  }
0x338: {  	v0 =	vld [tilespmem:s18+$0x1910];
	_ =	sdelay $0x4  }
0x339: {  	[tilespmem:$0x3310] =	vst v0  }
0x33a: {  	v0 =	vld [tilespmem:s18+$0x1920];
	_ =	sdelay $0x4  }
0x33b: {  	s19 =	sld [smem:$0x89];
	[tilespmem:$0x3320] =	vst v0  }
0x33c: {  	v0 =	vld [tilespmem:s18+$0x1930];
	_ =	sdelay $0x1  }
0x33d: {  	p1 =	slt.s32 s19, $0xA  }
0x33e: {  	p0 =	sgt.s32 s19, $0x3E8;
	s19 =	simm.s32 @!p1 $0xA  }
0x33f: {  	s18 =	sshll.u32 s19, $0x7  }
0x340: {  	s18 =	simm.s32 @p0 $0x580;
	[tilespmem:$0x3330] =	vst v0  }
0x341: {  	v0 =	vld [tilespmem:s18+$0x18C0];
	_ =	sdelay $0x4  }
0x342: {  	[tilespmem:$0x3340] =	vst v0  }
0x343: {  	v0 =	vld [tilespmem:s18+$0x18D0];
	_ =	sdelay $0x4  }
0x344: {  	[tilespmem:$0x3350] =	vst v0  }
0x345: {  	v0 =	vld [tilespmem:s18+$0x18E0];
	_ =	sdelay $0x4  }
0x346: {  	[tilespmem:$0x3360] =	vst v0  }
0x347: {  	v0 =	vld [tilespmem:s18+$0x18F0];
	_ =	sdelay $0x4  }
0x348: {  	[tilespmem:$0x3370] =	vst v0  }
0x349: {  	v0 =	vld [tilespmem:s18+$0x1900];
	_ =	sdelay $0x4  }
0x34a: {  	[tilespmem:$0x3380] =	vst v0  }
0x34b: {  	v0 =	vld [tilespmem:s18+$0x1910];
	_ =	sdelay $0x4  }
0x34c: {  	[tilespmem:$0x3390] =	vst v0  }
0x34d: {  	v0 =	vld [tilespmem:s18+$0x1920];
	_ =	sdelay $0x4  }
0x34e: {  	s19 =	sld [smem:$0x8A];
	[tilespmem:$0x33A0] =	vst v0  }
0x34f: {  	v0 =	vld [tilespmem:s18+$0x1930];
	_ =	sdelay $0x1  }
0x350: {  	p1 =	slt.s32 s19, $0xA  }
0x351: {  	p0 =	sgt.s32 s19, $0x3E8;
	s19 =	simm.s32 @!p1 $0xA  }
0x352: {  	s18 =	sshll.u32 s19, $0x7  }
0x353: {  	s18 =	simm.s32 @p0 $0x580;
	[tilespmem:$0x33B0] =	vst v0  }
0x354: {  	v0 =	vld [tilespmem:s18+$0x18C0];
	_ =	sdelay $0x4  }
0x355: {  	[tilespmem:$0x33C0] =	vst v0  }
0x356: {  	v0 =	vld [tilespmem:s18+$0x18D0];
	_ =	sdelay $0x4  }
0x357: {  	[tilespmem:$0x33D0] =	vst v0  }
0x358: {  	v0 =	vld [tilespmem:s18+$0x18E0];
	_ =	sdelay $0x4  }
0x359: {  	[tilespmem:$0x33E0] =	vst v0  }
0x35a: {  	v0 =	vld [tilespmem:s18+$0x18F0];
	_ =	sdelay $0x4  }
0x35b: {  	[tilespmem:$0x33F0] =	vst v0  }
0x35c: {  	v0 =	vld [tilespmem:s18+$0x1900];
	_ =	sdelay $0x4  }
0x35d: {  	[tilespmem:$0x3400] =	vst v0  }
0x35e: {  	v0 =	vld [tilespmem:s18+$0x1910];
	_ =	sdelay $0x4  }
0x35f: {  	[tilespmem:$0x3410] =	vst v0  }
0x360: {  	v0 =	vld [tilespmem:s18+$0x1920];
	_ =	sdelay $0x4  }
0x361: {  	s19 =	sld [smem:$0x8B];
	[tilespmem:$0x3420] =	vst v0  }
0x362: {  	v0 =	vld [tilespmem:s18+$0x1930];
	_ =	sdelay $0x1  }
0x363: {  	p1 =	slt.s32 s19, $0xA  }
0x364: {  	p0 =	sgt.s32 s19, $0x3E8;
	s19 =	simm.s32 @!p1 $0xA  }
0x365: {  	s18 =	sshll.u32 s19, $0x7  }
0x366: {  	s18 =	simm.s32 @p0 $0x580;
	[tilespmem:$0x3430] =	vst v0  }
0x367: {  	v0 =	vld [tilespmem:s18+$0x18C0];
	_ =	sdelay $0x4  }
0x368: {  	[tilespmem:$0x3440] =	vst v0  }
0x369: {  	v0 =	vld [tilespmem:s18+$0x18D0];
	_ =	sdelay $0x4  }
0x36a: {  	[tilespmem:$0x3450] =	vst v0  }
0x36b: {  	v0 =	vld [tilespmem:s18+$0x18E0];
	_ =	sdelay $0x4  }
0x36c: {  	[tilespmem:$0x3460] =	vst v0  }
0x36d: {  	v0 =	vld [tilespmem:s18+$0x18F0];
	_ =	sdelay $0x4  }
0x36e: {  	[tilespmem:$0x3470] =	vst v0  }
0x36f: {  	v0 =	vld [tilespmem:s18+$0x1900];
	_ =	sdelay $0x4  }
0x370: {  	[tilespmem:$0x3480] =	vst v0  }
0x371: {  	v0 =	vld [tilespmem:s18+$0x1910];
	_ =	sdelay $0x4  }
0x372: {  	[tilespmem:$0x3490] =	vst v0  }
0x373: {  	v0 =	vld [tilespmem:s18+$0x1920];
	_ =	sdelay $0x4  }
0x374: {  	s19 =	sld [smem:$0x8C];
	[tilespmem:$0x34A0] =	vst v0  }
0x375: {  	v0 =	vld [tilespmem:s18+$0x1930];
	_ =	sdelay $0x1  }
0x376: {  	p1 =	slt.s32 s19, $0xA  }
0x377: {  	p0 =	sgt.s32 s19, $0x3E8;
	s19 =	simm.s32 @!p1 $0xA  }
0x378: {  	s18 =	sshll.u32 s19, $0x7  }
0x379: {  	s18 =	simm.s32 @p0 $0x580;
	[tilespmem:$0x34B0] =	vst v0  }
0x37a: {  	v0 =	vld [tilespmem:s18+$0x18C0];
	_ =	sdelay $0x4  }
0x37b: {  	[tilespmem:$0x34C0] =	vst v0  }
0x37c: {  	v0 =	vld [tilespmem:s18+$0x18D0];
	_ =	sdelay $0x4  }
0x37d: {  	[tilespmem:$0x34D0] =	vst v0  }
0x37e: {  	v0 =	vld [tilespmem:s18+$0x18E0];
	_ =	sdelay $0x4  }
0x37f: {  	[tilespmem:$0x34E0] =	vst v0  }
0x380: {  	v0 =	vld [tilespmem:s18+$0x18F0];
	_ =	sdelay $0x4  }
0x381: {  	[tilespmem:$0x34F0] =	vst v0  }
0x382: {  	v0 =	vld [tilespmem:s18+$0x1900];
	_ =	sdelay $0x4  }
0x383: {  	[tilespmem:$0x3500] =	vst v0  }
0x384: {  	v0 =	vld [tilespmem:s18+$0x1910];
	_ =	sdelay $0x4  }
0x385: {  	[tilespmem:$0x3510] =	vst v0  }
0x386: {  	v0 =	vld [tilespmem:s18+$0x1920];
	_ =	sdelay $0x4  }
0x387: {  	s19 =	sld [smem:$0x8D];
	[tilespmem:$0x3520] =	vst v0  }
0x388: {  	v0 =	vld [tilespmem:s18+$0x1930];
	_ =	sdelay $0x1  }
0x389: {  	p1 =	slt.s32 s19, $0xA  }
0x38a: {  	p0 =	sgt.s32 s19, $0x3E8;
	s19 =	simm.s32 @!p1 $0xA  }
0x38b: {  	s18 =	sshll.u32 s19, $0x7  }
0x38c: {  	s18 =	simm.s32 @p0 $0x580;
	[tilespmem:$0x3530] =	vst v0  }
0x38d: {  	v0 =	vld [tilespmem:s18+$0x18C0];
	_ =	sdelay $0x4  }
0x38e: {  	[tilespmem:$0x3540] =	vst v0  }
0x38f: {  	v0 =	vld [tilespmem:s18+$0x18D0];
	_ =	sdelay $0x4  }
0x390: {  	[tilespmem:$0x3550] =	vst v0  }
0x391: {  	v0 =	vld [tilespmem:s18+$0x18E0];
	_ =	sdelay $0x4  }
0x392: {  	[tilespmem:$0x3560] =	vst v0  }
0x393: {  	v0 =	vld [tilespmem:s18+$0x18F0];
	_ =	sdelay $0x4  }
0x394: {  	[tilespmem:$0x3570] =	vst v0  }
0x395: {  	v0 =	vld [tilespmem:s18+$0x1900];
	_ =	sdelay $0x4  }
0x396: {  	[tilespmem:$0x3580] =	vst v0  }
0x397: {  	v0 =	vld [tilespmem:s18+$0x1910];
	_ =	sdelay $0x4  }
0x398: {  	[tilespmem:$0x3590] =	vst v0  }
0x399: {  	v0 =	vld [tilespmem:s18+$0x1920];
	_ =	sdelay $0x4  }
0x39a: {  	s19 =	sld [smem:$0x8E];
	[tilespmem:$0x35A0] =	vst v0  }
0x39b: {  	v0 =	vld [tilespmem:s18+$0x1930];
	_ =	sdelay $0x1  }
0x39c: {  	p1 =	slt.s32 s19, $0xA  }
0x39d: {  	p0 =	sgt.s32 s19, $0x3E8;
	s19 =	simm.s32 @!p1 $0xA  }
0x39e: {  	s18 =	sshll.u32 s19, $0x7  }
0x39f: {  	s18 =	simm.s32 @p0 $0x580;
	[tilespmem:$0x35B0] =	vst v0  }
0x3a0: {  	v0 =	vld [tilespmem:s18+$0x18C0];
	_ =	sdelay $0x4  }
0x3a1: {  	[tilespmem:$0x35C0] =	vst v0  }
0x3a2: {  	v0 =	vld [tilespmem:s18+$0x18D0];
	_ =	sdelay $0x4  }
0x3a3: {  	[tilespmem:$0x35D0] =	vst v0  }
0x3a4: {  	v0 =	vld [tilespmem:s18+$0x18E0];
	_ =	sdelay $0x4  }
0x3a5: {  	[tilespmem:$0x35E0] =	vst v0  }
0x3a6: {  	v0 =	vld [tilespmem:s18+$0x18F0];
	_ =	sdelay $0x4  }
0x3a7: {  	[tilespmem:$0x35F0] =	vst v0  }
0x3a8: {  	v0 =	vld [tilespmem:s18+$0x1900];
	_ =	sdelay $0x4  }
0x3a9: {  	[tilespmem:$0x3600] =	vst v0  }
0x3aa: {  	v0 =	vld [tilespmem:s18+$0x1910];
	_ =	sdelay $0x4  }
0x3ab: {  	[tilespmem:$0x3610] =	vst v0  }
0x3ac: {  	v0 =	vld [tilespmem:s18+$0x1920];
	_ =	sdelay $0x4  }
0x3ad: {  	s19 =	sld [smem:$0x8F];
	[tilespmem:$0x3620] =	vst v0  }
0x3ae: {  	v0 =	vld [tilespmem:s18+$0x1930];
	_ =	sdelay $0x1  }
0x3af: {  	p1 =	slt.s32 s19, $0xA  }
0x3b0: {  	p0 =	sgt.s32 s19, $0x3E8;
	s19 =	simm.s32 @!p1 $0xA  }
0x3b1: {  	s18 =	sshll.u32 s19, $0x7  }
0x3b2: {  	s18 =	simm.s32 @p0 $0x580;
	[tilespmem:$0x3630] =	vst v0  }
0x3b3: {  	v0 =	vld [tilespmem:s18+$0x18C0];
	_ =	sdelay $0x4  }
0x3b4: {  	[tilespmem:$0x3640] =	vst v0  }
0x3b5: {  	v0 =	vld [tilespmem:s18+$0x18D0];
	_ =	sdelay $0x4  }
0x3b6: {  	[tilespmem:$0x3650] =	vst v0  }
0x3b7: {  	v0 =	vld [tilespmem:s18+$0x18E0];
	_ =	sdelay $0x4  }
0x3b8: {  	[tilespmem:$0x3660] =	vst v0  }
0x3b9: {  	v0 =	vld [tilespmem:s18+$0x18F0];
	_ =	sdelay $0x4  }
0x3ba: {  	[tilespmem:$0x3670] =	vst v0  }
0x3bb: {  	v0 =	vld [tilespmem:s18+$0x1900];
	_ =	sdelay $0x4  }
0x3bc: {  	[tilespmem:$0x3680] =	vst v0  }
0x3bd: {  	v0 =	vld [tilespmem:s18+$0x1910];
	_ =	sdelay $0x4  }
0x3be: {  	[tilespmem:$0x3690] =	vst v0  }
0x3bf: {  	v0 =	vld [tilespmem:s18+$0x1920];
	_ =	sdelay $0x4  }
0x3c0: {  	s19 =	sld [smem:$0x90];
	[tilespmem:$0x36A0] =	vst v0  }
0x3c1: {  	v0 =	vld [tilespmem:s18+$0x1930];
	_ =	sdelay $0x1  }
0x3c2: {  	p1 =	slt.s32 s19, $0xA  }
0x3c3: {  	p0 =	sgt.s32 s19, $0x3E8;
	s19 =	simm.s32 @!p1 $0xA  }
0x3c4: {  	s18 =	sshll.u32 s19, $0x7  }
0x3c5: {  	s18 =	simm.s32 @p0 $0x580;
	[tilespmem:$0x36B0] =	vst v0  }
0x3c6: {  	v0 =	vld [tilespmem:s18+$0x18C0];
	_ =	sdelay $0x4  }
0x3c7: {  	[tilespmem:$0x36C0] =	vst v0  }
0x3c8: {  	v0 =	vld [tilespmem:s18+$0x18D0];
	_ =	sdelay $0x4  }
0x3c9: {  	[tilespmem:$0x36D0] =	vst v0  }
0x3ca: {  	v0 =	vld [tilespmem:s18+$0x18E0];
	_ =	sdelay $0x4  }
0x3cb: {  	[tilespmem:$0x36E0] =	vst v0  }
0x3cc: {  	v0 =	vld [tilespmem:s18+$0x18F0];
	_ =	sdelay $0x4  }
0x3cd: {  	[tilespmem:$0x36F0] =	vst v0  }
0x3ce: {  	v0 =	vld [tilespmem:s18+$0x1900];
	_ =	sdelay $0x4  }
0x3cf: {  	[tilespmem:$0x3700] =	vst v0  }
0x3d0: {  	v0 =	vld [tilespmem:s18+$0x1910];
	_ =	sdelay $0x4  }
0x3d1: {  	[tilespmem:$0x3710] =	vst v0  }
0x3d2: {  	v0 =	vld [tilespmem:s18+$0x1920];
	_ =	sdelay $0x4  }
0x3d3: {  	s19 =	sld [smem:$0x91];
	[tilespmem:$0x3720] =	vst v0  }
0x3d4: {  	v0 =	vld [tilespmem:s18+$0x1930];
	_ =	sdelay $0x1  }
0x3d5: {  	p1 =	slt.s32 s19, $0xA  }
0x3d6: {  	p0 =	sgt.s32 s19, $0x3E8;
	s19 =	simm.s32 @!p1 $0xA  }
0x3d7: {  	s18 =	sshll.u32 s19, $0x7  }
0x3d8: {  	s18 =	simm.s32 @p0 $0x580;
	[tilespmem:$0x3730] =	vst v0  }
0x3d9: {  	v0 =	vld [tilespmem:s18+$0x18C0];
	_ =	sdelay $0x4  }
0x3da: {  	[tilespmem:$0x3740] =	vst v0  }
0x3db: {  	v0 =	vld [tilespmem:s18+$0x18D0];
	_ =	sdelay $0x4  }
0x3dc: {  	[tilespmem:$0x3750] =	vst v0  }
0x3dd: {  	v0 =	vld [tilespmem:s18+$0x18E0];
	_ =	sdelay $0x4  }
0x3de: {  	[tilespmem:$0x3760] =	vst v0  }
0x3df: {  	v0 =	vld [tilespmem:s18+$0x18F0];
	_ =	sdelay $0x4  }
0x3e0: {  	[tilespmem:$0x3770] =	vst v0  }
0x3e1: {  	v0 =	vld [tilespmem:s18+$0x1900];
	_ =	sdelay $0x4  }
0x3e2: {  	[tilespmem:$0x3780] =	vst v0  }
0x3e3: {  	v0 =	vld [tilespmem:s18+$0x1910];
	_ =	sdelay $0x4  }
0x3e4: {  	[tilespmem:$0x3790] =	vst v0  }
0x3e5: {  	v0 =	vld [tilespmem:s18+$0x1920];
	_ =	sdelay $0x4  }
0x3e6: {  	s19 =	sld [smem:$0x92];
	[tilespmem:$0x37A0] =	vst v0  }
0x3e7: {  	v0 =	vld [tilespmem:s18+$0x1930];
	_ =	sdelay $0x1  }
0x3e8: {  	p1 =	slt.s32 s19, $0xA  }
0x3e9: {  	p0 =	sgt.s32 s19, $0x3E8;
	s19 =	simm.s32 @!p1 $0xA  }
0x3ea: {  	s18 =	sshll.u32 s19, $0x7  }
0x3eb: {  	s18 =	simm.s32 @p0 $0x580;
	[tilespmem:$0x37B0] =	vst v0  }
0x3ec: {  	v0 =	vld [tilespmem:s18+$0x18C0];
	_ =	sdelay $0x4  }
0x3ed: {  	[tilespmem:$0x37C0] =	vst v0  }
0x3ee: {  	v0 =	vld [tilespmem:s18+$0x18D0];
	_ =	sdelay $0x4  }
0x3ef: {  	[tilespmem:$0x37D0] =	vst v0  }
0x3f0: {  	v0 =	vld [tilespmem:s18+$0x18E0];
	_ =	sdelay $0x4  }
0x3f1: {  	[tilespmem:$0x37E0] =	vst v0  }
0x3f2: {  	v0 =	vld [tilespmem:s18+$0x18F0];
	_ =	sdelay $0x4  }
0x3f3: {  	[tilespmem:$0x37F0] =	vst v0  }
0x3f4: {  	v0 =	vld [tilespmem:s18+$0x1900];
	_ =	sdelay $0x4  }
0x3f5: {  	[tilespmem:$0x3800] =	vst v0  }
0x3f6: {  	v0 =	vld [tilespmem:s18+$0x1910];
	_ =	sdelay $0x4  }
0x3f7: {  	[tilespmem:$0x3810] =	vst v0  }
0x3f8: {  	v0 =	vld [tilespmem:s18+$0x1920];
	_ =	sdelay $0x4  }
0x3f9: {  	s19 =	sld [smem:$0x93];
	[tilespmem:$0x3820] =	vst v0  }
0x3fa: {  	v0 =	vld [tilespmem:s18+$0x1930];
	_ =	sdelay $0x1  }
0x3fb: {  	p1 =	slt.s32 s19, $0xA  }
0x3fc: {  	p0 =	sgt.s32 s19, $0x3E8;
	s19 =	simm.s32 @!p1 $0xA  }
0x3fd: {  	s18 =	sshll.u32 s19, $0x7  }
0x3fe: {  	s18 =	simm.s32 @p0 $0x580;
	[tilespmem:$0x3830] =	vst v0  }
0x3ff: {  	v0 =	vld [tilespmem:s18+$0x18C0];
	_ =	sdelay $0x4  }
0x400: {  	[tilespmem:$0x3840] =	vst v0  }
0x401: {  	v0 =	vld [tilespmem:s18+$0x18D0];
	_ =	sdelay $0x4  }
0x402: {  	[tilespmem:$0x3850] =	vst v0  }
0x403: {  	v0 =	vld [tilespmem:s18+$0x18E0];
	_ =	sdelay $0x4  }
0x404: {  	[tilespmem:$0x3860] =	vst v0  }
0x405: {  	v0 =	vld [tilespmem:s18+$0x18F0];
	_ =	sdelay $0x4  }
0x406: {  	[tilespmem:$0x3870] =	vst v0  }
0x407: {  	v0 =	vld [tilespmem:s18+$0x1900];
	_ =	sdelay $0x4  }
0x408: {  	[tilespmem:$0x3880] =	vst v0  }
0x409: {  	v0 =	vld [tilespmem:s18+$0x1910];
	_ =	sdelay $0x4  }
0x40a: {  	[tilespmem:$0x3890] =	vst v0  }
0x40b: {  	v0 =	vld [tilespmem:s18+$0x1920];
	_ =	sdelay $0x4  }
0x40c: {  	s19 =	sld [smem:$0x94];
	[tilespmem:$0x38A0] =	vst v0  }
0x40d: {  	v0 =	vld [tilespmem:s18+$0x1930];
	_ =	sdelay $0x1  }
0x40e: {  	p1 =	slt.s32 s19, $0xA  }
0x40f: {  	p0 =	sgt.s32 s19, $0x3E8;
	s19 =	simm.s32 @!p1 $0xA  }
0x410: {  	s18 =	sshll.u32 s19, $0x7  }
0x411: {  	s18 =	simm.s32 @p0 $0x580;
	[tilespmem:$0x38B0] =	vst v0  }
0x412: {  	v0 =	vld [tilespmem:s18+$0x18C0];
	_ =	sdelay $0x4  }
0x413: {  	[tilespmem:$0x38C0] =	vst v0  }
0x414: {  	v0 =	vld [tilespmem:s18+$0x18D0];
	_ =	sdelay $0x4  }
0x415: {  	[tilespmem:$0x38D0] =	vst v0  }
0x416: {  	v0 =	vld [tilespmem:s18+$0x18E0];
	_ =	sdelay $0x4  }
0x417: {  	[tilespmem:$0x38E0] =	vst v0  }
0x418: {  	v0 =	vld [tilespmem:s18+$0x18F0];
	_ =	sdelay $0x4  }
0x419: {  	[tilespmem:$0x38F0] =	vst v0  }
0x41a: {  	v0 =	vld [tilespmem:s18+$0x1900];
	_ =	sdelay $0x4  }
0x41b: {  	[tilespmem:$0x3900] =	vst v0  }
0x41c: {  	v0 =	vld [tilespmem:s18+$0x1910];
	_ =	sdelay $0x4  }
0x41d: {  	[tilespmem:$0x3910] =	vst v0  }
0x41e: {  	v0 =	vld [tilespmem:s18+$0x1920];
	_ =	sdelay $0x4  }
0x41f: {  	s19 =	sld [smem:$0x95];
	[tilespmem:$0x3920] =	vst v0  }
0x420: {  	v0 =	vld [tilespmem:s18+$0x1930];
	_ =	sdelay $0x1  }
0x421: {  	p1 =	slt.s32 s19, $0xA  }
0x422: {  	p0 =	sgt.s32 s19, $0x3E8;
	s19 =	simm.s32 @!p1 $0xA  }
0x423: {  	s18 =	sshll.u32 s19, $0x7  }
0x424: {  	s18 =	simm.s32 @p0 $0x580;
	[tilespmem:$0x3930] =	vst v0  }
0x425: {  	v0 =	vld [tilespmem:s18+$0x18C0];
	_ =	sdelay $0x4  }
0x426: {  	[tilespmem:$0x3940] =	vst v0  }
0x427: {  	v0 =	vld [tilespmem:s18+$0x18D0];
	_ =	sdelay $0x4  }
0x428: {  	[tilespmem:$0x3950] =	vst v0  }
0x429: {  	v0 =	vld [tilespmem:s18+$0x18E0];
	_ =	sdelay $0x4  }
0x42a: {  	[tilespmem:$0x3960] =	vst v0  }
0x42b: {  	v0 =	vld [tilespmem:s18+$0x18F0];
	_ =	sdelay $0x4  }
0x42c: {  	[tilespmem:$0x3970] =	vst v0  }
0x42d: {  	v0 =	vld [tilespmem:s18+$0x1900];
	_ =	sdelay $0x4  }
0x42e: {  	[tilespmem:$0x3980] =	vst v0  }
0x42f: {  	v0 =	vld [tilespmem:s18+$0x1910];
	_ =	sdelay $0x4  }
0x430: {  	[tilespmem:$0x3990] =	vst v0  }
0x431: {  	v0 =	vld [tilespmem:s18+$0x1920];
	_ =	sdelay $0x4  }
0x432: {  	s19 =	sld [smem:$0x96];
	[tilespmem:$0x39A0] =	vst v0  }
0x433: {  	v0 =	vld [tilespmem:s18+$0x1930];
	_ =	sdelay $0x1  }
0x434: {  	p1 =	slt.s32 s19, $0xA  }
0x435: {  	p0 =	sgt.s32 s19, $0x3E8;
	s19 =	simm.s32 @!p1 $0xA  }
0x436: {  	s18 =	sshll.u32 s19, $0x7  }
0x437: {  	s18 =	simm.s32 @p0 $0x580;
	[tilespmem:$0x39B0] =	vst v0  }
0x438: {  	v0 =	vld [tilespmem:s18+$0x18C0];
	_ =	sdelay $0x4  }
0x439: {  	[tilespmem:$0x39C0] =	vst v0  }
0x43a: {  	v0 =	vld [tilespmem:s18+$0x18D0];
	_ =	sdelay $0x4  }
0x43b: {  	[tilespmem:$0x39D0] =	vst v0  }
0x43c: {  	v0 =	vld [tilespmem:s18+$0x18E0];
	_ =	sdelay $0x4  }
0x43d: {  	[tilespmem:$0x39E0] =	vst v0  }
0x43e: {  	v0 =	vld [tilespmem:s18+$0x18F0];
	_ =	sdelay $0x4  }
0x43f: {  	[tilespmem:$0x39F0] =	vst v0  }
0x440: {  	v0 =	vld [tilespmem:s18+$0x1900];
	_ =	sdelay $0x4  }
0x441: {  	[tilespmem:$0x3A00] =	vst v0  }
0x442: {  	v0 =	vld [tilespmem:s18+$0x1910];
	_ =	sdelay $0x4  }
0x443: {  	[tilespmem:$0x3A10] =	vst v0  }
0x444: {  	v0 =	vld [tilespmem:s18+$0x1920];
	_ =	sdelay $0x4  }
0x445: {  	s19 =	sld [smem:$0x97];
	[tilespmem:$0x3A20] =	vst v0  }
0x446: {  	v0 =	vld [tilespmem:s18+$0x1930];
	_ =	sdelay $0x1  }
0x447: {  	p1 =	slt.s32 s19, $0xA  }
0x448: {  	p0 =	sgt.s32 s19, $0x3E8;
	s19 =	simm.s32 @!p1 $0xA  }
0x449: {  	s18 =	sshll.u32 s19, $0x7  }
0x44a: {  	s18 =	simm.s32 @p0 $0x580;
	[tilespmem:$0x3A30] =	vst v0  }
0x44b: {  	v0 =	vld [tilespmem:s18+$0x18C0];
	_ =	sdelay $0x4  }
0x44c: {  	[tilespmem:$0x3A40] =	vst v0  }
0x44d: {  	v0 =	vld [tilespmem:s18+$0x18D0];
	_ =	sdelay $0x4  }
0x44e: {  	[tilespmem:$0x3A50] =	vst v0  }
0x44f: {  	v0 =	vld [tilespmem:s18+$0x18E0];
	_ =	sdelay $0x4  }
0x450: {  	[tilespmem:$0x3A60] =	vst v0  }
0x451: {  	v0 =	vld [tilespmem:s18+$0x18F0];
	_ =	sdelay $0x4  }
0x452: {  	[tilespmem:$0x3A70] =	vst v0  }
0x453: {  	v0 =	vld [tilespmem:s18+$0x1900];
	_ =	sdelay $0x4  }
0x454: {  	[tilespmem:$0x3A80] =	vst v0  }
0x455: {  	v0 =	vld [tilespmem:s18+$0x1910];
	_ =	sdelay $0x4  }
0x456: {  	[tilespmem:$0x3A90] =	vst v0  }
0x457: {  	v0 =	vld [tilespmem:s18+$0x1920];
	_ =	sdelay $0x4  }
0x458: {  	s19 =	sld [smem:$0x98];
	[tilespmem:$0x3AA0] =	vst v0  }
0x459: {  	v0 =	vld [tilespmem:s18+$0x1930];
	_ =	sdelay $0x1  }
0x45a: {  	p1 =	slt.s32 s19, $0xA  }
0x45b: {  	p0 =	sgt.s32 s19, $0x3E8;
	s19 =	simm.s32 @!p1 $0xA  }
0x45c: {  	s18 =	sshll.u32 s19, $0x7  }
0x45d: {  	s18 =	simm.s32 @p0 $0x580;
	[tilespmem:$0x3AB0] =	vst v0  }
0x45e: {  	v0 =	vld [tilespmem:s18+$0x18C0];
	_ =	sdelay $0x4  }
0x45f: {  	[tilespmem:$0x3AC0] =	vst v0  }
0x460: {  	v0 =	vld [tilespmem:s18+$0x18D0];
	_ =	sdelay $0x4  }
0x461: {  	[tilespmem:$0x3AD0] =	vst v0  }
0x462: {  	v0 =	vld [tilespmem:s18+$0x18E0];
	_ =	sdelay $0x4  }
0x463: {  	[tilespmem:$0x3AE0] =	vst v0  }
0x464: {  	v0 =	vld [tilespmem:s18+$0x18F0];
	_ =	sdelay $0x4  }
0x465: {  	[tilespmem:$0x3AF0] =	vst v0  }
0x466: {  	v0 =	vld [tilespmem:s18+$0x1900];
	_ =	sdelay $0x4  }
0x467: {  	[tilespmem:$0x3B00] =	vst v0  }
0x468: {  	v0 =	vld [tilespmem:s18+$0x1910];
	_ =	sdelay $0x4  }
0x469: {  	[tilespmem:$0x3B10] =	vst v0  }
0x46a: {  	v0 =	vld [tilespmem:s18+$0x1920];
	_ =	sdelay $0x4  }
0x46b: {  	s19 =	sld [smem:$0x99];
	[tilespmem:$0x3B20] =	vst v0  }
0x46c: {  	v0 =	vld [tilespmem:s18+$0x1930];
	_ =	sdelay $0x1  }
0x46d: {  	p1 =	slt.s32 s19, $0xA  }
0x46e: {  	p0 =	sgt.s32 s19, $0x3E8;
	s19 =	simm.s32 @!p1 $0xA  }
0x46f: {  	s18 =	sshll.u32 s19, $0x7  }
0x470: {  	s18 =	simm.s32 @p0 $0x580;
	[tilespmem:$0x3B30] =	vst v0  }
0x471: {  	v0 =	vld [tilespmem:s18+$0x18C0];
	_ =	sdelay $0x4  }
0x472: {  	[tilespmem:$0x3B40] =	vst v0  }
0x473: {  	v0 =	vld [tilespmem:s18+$0x18D0];
	_ =	sdelay $0x4  }
0x474: {  	[tilespmem:$0x3B50] =	vst v0  }
0x475: {  	v0 =	vld [tilespmem:s18+$0x18E0];
	_ =	sdelay $0x4  }
0x476: {  	[tilespmem:$0x3B60] =	vst v0  }
0x477: {  	v0 =	vld [tilespmem:s18+$0x18F0];
	_ =	sdelay $0x4  }
0x478: {  	[tilespmem:$0x3B70] =	vst v0  }
0x479: {  	v0 =	vld [tilespmem:s18+$0x1900];
	_ =	sdelay $0x4  }
0x47a: {  	[tilespmem:$0x3B80] =	vst v0  }
0x47b: {  	v0 =	vld [tilespmem:s18+$0x1910];
	_ =	sdelay $0x4  }
0x47c: {  	[tilespmem:$0x3B90] =	vst v0  }
0x47d: {  	v0 =	vld [tilespmem:s18+$0x1920];
	_ =	sdelay $0x4  }
0x47e: {  	s19 =	sld [smem:$0x9A];
	[tilespmem:$0x3BA0] =	vst v0  }
0x47f: {  	v0 =	vld [tilespmem:s18+$0x1930];
	_ =	sdelay $0x1  }
0x480: {  	p1 =	slt.s32 s19, $0xA  }
0x481: {  	p0 =	sgt.s32 s19, $0x3E8;
	s19 =	simm.s32 @!p1 $0xA  }
0x482: {  	s18 =	sshll.u32 s19, $0x7  }
0x483: {  	s18 =	simm.s32 @p0 $0x580;
	[tilespmem:$0x3BB0] =	vst v0  }
0x484: {  	v0 =	vld [tilespmem:s18+$0x18C0];
	_ =	sdelay $0x4  }
0x485: {  	[tilespmem:$0x3BC0] =	vst v0  }
0x486: {  	v0 =	vld [tilespmem:s18+$0x18D0];
	_ =	sdelay $0x4  }
0x487: {  	[tilespmem:$0x3BD0] =	vst v0  }
0x488: {  	v0 =	vld [tilespmem:s18+$0x18E0];
	_ =	sdelay $0x4  }
0x489: {  	[tilespmem:$0x3BE0] =	vst v0  }
0x48a: {  	v0 =	vld [tilespmem:s18+$0x18F0];
	_ =	sdelay $0x4  }
0x48b: {  	[tilespmem:$0x3BF0] =	vst v0  }
0x48c: {  	v0 =	vld [tilespmem:s18+$0x1900];
	_ =	sdelay $0x4  }
0x48d: {  	[tilespmem:$0x3C00] =	vst v0  }
0x48e: {  	v0 =	vld [tilespmem:s18+$0x1910];
	_ =	sdelay $0x4  }
0x48f: {  	[tilespmem:$0x3C10] =	vst v0  }
0x490: {  	v0 =	vld [tilespmem:s18+$0x1920];
	_ =	sdelay $0x4  }
0x491: {  	s19 =	sld [smem:$0x9B];
	[tilespmem:$0x3C20] =	vst v0  }
0x492: {  	v0 =	vld [tilespmem:s18+$0x1930];
	_ =	sdelay $0x1  }
0x493: {  	p1 =	slt.s32 s19, $0xA  }
0x494: {  	p0 =	sgt.s32 s19, $0x3E8;
	s19 =	simm.s32 @!p1 $0xA  }
0x495: {  	s18 =	sshll.u32 s19, $0x7  }
0x496: {  	s18 =	simm.s32 @p0 $0x580;
	[tilespmem:$0x3C30] =	vst v0  }
0x497: {  	v0 =	vld [tilespmem:s18+$0x18C0];
	_ =	sdelay $0x4  }
0x498: {  	[tilespmem:$0x3C40] =	vst v0  }
0x499: {  	v0 =	vld [tilespmem:s18+$0x18D0];
	_ =	sdelay $0x4  }
0x49a: {  	[tilespmem:$0x3C50] =	vst v0  }
0x49b: {  	v0 =	vld [tilespmem:s18+$0x18E0];
	_ =	sdelay $0x4  }
0x49c: {  	[tilespmem:$0x3C60] =	vst v0  }
0x49d: {  	v0 =	vld [tilespmem:s18+$0x18F0];
	_ =	sdelay $0x4  }
0x49e: {  	[tilespmem:$0x3C70] =	vst v0  }
0x49f: {  	v0 =	vld [tilespmem:s18+$0x1900];
	_ =	sdelay $0x4  }
0x4a0: {  	[tilespmem:$0x3C80] =	vst v0  }
0x4a1: {  	v0 =	vld [tilespmem:s18+$0x1910];
	_ =	sdelay $0x4  }
0x4a2: {  	[tilespmem:$0x3C90] =	vst v0  }
0x4a3: {  	v0 =	vld [tilespmem:s18+$0x1920];
	_ =	sdelay $0x4  }
0x4a4: {  	s19 =	sld [smem:$0x9C];
	[tilespmem:$0x3CA0] =	vst v0  }
0x4a5: {  	v0 =	vld [tilespmem:s18+$0x1930];
	_ =	sdelay $0x1  }
0x4a6: {  	p1 =	slt.s32 s19, $0xA  }
0x4a7: {  	p0 =	sgt.s32 s19, $0x3E8;
	s19 =	simm.s32 @!p1 $0xA  }
0x4a8: {  	s18 =	sshll.u32 s19, $0x7  }
0x4a9: {  	s18 =	simm.s32 @p0 $0x580;
	[tilespmem:$0x3CB0] =	vst v0  }
0x4aa: {  	v0 =	vld [tilespmem:s18+$0x18C0];
	_ =	sdelay $0x4  }
0x4ab: {  	[tilespmem:$0x3CC0] =	vst v0  }
0x4ac: {  	v0 =	vld [tilespmem:s18+$0x18D0];
	_ =	sdelay $0x4  }
0x4ad: {  	[tilespmem:$0x3CD0] =	vst v0  }
0x4ae: {  	v0 =	vld [tilespmem:s18+$0x18E0];
	_ =	sdelay $0x4  }
0x4af: {  	[tilespmem:$0x3CE0] =	vst v0  }
0x4b0: {  	v0 =	vld [tilespmem:s18+$0x18F0];
	_ =	sdelay $0x4  }
0x4b1: {  	[tilespmem:$0x3CF0] =	vst v0  }
0x4b2: {  	v0 =	vld [tilespmem:s18+$0x1900];
	_ =	sdelay $0x4  }
0x4b3: {  	[tilespmem:$0x3D00] =	vst v0  }
0x4b4: {  	v0 =	vld [tilespmem:s18+$0x1910];
	_ =	sdelay $0x4  }
0x4b5: {  	[tilespmem:$0x3D10] =	vst v0  }
0x4b6: {  	v0 =	vld [tilespmem:s18+$0x1920];
	_ =	sdelay $0x4  }
0x4b7: {  	s19 =	sld [smem:$0x9D];
	[tilespmem:$0x3D20] =	vst v0  }
0x4b8: {  	v0 =	vld [tilespmem:s18+$0x1930];
	_ =	sdelay $0x1  }
0x4b9: {  	p1 =	slt.s32 s19, $0xA  }
0x4ba: {  	p0 =	sgt.s32 s19, $0x3E8;
	s19 =	simm.s32 @!p1 $0xA  }
0x4bb: {  	s18 =	sshll.u32 s19, $0x7  }
0x4bc: {  	s18 =	simm.s32 @p0 $0x580;
	[tilespmem:$0x3D30] =	vst v0  }
0x4bd: {  	v0 =	vld [tilespmem:s18+$0x18C0];
	_ =	sdelay $0x4  }
0x4be: {  	[tilespmem:$0x3D40] =	vst v0  }
0x4bf: {  	v0 =	vld [tilespmem:s18+$0x18D0];
	_ =	sdelay $0x4  }
0x4c0: {  	[tilespmem:$0x3D50] =	vst v0  }
0x4c1: {  	v0 =	vld [tilespmem:s18+$0x18E0];
	_ =	sdelay $0x4  }
0x4c2: {  	[tilespmem:$0x3D60] =	vst v0  }
0x4c3: {  	v0 =	vld [tilespmem:s18+$0x18F0];
	_ =	sdelay $0x4  }
0x4c4: {  	[tilespmem:$0x3D70] =	vst v0  }
0x4c5: {  	v0 =	vld [tilespmem:s18+$0x1900];
	_ =	sdelay $0x4  }
0x4c6: {  	[tilespmem:$0x3D80] =	vst v0  }
0x4c7: {  	v0 =	vld [tilespmem:s18+$0x1910];
	_ =	sdelay $0x4  }
0x4c8: {  	[tilespmem:$0x3D90] =	vst v0  }
0x4c9: {  	v0 =	vld [tilespmem:s18+$0x1920];
	_ =	sdelay $0x4  }
0x4ca: {  	s19 =	sld [smem:$0x9E];
	[tilespmem:$0x3DA0] =	vst v0  }
0x4cb: {  	v0 =	vld [tilespmem:s18+$0x1930];
	_ =	sdelay $0x1  }
0x4cc: {  	p1 =	slt.s32 s19, $0xA  }
0x4cd: {  	p0 =	sgt.s32 s19, $0x3E8;
	s19 =	simm.s32 @!p1 $0xA  }
0x4ce: {  	s18 =	sshll.u32 s19, $0x7  }
0x4cf: {  	s18 =	simm.s32 @p0 $0x580;
	[tilespmem:$0x3DB0] =	vst v0  }
0x4d0: {  	v0 =	vld [tilespmem:s18+$0x18C0];
	_ =	sdelay $0x4  }
0x4d1: {  	[tilespmem:$0x3DC0] =	vst v0  }
0x4d2: {  	v0 =	vld [tilespmem:s18+$0x18D0];
	_ =	sdelay $0x4  }
0x4d3: {  	[tilespmem:$0x3DD0] =	vst v0  }
0x4d4: {  	v0 =	vld [tilespmem:s18+$0x18E0];
	_ =	sdelay $0x4  }
0x4d5: {  	[tilespmem:$0x3DE0] =	vst v0  }
0x4d6: {  	v0 =	vld [tilespmem:s18+$0x18F0];
	_ =	sdelay $0x4  }
0x4d7: {  	[tilespmem:$0x3DF0] =	vst v0  }
0x4d8: {  	v0 =	vld [tilespmem:s18+$0x1900];
	_ =	sdelay $0x4  }
0x4d9: {  	[tilespmem:$0x3E00] =	vst v0  }
0x4da: {  	v0 =	vld [tilespmem:s18+$0x1910];
	_ =	sdelay $0x4  }
0x4db: {  	[tilespmem:$0x3E10] =	vst v0  }
0x4dc: {  	v0 =	vld [tilespmem:s18+$0x1920];
	_ =	sdelay $0x4  }
0x4dd: {  	s19 =	sld [smem:$0x9F];
	[tilespmem:$0x3E20] =	vst v0  }
0x4de: {  	v0 =	vld [tilespmem:s18+$0x1930];
	_ =	sdelay $0x1  }
0x4df: {  	p1 =	slt.s32 s19, $0xA  }
0x4e0: {  	p0 =	sgt.s32 s19, $0x3E8;
	s19 =	simm.s32 @!p1 $0xA  }
0x4e1: {  	s18 =	sshll.u32 s19, $0x7  }
0x4e2: {  	s18 =	simm.s32 @p0 $0x580;
	[tilespmem:$0x3E30] =	vst v0  }
0x4e3: {  	v0 =	vld [tilespmem:s18+$0x18C0];
	_ =	sdelay $0x4  }
0x4e4: {  	[tilespmem:$0x3E40] =	vst v0  }
0x4e5: {  	v0 =	vld [tilespmem:s18+$0x18D0];
	_ =	sdelay $0x4  }
0x4e6: {  	[tilespmem:$0x3E50] =	vst v0  }
0x4e7: {  	v0 =	vld [tilespmem:s18+$0x18E0];
	_ =	sdelay $0x4  }
0x4e8: {  	[tilespmem:$0x3E60] =	vst v0  }
0x4e9: {  	v0 =	vld [tilespmem:s18+$0x18F0];
	_ =	sdelay $0x4  }
0x4ea: {  	[tilespmem:$0x3E70] =	vst v0  }
0x4eb: {  	v0 =	vld [tilespmem:s18+$0x1900];
	_ =	sdelay $0x4  }
0x4ec: {  	[tilespmem:$0x3E80] =	vst v0  }
0x4ed: {  	v0 =	vld [tilespmem:s18+$0x1910];
	_ =	sdelay $0x4  }
0x4ee: {  	[tilespmem:$0x3E90] =	vst v0  }
0x4ef: {  	v0 =	vld [tilespmem:s18+$0x1920];
	_ =	sdelay $0x4  }
0x4f0: {  	[tilespmem:$0x3EA0] =	vst v0  }
0x4f1: {  	v0 =	vld [tilespmem:s18+$0x1930]  }
0x4f2: {  	s17 =	sadd.s32 $0x100, s17  }
0x4f3: {  	p0 =	sne.s32 s17, $0x3100  }
.Ltmp0:
0x4f4: {  	_ = 	snop;
	(pc) =	sbr.rel @p0 .LBB2_2-.Ltmp0, $4  }
0x4f5: {  	_ = 	snop  }
0x4f6: {  	s31 =	rddreg [dreg:$0x7];
	[tilespmem:$0x3EB0] =	vst v0  }
0x4f7: {  	[hbm4b:s15+s3] =	stream.linear.scatter [tilespmem:s31], [sflag:$0x1], $0x1000, $0x38;
	[tilespmem:$0x3EC0] =	vst v63  }
0x4f8: {  	s16 =	sadd.s32 $0x400, s16;
	s15 =	sadd.s32 $0x400, s15  }
0x4f9: {  	s14 =	sadd.s32 $0x1, s14  }
0x4fa: {  	_ =	swait.ge [sflag:s13], $0x1000;
	p0 =	sne.s32 s14, s6  }
.Ltmp1:
0x4fb: {  	[sflag:s13] =	ssyncset.done $0x0;
	(pc) =	sbr.rel @p0 .LBB2_1-.Ltmp1, $4  }
0x4fc: {  	[sflag:s13] =	ssyncadd.s32 $0xFFFFF000  }
0x4fd: {  	_ =	swait.ge [sflag:s13], $0x1000  }
0x4fe: {  	[sflag:s13] =	ssyncset.done $0x0  }
0x4ff: {  	[sflag:s13] =	ssyncadd.s32 $0xFFFFF000  }
0x500: {  	_ =	sfence.sel $0x180000  }
0x501: {  	[bflag:$0x0] =	sbarrier.arrive $0xFFFF  }
0x502: {  	p0 =	sne.s32 s0, $0x0;
	_ =	strace $0x90000047  }
0x503: {  	s0 =	sadd.s32 @!p0 $0x100000, s2;
	[bflag:$0x2] =	sbarrier.arrive $0xFFFF  }
0x504: {  	[sflag:s0] =	ssyncadd.tile.s32 @!p0 $0x1;
	_ =	shalt  }
.Lfunc_end2:
_tile_overlayer_lowered:
.L_overlay_start_2:
0x505: {  	(tag) =	ssettag $0x2  }
0x506: {  	s0 =	rddreg [dreg:$0x0];
	s2 =	stileid.u32  }
0x507: {  	s1 =	rddreg [dreg:$0x1];
	p0 =	sne.s32 s2, $0x0  }
0x508: {  	s3 =	rddreg [dreg:$0x2];
	[bflag:$0x3] =	sbarrier.arrive $0xFFFF;
	s2 =	simm.s32 @!p0 $0x1C03  }
0x509: {  	[timem:s3], [sflag:s2] =	dma.local @!p0 [hbm:s0], s1  }
0x50a: {  	s0 =	simm.s32 @!p0 $0x3  }
0x50b: {  	_ =	swait.ge @!p0 [sflag:s0], s1  }
0x50c: {  	s1 =	ssub.s32 @!p0 $0x0, s1;
	[sflag:s0] =	ssyncset.done @!p0 $0x0  }
0x50d: {  	[sflag:s0] =	ssyncadd.s32 @!p0 s1  }
0x50e: {  	[bflag:$0x3] =	sbarrier.arrive $0xFFFF  }
0x50f: {  	_ =	shalt  }

</sc_bundles>
